<compile_context>
chip_gen: v7x
topology: tpu7x:2x2x1
jax: 0.10.2.dev20260603
libtpu: 0.0.44.dev20260713+nightly
codegen_flags: <defaults>
</compile_context>

<pallas_src>
import jax
import jax.numpy as jnp
from jax import lax
from jax.experimental import pallas as pl
from jax.experimental.pallas import tpu as pltpu
from jax.experimental.pallas import tpu_sc as plsc

FREE_JOINTS = (0, 12, 15, 16, 17, 22, 23, 24)

COS_COEF = (1.0, -0.5, 0.0416666679084301, -0.0013888889225199819,
            2.480158036632929e-05, -2.755716934643715e-07,
            2.0874666439851808e-09, -1.1452432752134811e-11,
            4.6812393913499284e-14, -1.2639207263246956e-16)
SINC_COEF = (1.0, -0.1666666716337204, 0.008333333767950535,
             -0.00019841270113829523, 2.7557316570892e-06,
             -2.5052036889405827e-08, 1.6058034069121874e-10,
             -7.638324651601525e-13, 2.76412049919259e-15,
             -6.789281746514762e-18)
VERS_COEF = (0.5, -0.0416666679084301, 0.0013888889225199819,
             -2.4801587642286904e-05, 2.7557317139326187e-07,
             -2.0876722572893414e-09, 1.1470280454617399e-11,
             -4.775413869678377e-14, 1.5401969333350387e-16,
             -3.45510317484285e-19)

NC = 2
NS = 16
L = 16
NW = NC * NS

_PARAMS = pltpu.CompilerParams(
    needs_layout_passes=False, use_tc_tiling_on_sc=False)
_MESH = dict(core_axis_name="c", subcore_axis_name="s")


def _horner(coefs, x):
    r = jnp.full((L,), coefs[-1], dtype=jnp.float32)
    for c in reversed(coefs[:-1]):
        r = r * x + jnp.float32(c)
    return r


def _pad8(n):
    return ((n + 7) // 8) * 8


def _col(c):
    return jnp.full((L,), c, dtype=jnp.int32)


def _make_gather_kernel(batch, exp_dim, light_cols):
    b_per_w = batch // NW
    exp_p = _pad8(exp_dim)

    def body(ids_hbm, pose_hbm, cam_hbm, exp_hbm, light_hbm,
             out_rot_hbm, out_cam_hbm, out_exp_hbm, out_light_hbm,
             idx_v, pose_v, cam_v, exp_v, light_v, rot_v,
             sem0, sem1, sem2, sem3):
        wid = lax.axis_index("s") * NC + lax.axis_index("c")
        base = wid * b_per_w
        row = pl.ds(base, b_per_w)

        pltpu.sync_copy(ids_hbm.at[row], idx_v)
        cp_pose = pltpu.async_copy(pose_hbm.at[idx_v], pose_v, sem0)
        cp_cam = pltpu.async_copy(cam_hbm.at[idx_v], cam_v, sem1)
        cp_exp = pltpu.async_copy(exp_hbm.at[idx_v], exp_v, sem2)
        cp_light = pltpu.async_copy(light_hbm.at[idx_v], light_v, sem3)

        cp_pose.wait()
        for r in range(len(FREE_JOINTS)):
            c3 = 3 * r
            c9 = 9 * r
            for h in range(b_per_w // L):
                b = lax.iota(jnp.int32, L) + jnp.int32(h * L)
                ax = plsc.load_gather(pose_v, [b, _col(c3)])
                ay = plsc.load_gather(pose_v, [b, _col(c3 + 1)])
                az = plsc.load_gather(pose_v, [b, _col(c3 + 2)])
                eps = jnp.float32(1e-8)
                axp, ayp, azp = ax + eps, ay + eps, az + eps
                x = axp * axp + ayp * ayp + azp * azp
                c = _horner(COS_COEF, x)
                s = _horner(SINC_COEF, x)
                v = _horner(VERS_COEF, x)
                vxy = v * ax * ay
                vxz = v * ax * az
                vyz = v * ay * az
                sx, sy, sz = s * ax, s * ay, s * az
                m = (c + v * ax * ax, vxy - sz, vxz + sy,
                     vxy + sz, c + v * ay * ay, vyz - sx,
                     vxz - sy, vyz + sx, c + v * az * az)
                for k in range(9):
                    plsc.store_scatter(rot_v, [b, _col(c9 + k)], m[k])

        pend = [pltpu.async_copy(rot_v, out_rot_hbm.at[row], sem0)]
        cp_cam.wait()
        pend.append(pltpu.async_copy(cam_v.at[:, pl.ds(0, 3)],
                                     out_cam_hbm.at[row], sem1))

        def split_copy(src_ref, dst_ref, width, sem):
            main = (width // 8) * 8
            pend.append(pltpu.async_copy(
                src_ref.at[:, pl.ds(0, main)],
                dst_ref.at[row, pl.ds(0, main)], sem))
            if width > main:
                pend.append(pltpu.async_copy(
                    src_ref.at[:, pl.ds(main, width - main)],
                    dst_ref.at[row, pl.ds(main, width - main)], sem))

        cp_light.wait()
        split_copy(light_v, out_light_hbm, light_cols, sem3)
        cp_exp.wait()
        split_copy(exp_v, out_exp_hbm, exp_dim, sem2)
        for cp in pend:
            cp.wait()

    f32 = jnp.float32
    nrot = 9 * len(FREE_JOINTS)
    return pl.kernel(
        body,
        out_type=(
            jax.ShapeDtypeStruct((batch, nrot), f32),
            jax.ShapeDtypeStruct((batch, 3), f32),
            jax.ShapeDtypeStruct((batch, exp_dim), f32),
            jax.ShapeDtypeStruct((batch, light_cols), f32),
        ),
        mesh=plsc.VectorSubcoreMesh(**_MESH),
        compiler_params=_PARAMS,
        scratch_types=[
            pltpu.VMEM((b_per_w,), jnp.int32),
            pltpu.VMEM((b_per_w, 24), f32),
            pltpu.VMEM((b_per_w, 8), f32),
            pltpu.VMEM((b_per_w, _pad8(exp_dim)), f32),
            pltpu.VMEM((b_per_w, _pad8(light_cols)), f32),
            pltpu.VMEM((b_per_w, nrot), f32),
            pltpu.SemaphoreType.DMA,
            pltpu.SemaphoreType.DMA,
            pltpu.SemaphoreType.DMA,
            pltpu.SemaphoreType.DMA,
        ],
    )


def _make_merge_kernel(batch, nj):
    b_per_w = batch // NW
    out_cols = nj * 9
    nrot = 9 * len(FREE_JOINTS)

    def body(init_hbm, rot_hbm, out_pose_hbm, rot_v, out_v, sem0):
        wid = lax.axis_index("s") * NC + lax.axis_index("c")
        base = wid * b_per_w
        row = pl.ds(base, b_per_w)

        cp_rot = pltpu.async_copy(rot_hbm.at[row], rot_v, sem0)
        pltpu.sync_copy(init_hbm.at[row], out_v)
        cp_rot.wait()

        for r, j in enumerate(FREE_JOINTS):
            for h in range(b_per_w // L):
                b = lax.iota(jnp.int32, L) + jnp.int32(h * L)
                for k in range(9):
                    val = plsc.load_gather(rot_v, [b, _col(9 * r + k)])
                    plsc.store_scatter(out_v, [b, _col(9 * j + k)], val)

        pltpu.sync_copy(out_v, out_pose_hbm.at[row])

    f32 = jnp.float32
    return pl.kernel(
        body,
        out_type=jax.ShapeDtypeStruct((batch, out_cols), f32),
        mesh=plsc.VectorSubcoreMesh(**_MESH),
        compiler_params=_PARAMS,
        scratch_types=[
            pltpu.VMEM((b_per_w, nrot), f32),
            pltpu.VMEM((b_per_w, out_cols), f32),
            pltpu.SemaphoreType.DMA,
        ],
    )


@jax.jit
def kernel(frame_ids, init_full_pose, init_cam, pose_table, cam_table,
           exp_table, light_table):
    del init_cam
    batch = frame_ids.shape[0]
    num_frames, nj, _ = pose_table.shape
    exp_dim = exp_table.shape[1]
    nl = light_table.shape[1]

    ids = frame_ids.astype(jnp.int32)
    init_flat = init_full_pose.reshape(batch, nj * 9)
    free = jnp.asarray(FREE_JOINTS, dtype=jnp.int32)

    def pad8cols(a):
        n = a.shape[1]
        p = _pad8(n)
        if p == n:
            return a
        return jnp.pad(a, ((0, 0), (0, p - n)))

    pose24 = pose_table[:, free, :].reshape(num_frames, 24)
    cam_p = pad8cols(cam_table)
    exp_p = pad8cols(exp_table)
    light_p = pad8cols(light_table.reshape(num_frames, nl * 3))

    ga = _make_gather_kernel(batch, exp_dim, nl * 3)
    rot, cam, exp, light = ga(ids, pose24, cam_p, exp_p, light_p)
    me = _make_merge_kernel(batch, nj)
    full_pose = me(init_flat, rot)
    return (full_pose.reshape(batch, nj, 3, 3), cam, exp,
            light.reshape(batch, nl, 3))

# --- scband reference (transcript-rebuilt; emitter-appended) ---
"""Pipeline reference for scband-smplx-optimizer-43087111914134 (READ-ONLY COPY).

The authoritative reference and input builder live on the scoring server;
editing this copy changes nothing except your own understanding.
"""

import jax, jax.numpy as jnp
import numpy as np

NUM_FRAMES = 1000
BATCH = 1024


def batch_axis2matrix(axis):
    # axis: [N, 3] axis-angle -> [N, 3, 3] rotation matrices (Rodrigues)
    angle = jnp.linalg.norm(axis + 1e-8, axis=1, keepdims=True)  # [N,1]
    rot_dir = axis / angle
    cos = jnp.cos(angle)[:, :, None]  # [N,1,1]
    sin = jnp.sin(angle)[:, :, None]
    rx, ry, rz = rot_dir[:, 0], rot_dir[:, 1], rot_dir[:, 2]
    zeros = jnp.zeros_like(rx)
    K = jnp.stack([zeros, -rz, ry, rz, zeros, -rx, -ry, rx, zeros], axis=1).reshape(-1, 3, 3)
    ident = jnp.eye(3)[None, :, :]
    outer = rot_dir[:, :, None] * rot_dir[:, None, :]
    rot_mat = cos * ident + (1.0 - cos) * outer + sin * K
    return rot_mat


def setup_inputs(seed: int = 0) -> dict:
    key = jax.random.key(seed)
    k1, k2, k3, k4, k5, k6, k7, k8 = jax.random.split(key, 8)
    frame_ids = jax.random.randint(k1, (BATCH,), 0, NUM_FRAMES)
    init_full_pose = jax.random.normal(k2, (BATCH, 55, 3, 3), dtype=jnp.float32)
    init_cam = jax.random.normal(k3, (BATCH, 3), dtype=jnp.float32)
    # learned per-frame parameter tables (the 'embedding tables')
    pose_table = jax.random.normal(k4, (NUM_FRAMES, 55, 3), dtype=jnp.float32) * 0.1
    cam_table = jax.random.normal(k5, (NUM_FRAMES, 3), dtype=jnp.float32)
    exp_table = jax.random.normal(k6, (NUM_FRAMES, 100), dtype=jnp.float32) * 0.1
    light_table = jax.random.normal(k7, (NUM_FRAMES, 9, 3), dtype=jnp.float32) * 0.1
    return {
        "frame_ids": frame_ids,
        "init_full_pose": init_full_pose,
        "init_cam": init_cam,
        "pose_table": pose_table,
        "cam_table": cam_table,
        "exp_table": exp_table,
        "light_table": light_table,
    }


def reference(frame_ids, init_full_pose, init_cam, pose_table, cam_table, exp_table, light_table):
    batch_size = frame_ids.shape[0]
    # gather per-frame pose axis-angle parameters (embedding lookup)
    batch_pose_axis = jnp.take(pose_table, frame_ids, axis=0)  # [B, 55, 3]
    batch_pose = batch_axis2matrix(batch_pose_axis.reshape(-1, 3)).reshape(batch_size, 55, 3, 3)
    # overwrite fixed joints with init pose
    fix_idx = np.array(list(range(1, 12)) + [13, 14, 18, 19, 20, 21] + list(range(25, 55)), dtype=np.int32)
    full_pose = batch_pose.at[:, fix_idx].set(init_full_pose[:, fix_idx])
    # gather cam, exp, light tables
    cam = jnp.take(cam_table, frame_ids, axis=0)  # [B, 3]
    exp = jnp.take(exp_table, frame_ids, axis=0)  # [B, 100]
    light = jnp.take(light_table, frame_ids, axis=0)  # [B, 9, 3]
    return full_pose, cam, exp, light

if __name__ == "__main__":
    import jax
    _d = setup_inputs()
    print(jax.jit(kernel)(*tuple(_d.values())))

</pallas_src>

<mosaic_0001>
#map = affine_map<(d0, d1) -> (0)>
#map1 = affine_map<(d0, d1) -> (0, 0)>
module attributes {stable_mosaic.version = 14 : i64} {
  func.func @body(%arg0: i32, %arg1: i32, %arg2: memref<1024xi32, #tpu.memory_space<hbm>>, %arg3: memref<1000x24xf32, #tpu.memory_space<hbm>>, %arg4: memref<1000x8xf32, #tpu.memory_space<hbm>>, %arg5: memref<1000x104xf32, #tpu.memory_space<hbm>>, %arg6: memref<1000x32xf32, #tpu.memory_space<hbm>>, %arg7: memref<1024x72xf32, #tpu.memory_space<hbm>>, %arg8: memref<1024x3xf32, #tpu.memory_space<hbm>>, %arg9: memref<1024x100xf32, #tpu.memory_space<hbm>>, %arg10: memref<1024x27xf32, #tpu.memory_space<hbm>>, %arg11: memref<32xi32, #tpu.memory_space<vmem>>, %arg12: memref<32x24xf32, #tpu.memory_space<vmem>>, %arg13: memref<32x8xf32, #tpu.memory_space<vmem>>, %arg14: memref<32x104xf32, #tpu.memory_space<vmem>>, %arg15: memref<32x32xf32, #tpu.memory_space<vmem>>, %arg16: memref<32x72xf32, #tpu.memory_space<vmem>>, %arg17: memref<!tpu.dma_semaphore, #tpu.memory_space<semaphore_mem>>, %arg18: memref<!tpu.dma_semaphore, #tpu.memory_space<semaphore_mem>>, %arg19: memref<!tpu.dma_semaphore, #tpu.memory_space<semaphore_mem>>, %arg20: memref<!tpu.dma_semaphore, #tpu.memory_space<semaphore_mem>>) attributes {dimension_semantics = [#tpu.dimension_semantics<core_parallel>, #tpu.dimension_semantics<subcore_parallel>], iteration_bounds = array<i64: 2, 16>, scalar_prefetch = 0 : i64, scratch_operands = 10 : i64, tpu.core_type = #tpu.core_type<sc_vector_subcore>, window_params = [{transform_indices = #map}, {transform_indices = #map1}, {transform_indices = #map1}, {transform_indices = #map1}, {transform_indices = #map1}, {transform_indices = #map1}, {transform_indices = #map1}, {transform_indices = #map1}, {transform_indices = #map1}]} {
    %mul3A = arith.constant 2 : i32
    %mul3A_0 = arith.muli %arg1, %mul3A : i32
    %add3A = arith.addi %mul3A_0, %arg0 : i32
    %mul3A_1 = arith.constant 32 : i32
    %mul3A_2 = arith.muli %add3A, %mul3A_1 : i32
    "tpu.region"() ({
      %run_scoped3A = tpu.sem_alloc : memref<!tpu.dma_semaphore, #tpu.memory_space<semaphore_mem>>
      %dma_start3A_3057 = tpu.memref_slice %arg2[%mul3A_2] : memref<1024xi32, #tpu.memory_space<hbm>> -> memref<32xi32, #tpu.memory_space<hbm>>
      %dma_start3A_3058 = tpu.memref_slice %arg2[%mul3A_2] : memref<1024xi32, #tpu.memory_space<hbm>> -> memref<32xi32, #tpu.memory_space<hbm>>
      tpu.enqueue_dma source(%dma_start3A_3058 : memref<32xi32, #tpu.memory_space<hbm>>) target(%arg11 : memref<32xi32, #tpu.memory_space<vmem>>) target_semaphore(%run_scoped3A : memref<!tpu.dma_semaphore, #tpu.memory_space<semaphore_mem>>)
      %dma_wait3A_3059 = tpu.memref_slice %arg2[%mul3A_2] : memref<1024xi32, #tpu.memory_space<hbm>> -> memref<32xi32, #tpu.memory_space<hbm>>
      %dma_wait3A_3060 = tpu.memref_slice %arg2[%mul3A_2] : memref<1024xi32, #tpu.memory_space<hbm>> -> memref<32xi32, #tpu.memory_space<hbm>>
      tpu.wait_dma2 semaphore(%run_scoped3A : memref<!tpu.dma_semaphore, #tpu.memory_space<semaphore_mem>>) src(%dma_wait3A_3060 : memref<32xi32, #tpu.memory_space<hbm>>) dst(%arg11 : memref<32xi32, #tpu.memory_space<vmem>>)
      tpu.yield
    }) : () -> ()
    %dma_start3A = arith.constant 0 : i32
    %dma_start3A_3 = arith.constant 0 : i32
    %dma_start3A_4 = tpu.memref_slice %arg3[%dma_start3A, %dma_start3A_3] : memref<1000x24xf32, #tpu.memory_space<hbm>> -> memref<1000x24xf32, #tpu.memory_space<hbm>>
    tpu.enqueue_indirect_dma source(%dma_start3A_4 : memref<1000x24xf32, #tpu.memory_space<hbm>>) target(%arg12 : memref<32x24xf32, #tpu.memory_space<vmem>>) offsets(%arg11 : memref<32xi32, #tpu.memory_space<vmem>>) semaphore(%arg17 : memref<!tpu.dma_semaphore, #tpu.memory_space<semaphore_mem>>)
    %dma_start3A_5 = arith.constant 0 : i32
    %dma_start3A_6 = arith.constant 0 : i32
    %dma_start3A_7 = tpu.memref_slice %arg4[%dma_start3A_5, %dma_start3A_6] : memref<1000x8xf32, #tpu.memory_space<hbm>> -> memref<1000x8xf32, #tpu.memory_space<hbm>>
    tpu.enqueue_indirect_dma source(%dma_start3A_7 : memref<1000x8xf32, #tpu.memory_space<hbm>>) target(%arg13 : memref<32x8xf32, #tpu.memory_space<vmem>>) offsets(%arg11 : memref<32xi32, #tpu.memory_space<vmem>>) semaphore(%arg18 : memref<!tpu.dma_semaphore, #tpu.memory_space<semaphore_mem>>)
    %dma_start3A_8 = arith.constant 0 : i32
    %dma_start3A_9 = arith.constant 0 : i32
    %dma_start3A_10 = tpu.memref_slice %arg5[%dma_start3A_8, %dma_start3A_9] : memref<1000x104xf32, #tpu.memory_space<hbm>> -> memref<1000x104xf32, #tpu.memory_space<hbm>>
    tpu.enqueue_indirect_dma source(%dma_start3A_10 : memref<1000x104xf32, #tpu.memory_space<hbm>>) target(%arg14 : memref<32x104xf32, #tpu.memory_space<vmem>>) offsets(%arg11 : memref<32xi32, #tpu.memory_space<vmem>>) semaphore(%arg19 : memref<!tpu.dma_semaphore, #tpu.memory_space<semaphore_mem>>)
    %dma_start3A_11 = arith.constant 0 : i32
    %dma_start3A_12 = arith.constant 0 : i32
    %dma_start3A_13 = tpu.memref_slice %arg6[%dma_start3A_11, %dma_start3A_12] : memref<1000x32xf32, #tpu.memory_space<hbm>> -> memref<1000x32xf32, #tpu.memory_space<hbm>>
    tpu.enqueue_indirect_dma source(%dma_start3A_13 : memref<1000x32xf32, #tpu.memory_space<hbm>>) target(%arg15 : memref<32x32xf32, #tpu.memory_space<vmem>>) offsets(%arg11 : memref<32xi32, #tpu.memory_space<vmem>>) semaphore(%arg20 : memref<!tpu.dma_semaphore, #tpu.memory_space<semaphore_mem>>)
    %dma_wait3A = arith.constant 0 : i32
    %dma_wait3A_14 = arith.constant 0 : i32
    %dma_wait3A_15 = tpu.memref_slice %arg3[%dma_wait3A, %dma_wait3A_14] : memref<1000x24xf32, #tpu.memory_space<hbm>> -> memref<1000x24xf32, #tpu.memory_space<hbm>>
    tpu.wait_indirect_dma semaphore(%arg17 : memref<!tpu.dma_semaphore, #tpu.memory_space<semaphore_mem>>) src(%dma_wait3A_15 : memref<1000x24xf32, #tpu.memory_space<hbm>>) dst(%arg12 : memref<32x24xf32, #tpu.memory_space<vmem>>)
    %iota3A = tpu.iota {dimensions = array<i32: 0>} : vector<16xi32>
    %add3A_16 = arith.constant 0 : i32
    %add3A_17 = vector.broadcast %add3A_16 : i32 to vector<16xi32>
    %add3A_18 = arith.addi %iota3A, %add3A_17 : vector<16xi32>
    %broadcast_in_dim3A = arith.constant 0 : i32
    %broadcast_in_dim3A_19 = vector.broadcast %broadcast_in_dim3A : i32 to vector<16xi32>
    %gather3A = tpu.vector_load_idx %arg12[%add3A_18, %broadcast_in_dim3A_19] : memref<32x24xf32, #tpu.memory_space<vmem>>[vector<16xi32>, vector<16xi32>], vector<16xf32>,
    %broadcast_in_dim3A_20 = arith.constant 1 : i32
    %broadcast_in_dim3A_21 = vector.broadcast %broadcast_in_dim3A_20 : i32 to vector<16xi32>
    %gather3A_22 = tpu.vector_load_idx %arg12[%add3A_18, %broadcast_in_dim3A_21] : memref<32x24xf32, #tpu.memory_space<vmem>>[vector<16xi32>, vector<16xi32>], vector<16xf32>,
    %broadcast_in_dim3A_23 = arith.constant 2 : i32
    %broadcast_in_dim3A_24 = vector.broadcast %broadcast_in_dim3A_23 : i32 to vector<16xi32>
    %gather3A_25 = tpu.vector_load_idx %arg12[%add3A_18, %broadcast_in_dim3A_24] : memref<32x24xf32, #tpu.memory_space<vmem>>[vector<16xi32>, vector<16xi32>], vector<16xf32>,
    %add3A_26 = arith.constant 9.99999993E-9 : f32
    %add3A_27 = vector.broadcast %add3A_26 : f32 to vector<16xf32>
    %add3A_28 = arith.addf %gather3A, %add3A_27 : vector<16xf32>
    %add3A_29 = arith.constant 9.99999993E-9 : f32
    %add3A_30 = vector.broadcast %add3A_29 : f32 to vector<16xf32>
    %add3A_31 = arith.addf %gather3A_22, %add3A_30 : vector<16xf32>
    %add3A_32 = arith.constant 9.99999993E-9 : f32
    %add3A_33 = vector.broadcast %add3A_32 : f32 to vector<16xf32>
    %add3A_34 = arith.addf %gather3A_25, %add3A_33 : vector<16xf32>
    %mul3A_35 = arith.mulf %add3A_28, %add3A_28 : vector<16xf32>
    %mul3A_36 = arith.mulf %add3A_31, %add3A_31 : vector<16xf32>
    %add3A_37 = arith.addf %mul3A_35, %mul3A_36 : vector<16xf32>
    %mul3A_38 = arith.mulf %add3A_34, %add3A_34 : vector<16xf32>
    %add3A_39 = arith.addf %add3A_37, %mul3A_38 : vector<16xf32>
    %broadcast_in_dim3A_40 = arith.constant -1.26392073E-16 : f32
    %broadcast_in_dim3A_41 = vector.broadcast %broadcast_in_dim3A_40 : f32 to vector<16xf32>
    %mul3A_42 = arith.mulf %broadcast_in_dim3A_41, %add3A_39 : vector<16xf32>
    %add3A_43 = arith.constant 4.68123939E-14 : f32
    %add3A_44 = vector.broadcast %add3A_43 : f32 to vector<16xf32>
    %add3A_45 = arith.addf %mul3A_42, %add3A_44 : vector<16xf32>
    %mul3A_46 = arith.mulf %add3A_45, %add3A_39 : vector<16xf32>
    %add3A_47 = arith.constant -1.14524328E-11 : f32
    %add3A_48 = vector.broadcast %add3A_47 : f32 to vector<16xf32>
    %add3A_49 = arith.addf %mul3A_46, %add3A_48 : vector<16xf32>
    %mul3A_50 = arith.mulf %add3A_49, %add3A_39 : vector<16xf32>
    %add3A_51 = arith.constant 2.08746664E-9 : f32
    %add3A_52 = vector.broadcast %add3A_51 : f32 to vector<16xf32>
    %add3A_53 = arith.addf %mul3A_50, %add3A_52 : vector<16xf32>
    %mul3A_54 = arith.mulf %add3A_53, %add3A_39 : vector<16xf32>
    %add3A_55 = arith.constant -2.75571693E-7 : f32
    %add3A_56 = vector.broadcast %add3A_55 : f32 to vector<16xf32>
    %add3A_57 = arith.addf %mul3A_54, %add3A_56 : vector<16xf32>
    %mul3A_58 = arith.mulf %add3A_57, %add3A_39 : vector<16xf32>
    %add3A_59 = arith.constant 2.48015804E-5 : f32
    %add3A_60 = vector.broadcast %add3A_59 : f32 to vector<16xf32>
    %add3A_61 = arith.addf %mul3A_58, %add3A_60 : vector<16xf32>
    %mul3A_62 = arith.mulf %add3A_61, %add3A_39 : vector<16xf32>
    %add3A_63 = arith.constant -0.00138888892 : f32
    %add3A_64 = vector.broadcast %add3A_63 : f32 to vector<16xf32>
    %add3A_65 = arith.addf %mul3A_62, %add3A_64 : vector<16xf32>
    %mul3A_66 = arith.mulf %add3A_65, %add3A_39 : vector<16xf32>
    %add3A_67 = arith.constant 0.0416666679 : f32
    %add3A_68 = vector.broadcast %add3A_67 : f32 to vector<16xf32>
    %add3A_69 = arith.addf %mul3A_66, %add3A_68 : vector<16xf32>
    %mul3A_70 = arith.mulf %add3A_69, %add3A_39 : vector<16xf32>
    %add3A_71 = arith.constant -5.000000e-01 : f32
    %add3A_72 = vector.broadcast %add3A_71 : f32 to vector<16xf32>
    %add3A_73 = arith.addf %mul3A_70, %add3A_72 : vector<16xf32>
    %mul3A_74 = arith.mulf %add3A_73, %add3A_39 : vector<16xf32>
    %add3A_75 = arith.constant 1.000000e+00 : f32
    %add3A_76 = vector.broadcast %add3A_75 : f32 to vector<16xf32>
    %add3A_77 = arith.addf %mul3A_74, %add3A_76 : vector<16xf32>
    %broadcast_in_dim3A_78 = arith.constant -6.78928175E-18 : f32
    %broadcast_in_dim3A_79 = vector.broadcast %broadcast_in_dim3A_78 : f32 to vector<16xf32>
    %mul3A_80 = arith.mulf %broadcast_in_dim3A_79, %add3A_39 : vector<16xf32>
    %add3A_81 = arith.constant 2.7641205E-15 : f32
    %add3A_82 = vector.broadcast %add3A_81 : f32 to vector<16xf32>
    %add3A_83 = arith.addf %mul3A_80, %add3A_82 : vector<16xf32>
    %mul3A_84 = arith.mulf %add3A_83, %add3A_39 : vector<16xf32>
    %add3A_85 = arith.constant -7.63832465E-13 : f32
    %add3A_86 = vector.broadcast %add3A_85 : f32 to vector<16xf32>
    %add3A_87 = arith.addf %mul3A_84, %add3A_86 : vector<16xf32>
    %mul3A_88 = arith.mulf %add3A_87, %add3A_39 : vector<16xf32>
    %add3A_89 = arith.constant 1.60580341E-10 : f32
    %add3A_90 = vector.broadcast %add3A_89 : f32 to vector<16xf32>
    %add3A_91 = arith.addf %mul3A_88, %add3A_90 : vector<16xf32>
    %mul3A_92 = arith.mulf %add3A_91, %add3A_39 : vector<16xf32>
    %add3A_93 = arith.constant -2.50520369E-8 : f32
    %add3A_94 = vector.broadcast %add3A_93 : f32 to vector<16xf32>
    %add3A_95 = arith.addf %mul3A_92, %add3A_94 : vector<16xf32>
    %mul3A_96 = arith.mulf %add3A_95, %add3A_39 : vector<16xf32>
    %add3A_97 = arith.constant 2.75573166E-6 : f32
    %add3A_98 = vector.broadcast %add3A_97 : f32 to vector<16xf32>
    %add3A_99 = arith.addf %mul3A_96, %add3A_98 : vector<16xf32>
    %mul3A_100 = arith.mulf %add3A_99, %add3A_39 : vector<16xf32>
    %add3A_101 = arith.constant -1.98412701E-4 : f32
    %add3A_102 = vector.broadcast %add3A_101 : f32 to vector<16xf32>
    %add3A_103 = arith.addf %mul3A_100, %add3A_102 : vector<16xf32>
    %mul3A_104 = arith.mulf %add3A_103, %add3A_39 : vector<16xf32>
    %add3A_105 = arith.constant 0.00833333377 : f32
    %add3A_106 = vector.broadcast %add3A_105 : f32 to vector<16xf32>
    %add3A_107 = arith.addf %mul3A_104, %add3A_106 : vector<16xf32>
    %mul3A_108 = arith.mulf %add3A_107, %add3A_39 : vector<16xf32>
    %add3A_109 = arith.constant -0.166666672 : f32
    %add3A_110 = vector.broadcast %add3A_109 : f32 to vector<16xf32>
    %add3A_111 = arith.addf %mul3A_108, %add3A_110 : vector<16xf32>
    %mul3A_112 = arith.mulf %add3A_111, %add3A_39 : vector<16xf32>
    %add3A_113 = arith.constant 1.000000e+00 : f32
    %add3A_114 = vector.broadcast %add3A_113 : f32 to vector<16xf32>
    %add3A_115 = arith.addf %mul3A_112, %add3A_114 : vector<16xf32>
    %broadcast_in_dim3A_116 = arith.constant -3.45510317E-19 : f32
    %broadcast_in_dim3A_117 = vector.broadcast %broadcast_in_dim3A_116 : f32 to vector<16xf32>
    %mul3A_118 = arith.mulf %broadcast_in_dim3A_117, %add3A_39 : vector<16xf32>
    %add3A_119 = arith.constant 1.54019693E-16 : f32
    %add3A_120 = vector.broadcast %add3A_119 : f32 to vector<16xf32>
    %add3A_121 = arith.addf %mul3A_118, %add3A_120 : vector<16xf32>
    %mul3A_122 = arith.mulf %add3A_121, %add3A_39 : vector<16xf32>
    %add3A_123 = arith.constant -4.77541387E-14 : f32
    %add3A_124 = vector.broadcast %add3A_123 : f32 to vector<16xf32>
    %add3A_125 = arith.addf %mul3A_122, %add3A_124 : vector<16xf32>
    %mul3A_126 = arith.mulf %add3A_125, %add3A_39 : vector<16xf32>
    %add3A_127 = arith.constant 1.14702805E-11 : f32
    %add3A_128 = vector.broadcast %add3A_127 : f32 to vector<16xf32>
    %add3A_129 = arith.addf %mul3A_126, %add3A_128 : vector<16xf32>
    %mul3A_130 = arith.mulf %add3A_129, %add3A_39 : vector<16xf32>
    %add3A_131 = arith.constant -2.08767226E-9 : f32
    %add3A_132 = vector.broadcast %add3A_131 : f32 to vector<16xf32>
    %add3A_133 = arith.addf %mul3A_130, %add3A_132 : vector<16xf32>
    %mul3A_134 = arith.mulf %add3A_133, %add3A_39 : vector<16xf32>
    %add3A_135 = arith.constant 2.75573171E-7 : f32
    %add3A_136 = vector.broadcast %add3A_135 : f32 to vector<16xf32>
    %add3A_137 = arith.addf %mul3A_134, %add3A_136 : vector<16xf32>
    %mul3A_138 = arith.mulf %add3A_137, %add3A_39 : vector<16xf32>
    %add3A_139 = arith.constant -2.48015876E-5 : f32
    %add3A_140 = vector.broadcast %add3A_139 : f32 to vector<16xf32>
    %add3A_141 = arith.addf %mul3A_138, %add3A_140 : vector<16xf32>
    %mul3A_142 = arith.mulf %add3A_141, %add3A_39 : vector<16xf32>
    %add3A_143 = arith.constant 0.00138888892 : f32
    %add3A_144 = vector.broadcast %add3A_143 : f32 to vector<16xf32>
    %add3A_145 = arith.addf %mul3A_142, %add3A_144 : vector<16xf32>
    %mul3A_146 = arith.mulf %add3A_145, %add3A_39 : vector<16xf32>
    %add3A_147 = arith.constant -0.0416666679 : f32
    %add3A_148 = vector.broadcast %add3A_147 : f32 to vector<16xf32>
    %add3A_149 = arith.addf %mul3A_146, %add3A_148 : vector<16xf32>
    %mul3A_150 = arith.mulf %add3A_149, %add3A_39 : vector<16xf32>
    %add3A_151 = arith.constant 5.000000e-01 : f32
    %add3A_152 = vector.broadcast %add3A_151 : f32 to vector<16xf32>
    %add3A_153 = arith.addf %mul3A_150, %add3A_152 : vector<16xf32>
    %mul3A_154 = arith.mulf %add3A_153, %gather3A : vector<16xf32>
    %mul3A_155 = arith.mulf %mul3A_154, %gather3A_22 : vector<16xf32>
    %mul3A_156 = arith.mulf %add3A_153, %gather3A : vector<16xf32>
    %mul3A_157 = arith.mulf %mul3A_156, %gather3A_25 : vector<16xf32>
    %mul3A_158 = arith.mulf %add3A_153, %gather3A_22 : vector<16xf32>
    %mul3A_159 = arith.mulf %mul3A_158, %gather3A_25 : vector<16xf32>
    %mul3A_160 = arith.mulf %add3A_115, %gather3A : vector<16xf32>
    %mul3A_161 = arith.mulf %add3A_115, %gather3A_22 : vector<16xf32>
    %mul3A_162 = arith.mulf %add3A_115, %gather3A_25 : vector<16xf32>
    %mul3A_163 = arith.mulf %add3A_153, %gather3A : vector<16xf32>
    %mul3A_164 = arith.mulf %mul3A_163, %gather3A : vector<16xf32>
    %add3A_165 = arith.addf %add3A_77, %mul3A_164 : vector<16xf32>
    %sub3A = arith.subf %mul3A_155, %mul3A_162 : vector<16xf32>
    %add3A_166 = arith.addf %mul3A_157, %mul3A_161 : vector<16xf32>
    %add3A_167 = arith.addf %mul3A_155, %mul3A_162 : vector<16xf32>
    %mul3A_168 = arith.mulf %add3A_153, %gather3A_22 : vector<16xf32>
    %mul3A_169 = arith.mulf %mul3A_168, %gather3A_22 : vector<16xf32>
    %add3A_170 = arith.addf %add3A_77, %mul3A_169 : vector<16xf32>
    %sub3A_171 = arith.subf %mul3A_159, %mul3A_160 : vector<16xf32>
    %sub3A_172 = arith.subf %mul3A_157, %mul3A_161 : vector<16xf32>
    %add3A_173 = arith.addf %mul3A_159, %mul3A_160 : vector<16xf32>
    %mul3A_174 = arith.mulf %add3A_153, %gather3A_25 : vector<16xf32>
    %mul3A_175 = arith.mulf %mul3A_174, %gather3A_25 : vector<16xf32>
    %add3A_176 = arith.addf %add3A_77, %mul3A_175 : vector<16xf32>
    %broadcast_in_dim3A_177 = arith.constant 0 : i32
    %broadcast_in_dim3A_178 = vector.broadcast %broadcast_in_dim3A_177 : i32 to vector<16xi32>
    tpu.vector_store_idx %arg16[%add3A_18, %broadcast_in_dim3A_178], %add3A_165 : memref<32x72xf32, #tpu.memory_space<vmem>>[vector<16xi32>, vector<16xi32>], vector<16xf32>,
    %broadcast_in_dim3A_179 = arith.constant 1 : i32
    %broadcast_in_dim3A_180 = vector.broadcast %broadcast_in_dim3A_179 : i32 to vector<16xi32>
    tpu.vector_store_idx %arg16[%add3A_18, %broadcast_in_dim3A_180], %sub3A : memref<32x72xf32, #tpu.memory_space<vmem>>[vector<16xi32>, vector<16xi32>], vector<16xf32>,
    %broadcast_in_dim3A_181 = arith.constant 2 : i32
    %broadcast_in_dim3A_182 = vector.broadcast %broadcast_in_dim3A_181 : i32 to vector<16xi32>
    tpu.vector_store_idx %arg16[%add3A_18, %broadcast_in_dim3A_182], %add3A_166 : memref<32x72xf32, #tpu.memory_space<vmem>>[vector<16xi32>, vector<16xi32>], vector<16xf32>,
    %broadcast_in_dim3A_183 = arith.constant 3 : i32
    %broadcast_in_dim3A_184 = vector.broadcast %broadcast_in_dim3A_183 : i32 to vector<16xi32>
    tpu.vector_store_idx %arg16[%add3A_18, %broadcast_in_dim3A_184], %add3A_167 : memref<32x72xf32, #tpu.memory_space<vmem>>[vector<16xi32>, vector<16xi32>], vector<16xf32>,
    %broadcast_in_dim3A_185 = arith.constant 4 : i32
    %broadcast_in_dim3A_186 = vector.broadcast %broadcast_in_dim3A_185 : i32 to vector<16xi32>
    tpu.vector_store_idx %arg16[%add3A_18, %broadcast_in_dim3A_186], %add3A_170 : memref<32x72xf32, #tpu.memory_space<vmem>>[vector<16xi32>, vector<16xi32>], vector<16xf32>,
    %broadcast_in_dim3A_187 = arith.constant 5 : i32
    %broadcast_in_dim3A_188 = vector.broadcast %broadcast_in_dim3A_187 : i32 to vector<16xi32>
    tpu.vector_store_idx %arg16[%add3A_18, %broadcast_in_dim3A_188], %sub3A_171 : memref<32x72xf32, #tpu.memory_space<vmem>>[vector<16xi32>, vector<16xi32>], vector<16xf32>,
    %broadcast_in_dim3A_189 = arith.constant 6 : i32
    %broadcast_in_dim3A_190 = vector.broadcast %broadcast_in_dim3A_189 : i32 to vector<16xi32>
    tpu.vector_store_idx %arg16[%add3A_18, %broadcast_in_dim3A_190], %sub3A_172 : memref<32x72xf32, #tpu.memory_space<vmem>>[vector<16xi32>, vector<16xi32>], vector<16xf32>,
    %broadcast_in_dim3A_191 = arith.constant 7 : i32
    %broadcast_in_dim3A_192 = vector.broadcast %broadcast_in_dim3A_191 : i32 to vector<16xi32>
    tpu.vector_store_idx %arg16[%add3A_18, %broadcast_in_dim3A_192], %add3A_173 : memref<32x72xf32, #tpu.memory_space<vmem>>[vector<16xi32>, vector<16xi32>], vector<16xf32>,
    %broadcast_in_dim3A_193 = arith.constant 8 : i32
    %broadcast_in_dim3A_194 = vector.broadcast %broadcast_in_dim3A_193 : i32 to vector<16xi32>
    tpu.vector_store_idx %arg16[%add3A_18, %broadcast_in_dim3A_194], %add3A_176 : memref<32x72xf32, #tpu.memory_space<vmem>>[vector<16xi32>, vector<16xi32>], vector<16xf32>,
    %iota3A_195 = tpu.iota {dimensions = array<i32: 0>} : vector<16xi32>
    %add3A_196 = arith.constant 16 : i32
    %add3A_197 = vector.broadcast %add3A_196 : i32 to vector<16xi32>
    %add3A_198 = arith.addi %iota3A_195, %add3A_197 : vector<16xi32>
    %broadcast_in_dim3A_199 = arith.constant 0 : i32
    %broadcast_in_dim3A_200 = vector.broadcast %broadcast_in_dim3A_199 : i32 to vector<16xi32>
    %gather3A_201 = tpu.vector_load_idx %arg12[%add3A_198, %broadcast_in_dim3A_200] : memref<32x24xf32, #tpu.memory_space<vmem>>[vector<16xi32>, vector<16xi32>], vector<16xf32>,
    %broadcast_in_dim3A_202 = arith.constant 1 : i32
    %broadcast_in_dim3A_203 = vector.broadcast %broadcast_in_dim3A_202 : i32 to vector<16xi32>
    %gather3A_204 = tpu.vector_load_idx %arg12[%add3A_198, %broadcast_in_dim3A_203] : memref<32x24xf32, #tpu.memory_space<vmem>>[vector<16xi32>, vector<16xi32>], vector<16xf32>,
    %broadcast_in_dim3A_205 = arith.constant 2 : i32
    %broadcast_in_dim3A_206 = vector.broadcast %broadcast_in_dim3A_205 : i32 to vector<16xi32>
    %gather3A_207 = tpu.vector_load_idx %arg12[%add3A_198, %broadcast_in_dim3A_206] : memref<32x24xf32, #tpu.memory_space<vmem>>[vector<16xi32>, vector<16xi32>], vector<16xf32>,
    %add3A_208 = arith.constant 9.99999993E-9 : f32
    %add3A_209 = vector.broadcast %add3A_208 : f32 to vector<16xf32>
    %add3A_210 = arith.addf %gather3A_201, %add3A_209 : vector<16xf32>
    %add3A_211 = arith.constant 9.99999993E-9 : f32
    %add3A_212 = vector.broadcast %add3A_211 : f32 to vector<16xf32>
    %add3A_213 = arith.addf %gather3A_204, %add3A_212 : vector<16xf32>
    %add3A_214 = arith.constant 9.99999993E-9 : f32
    %add3A_215 = vector.broadcast %add3A_214 : f32 to vector<16xf32>
    %add3A_216 = arith.addf %gather3A_207, %add3A_215 : vector<16xf32>
    %mul3A_217 = arith.mulf %add3A_210, %add3A_210 : vector<16xf32>
    %mul3A_218 = arith.mulf %add3A_213, %add3A_213 : vector<16xf32>
    %add3A_219 = arith.addf %mul3A_217, %mul3A_218 : vector<16xf32>
    %mul3A_220 = arith.mulf %add3A_216, %add3A_216 : vector<16xf32>
    %add3A_221 = arith.addf %add3A_219, %mul3A_220 : vector<16xf32>
    %broadcast_in_dim3A_222 = arith.constant -1.26392073E-16 : f32
    %broadcast_in_dim3A_223 = vector.broadcast %broadcast_in_dim3A_222 : f32 to vector<16xf32>
    %mul3A_224 = arith.mulf %broadcast_in_dim3A_223, %add3A_221 : vector<16xf32>
    %add3A_225 = arith.constant 4.68123939E-14 : f32
    %add3A_226 = vector.broadcast %add3A_225 : f32 to vector<16xf32>
    %add3A_227 = arith.addf %mul3A_224, %add3A_226 : vector<16xf32>
    %mul3A_228 = arith.mulf %add3A_227, %add3A_221 : vector<16xf32>
    %add3A_229 = arith.constant -1.14524328E-11 : f32
    %add3A_230 = vector.broadcast %add3A_229 : f32 to vector<16xf32>
    %add3A_231 = arith.addf %mul3A_228, %add3A_230 : vector<16xf32>
    %mul3A_232 = arith.mulf %add3A_231, %add3A_221 : vector<16xf32>
    %add3A_233 = arith.constant 2.08746664E-9 : f32
    %add3A_234 = vector.broadcast %add3A_233 : f32 to vector<16xf32>
    %add3A_235 = arith.addf %mul3A_232, %add3A_234 : vector<16xf32>
    %mul3A_236 = arith.mulf %add3A_235, %add3A_221 : vector<16xf32>
    %add3A_237 = arith.constant -2.75571693E-7 : f32
    %add3A_238 = vector.broadcast %add3A_237 : f32 to vector<16xf32>
    %add3A_239 = arith.addf %mul3A_236, %add3A_238 : vector<16xf32>
    %mul3A_240 = arith.mulf %add3A_239, %add3A_221 : vector<16xf32>
    %add3A_241 = arith.constant 2.48015804E-5 : f32
    %add3A_242 = vector.broadcast %add3A_241 : f32 to vector<16xf32>
    %add3A_243 = arith.addf %mul3A_240, %add3A_242 : vector<16xf32>
    %mul3A_244 = arith.mulf %add3A_243, %add3A_221 : vector<16xf32>
    %add3A_245 = arith.constant -0.00138888892 : f32
    %add3A_246 = vector.broadcast %add3A_245 : f32 to vector<16xf32>
    %add3A_247 = arith.addf %mul3A_244, %add3A_246 : vector<16xf32>
    %mul3A_248 = arith.mulf %add3A_247, %add3A_221 : vector<16xf32>
    %add3A_249 = arith.constant 0.0416666679 : f32
    %add3A_250 = vector.broadcast %add3A_249 : f32 to vector<16xf32>
    %add3A_251 = arith.addf %mul3A_248, %add3A_250 : vector<16xf32>
    %mul3A_252 = arith.mulf %add3A_251, %add3A_221 : vector<16xf32>
    %add3A_253 = arith.constant -5.000000e-01 : f32
    %add3A_254 = vector.broadcast %add3A_253 : f32 to vector<16xf32>
    %add3A_255 = arith.addf %mul3A_252, %add3A_254 : vector<16xf32>
    %mul3A_256 = arith.mulf %add3A_255, %add3A_221 : vector<16xf32>
    %add3A_257 = arith.constant 1.000000e+00 : f32
    %add3A_258 = vector.broadcast %add3A_257 : f32 to vector<16xf32>
    %add3A_259 = arith.addf %mul3A_256, %add3A_258 : vector<16xf32>
    %broadcast_in_dim3A_260 = arith.constant -6.78928175E-18 : f32
    %broadcast_in_dim3A_261 = vector.broadcast %broadcast_in_dim3A_260 : f32 to vector<16xf32>
    %mul3A_262 = arith.mulf %broadcast_in_dim3A_261, %add3A_221 : vector<16xf32>
    %add3A_263 = arith.constant 2.7641205E-15 : f32
    %add3A_264 = vector.broadcast %add3A_263 : f32 to vector<16xf32>
    %add3A_265 = arith.addf %mul3A_262, %add3A_264 : vector<16xf32>
    %mul3A_266 = arith.mulf %add3A_265, %add3A_221 : vector<16xf32>
    %add3A_267 = arith.constant -7.63832465E-13 : f32
    %add3A_268 = vector.broadcast %add3A_267 : f32 to vector<16xf32>
    %add3A_269 = arith.addf %mul3A_266, %add3A_268 : vector<16xf32>
    %mul3A_270 = arith.mulf %add3A_269, %add3A_221 : vector<16xf32>
    %add3A_271 = arith.constant 1.60580341E-10 : f32
    %add3A_272 = vector.broadcast %add3A_271 : f32 to vector<16xf32>
    %add3A_273 = arith.addf %mul3A_270, %add3A_272 : vector<16xf32>
    %mul3A_274 = arith.mulf %add3A_273, %add3A_221 : vector<16xf32>
    %add3A_275 = arith.constant -2.50520369E-8 : f32
    %add3A_276 = vector.broadcast %add3A_275 : f32 to vector<16xf32>
    %add3A_277 = arith.addf %mul3A_274, %add3A_276 : vector<16xf32>
    %mul3A_278 = arith.mulf %add3A_277, %add3A_221 : vector<16xf32>
    %add3A_279 = arith.constant 2.75573166E-6 : f32
    %add3A_280 = vector.broadcast %add3A_279 : f32 to vector<16xf32>
    %add3A_281 = arith.addf %mul3A_278, %add3A_280 : vector<16xf32>
    %mul3A_282 = arith.mulf %add3A_281, %add3A_221 : vector<16xf32>
    %add3A_283 = arith.constant -1.98412701E-4 : f32
    %add3A_284 = vector.broadcast %add3A_283 : f32 to vector<16xf32>
    %add3A_285 = arith.addf %mul3A_282, %add3A_284 : vector<16xf32>
    %mul3A_286 = arith.mulf %add3A_285, %add3A_221 : vector<16xf32>
    %add3A_287 = arith.constant 0.00833333377 : f32
    %add3A_288 = vector.broadcast %add3A_287 : f32 to vector<16xf32>
    %add3A_289 = arith.addf %mul3A_286, %add3A_288 : vector<16xf32>
    %mul3A_290 = arith.mulf %add3A_289, %add3A_221 : vector<16xf32>
    %add3A_291 = arith.constant -0.166666672 : f32
    %add3A_292 = vector.broadcast %add3A_291 : f32 to vector<16xf32>
    %add3A_293 = arith.addf %mul3A_290, %add3A_292 : vector<16xf32>
    %mul3A_294 = arith.mulf %add3A_293, %add3A_221 : vector<16xf32>
    %add3A_295 = arith.constant 1.000000e+00 : f32
    %add3A_296 = vector.broadcast %add3A_295 : f32 to vector<16xf32>
    %add3A_297 = arith.addf %mul3A_294, %add3A_296 : vector<16xf32>
    %broadcast_in_dim3A_298 = arith.constant -3.45510317E-19 : f32
    %broadcast_in_dim3A_299 = vector.broadcast %broadcast_in_dim3A_298 : f32 to vector<16xf32>
    %mul3A_300 = arith.mulf %broadcast_in_dim3A_299, %add3A_221 : vector<16xf32>
    %add3A_301 = arith.constant 1.54019693E-16 : f32
    %add3A_302 = vector.broadcast %add3A_301 : f32 to vector<16xf32>
    %add3A_303 = arith.addf %mul3A_300, %add3A_302 : vector<16xf32>
    %mul3A_304 = arith.mulf %add3A_303, %add3A_221 : vector<16xf32>
    %add3A_305 = arith.constant -4.77541387E-14 : f32
    %add3A_306 = vector.broadcast %add3A_305 : f32 to vector<16xf32>
    %add3A_307 = arith.addf %mul3A_304, %add3A_306 : vector<16xf32>
    %mul3A_308 = arith.mulf %add3A_307, %add3A_221 : vector<16xf32>
    %add3A_309 = arith.constant 1.14702805E-11 : f32
    %add3A_310 = vector.broadcast %add3A_309 : f32 to vector<16xf32>
    %add3A_311 = arith.addf %mul3A_308, %add3A_310 : vector<16xf32>
    %mul3A_312 = arith.mulf %add3A_311, %add3A_221 : vector<16xf32>
    %add3A_313 = arith.constant -2.08767226E-9 : f32
    %add3A_314 = vector.broadcast %add3A_313 : f32 to vector<16xf32>
    %add3A_315 = arith.addf %mul3A_312, %add3A_314 : vector<16xf32>
    %mul3A_316 = arith.mulf %add3A_315, %add3A_221 : vector<16xf32>
    %add3A_317 = arith.constant 2.75573171E-7 : f32
    %add3A_318 = vector.broadcast %add3A_317 : f32 to vector<16xf32>
    %add3A_319 = arith.addf %mul3A_316, %add3A_318 : vector<16xf32>
    %mul3A_320 = arith.mulf %add3A_319, %add3A_221 : vector<16xf32>
    %add3A_321 = arith.constant -2.48015876E-5 : f32
    %add3A_322 = vector.broadcast %add3A_321 : f32 to vector<16xf32>
    %add3A_323 = arith.addf %mul3A_320, %add3A_322 : vector<16xf32>
    %mul3A_324 = arith.mulf %add3A_323, %add3A_221 : vector<16xf32>
    %add3A_325 = arith.constant 0.00138888892 : f32
    %add3A_326 = vector.broadcast %add3A_325 : f32 to vector<16xf32>
    %add3A_327 = arith.addf %mul3A_324, %add3A_326 : vector<16xf32>
    %mul3A_328 = arith.mulf %add3A_327, %add3A_221 : vector<16xf32>
    %add3A_329 = arith.constant -0.0416666679 : f32
    %add3A_330 = vector.broadcast %add3A_329 : f32 to vector<16xf32>
    %add3A_331 = arith.addf %mul3A_328, %add3A_330 : vector<16xf32>
    %mul3A_332 = arith.mulf %add3A_331, %add3A_221 : vector<16xf32>
    %add3A_333 = arith.constant 5.000000e-01 : f32
    %add3A_334 = vector.broadcast %add3A_333 : f32 to vector<16xf32>
    %add3A_335 = arith.addf %mul3A_332, %add3A_334 : vector<16xf32>
    %mul3A_336 = arith.mulf %add3A_335, %gather3A_201 : vector<16xf32>
    %mul3A_337 = arith.mulf %mul3A_336, %gather3A_204 : vector<16xf32>
    %mul3A_338 = arith.mulf %add3A_335, %gather3A_201 : vector<16xf32>
    %mul3A_339 = arith.mulf %mul3A_338, %gather3A_207 : vector<16xf32>
    %mul3A_340 = arith.mulf %add3A_335, %gather3A_204 : vector<16xf32>
    %mul3A_341 = arith.mulf %mul3A_340, %gather3A_207 : vector<16xf32>
    %mul3A_342 = arith.mulf %add3A_297, %gather3A_201 : vector<16xf32>
    %mul3A_343 = arith.mulf %add3A_297, %gather3A_204 : vector<16xf32>
    %mul3A_344 = arith.mulf %add3A_297, %gather3A_207 : vector<16xf32>
    %mul3A_345 = arith.mulf %add3A_335, %gather3A_201 : vector<16xf32>
    %mul3A_346 = arith.mulf %mul3A_345, %gather3A_201 : vector<16xf32>
    %add3A_347 = arith.addf %add3A_259, %mul3A_346 : vector<16xf32>
    %sub3A_348 = arith.subf %mul3A_337, %mul3A_344 : vector<16xf32>
    %add3A_349 = arith.addf %mul3A_339, %mul3A_343 : vector<16xf32>
    %add3A_350 = arith.addf %mul3A_337, %mul3A_344 : vector<16xf32>
    %mul3A_351 = arith.mulf %add3A_335, %gather3A_204 : vector<16xf32>
    %mul3A_352 = arith.mulf %mul3A_351, %gather3A_204 : vector<16xf32>
    %add3A_353 = arith.addf %add3A_259, %mul3A_352 : vector<16xf32>
    %sub3A_354 = arith.subf %mul3A_341, %mul3A_342 : vector<16xf32>
    %sub3A_355 = arith.subf %mul3A_339, %mul3A_343 : vector<16xf32>
    %add3A_356 = arith.addf %mul3A_341, %mul3A_342 : vector<16xf32>
    %mul3A_357 = arith.mulf %add3A_335, %gather3A_207 : vector<16xf32>
    %mul3A_358 = arith.mulf %mul3A_357, %gather3A_207 : vector<16xf32>
    %add3A_359 = arith.addf %add3A_259, %mul3A_358 : vector<16xf32>
    %broadcast_in_dim3A_360 = arith.constant 0 : i32
    %broadcast_in_dim3A_361 = vector.broadcast %broadcast_in_dim3A_360 : i32 to vector<16xi32>
    tpu.vector_store_idx %arg16[%add3A_198, %broadcast_in_dim3A_361], %add3A_347 : memref<32x72xf32, #tpu.memory_space<vmem>>[vector<16xi32>, vector<16xi32>], vector<16xf32>,
    %broadcast_in_dim3A_362 = arith.constant 1 : i32
    %broadcast_in_dim3A_363 = vector.broadcast %broadcast_in_dim3A_362 : i32 to vector<16xi32>
    tpu.vector_store_idx %arg16[%add3A_198, %broadcast_in_dim3A_363], %sub3A_348 : memref<32x72xf32, #tpu.memory_space<vmem>>[vector<16xi32>, vector<16xi32>], vector<16xf32>,
    %broadcast_in_dim3A_364 = arith.constant 2 : i32
    %broadcast_in_dim3A_365 = vector.broadcast %broadcast_in_dim3A_364 : i32 to vector<16xi32>
    tpu.vector_store_idx %arg16[%add3A_198, %broadcast_in_dim3A_365], %add3A_349 : memref<32x72xf32, #tpu.memory_space<vmem>>[vector<16xi32>, vector<16xi32>], vector<16xf32>,
    %broadcast_in_dim3A_366 = arith.constant 3 : i32
    %broadcast_in_dim3A_367 = vector.broadcast %broadcast_in_dim3A_366 : i32 to vector<16xi32>
    tpu.vector_store_idx %arg16[%add3A_198, %broadcast_in_dim3A_367], %add3A_350 : memref<32x72xf32, #tpu.memory_space<vmem>>[vector<16xi32>, vector<16xi32>], vector<16xf32>,
    %broadcast_in_dim3A_368 = arith.constant 4 : i32
    %broadcast_in_dim3A_369 = vector.broadcast %broadcast_in_dim3A_368 : i32 to vector<16xi32>
    tpu.vector_store_idx %arg16[%add3A_198, %broadcast_in_dim3A_369], %add3A_353 : memref<32x72xf32, #tpu.memory_space<vmem>>[vector<16xi32>, vector<16xi32>], vector<16xf32>,
    %broadcast_in_dim3A_370 = arith.constant 5 : i32
    %broadcast_in_dim3A_371 = vector.broadcast %broadcast_in_dim3A_370 : i32 to vector<16xi32>
    tpu.vector_store_idx %arg16[%add3A_198, %broadcast_in_dim3A_371], %sub3A_354 : memref<32x72xf32, #tpu.memory_space<vmem>>[vector<16xi32>, vector<16xi32>], vector<16xf32>,
    %broadcast_in_dim3A_372 = arith.constant 6 : i32
    %broadcast_in_dim3A_373 = vector.broadcast %broadcast_in_dim3A_372 : i32 to vector<16xi32>
    tpu.vector_store_idx %arg16[%add3A_198, %broadcast_in_dim3A_373], %sub3A_355 : memref<32x72xf32, #tpu.memory_space<vmem>>[vector<16xi32>, vector<16xi32>], vector<16xf32>,
    %broadcast_in_dim3A_374 = arith.constant 7 : i32
    %broadcast_in_dim3A_375 = vector.broadcast %broadcast_in_dim3A_374 : i32 to vector<16xi32>
    tpu.vector_store_idx %arg16[%add3A_198, %broadcast_in_dim3A_375], %add3A_356 : memref<32x72xf32, #tpu.memory_space<vmem>>[vector<16xi32>, vector<16xi32>], vector<16xf32>,
    %broadcast_in_dim3A_376 = arith.constant 8 : i32
    %broadcast_in_dim3A_377 = vector.broadcast %broadcast_in_dim3A_376 : i32 to vector<16xi32>
    tpu.vector_store_idx %arg16[%add3A_198, %broadcast_in_dim3A_377], %add3A_359 : memref<32x72xf32, #tpu.memory_space<vmem>>[vector<16xi32>, vector<16xi32>], vector<16xf32>,
    %iota3A_378 = tpu.iota {dimensions = array<i32: 0>} : vector<16xi32>
    %add3A_379 = arith.constant 0 : i32
    %add3A_380 = vector.broadcast %add3A_379 : i32 to vector<16xi32>
    %add3A_381 = arith.addi %iota3A_378, %add3A_380 : vector<16xi32>
    %broadcast_in_dim3A_382 = arith.constant 3 : i32
    %broadcast_in_dim3A_383 = vector.broadcast %broadcast_in_dim3A_382 : i32 to vector<16xi32>
    %gather3A_384 = tpu.vector_load_idx %arg12[%add3A_381, %broadcast_in_dim3A_383] : memref<32x24xf32, #tpu.memory_space<vmem>>[vector<16xi32>, vector<16xi32>], vector<16xf32>,
    %broadcast_in_dim3A_385 = arith.constant 4 : i32
    %broadcast_in_dim3A_386 = vector.broadcast %broadcast_in_dim3A_385 : i32 to vector<16xi32>
    %gather3A_387 = tpu.vector_load_idx %arg12[%add3A_381, %broadcast_in_dim3A_386] : memref<32x24xf32, #tpu.memory_space<vmem>>[vector<16xi32>, vector<16xi32>], vector<16xf32>,
    %broadcast_in_dim3A_388 = arith.constant 5 : i32
    %broadcast_in_dim3A_389 = vector.broadcast %broadcast_in_dim3A_388 : i32 to vector<16xi32>
    %gather3A_390 = tpu.vector_load_idx %arg12[%add3A_381, %broadcast_in_dim3A_389] : memref<32x24xf32, #tpu.memory_space<vmem>>[vector<16xi32>, vector<16xi32>], vector<16xf32>,
    %add3A_391 = arith.constant 9.99999993E-9 : f32
    %add3A_392 = vector.broadcast %add3A_391 : f32 to vector<16xf32>
    %add3A_393 = arith.addf %gather3A_384, %add3A_392 : vector<16xf32>
    %add3A_394 = arith.constant 9.99999993E-9 : f32
    %add3A_395 = vector.broadcast %add3A_394 : f32 to vector<16xf32>
    %add3A_396 = arith.addf %gather3A_387, %add3A_395 : vector<16xf32>
    %add3A_397 = arith.constant 9.99999993E-9 : f32
    %add3A_398 = vector.broadcast %add3A_397 : f32 to vector<16xf32>
    %add3A_399 = arith.addf %gather3A_390, %add3A_398 : vector<16xf32>
    %mul3A_400 = arith.mulf %add3A_393, %add3A_393 : vector<16xf32>
    %mul3A_401 = arith.mulf %add3A_396, %add3A_396 : vector<16xf32>
    %add3A_402 = arith.addf %mul3A_400, %mul3A_401 : vector<16xf32>
    %mul3A_403 = arith.mulf %add3A_399, %add3A_399 : vector<16xf32>
    %add3A_404 = arith.addf %add3A_402, %mul3A_403 : vector<16xf32>
    %broadcast_in_dim3A_405 = arith.constant -1.26392073E-16 : f32
    %broadcast_in_dim3A_406 = vector.broadcast %broadcast_in_dim3A_405 : f32 to vector<16xf32>
    %mul3A_407 = arith.mulf %broadcast_in_dim3A_406, %add3A_404 : vector<16xf32>
    %add3A_408 = arith.constant 4.68123939E-14 : f32
    %add3A_409 = vector.broadcast %add3A_408 : f32 to vector<16xf32>
    %add3A_410 = arith.addf %mul3A_407, %add3A_409 : vector<16xf32>
    %mul3A_411 = arith.mulf %add3A_410, %add3A_404 : vector<16xf32>
    %add3A_412 = arith.constant -1.14524328E-11 : f32
    %add3A_413 = vector.broadcast %add3A_412 : f32 to vector<16xf32>
    %add3A_414 = arith.addf %mul3A_411, %add3A_413 : vector<16xf32>
    %mul3A_415 = arith.mulf %add3A_414, %add3A_404 : vector<16xf32>
    %add3A_416 = arith.constant 2.08746664E-9 : f32
    %add3A_417 = vector.broadcast %add3A_416 : f32 to vector<16xf32>
    %add3A_418 = arith.addf %mul3A_415, %add3A_417 : vector<16xf32>
    %mul3A_419 = arith.mulf %add3A_418, %add3A_404 : vector<16xf32>
    %add3A_420 = arith.constant -2.75571693E-7 : f32
    %add3A_421 = vector.broadcast %add3A_420 : f32 to vector<16xf32>
    %add3A_422 = arith.addf %mul3A_419, %add3A_421 : vector<16xf32>
    %mul3A_423 = arith.mulf %add3A_422, %add3A_404 : vector<16xf32>
    %add3A_424 = arith.constant 2.48015804E-5 : f32
    %add3A_425 = vector.broadcast %add3A_424 : f32 to vector<16xf32>
    %add3A_426 = arith.addf %mul3A_423, %add3A_425 : vector<16xf32>
    %mul3A_427 = arith.mulf %add3A_426, %add3A_404 : vector<16xf32>
    %add3A_428 = arith.constant -0.00138888892 : f32
    %add3A_429 = vector.broadcast %add3A_428 : f32 to vector<16xf32>
    %add3A_430 = arith.addf %mul3A_427, %add3A_429 : vector<16xf32>
    %mul3A_431 = arith.mulf %add3A_430, %add3A_404 : vector<16xf32>
    %add3A_432 = arith.constant 0.0416666679 : f32
    %add3A_433 = vector.broadcast %add3A_432 : f32 to vector<16xf32>
    %add3A_434 = arith.addf %mul3A_431, %add3A_433 : vector<16xf32>
    %mul3A_435 = arith.mulf %add3A_434, %add3A_404 : vector<16xf32>
    %add3A_436 = arith.constant -5.000000e-01 : f32
    %add3A_437 = vector.broadcast %add3A_436 : f32 to vector<16xf32>
    %add3A_438 = arith.addf %mul3A_435, %add3A_437 : vector<16xf32>
    %mul3A_439 = arith.mulf %add3A_438, %add3A_404 : vector<16xf32>
    %add3A_440 = arith.constant 1.000000e+00 : f32
    %add3A_441 = vector.broadcast %add3A_440 : f32 to vector<16xf32>
    %add3A_442 = arith.addf %mul3A_439, %add3A_441 : vector<16xf32>
    %broadcast_in_dim3A_443 = arith.constant -6.78928175E-18 : f32
    %broadcast_in_dim3A_444 = vector.broadcast %broadcast_in_dim3A_443 : f32 to vector<16xf32>
    %mul3A_445 = arith.mulf %broadcast_in_dim3A_444, %add3A_404 : vector<16xf32>
    %add3A_446 = arith.constant 2.7641205E-15 : f32
    %add3A_447 = vector.broadcast %add3A_446 : f32 to vector<16xf32>
    %add3A_448 = arith.addf %mul3A_445, %add3A_447 : vector<16xf32>
    %mul3A_449 = arith.mulf %add3A_448, %add3A_404 : vector<16xf32>
    %add3A_450 = arith.constant -7.63832465E-13 : f32
    %add3A_451 = vector.broadcast %add3A_450 : f32 to vector<16xf32>
    %add3A_452 = arith.addf %mul3A_449, %add3A_451 : vector<16xf32>
    %mul3A_453 = arith.mulf %add3A_452, %add3A_404 : vector<16xf32>
    %add3A_454 = arith.constant 1.60580341E-10 : f32
    %add3A_455 = vector.broadcast %add3A_454 : f32 to vector<16xf32>
    %add3A_456 = arith.addf %mul3A_453, %add3A_455 : vector<16xf32>
    %mul3A_457 = arith.mulf %add3A_456, %add3A_404 : vector<16xf32>
    %add3A_458 = arith.constant -2.50520369E-8 : f32
    %add3A_459 = vector.broadcast %add3A_458 : f32 to vector<16xf32>
    %add3A_460 = arith.addf %mul3A_457, %add3A_459 : vector<16xf32>
    %mul3A_461 = arith.mulf %add3A_460, %add3A_404 : vector<16xf32>
    %add3A_462 = arith.constant 2.75573166E-6 : f32
    %add3A_463 = vector.broadcast %add3A_462 : f32 to vector<16xf32>
    %add3A_464 = arith.addf %mul3A_461, %add3A_463 : vector<16xf32>
    %mul3A_465 = arith.mulf %add3A_464, %add3A_404 : vector<16xf32>
    %add3A_466 = arith.constant -1.98412701E-4 : f32
    %add3A_467 = vector.broadcast %add3A_466 : f32 to vector<16xf32>
    %add3A_468 = arith.addf %mul3A_465, %add3A_467 : vector<16xf32>
    %mul3A_469 = arith.mulf %add3A_468, %add3A_404 : vector<16xf32>
    %add3A_470 = arith.constant 0.00833333377 : f32
    %add3A_471 = vector.broadcast %add3A_470 : f32 to vector<16xf32>
    %add3A_472 = arith.addf %mul3A_469, %add3A_471 : vector<16xf32>
    %mul3A_473 = arith.mulf %add3A_472, %add3A_404 : vector<16xf32>
    %add3A_474 = arith.constant -0.166666672 : f32
    %add3A_475 = vector.broadcast %add3A_474 : f32 to vector<16xf32>
    %add3A_476 = arith.addf %mul3A_473, %add3A_475 : vector<16xf32>
    %mul3A_477 = arith.mulf %add3A_476, %add3A_404 : vector<16xf32>
    %add3A_478 = arith.constant 1.000000e+00 : f32
    %add3A_479 = vector.broadcast %add3A_478 : f32 to vector<16xf32>
    %add3A_480 = arith.addf %mul3A_477, %add3A_479 : vector<16xf32>
    %broadcast_in_dim3A_481 = arith.constant -3.45510317E-19 : f32
    %broadcast_in_dim3A_482 = vector.broadcast %broadcast_in_dim3A_481 : f32 to vector<16xf32>
    %mul3A_483 = arith.mulf %broadcast_in_dim3A_482, %add3A_404 : vector<16xf32>
    %add3A_484 = arith.constant 1.54019693E-16 : f32
    %add3A_485 = vector.broadcast %add3A_484 : f32 to vector<16xf32>
    %add3A_486 = arith.addf %mul3A_483, %add3A_485 : vector<16xf32>
    %mul3A_487 = arith.mulf %add3A_486, %add3A_404 : vector<16xf32>
    %add3A_488 = arith.constant -4.77541387E-14 : f32
    %add3A_489 = vector.broadcast %add3A_488 : f32 to vector<16xf32>
    %add3A_490 = arith.addf %mul3A_487, %add3A_489 : vector<16xf32>
    %mul3A_491 = arith.mulf %add3A_490, %add3A_404 : vector<16xf32>
    %add3A_492 = arith.constant 1.14702805E-11 : f32
    %add3A_493 = vector.broadcast %add3A_492 : f32 to vector<16xf32>
    %add3A_494 = arith.addf %mul3A_491, %add3A_493 : vector<16xf32>
    %mul3A_495 = arith.mulf %add3A_494, %add3A_404 : vector<16xf32>
    %add3A_496 = arith.constant -2.08767226E-9 : f32
    %add3A_497 = vector.broadcast %add3A_496 : f32 to vector<16xf32>
    %add3A_498 = arith.addf %mul3A_495, %add3A_497 : vector<16xf32>
    %mul3A_499 = arith.mulf %add3A_498, %add3A_404 : vector<16xf32>
    %add3A_500 = arith.constant 2.75573171E-7 : f32
    %add3A_501 = vector.broadcast %add3A_500 : f32 to vector<16xf32>
    %add3A_502 = arith.addf %mul3A_499, %add3A_501 : vector<16xf32>
    %mul3A_503 = arith.mulf %add3A_502, %add3A_404 : vector<16xf32>
    %add3A_504 = arith.constant -2.48015876E-5 : f32
    %add3A_505 = vector.broadcast %add3A_504 : f32 to vector<16xf32>
    %add3A_506 = arith.addf %mul3A_503, %add3A_505 : vector<16xf32>
    %mul3A_507 = arith.mulf %add3A_506, %add3A_404 : vector<16xf32>
    %add3A_508 = arith.constant 0.00138888892 : f32
    %add3A_509 = vector.broadcast %add3A_508 : f32 to vector<16xf32>
    %add3A_510 = arith.addf %mul3A_507, %add3A_509 : vector<16xf32>
    %mul3A_511 = arith.mulf %add3A_510, %add3A_404 : vector<16xf32>
    %add3A_512 = arith.constant -0.0416666679 : f32
    %add3A_513 = vector.broadcast %add3A_512 : f32 to vector<16xf32>
    %add3A_514 = arith.addf %mul3A_511, %add3A_513 : vector<16xf32>
    %mul3A_515 = arith.mulf %add3A_514, %add3A_404 : vector<16xf32>
    %add3A_516 = arith.constant 5.000000e-01 : f32
    %add3A_517 = vector.broadcast %add3A_516 : f32 to vector<16xf32>
    %add3A_518 = arith.addf %mul3A_515, %add3A_517 : vector<16xf32>
    %mul3A_519 = arith.mulf %add3A_518, %gather3A_384 : vector<16xf32>
    %mul3A_520 = arith.mulf %mul3A_519, %gather3A_387 : vector<16xf32>
    %mul3A_521 = arith.mulf %add3A_518, %gather3A_384 : vector<16xf32>
    %mul3A_522 = arith.mulf %mul3A_521, %gather3A_390 : vector<16xf32>
    %mul3A_523 = arith.mulf %add3A_518, %gather3A_387 : vector<16xf32>
    %mul3A_524 = arith.mulf %mul3A_523, %gather3A_390 : vector<16xf32>
    %mul3A_525 = arith.mulf %add3A_480, %gather3A_384 : vector<16xf32>
    %mul3A_526 = arith.mulf %add3A_480, %gather3A_387 : vector<16xf32>
    %mul3A_527 = arith.mulf %add3A_480, %gather3A_390 : vector<16xf32>
    %mul3A_528 = arith.mulf %add3A_518, %gather3A_384 : vector<16xf32>
    %mul3A_529 = arith.mulf %mul3A_528, %gather3A_384 : vector<16xf32>
    %add3A_530 = arith.addf %add3A_442, %mul3A_529 : vector<16xf32>
    %sub3A_531 = arith.subf %mul3A_520, %mul3A_527 : vector<16xf32>
    %add3A_532 = arith.addf %mul3A_522, %mul3A_526 : vector<16xf32>
    %add3A_533 = arith.addf %mul3A_520, %mul3A_527 : vector<16xf32>
    %mul3A_534 = arith.mulf %add3A_518, %gather3A_387 : vector<16xf32>
    %mul3A_535 = arith.mulf %mul3A_534, %gather3A_387 : vector<16xf32>
    %add3A_536 = arith.addf %add3A_442, %mul3A_535 : vector<16xf32>
    %sub3A_537 = arith.subf %mul3A_524, %mul3A_525 : vector<16xf32>
    %sub3A_538 = arith.subf %mul3A_522, %mul3A_526 : vector<16xf32>
    %add3A_539 = arith.addf %mul3A_524, %mul3A_525 : vector<16xf32>
    %mul3A_540 = arith.mulf %add3A_518, %gather3A_390 : vector<16xf32>
    %mul3A_541 = arith.mulf %mul3A_540, %gather3A_390 : vector<16xf32>
    %add3A_542 = arith.addf %add3A_442, %mul3A_541 : vector<16xf32>
    %broadcast_in_dim3A_543 = arith.constant 9 : i32
    %broadcast_in_dim3A_544 = vector.broadcast %broadcast_in_dim3A_543 : i32 to vector<16xi32>
    tpu.vector_store_idx %arg16[%add3A_381, %broadcast_in_dim3A_544], %add3A_530 : memref<32x72xf32, #tpu.memory_space<vmem>>[vector<16xi32>, vector<16xi32>], vector<16xf32>,
    %broadcast_in_dim3A_545 = arith.constant 10 : i32
    %broadcast_in_dim3A_546 = vector.broadcast %broadcast_in_dim3A_545 : i32 to vector<16xi32>
    tpu.vector_store_idx %arg16[%add3A_381, %broadcast_in_dim3A_546], %sub3A_531 : memref<32x72xf32, #tpu.memory_space<vmem>>[vector<16xi32>, vector<16xi32>], vector<16xf32>,
    %broadcast_in_dim3A_547 = arith.constant 11 : i32
    %broadcast_in_dim3A_548 = vector.broadcast %broadcast_in_dim3A_547 : i32 to vector<16xi32>
    tpu.vector_store_idx %arg16[%add3A_381, %broadcast_in_dim3A_548], %add3A_532 : memref<32x72xf32, #tpu.memory_space<vmem>>[vector<16xi32>, vector<16xi32>], vector<16xf32>,
    %broadcast_in_dim3A_549 = arith.constant 12 : i32
    %broadcast_in_dim3A_550 = vector.broadcast %broadcast_in_dim3A_549 : i32 to vector<16xi32>
    tpu.vector_store_idx %arg16[%add3A_381, %broadcast_in_dim3A_550], %add3A_533 : memref<32x72xf32, #tpu.memory_space<vmem>>[vector<16xi32>, vector<16xi32>], vector<16xf32>,
    %broadcast_in_dim3A_551 = arith.constant 13 : i32
    %broadcast_in_dim3A_552 = vector.broadcast %broadcast_in_dim3A_551 : i32 to vector<16xi32>
    tpu.vector_store_idx %arg16[%add3A_381, %broadcast_in_dim3A_552], %add3A_536 : memref<32x72xf32, #tpu.memory_space<vmem>>[vector<16xi32>, vector<16xi32>], vector<16xf32>,
    %broadcast_in_dim3A_553 = arith.constant 14 : i32
    %broadcast_in_dim3A_554 = vector.broadcast %broadcast_in_dim3A_553 : i32 to vector<16xi32>
    tpu.vector_store_idx %arg16[%add3A_381, %broadcast_in_dim3A_554], %sub3A_537 : memref<32x72xf32, #tpu.memory_space<vmem>>[vector<16xi32>, vector<16xi32>], vector<16xf32>,
    %broadcast_in_dim3A_555 = arith.constant 15 : i32
    %broadcast_in_dim3A_556 = vector.broadcast %broadcast_in_dim3A_555 : i32 to vector<16xi32>
    tpu.vector_store_idx %arg16[%add3A_381, %broadcast_in_dim3A_556], %sub3A_538 : memref<32x72xf32, #tpu.memory_space<vmem>>[vector<16xi32>, vector<16xi32>], vector<16xf32>,
    %broadcast_in_dim3A_557 = arith.constant 16 : i32
    %broadcast_in_dim3A_558 = vector.broadcast %broadcast_in_dim3A_557 : i32 to vector<16xi32>
    tpu.vector_store_idx %arg16[%add3A_381, %broadcast_in_dim3A_558], %add3A_539 : memref<32x72xf32, #tpu.memory_space<vmem>>[vector<16xi32>, vector<16xi32>], vector<16xf32>,
    %broadcast_in_dim3A_559 = arith.constant 17 : i32
    %broadcast_in_dim3A_560 = vector.broadcast %broadcast_in_dim3A_559 : i32 to vector<16xi32>
    tpu.vector_store_idx %arg16[%add3A_381, %broadcast_in_dim3A_560], %add3A_542 : memref<32x72xf32, #tpu.memory_space<vmem>>[vector<16xi32>, vector<16xi32>], vector<16xf32>,
    %iota3A_561 = tpu.iota {dimensions = array<i32: 0>} : vector<16xi32>
    %add3A_562 = arith.constant 16 : i32
    %add3A_563 = vector.broadcast %add3A_562 : i32 to vector<16xi32>
    %add3A_564 = arith.addi %iota3A_561, %add3A_563 : vector<16xi32>
    %broadcast_in_dim3A_565 = arith.constant 3 : i32
    %broadcast_in_dim3A_566 = vector.broadcast %broadcast_in_dim3A_565 : i32 to vector<16xi32>
    %gather3A_567 = tpu.vector_load_idx %arg12[%add3A_564, %broadcast_in_dim3A_566] : memref<32x24xf32, #tpu.memory_space<vmem>>[vector<16xi32>, vector<16xi32>], vector<16xf32>,
    %broadcast_in_dim3A_568 = arith.constant 4 : i32
    %broadcast_in_dim3A_569 = vector.broadcast %broadcast_in_dim3A_568 : i32 to vector<16xi32>
    %gather3A_570 = tpu.vector_load_idx %arg12[%add3A_564, %broadcast_in_dim3A_569] : memref<32x24xf32, #tpu.memory_space<vmem>>[vector<16xi32>, vector<16xi32>], vector<16xf32>,
    %broadcast_in_dim3A_571 = arith.constant 5 : i32
    %broadcast_in_dim3A_572 = vector.broadcast %broadcast_in_dim3A_571 : i32 to vector<16xi32>
    %gather3A_573 = tpu.vector_load_idx %arg12[%add3A_564, %broadcast_in_dim3A_572] : memref<32x24xf32, #tpu.memory_space<vmem>>[vector<16xi32>, vector<16xi32>], vector<16xf32>,
    %add3A_574 = arith.constant 9.99999993E-9 : f32
    %add3A_575 = vector.broadcast %add3A_574 : f32 to vector<16xf32>
    %add3A_576 = arith.addf %gather3A_567, %add3A_575 : vector<16xf32>
    %add3A_577 = arith.constant 9.99999993E-9 : f32
    %add3A_578 = vector.broadcast %add3A_577 : f32 to vector<16xf32>
    %add3A_579 = arith.addf %gather3A_570, %add3A_578 : vector<16xf32>
    %add3A_580 = arith.constant 9.99999993E-9 : f32
    %add3A_581 = vector.broadcast %add3A_580 : f32 to vector<16xf32>
    %add3A_582 = arith.addf %gather3A_573, %add3A_581 : vector<16xf32>
    %mul3A_583 = arith.mulf %add3A_576, %add3A_576 : vector<16xf32>
    %mul3A_584 = arith.mulf %add3A_579, %add3A_579 : vector<16xf32>
    %add3A_585 = arith.addf %mul3A_583, %mul3A_584 : vector<16xf32>
    %mul3A_586 = arith.mulf %add3A_582, %add3A_582 : vector<16xf32>
    %add3A_587 = arith.addf %add3A_585, %mul3A_586 : vector<16xf32>
    %broadcast_in_dim3A_588 = arith.constant -1.26392073E-16 : f32
    %broadcast_in_dim3A_589 = vector.broadcast %broadcast_in_dim3A_588 : f32 to vector<16xf32>
    %mul3A_590 = arith.mulf %broadcast_in_dim3A_589, %add3A_587 : vector<16xf32>
    %add3A_591 = arith.constant 4.68123939E-14 : f32
    %add3A_592 = vector.broadcast %add3A_591 : f32 to vector<16xf32>
    %add3A_593 = arith.addf %mul3A_590, %add3A_592 : vector<16xf32>
    %mul3A_594 = arith.mulf %add3A_593, %add3A_587 : vector<16xf32>
    %add3A_595 = arith.constant -1.14524328E-11 : f32
    %add3A_596 = vector.broadcast %add3A_595 : f32 to vector<16xf32>
    %add3A_597 = arith.addf %mul3A_594, %add3A_596 : vector<16xf32>
    %mul3A_598 = arith.mulf %add3A_597, %add3A_587 : vector<16xf32>
    %add3A_599 = arith.constant 2.08746664E-9 : f32
    %add3A_600 = vector.broadcast %add3A_599 : f32 to vector<16xf32>
    %add3A_601 = arith.addf %mul3A_598, %add3A_600 : vector<16xf32>
    %mul3A_602 = arith.mulf %add3A_601, %add3A_587 : vector<16xf32>
    %add3A_603 = arith.constant -2.75571693E-7 : f32
    %add3A_604 = vector.broadcast %add3A_603 : f32 to vector<16xf32>
    %add3A_605 = arith.addf %mul3A_602, %add3A_604 : vector<16xf32>
    %mul3A_606 = arith.mulf %add3A_605, %add3A_587 : vector<16xf32>
    %add3A_607 = arith.constant 2.48015804E-5 : f32
    %add3A_608 = vector.broadcast %add3A_607 : f32 to vector<16xf32>
    %add3A_609 = arith.addf %mul3A_606, %add3A_608 : vector<16xf32>
    %mul3A_610 = arith.mulf %add3A_609, %add3A_587 : vector<16xf32>
    %add3A_611 = arith.constant -0.00138888892 : f32
    %add3A_612 = vector.broadcast %add3A_611 : f32 to vector<16xf32>
    %add3A_613 = arith.addf %mul3A_610, %add3A_612 : vector<16xf32>
    %mul3A_614 = arith.mulf %add3A_613, %add3A_587 : vector<16xf32>
    %add3A_615 = arith.constant 0.0416666679 : f32
    %add3A_616 = vector.broadcast %add3A_615 : f32 to vector<16xf32>
    %add3A_617 = arith.addf %mul3A_614, %add3A_616 : vector<16xf32>
    %mul3A_618 = arith.mulf %add3A_617, %add3A_587 : vector<16xf32>
    %add3A_619 = arith.constant -5.000000e-01 : f32
    %add3A_620 = vector.broadcast %add3A_619 : f32 to vector<16xf32>
    %add3A_621 = arith.addf %mul3A_618, %add3A_620 : vector<16xf32>
    %mul3A_622 = arith.mulf %add3A_621, %add3A_587 : vector<16xf32>
    %add3A_623 = arith.constant 1.000000e+00 : f32
    %add3A_624 = vector.broadcast %add3A_623 : f32 to vector<16xf32>
    %add3A_625 = arith.addf %mul3A_622, %add3A_624 : vector<16xf32>
    %broadcast_in_dim3A_626 = arith.constant -6.78928175E-18 : f32
    %broadcast_in_dim3A_627 = vector.broadcast %broadcast_in_dim3A_626 : f32 to vector<16xf32>
    %mul3A_628 = arith.mulf %broadcast_in_dim3A_627, %add3A_587 : vector<16xf32>
    %add3A_629 = arith.constant 2.7641205E-15 : f32
    %add3A_630 = vector.broadcast %add3A_629 : f32 to vector<16xf32>
    %add3A_631 = arith.addf %mul3A_628, %add3A_630 : vector<16xf32>
    %mul3A_632 = arith.mulf %add3A_631, %add3A_587 : vector<16xf32>
    %add3A_633 = arith.constant -7.63832465E-13 : f32
    %add3A_634 = vector.broadcast %add3A_633 : f32 to vector<16xf32>
    %add3A_635 = arith.addf %mul3A_632, %add3A_634 : vector<16xf32>
    %mul3A_636 = arith.mulf %add3A_635, %add3A_587 : vector<16xf32>
    %add3A_637 = arith.constant 1.60580341E-10 : f32
    %add3A_638 = vector.broadcast %add3A_637 : f32 to vector<16xf32>
    %add3A_639 = arith.addf %mul3A_636, %add3A_638 : vector<16xf32>
    %mul3A_640 = arith.mulf %add3A_639, %add3A_587 : vector<16xf32>
    %add3A_641 = arith.constant -2.50520369E-8 : f32
    %add3A_642 = vector.broadcast %add3A_641 : f32 to vector<16xf32>
    %add3A_643 = arith.addf %mul3A_640, %add3A_642 : vector<16xf32>
    %mul3A_644 = arith.mulf %add3A_643, %add3A_587 : vector<16xf32>
    %add3A_645 = arith.constant 2.75573166E-6 : f32
    %add3A_646 = vector.broadcast %add3A_645 : f32 to vector<16xf32>
    %add3A_647 = arith.addf %mul3A_644, %add3A_646 : vector<16xf32>
    %mul3A_648 = arith.mulf %add3A_647, %add3A_587 : vector<16xf32>
    %add3A_649 = arith.constant -1.98412701E-4 : f32
    %add3A_650 = vector.broadcast %add3A_649 : f32 to vector<16xf32>
    %add3A_651 = arith.addf %mul3A_648, %add3A_650 : vector<16xf32>
    %mul3A_652 = arith.mulf %add3A_651, %add3A_587 : vector<16xf32>
    %add3A_653 = arith.constant 0.00833333377 : f32
    %add3A_654 = vector.broadcast %add3A_653 : f32 to vector<16xf32>
    %add3A_655 = arith.addf %mul3A_652, %add3A_654 : vector<16xf32>
    %mul3A_656 = arith.mulf %add3A_655, %add3A_587 : vector<16xf32>
    %add3A_657 = arith.constant -0.166666672 : f32
    %add3A_658 = vector.broadcast %add3A_657 : f32 to vector<16xf32>
    %add3A_659 = arith.addf %mul3A_656, %add3A_658 : vector<16xf32>
    %mul3A_660 = arith.mulf %add3A_659, %add3A_587 : vector<16xf32>
    %add3A_661 = arith.constant 1.000000e+00 : f32
    %add3A_662 = vector.broadcast %add3A_661 : f32 to vector<16xf32>
    %add3A_663 = arith.addf %mul3A_660, %add3A_662 : vector<16xf32>
    %broadcast_in_dim3A_664 = arith.constant -3.45510317E-19 : f32
    %broadcast_in_dim3A_665 = vector.broadcast %broadcast_in_dim3A_664 : f32 to vector<16xf32>
    %mul3A_666 = arith.mulf %broadcast_in_dim3A_665, %add3A_587 : vector<16xf32>
    %add3A_667 = arith.constant 1.54019693E-16 : f32
    %add3A_668 = vector.broadcast %add3A_667 : f32 to vector<16xf32>
    %add3A_669 = arith.addf %mul3A_666, %add3A_668 : vector<16xf32>
    %mul3A_670 = arith.mulf %add3A_669, %add3A_587 : vector<16xf32>
    %add3A_671 = arith.constant -4.77541387E-14 : f32
    %add3A_672 = vector.broadcast %add3A_671 : f32 to vector<16xf32>
    %add3A_673 = arith.addf %mul3A_670, %add3A_672 : vector<16xf32>
    %mul3A_674 = arith.mulf %add3A_673, %add3A_587 : vector<16xf32>
    %add3A_675 = arith.constant 1.14702805E-11 : f32
    %add3A_676 = vector.broadcast %add3A_675 : f32 to vector<16xf32>
    %add3A_677 = arith.addf %mul3A_674, %add3A_676 : vector<16xf32>
    %mul3A_678 = arith.mulf %add3A_677, %add3A_587 : vector<16xf32>
    %add3A_679 = arith.constant -2.08767226E-9 : f32
    %add3A_680 = vector.broadcast %add3A_679 : f32 to vector<16xf32>
    %add3A_681 = arith.addf %mul3A_678, %add3A_680 : vector<16xf32>
    %mul3A_682 = arith.mulf %add3A_681, %add3A_587 : vector<16xf32>
    %add3A_683 = arith.constant 2.75573171E-7 : f32
    %add3A_684 = vector.broadcast %add3A_683 : f32 to vector<16xf32>
    %add3A_685 = arith.addf %mul3A_682, %add3A_684 : vector<16xf32>
    %mul3A_686 = arith.mulf %add3A_685, %add3A_587 : vector<16xf32>
    %add3A_687 = arith.constant -2.48015876E-5 : f32
    %add3A_688 = vector.broadcast %add3A_687 : f32 to vector<16xf32>
    %add3A_689 = arith.addf %mul3A_686, %add3A_688 : vector<16xf32>
    %mul3A_690 = arith.mulf %add3A_689, %add3A_587 : vector<16xf32>
    %add3A_691 = arith.constant 0.00138888892 : f32
    %add3A_692 = vector.broadcast %add3A_691 : f32 to vector<16xf32>
    %add3A_693 = arith.addf %mul3A_690, %add3A_692 : vector<16xf32>
    %mul3A_694 = arith.mulf %add3A_693, %add3A_587 : vector<16xf32>
    %add3A_695 = arith.constant -0.0416666679 : f32
    %add3A_696 = vector.broadcast %add3A_695 : f32 to vector<16xf32>
    %add3A_697 = arith.addf %mul3A_694, %add3A_696 : vector<16xf32>
    %mul3A_698 = arith.mulf %add3A_697, %add3A_587 : vector<16xf32>
    %add3A_699 = arith.constant 5.000000e-01 : f32
    %add3A_700 = vector.broadcast %add3A_699 : f32 to vector<16xf32>
    %add3A_701 = arith.addf %mul3A_698, %add3A_700 : vector<16xf32>
    %mul3A_702 = arith.mulf %add3A_701, %gather3A_567 : vector<16xf32>
    %mul3A_703 = arith.mulf %mul3A_702, %gather3A_570 : vector<16xf32>
    %mul3A_704 = arith.mulf %add3A_701, %gather3A_567 : vector<16xf32>
    %mul3A_705 = arith.mulf %mul3A_704, %gather3A_573 : vector<16xf32>
    %mul3A_706 = arith.mulf %add3A_701, %gather3A_570 : vector<16xf32>
    %mul3A_707 = arith.mulf %mul3A_706, %gather3A_573 : vector<16xf32>
    %mul3A_708 = arith.mulf %add3A_663, %gather3A_567 : vector<16xf32>
    %mul3A_709 = arith.mulf %add3A_663, %gather3A_570 : vector<16xf32>
    %mul3A_710 = arith.mulf %add3A_663, %gather3A_573 : vector<16xf32>
    %mul3A_711 = arith.mulf %add3A_701, %gather3A_567 : vector<16xf32>
    %mul3A_712 = arith.mulf %mul3A_711, %gather3A_567 : vector<16xf32>
    %add3A_713 = arith.addf %add3A_625, %mul3A_712 : vector<16xf32>
    %sub3A_714 = arith.subf %mul3A_703, %mul3A_710 : vector<16xf32>
    %add3A_715 = arith.addf %mul3A_705, %mul3A_709 : vector<16xf32>
    %add3A_716 = arith.addf %mul3A_703, %mul3A_710 : vector<16xf32>
    %mul3A_717 = arith.mulf %add3A_701, %gather3A_570 : vector<16xf32>
    %mul3A_718 = arith.mulf %mul3A_717, %gather3A_570 : vector<16xf32>
    %add3A_719 = arith.addf %add3A_625, %mul3A_718 : vector<16xf32>
    %sub3A_720 = arith.subf %mul3A_707, %mul3A_708 : vector<16xf32>
    %sub3A_721 = arith.subf %mul3A_705, %mul3A_709 : vector<16xf32>
    %add3A_722 = arith.addf %mul3A_707, %mul3A_708 : vector<16xf32>
    %mul3A_723 = arith.mulf %add3A_701, %gather3A_573 : vector<16xf32>
    %mul3A_724 = arith.mulf %mul3A_723, %gather3A_573 : vector<16xf32>
    %add3A_725 = arith.addf %add3A_625, %mul3A_724 : vector<16xf32>
    %broadcast_in_dim3A_726 = arith.constant 9 : i32
    %broadcast_in_dim3A_727 = vector.broadcast %broadcast_in_dim3A_726 : i32 to vector<16xi32>
    tpu.vector_store_idx %arg16[%add3A_564, %broadcast_in_dim3A_727], %add3A_713 : memref<32x72xf32, #tpu.memory_space<vmem>>[vector<16xi32>, vector<16xi32>], vector<16xf32>,
    %broadcast_in_dim3A_728 = arith.constant 10 : i32
    %broadcast_in_dim3A_729 = vector.broadcast %broadcast_in_dim3A_728 : i32 to vector<16xi32>
    tpu.vector_store_idx %arg16[%add3A_564, %broadcast_in_dim3A_729], %sub3A_714 : memref<32x72xf32, #tpu.memory_space<vmem>>[vector<16xi32>, vector<16xi32>], vector<16xf32>,
    %broadcast_in_dim3A_730 = arith.constant 11 : i32
    %broadcast_in_dim3A_731 = vector.broadcast %broadcast_in_dim3A_730 : i32 to vector<16xi32>
    tpu.vector_store_idx %arg16[%add3A_564, %broadcast_in_dim3A_731], %add3A_715 : memref<32x72xf32, #tpu.memory_space<vmem>>[vector<16xi32>, vector<16xi32>], vector<16xf32>,
    %broadcast_in_dim3A_732 = arith.constant 12 : i32
    %broadcast_in_dim3A_733 = vector.broadcast %broadcast_in_dim3A_732 : i32 to vector<16xi32>
    tpu.vector_store_idx %arg16[%add3A_564, %broadcast_in_dim3A_733], %add3A_716 : memref<32x72xf32, #tpu.memory_space<vmem>>[vector<16xi32>, vector<16xi32>], vector<16xf32>,
    %broadcast_in_dim3A_734 = arith.constant 13 : i32
    %broadcast_in_dim3A_735 = vector.broadcast %broadcast_in_dim3A_734 : i32 to vector<16xi32>
    tpu.vector_store_idx %arg16[%add3A_564, %broadcast_in_dim3A_735], %add3A_719 : memref<32x72xf32, #tpu.memory_space<vmem>>[vector<16xi32>, vector<16xi32>], vector<16xf32>,
    %broadcast_in_dim3A_736 = arith.constant 14 : i32
    %broadcast_in_dim3A_737 = vector.broadcast %broadcast_in_dim3A_736 : i32 to vector<16xi32>
    tpu.vector_store_idx %arg16[%add3A_564, %broadcast_in_dim3A_737], %sub3A_720 : memref<32x72xf32, #tpu.memory_space<vmem>>[vector<16xi32>, vector<16xi32>], vector<16xf32>,
    %broadcast_in_dim3A_738 = arith.constant 15 : i32
    %broadcast_in_dim3A_739 = vector.broadcast %broadcast_in_dim3A_738 : i32 to vector<16xi32>
    tpu.vector_store_idx %arg16[%add3A_564, %broadcast_in_dim3A_739], %sub3A_721 : memref<32x72xf32, #tpu.memory_space<vmem>>[vector<16xi32>, vector<16xi32>], vector<16xf32>,
    %broadcast_in_dim3A_740 = arith.constant 16 : i32
    %broadcast_in_dim3A_741 = vector.broadcast %broadcast_in_dim3A_740 : i32 to vector<16xi32>
    tpu.vector_store_idx %arg16[%add3A_564, %broadcast_in_dim3A_741], %add3A_722 : memref<32x72xf32, #tpu.memory_space<vmem>>[vector<16xi32>, vector<16xi32>], vector<16xf32>,
    %broadcast_in_dim3A_742 = arith.constant 17 : i32
    %broadcast_in_dim3A_743 = vector.broadcast %broadcast_in_dim3A_742 : i32 to vector<16xi32>
    tpu.vector_store_idx %arg16[%add3A_564, %broadcast_in_dim3A_743], %add3A_725 : memref<32x72xf32, #tpu.memory_space<vmem>>[vector<16xi32>, vector<16xi32>], vector<16xf32>,
    %iota3A_744 = tpu.iota {dimensions = array<i32: 0>} : vector<16xi32>
    %add3A_745 = arith.constant 0 : i32
    %add3A_746 = vector.broadcast %add3A_745 : i32 to vector<16xi32>
    %add3A_747 = arith.addi %iota3A_744, %add3A_746 : vector<16xi32>
    %broadcast_in_dim3A_748 = arith.constant 6 : i32
    %broadcast_in_dim3A_749 = vector.broadcast %broadcast_in_dim3A_748 : i32 to vector<16xi32>
    %gather3A_750 = tpu.vector_load_idx %arg12[%add3A_747, %broadcast_in_dim3A_749] : memref<32x24xf32, #tpu.memory_space<vmem>>[vector<16xi32>, vector<16xi32>], vector<16xf32>,
    %broadcast_in_dim3A_751 = arith.constant 7 : i32
    %broadcast_in_dim3A_752 = vector.broadcast %broadcast_in_dim3A_751 : i32 to vector<16xi32>
    %gather3A_753 = tpu.vector_load_idx %arg12[%add3A_747, %broadcast_in_dim3A_752] : memref<32x24xf32, #tpu.memory_space<vmem>>[vector<16xi32>, vector<16xi32>], vector<16xf32>,
    %broadcast_in_dim3A_754 = arith.constant 8 : i32
    %broadcast_in_dim3A_755 = vector.broadcast %broadcast_in_dim3A_754 : i32 to vector<16xi32>
    %gather3A_756 = tpu.vector_load_idx %arg12[%add3A_747, %broadcast_in_dim3A_755] : memref<32x24xf32, #tpu.memory_space<vmem>>[vector<16xi32>, vector<16xi32>], vector<16xf32>,
    %add3A_757 = arith.constant 9.99999993E-9 : f32
    %add3A_758 = vector.broadcast %add3A_757 : f32 to vector<16xf32>
    %add3A_759 = arith.addf %gather3A_750, %add3A_758 : vector<16xf32>
    %add3A_760 = arith.constant 9.99999993E-9 : f32
    %add3A_761 = vector.broadcast %add3A_760 : f32 to vector<16xf32>
    %add3A_762 = arith.addf %gather3A_753, %add3A_761 : vector<16xf32>
    %add3A_763 = arith.constant 9.99999993E-9 : f32
    %add3A_764 = vector.broadcast %add3A_763 : f32 to vector<16xf32>
    %add3A_765 = arith.addf %gather3A_756, %add3A_764 : vector<16xf32>
    %mul3A_766 = arith.mulf %add3A_759, %add3A_759 : vector<16xf32>
    %mul3A_767 = arith.mulf %add3A_762, %add3A_762 : vector<16xf32>
    %add3A_768 = arith.addf %mul3A_766, %mul3A_767 : vector<16xf32>
    %mul3A_769 = arith.mulf %add3A_765, %add3A_765 : vector<16xf32>
    %add3A_770 = arith.addf %add3A_768, %mul3A_769 : vector<16xf32>
    %broadcast_in_dim3A_771 = arith.constant -1.26392073E-16 : f32
    %broadcast_in_dim3A_772 = vector.broadcast %broadcast_in_dim3A_771 : f32 to vector<16xf32>
    %mul3A_773 = arith.mulf %broadcast_in_dim3A_772, %add3A_770 : vector<16xf32>
    %add3A_774 = arith.constant 4.68123939E-14 : f32
    %add3A_775 = vector.broadcast %add3A_774 : f32 to vector<16xf32>
    %add3A_776 = arith.addf %mul3A_773, %add3A_775 : vector<16xf32>
    %mul3A_777 = arith.mulf %add3A_776, %add3A_770 : vector<16xf32>
    %add3A_778 = arith.constant -1.14524328E-11 : f32
    %add3A_779 = vector.broadcast %add3A_778 : f32 to vector<16xf32>
    %add3A_780 = arith.addf %mul3A_777, %add3A_779 : vector<16xf32>
    %mul3A_781 = arith.mulf %add3A_780, %add3A_770 : vector<16xf32>
    %add3A_782 = arith.constant 2.08746664E-9 : f32
    %add3A_783 = vector.broadcast %add3A_782 : f32 to vector<16xf32>
    %add3A_784 = arith.addf %mul3A_781, %add3A_783 : vector<16xf32>
    %mul3A_785 = arith.mulf %add3A_784, %add3A_770 : vector<16xf32>
    %add3A_786 = arith.constant -2.75571693E-7 : f32
    %add3A_787 = vector.broadcast %add3A_786 : f32 to vector<16xf32>
    %add3A_788 = arith.addf %mul3A_785, %add3A_787 : vector<16xf32>
    %mul3A_789 = arith.mulf %add3A_788, %add3A_770 : vector<16xf32>
    %add3A_790 = arith.constant 2.48015804E-5 : f32
    %add3A_791 = vector.broadcast %add3A_790 : f32 to vector<16xf32>
    %add3A_792 = arith.addf %mul3A_789, %add3A_791 : vector<16xf32>
    %mul3A_793 = arith.mulf %add3A_792, %add3A_770 : vector<16xf32>
    %add3A_794 = arith.constant -0.00138888892 : f32
    %add3A_795 = vector.broadcast %add3A_794 : f32 to vector<16xf32>
    %add3A_796 = arith.addf %mul3A_793, %add3A_795 : vector<16xf32>
    %mul3A_797 = arith.mulf %add3A_796, %add3A_770 : vector<16xf32>
    %add3A_798 = arith.constant 0.0416666679 : f32
    %add3A_799 = vector.broadcast %add3A_798 : f32 to vector<16xf32>
    %add3A_800 = arith.addf %mul3A_797, %add3A_799 : vector<16xf32>
    %mul3A_801 = arith.mulf %add3A_800, %add3A_770 : vector<16xf32>
    %add3A_802 = arith.constant -5.000000e-01 : f32
    %add3A_803 = vector.broadcast %add3A_802 : f32 to vector<16xf32>
    %add3A_804 = arith.addf %mul3A_801, %add3A_803 : vector<16xf32>
    %mul3A_805 = arith.mulf %add3A_804, %add3A_770 : vector<16xf32>
    %add3A_806 = arith.constant 1.000000e+00 : f32
    %add3A_807 = vector.broadcast %add3A_806 : f32 to vector<16xf32>
    %add3A_808 = arith.addf %mul3A_805, %add3A_807 : vector<16xf32>
    %broadcast_in_dim3A_809 = arith.constant -6.78928175E-18 : f32
    %broadcast_in_dim3A_810 = vector.broadcast %broadcast_in_dim3A_809 : f32 to vector<16xf32>
    %mul3A_811 = arith.mulf %broadcast_in_dim3A_810, %add3A_770 : vector<16xf32>
    %add3A_812 = arith.constant 2.7641205E-15 : f32
    %add3A_813 = vector.broadcast %add3A_812 : f32 to vector<16xf32>
    %add3A_814 = arith.addf %mul3A_811, %add3A_813 : vector<16xf32>
    %mul3A_815 = arith.mulf %add3A_814, %add3A_770 : vector<16xf32>
    %add3A_816 = arith.constant -7.63832465E-13 : f32
    %add3A_817 = vector.broadcast %add3A_816 : f32 to vector<16xf32>
    %add3A_818 = arith.addf %mul3A_815, %add3A_817 : vector<16xf32>
    %mul3A_819 = arith.mulf %add3A_818, %add3A_770 : vector<16xf32>
    %add3A_820 = arith.constant 1.60580341E-10 : f32
    %add3A_821 = vector.broadcast %add3A_820 : f32 to vector<16xf32>
    %add3A_822 = arith.addf %mul3A_819, %add3A_821 : vector<16xf32>
    %mul3A_823 = arith.mulf %add3A_822, %add3A_770 : vector<16xf32>
    %add3A_824 = arith.constant -2.50520369E-8 : f32
    %add3A_825 = vector.broadcast %add3A_824 : f32 to vector<16xf32>
    %add3A_826 = arith.addf %mul3A_823, %add3A_825 : vector<16xf32>
    %mul3A_827 = arith.mulf %add3A_826, %add3A_770 : vector<16xf32>
    %add3A_828 = arith.constant 2.75573166E-6 : f32
    %add3A_829 = vector.broadcast %add3A_828 : f32 to vector<16xf32>
    %add3A_830 = arith.addf %mul3A_827, %add3A_829 : vector<16xf32>
    %mul3A_831 = arith.mulf %add3A_830, %add3A_770 : vector<16xf32>
    %add3A_832 = arith.constant -1.98412701E-4 : f32
    %add3A_833 = vector.broadcast %add3A_832 : f32 to vector<16xf32>
    %add3A_834 = arith.addf %mul3A_831, %add3A_833 : vector<16xf32>
    %mul3A_835 = arith.mulf %add3A_834, %add3A_770 : vector<16xf32>
    %add3A_836 = arith.constant 0.00833333377 : f32
    %add3A_837 = vector.broadcast %add3A_836 : f32 to vector<16xf32>
    %add3A_838 = arith.addf %mul3A_835, %add3A_837 : vector<16xf32>
    %mul3A_839 = arith.mulf %add3A_838, %add3A_770 : vector<16xf32>
    %add3A_840 = arith.constant -0.166666672 : f32
    %add3A_841 = vector.broadcast %add3A_840 : f32 to vector<16xf32>
    %add3A_842 = arith.addf %mul3A_839, %add3A_841 : vector<16xf32>
    %mul3A_843 = arith.mulf %add3A_842, %add3A_770 : vector<16xf32>
    %add3A_844 = arith.constant 1.000000e+00 : f32
    %add3A_845 = vector.broadcast %add3A_844 : f32 to vector<16xf32>
    %add3A_846 = arith.addf %mul3A_843, %add3A_845 : vector<16xf32>
    %broadcast_in_dim3A_847 = arith.constant -3.45510317E-19 : f32
    %broadcast_in_dim3A_848 = vector.broadcast %broadcast_in_dim3A_847 : f32 to vector<16xf32>
    %mul3A_849 = arith.mulf %broadcast_in_dim3A_848, %add3A_770 : vector<16xf32>
    %add3A_850 = arith.constant 1.54019693E-16 : f32
    %add3A_851 = vector.broadcast %add3A_850 : f32 to vector<16xf32>
    %add3A_852 = arith.addf %mul3A_849, %add3A_851 : vector<16xf32>
    %mul3A_853 = arith.mulf %add3A_852, %add3A_770 : vector<16xf32>
    %add3A_854 = arith.constant -4.77541387E-14 : f32
    %add3A_855 = vector.broadcast %add3A_854 : f32 to vector<16xf32>
    %add3A_856 = arith.addf %mul3A_853, %add3A_855 : vector<16xf32>
    %mul3A_857 = arith.mulf %add3A_856, %add3A_770 : vector<16xf32>
    %add3A_858 = arith.constant 1.14702805E-11 : f32
    %add3A_859 = vector.broadcast %add3A_858 : f32 to vector<16xf32>
    %add3A_860 = arith.addf %mul3A_857, %add3A_859 : vector<16xf32>
    %mul3A_861 = arith.mulf %add3A_860, %add3A_770 : vector<16xf32>
    %add3A_862 = arith.constant -2.08767226E-9 : f32
    %add3A_863 = vector.broadcast %add3A_862 : f32 to vector<16xf32>
    %add3A_864 = arith.addf %mul3A_861, %add3A_863 : vector<16xf32>
    %mul3A_865 = arith.mulf %add3A_864, %add3A_770 : vector<16xf32>
    %add3A_866 = arith.constant 2.75573171E-7 : f32
    %add3A_867 = vector.broadcast %add3A_866 : f32 to vector<16xf32>
    %add3A_868 = arith.addf %mul3A_865, %add3A_867 : vector<16xf32>
    %mul3A_869 = arith.mulf %add3A_868, %add3A_770 : vector<16xf32>
    %add3A_870 = arith.constant -2.48015876E-5 : f32
    %add3A_871 = vector.broadcast %add3A_870 : f32 to vector<16xf32>
    %add3A_872 = arith.addf %mul3A_869, %add3A_871 : vector<16xf32>
    %mul3A_873 = arith.mulf %add3A_872, %add3A_770 : vector<16xf32>
    %add3A_874 = arith.constant 0.00138888892 : f32
    %add3A_875 = vector.broadcast %add3A_874 : f32 to vector<16xf32>
    %add3A_876 = arith.addf %mul3A_873, %add3A_875 : vector<16xf32>
    %mul3A_877 = arith.mulf %add3A_876, %add3A_770 : vector<16xf32>
    %add3A_878 = arith.constant -0.0416666679 : f32
    %add3A_879 = vector.broadcast %add3A_878 : f32 to vector<16xf32>
    %add3A_880 = arith.addf %mul3A_877, %add3A_879 : vector<16xf32>
    %mul3A_881 = arith.mulf %add3A_880, %add3A_770 : vector<16xf32>
    %add3A_882 = arith.constant 5.000000e-01 : f32
    %add3A_883 = vector.broadcast %add3A_882 : f32 to vector<16xf32>
    %add3A_884 = arith.addf %mul3A_881, %add3A_883 : vector<16xf32>
    %mul3A_885 = arith.mulf %add3A_884, %gather3A_750 : vector<16xf32>
    %mul3A_886 = arith.mulf %mul3A_885, %gather3A_753 : vector<16xf32>
    %mul3A_887 = arith.mulf %add3A_884, %gather3A_750 : vector<16xf32>
    %mul3A_888 = arith.mulf %mul3A_887, %gather3A_756 : vector<16xf32>
    %mul3A_889 = arith.mulf %add3A_884, %gather3A_753 : vector<16xf32>
    %mul3A_890 = arith.mulf %mul3A_889, %gather3A_756 : vector<16xf32>
    %mul3A_891 = arith.mulf %add3A_846, %gather3A_750 : vector<16xf32>
    %mul3A_892 = arith.mulf %add3A_846, %gather3A_753 : vector<16xf32>
    %mul3A_893 = arith.mulf %add3A_846, %gather3A_756 : vector<16xf32>
    %mul3A_894 = arith.mulf %add3A_884, %gather3A_750 : vector<16xf32>
    %mul3A_895 = arith.mulf %mul3A_894, %gather3A_750 : vector<16xf32>
    %add3A_896 = arith.addf %add3A_808, %mul3A_895 : vector<16xf32>
    %sub3A_897 = arith.subf %mul3A_886, %mul3A_893 : vector<16xf32>
    %add3A_898 = arith.addf %mul3A_888, %mul3A_892 : vector<16xf32>
    %add3A_899 = arith.addf %mul3A_886, %mul3A_893 : vector<16xf32>
    %mul3A_900 = arith.mulf %add3A_884, %gather3A_753 : vector<16xf32>
    %mul3A_901 = arith.mulf %mul3A_900, %gather3A_753 : vector<16xf32>
    %add3A_902 = arith.addf %add3A_808, %mul3A_901 : vector<16xf32>
    %sub3A_903 = arith.subf %mul3A_890, %mul3A_891 : vector<16xf32>
    %sub3A_904 = arith.subf %mul3A_888, %mul3A_892 : vector<16xf32>
    %add3A_905 = arith.addf %mul3A_890, %mul3A_891 : vector<16xf32>
    %mul3A_906 = arith.mulf %add3A_884, %gather3A_756 : vector<16xf32>
    %mul3A_907 = arith.mulf %mul3A_906, %gather3A_756 : vector<16xf32>
    %add3A_908 = arith.addf %add3A_808, %mul3A_907 : vector<16xf32>
    %broadcast_in_dim3A_909 = arith.constant 18 : i32
    %broadcast_in_dim3A_910 = vector.broadcast %broadcast_in_dim3A_909 : i32 to vector<16xi32>
    tpu.vector_store_idx %arg16[%add3A_747, %broadcast_in_dim3A_910], %add3A_896 : memref<32x72xf32, #tpu.memory_space<vmem>>[vector<16xi32>, vector<16xi32>], vector<16xf32>,
    %broadcast_in_dim3A_911 = arith.constant 19 : i32
    %broadcast_in_dim3A_912 = vector.broadcast %broadcast_in_dim3A_911 : i32 to vector<16xi32>
    tpu.vector_store_idx %arg16[%add3A_747, %broadcast_in_dim3A_912], %sub3A_897 : memref<32x72xf32, #tpu.memory_space<vmem>>[vector<16xi32>, vector<16xi32>], vector<16xf32>,
    %broadcast_in_dim3A_913 = arith.constant 20 : i32
    %broadcast_in_dim3A_914 = vector.broadcast %broadcast_in_dim3A_913 : i32 to vector<16xi32>
    tpu.vector_store_idx %arg16[%add3A_747, %broadcast_in_dim3A_914], %add3A_898 : memref<32x72xf32, #tpu.memory_space<vmem>>[vector<16xi32>, vector<16xi32>], vector<16xf32>,
    %broadcast_in_dim3A_915 = arith.constant 21 : i32
    %broadcast_in_dim3A_916 = vector.broadcast %broadcast_in_dim3A_915 : i32 to vector<16xi32>
    tpu.vector_store_idx %arg16[%add3A_747, %broadcast_in_dim3A_916], %add3A_899 : memref<32x72xf32, #tpu.memory_space<vmem>>[vector<16xi32>, vector<16xi32>], vector<16xf32>,
    %broadcast_in_dim3A_917 = arith.constant 22 : i32
    %broadcast_in_dim3A_918 = vector.broadcast %broadcast_in_dim3A_917 : i32 to vector<16xi32>
    tpu.vector_store_idx %arg16[%add3A_747, %broadcast_in_dim3A_918], %add3A_902 : memref<32x72xf32, #tpu.memory_space<vmem>>[vector<16xi32>, vector<16xi32>], vector<16xf32>,
    %broadcast_in_dim3A_919 = arith.constant 23 : i32
    %broadcast_in_dim3A_920 = vector.broadcast %broadcast_in_dim3A_919 : i32 to vector<16xi32>
    tpu.vector_store_idx %arg16[%add3A_747, %broadcast_in_dim3A_920], %sub3A_903 : memref<32x72xf32, #tpu.memory_space<vmem>>[vector<16xi32>, vector<16xi32>], vector<16xf32>,
    %broadcast_in_dim3A_921 = arith.constant 24 : i32
    %broadcast_in_dim3A_922 = vector.broadcast %broadcast_in_dim3A_921 : i32 to vector<16xi32>
    tpu.vector_store_idx %arg16[%add3A_747, %broadcast_in_dim3A_922], %sub3A_904 : memref<32x72xf32, #tpu.memory_space<vmem>>[vector<16xi32>, vector<16xi32>], vector<16xf32>,
    %broadcast_in_dim3A_923 = arith.constant 25 : i32
    %broadcast_in_dim3A_924 = vector.broadcast %broadcast_in_dim3A_923 : i32 to vector<16xi32>
    tpu.vector_store_idx %arg16[%add3A_747, %broadcast_in_dim3A_924], %add3A_905 : memref<32x72xf32, #tpu.memory_space<vmem>>[vector<16xi32>, vector<16xi32>], vector<16xf32>,
    %broadcast_in_dim3A_925 = arith.constant 26 : i32
    %broadcast_in_dim3A_926 = vector.broadcast %broadcast_in_dim3A_925 : i32 to vector<16xi32>
    tpu.vector_store_idx %arg16[%add3A_747, %broadcast_in_dim3A_926], %add3A_908 : memref<32x72xf32, #tpu.memory_space<vmem>>[vector<16xi32>, vector<16xi32>], vector<16xf32>,
    %iota3A_927 = tpu.iota {dimensions = array<i32: 0>} : vector<16xi32>
    %add3A_928 = arith.constant 16 : i32
    %add3A_929 = vector.broadcast %add3A_928 : i32 to vector<16xi32>
    %add3A_930 = arith.addi %iota3A_927, %add3A_929 : vector<16xi32>
    %broadcast_in_dim3A_931 = arith.constant 6 : i32
    %broadcast_in_dim3A_932 = vector.broadcast %broadcast_in_dim3A_931 : i32 to vector<16xi32>
    %gather3A_933 = tpu.vector_load_idx %arg12[%add3A_930, %broadcast_in_dim3A_932] : memref<32x24xf32, #tpu.memory_space<vmem>>[vector<16xi32>, vector<16xi32>], vector<16xf32>,
    %broadcast_in_dim3A_934 = arith.constant 7 : i32
    %broadcast_in_dim3A_935 = vector.broadcast %broadcast_in_dim3A_934 : i32 to vector<16xi32>
    %gather3A_936 = tpu.vector_load_idx %arg12[%add3A_930, %broadcast_in_dim3A_935] : memref<32x24xf32, #tpu.memory_space<vmem>>[vector<16xi32>, vector<16xi32>], vector<16xf32>,
    %broadcast_in_dim3A_937 = arith.constant 8 : i32
    %broadcast_in_dim3A_938 = vector.broadcast %broadcast_in_dim3A_937 : i32 to vector<16xi32>
    %gather3A_939 = tpu.vector_load_idx %arg12[%add3A_930, %broadcast_in_dim3A_938] : memref<32x24xf32, #tpu.memory_space<vmem>>[vector<16xi32>, vector<16xi32>], vector<16xf32>,
    %add3A_940 = arith.constant 9.99999993E-9 : f32
    %add3A_941 = vector.broadcast %add3A_940 : f32 to vector<16xf32>
    %add3A_942 = arith.addf %gather3A_933, %add3A_941 : vector<16xf32>
    %add3A_943 = arith.constant 9.99999993E-9 : f32
    %add3A_944 = vector.broadcast %add3A_943 : f32 to vector<16xf32>
    %add3A_945 = arith.addf %gather3A_936, %add3A_944 : vector<16xf32>
    %add3A_946 = arith.constant 9.99999993E-9 : f32
    %add3A_947 = vector.broadcast %add3A_946 : f32 to vector<16xf32>
    %add3A_948 = arith.addf %gather3A_939, %add3A_947 : vector<16xf32>
    %mul3A_949 = arith.mulf %add3A_942, %add3A_942 : vector<16xf32>
    %mul3A_950 = arith.mulf %add3A_945, %add3A_945 : vector<16xf32>
    %add3A_951 = arith.addf %mul3A_949, %mul3A_950 : vector<16xf32>
    %mul3A_952 = arith.mulf %add3A_948, %add3A_948 : vector<16xf32>
    %add3A_953 = arith.addf %add3A_951, %mul3A_952 : vector<16xf32>
    %broadcast_in_dim3A_954 = arith.constant -1.26392073E-16 : f32
    %broadcast_in_dim3A_955 = vector.broadcast %broadcast_in_dim3A_954 : f32 to vector<16xf32>
    %mul3A_956 = arith.mulf %broadcast_in_dim3A_955, %add3A_953 : vector<16xf32>
    %add3A_957 = arith.constant 4.68123939E-14 : f32
    %add3A_958 = vector.broadcast %add3A_957 : f32 to vector<16xf32>
    %add3A_959 = arith.addf %mul3A_956, %add3A_958 : vector<16xf32>
    %mul3A_960 = arith.mulf %add3A_959, %add3A_953 : vector<16xf32>
    %add3A_961 = arith.constant -1.14524328E-11 : f32
    %add3A_962 = vector.broadcast %add3A_961 : f32 to vector<16xf32>
    %add3A_963 = arith.addf %mul3A_960, %add3A_962 : vector<16xf32>
    %mul3A_964 = arith.mulf %add3A_963, %add3A_953 : vector<16xf32>
    %add3A_965 = arith.constant 2.08746664E-9 : f32
    %add3A_966 = vector.broadcast %add3A_965 : f32 to vector<16xf32>
    %add3A_967 = arith.addf %mul3A_964, %add3A_966 : vector<16xf32>
    %mul3A_968 = arith.mulf %add3A_967, %add3A_953 : vector<16xf32>
    %add3A_969 = arith.constant -2.75571693E-7 : f32
    %add3A_970 = vector.broadcast %add3A_969 : f32 to vector<16xf32>
    %add3A_971 = arith.addf %mul3A_968, %add3A_970 : vector<16xf32>
    %mul3A_972 = arith.mulf %add3A_971, %add3A_953 : vector<16xf32>
    %add3A_973 = arith.constant 2.48015804E-5 : f32
    %add3A_974 = vector.broadcast %add3A_973 : f32 to vector<16xf32>
    %add3A_975 = arith.addf %mul3A_972, %add3A_974 : vector<16xf32>
    %mul3A_976 = arith.mulf %add3A_975, %add3A_953 : vector<16xf32>
    %add3A_977 = arith.constant -0.00138888892 : f32
    %add3A_978 = vector.broadcast %add3A_977 : f32 to vector<16xf32>
    %add3A_979 = arith.addf %mul3A_976, %add3A_978 : vector<16xf32>
    %mul3A_980 = arith.mulf %add3A_979, %add3A_953 : vector<16xf32>
    %add3A_981 = arith.constant 0.0416666679 : f32
    %add3A_982 = vector.broadcast %add3A_981 : f32 to vector<16xf32>
    %add3A_983 = arith.addf %mul3A_980, %add3A_982 : vector<16xf32>
    %mul3A_984 = arith.mulf %add3A_983, %add3A_953 : vector<16xf32>
    %add3A_985 = arith.constant -5.000000e-01 : f32
    %add3A_986 = vector.broadcast %add3A_985 : f32 to vector<16xf32>
    %add3A_987 = arith.addf %mul3A_984, %add3A_986 : vector<16xf32>
    %mul3A_988 = arith.mulf %add3A_987, %add3A_953 : vector<16xf32>
    %add3A_989 = arith.constant 1.000000e+00 : f32
    %add3A_990 = vector.broadcast %add3A_989 : f32 to vector<16xf32>
    %add3A_991 = arith.addf %mul3A_988, %add3A_990 : vector<16xf32>
    %broadcast_in_dim3A_992 = arith.constant -6.78928175E-18 : f32
    %broadcast_in_dim3A_993 = vector.broadcast %broadcast_in_dim3A_992 : f32 to vector<16xf32>
    %mul3A_994 = arith.mulf %broadcast_in_dim3A_993, %add3A_953 : vector<16xf32>
    %add3A_995 = arith.constant 2.7641205E-15 : f32
    %add3A_996 = vector.broadcast %add3A_995 : f32 to vector<16xf32>
    %add3A_997 = arith.addf %mul3A_994, %add3A_996 : vector<16xf32>
    %mul3A_998 = arith.mulf %add3A_997, %add3A_953 : vector<16xf32>
    %add3A_999 = arith.constant -7.63832465E-13 : f32
    %add3A_1000 = vector.broadcast %add3A_999 : f32 to vector<16xf32>
    %add3A_1001 = arith.addf %mul3A_998, %add3A_1000 : vector<16xf32>
    %mul3A_1002 = arith.mulf %add3A_1001, %add3A_953 : vector<16xf32>
    %add3A_1003 = arith.constant 1.60580341E-10 : f32
    %add3A_1004 = vector.broadcast %add3A_1003 : f32 to vector<16xf32>
    %add3A_1005 = arith.addf %mul3A_1002, %add3A_1004 : vector<16xf32>
    %mul3A_1006 = arith.mulf %add3A_1005, %add3A_953 : vector<16xf32>
    %add3A_1007 = arith.constant -2.50520369E-8 : f32
    %add3A_1008 = vector.broadcast %add3A_1007 : f32 to vector<16xf32>
    %add3A_1009 = arith.addf %mul3A_1006, %add3A_1008 : vector<16xf32>
    %mul3A_1010 = arith.mulf %add3A_1009, %add3A_953 : vector<16xf32>
    %add3A_1011 = arith.constant 2.75573166E-6 : f32
    %add3A_1012 = vector.broadcast %add3A_1011 : f32 to vector<16xf32>
    %add3A_1013 = arith.addf %mul3A_1010, %add3A_1012 : vector<16xf32>
    %mul3A_1014 = arith.mulf %add3A_1013, %add3A_953 : vector<16xf32>
    %add3A_1015 = arith.constant -1.98412701E-4 : f32
    %add3A_1016 = vector.broadcast %add3A_1015 : f32 to vector<16xf32>
    %add3A_1017 = arith.addf %mul3A_1014, %add3A_1016 : vector<16xf32>
    %mul3A_1018 = arith.mulf %add3A_1017, %add3A_953 : vector<16xf32>
    %add3A_1019 = arith.constant 0.00833333377 : f32
    %add3A_1020 = vector.broadcast %add3A_1019 : f32 to vector<16xf32>
    %add3A_1021 = arith.addf %mul3A_1018, %add3A_1020 : vector<16xf32>
    %mul3A_1022 = arith.mulf %add3A_1021, %add3A_953 : vector<16xf32>
    %add3A_1023 = arith.constant -0.166666672 : f32
    %add3A_1024 = vector.broadcast %add3A_1023 : f32 to vector<16xf32>
    %add3A_1025 = arith.addf %mul3A_1022, %add3A_1024 : vector<16xf32>
    %mul3A_1026 = arith.mulf %add3A_1025, %add3A_953 : vector<16xf32>
    %add3A_1027 = arith.constant 1.000000e+00 : f32
    %add3A_1028 = vector.broadcast %add3A_1027 : f32 to vector<16xf32>
    %add3A_1029 = arith.addf %mul3A_1026, %add3A_1028 : vector<16xf32>
    %broadcast_in_dim3A_1030 = arith.constant -3.45510317E-19 : f32
    %broadcast_in_dim3A_1031 = vector.broadcast %broadcast_in_dim3A_1030 : f32 to vector<16xf32>
    %mul3A_1032 = arith.mulf %broadcast_in_dim3A_1031, %add3A_953 : vector<16xf32>
    %add3A_1033 = arith.constant 1.54019693E-16 : f32
    %add3A_1034 = vector.broadcast %add3A_1033 : f32 to vector<16xf32>
    %add3A_1035 = arith.addf %mul3A_1032, %add3A_1034 : vector<16xf32>
    %mul3A_1036 = arith.mulf %add3A_1035, %add3A_953 : vector<16xf32>
    %add3A_1037 = arith.constant -4.77541387E-14 : f32
    %add3A_1038 = vector.broadcast %add3A_1037 : f32 to vector<16xf32>
    %add3A_1039 = arith.addf %mul3A_1036, %add3A_1038 : vector<16xf32>
    %mul3A_1040 = arith.mulf %add3A_1039, %add3A_953 : vector<16xf32>
    %add3A_1041 = arith.constant 1.14702805E-11 : f32
    %add3A_1042 = vector.broadcast %add3A_1041 : f32 to vector<16xf32>
    %add3A_1043 = arith.addf %mul3A_1040, %add3A_1042 : vector<16xf32>
    %mul3A_1044 = arith.mulf %add3A_1043, %add3A_953 : vector<16xf32>
    %add3A_1045 = arith.constant -2.08767226E-9 : f32
    %add3A_1046 = vector.broadcast %add3A_1045 : f32 to vector<16xf32>
    %add3A_1047 = arith.addf %mul3A_1044, %add3A_1046 : vector<16xf32>
    %mul3A_1048 = arith.mulf %add3A_1047, %add3A_953 : vector<16xf32>
    %add3A_1049 = arith.constant 2.75573171E-7 : f32
    %add3A_1050 = vector.broadcast %add3A_1049 : f32 to vector<16xf32>
    %add3A_1051 = arith.addf %mul3A_1048, %add3A_1050 : vector<16xf32>
    %mul3A_1052 = arith.mulf %add3A_1051, %add3A_953 : vector<16xf32>
    %add3A_1053 = arith.constant -2.48015876E-5 : f32
    %add3A_1054 = vector.broadcast %add3A_1053 : f32 to vector<16xf32>
    %add3A_1055 = arith.addf %mul3A_1052, %add3A_1054 : vector<16xf32>
    %mul3A_1056 = arith.mulf %add3A_1055, %add3A_953 : vector<16xf32>
    %add3A_1057 = arith.constant 0.00138888892 : f32
    %add3A_1058 = vector.broadcast %add3A_1057 : f32 to vector<16xf32>
    %add3A_1059 = arith.addf %mul3A_1056, %add3A_1058 : vector<16xf32>
    %mul3A_1060 = arith.mulf %add3A_1059, %add3A_953 : vector<16xf32>
    %add3A_1061 = arith.constant -0.0416666679 : f32
    %add3A_1062 = vector.broadcast %add3A_1061 : f32 to vector<16xf32>
    %add3A_1063 = arith.addf %mul3A_1060, %add3A_1062 : vector<16xf32>
    %mul3A_1064 = arith.mulf %add3A_1063, %add3A_953 : vector<16xf32>
    %add3A_1065 = arith.constant 5.000000e-01 : f32
    %add3A_1066 = vector.broadcast %add3A_1065 : f32 to vector<16xf32>
    %add3A_1067 = arith.addf %mul3A_1064, %add3A_1066 : vector<16xf32>
    %mul3A_1068 = arith.mulf %add3A_1067, %gather3A_933 : vector<16xf32>
    %mul3A_1069 = arith.mulf %mul3A_1068, %gather3A_936 : vector<16xf32>
    %mul3A_1070 = arith.mulf %add3A_1067, %gather3A_933 : vector<16xf32>
    %mul3A_1071 = arith.mulf %mul3A_1070, %gather3A_939 : vector<16xf32>
    %mul3A_1072 = arith.mulf %add3A_1067, %gather3A_936 : vector<16xf32>
    %mul3A_1073 = arith.mulf %mul3A_1072, %gather3A_939 : vector<16xf32>
    %mul3A_1074 = arith.mulf %add3A_1029, %gather3A_933 : vector<16xf32>
    %mul3A_1075 = arith.mulf %add3A_1029, %gather3A_936 : vector<16xf32>
    %mul3A_1076 = arith.mulf %add3A_1029, %gather3A_939 : vector<16xf32>
    %mul3A_1077 = arith.mulf %add3A_1067, %gather3A_933 : vector<16xf32>
    %mul3A_1078 = arith.mulf %mul3A_1077, %gather3A_933 : vector<16xf32>
    %add3A_1079 = arith.addf %add3A_991, %mul3A_1078 : vector<16xf32>
    %sub3A_1080 = arith.subf %mul3A_1069, %mul3A_1076 : vector<16xf32>
    %add3A_1081 = arith.addf %mul3A_1071, %mul3A_1075 : vector<16xf32>
    %add3A_1082 = arith.addf %mul3A_1069, %mul3A_1076 : vector<16xf32>
    %mul3A_1083 = arith.mulf %add3A_1067, %gather3A_936 : vector<16xf32>
    %mul3A_1084 = arith.mulf %mul3A_1083, %gather3A_936 : vector<16xf32>
    %add3A_1085 = arith.addf %add3A_991, %mul3A_1084 : vector<16xf32>
    %sub3A_1086 = arith.subf %mul3A_1073, %mul3A_1074 : vector<16xf32>
    %sub3A_1087 = arith.subf %mul3A_1071, %mul3A_1075 : vector<16xf32>
    %add3A_1088 = arith.addf %mul3A_1073, %mul3A_1074 : vector<16xf32>
    %mul3A_1089 = arith.mulf %add3A_1067, %gather3A_939 : vector<16xf32>
    %mul3A_1090 = arith.mulf %mul3A_1089, %gather3A_939 : vector<16xf32>
    %add3A_1091 = arith.addf %add3A_991, %mul3A_1090 : vector<16xf32>
    %broadcast_in_dim3A_1092 = arith.constant 18 : i32
    %broadcast_in_dim3A_1093 = vector.broadcast %broadcast_in_dim3A_1092 : i32 to vector<16xi32>
    tpu.vector_store_idx %arg16[%add3A_930, %broadcast_in_dim3A_1093], %add3A_1079 : memref<32x72xf32, #tpu.memory_space<vmem>>[vector<16xi32>, vector<16xi32>], vector<16xf32>,
    %broadcast_in_dim3A_1094 = arith.constant 19 : i32
    %broadcast_in_dim3A_1095 = vector.broadcast %broadcast_in_dim3A_1094 : i32 to vector<16xi32>
    tpu.vector_store_idx %arg16[%add3A_930, %broadcast_in_dim3A_1095], %sub3A_1080 : memref<32x72xf32, #tpu.memory_space<vmem>>[vector<16xi32>, vector<16xi32>], vector<16xf32>,
    %broadcast_in_dim3A_1096 = arith.constant 20 : i32
    %broadcast_in_dim3A_1097 = vector.broadcast %broadcast_in_dim3A_1096 : i32 to vector<16xi32>
    tpu.vector_store_idx %arg16[%add3A_930, %broadcast_in_dim3A_1097], %add3A_1081 : memref<32x72xf32, #tpu.memory_space<vmem>>[vector<16xi32>, vector<16xi32>], vector<16xf32>,
    %broadcast_in_dim3A_1098 = arith.constant 21 : i32
    %broadcast_in_dim3A_1099 = vector.broadcast %broadcast_in_dim3A_1098 : i32 to vector<16xi32>
    tpu.vector_store_idx %arg16[%add3A_930, %broadcast_in_dim3A_1099], %add3A_1082 : memref<32x72xf32, #tpu.memory_space<vmem>>[vector<16xi32>, vector<16xi32>], vector<16xf32>,
    %broadcast_in_dim3A_1100 = arith.constant 22 : i32
    %broadcast_in_dim3A_1101 = vector.broadcast %broadcast_in_dim3A_1100 : i32 to vector<16xi32>
    tpu.vector_store_idx %arg16[%add3A_930, %broadcast_in_dim3A_1101], %add3A_1085 : memref<32x72xf32, #tpu.memory_space<vmem>>[vector<16xi32>, vector<16xi32>], vector<16xf32>,
    %broadcast_in_dim3A_1102 = arith.constant 23 : i32
    %broadcast_in_dim3A_1103 = vector.broadcast %broadcast_in_dim3A_1102 : i32 to vector<16xi32>
    tpu.vector_store_idx %arg16[%add3A_930, %broadcast_in_dim3A_1103], %sub3A_1086 : memref<32x72xf32, #tpu.memory_space<vmem>>[vector<16xi32>, vector<16xi32>], vector<16xf32>,
    %broadcast_in_dim3A_1104 = arith.constant 24 : i32
    %broadcast_in_dim3A_1105 = vector.broadcast %broadcast_in_dim3A_1104 : i32 to vector<16xi32>
    tpu.vector_store_idx %arg16[%add3A_930, %broadcast_in_dim3A_1105], %sub3A_1087 : memref<32x72xf32, #tpu.memory_space<vmem>>[vector<16xi32>, vector<16xi32>], vector<16xf32>,
    %broadcast_in_dim3A_1106 = arith.constant 25 : i32
    %broadcast_in_dim3A_1107 = vector.broadcast %broadcast_in_dim3A_1106 : i32 to vector<16xi32>
    tpu.vector_store_idx %arg16[%add3A_930, %broadcast_in_dim3A_1107], %add3A_1088 : memref<32x72xf32, #tpu.memory_space<vmem>>[vector<16xi32>, vector<16xi32>], vector<16xf32>,
    %broadcast_in_dim3A_1108 = arith.constant 26 : i32
    %broadcast_in_dim3A_1109 = vector.broadcast %broadcast_in_dim3A_1108 : i32 to vector<16xi32>
    tpu.vector_store_idx %arg16[%add3A_930, %broadcast_in_dim3A_1109], %add3A_1091 : memref<32x72xf32, #tpu.memory_space<vmem>>[vector<16xi32>, vector<16xi32>], vector<16xf32>,
    %iota3A_1110 = tpu.iota {dimensions = array<i32: 0>} : vector<16xi32>
    %add3A_1111 = arith.constant 0 : i32
    %add3A_1112 = vector.broadcast %add3A_1111 : i32 to vector<16xi32>
    %add3A_1113 = arith.addi %iota3A_1110, %add3A_1112 : vector<16xi32>
    %broadcast_in_dim3A_1114 = arith.constant 9 : i32
    %broadcast_in_dim3A_1115 = vector.broadcast %broadcast_in_dim3A_1114 : i32 to vector<16xi32>
    %gather3A_1116 = tpu.vector_load_idx %arg12[%add3A_1113, %broadcast_in_dim3A_1115] : memref<32x24xf32, #tpu.memory_space<vmem>>[vector<16xi32>, vector<16xi32>], vector<16xf32>,
    %broadcast_in_dim3A_1117 = arith.constant 10 : i32
    %broadcast_in_dim3A_1118 = vector.broadcast %broadcast_in_dim3A_1117 : i32 to vector<16xi32>
    %gather3A_1119 = tpu.vector_load_idx %arg12[%add3A_1113, %broadcast_in_dim3A_1118] : memref<32x24xf32, #tpu.memory_space<vmem>>[vector<16xi32>, vector<16xi32>], vector<16xf32>,
    %broadcast_in_dim3A_1120 = arith.constant 11 : i32
    %broadcast_in_dim3A_1121 = vector.broadcast %broadcast_in_dim3A_1120 : i32 to vector<16xi32>
    %gather3A_1122 = tpu.vector_load_idx %arg12[%add3A_1113, %broadcast_in_dim3A_1121] : memref<32x24xf32, #tpu.memory_space<vmem>>[vector<16xi32>, vector<16xi32>], vector<16xf32>,
    %add3A_1123 = arith.constant 9.99999993E-9 : f32
    %add3A_1124 = vector.broadcast %add3A_1123 : f32 to vector<16xf32>
    %add3A_1125 = arith.addf %gather3A_1116, %add3A_1124 : vector<16xf32>
    %add3A_1126 = arith.constant 9.99999993E-9 : f32
    %add3A_1127 = vector.broadcast %add3A_1126 : f32 to vector<16xf32>
    %add3A_1128 = arith.addf %gather3A_1119, %add3A_1127 : vector<16xf32>
    %add3A_1129 = arith.constant 9.99999993E-9 : f32
    %add3A_1130 = vector.broadcast %add3A_1129 : f32 to vector<16xf32>
    %add3A_1131 = arith.addf %gather3A_1122, %add3A_1130 : vector<16xf32>
    %mul3A_1132 = arith.mulf %add3A_1125, %add3A_1125 : vector<16xf32>
    %mul3A_1133 = arith.mulf %add3A_1128, %add3A_1128 : vector<16xf32>
    %add3A_1134 = arith.addf %mul3A_1132, %mul3A_1133 : vector<16xf32>
    %mul3A_1135 = arith.mulf %add3A_1131, %add3A_1131 : vector<16xf32>
    %add3A_1136 = arith.addf %add3A_1134, %mul3A_1135 : vector<16xf32>
    %broadcast_in_dim3A_1137 = arith.constant -1.26392073E-16 : f32
    %broadcast_in_dim3A_1138 = vector.broadcast %broadcast_in_dim3A_1137 : f32 to vector<16xf32>
    %mul3A_1139 = arith.mulf %broadcast_in_dim3A_1138, %add3A_1136 : vector<16xf32>
    %add3A_1140 = arith.constant 4.68123939E-14 : f32
    %add3A_1141 = vector.broadcast %add3A_1140 : f32 to vector<16xf32>
    %add3A_1142 = arith.addf %mul3A_1139, %add3A_1141 : vector<16xf32>
    %mul3A_1143 = arith.mulf %add3A_1142, %add3A_1136 : vector<16xf32>
    %add3A_1144 = arith.constant -1.14524328E-11 : f32
    %add3A_1145 = vector.broadcast %add3A_1144 : f32 to vector<16xf32>
    %add3A_1146 = arith.addf %mul3A_1143, %add3A_1145 : vector<16xf32>
    %mul3A_1147 = arith.mulf %add3A_1146, %add3A_1136 : vector<16xf32>
    %add3A_1148 = arith.constant 2.08746664E-9 : f32
    %add3A_1149 = vector.broadcast %add3A_1148 : f32 to vector<16xf32>
    %add3A_1150 = arith.addf %mul3A_1147, %add3A_1149 : vector<16xf32>
    %mul3A_1151 = arith.mulf %add3A_1150, %add3A_1136 : vector<16xf32>
    %add3A_1152 = arith.constant -2.75571693E-7 : f32
    %add3A_1153 = vector.broadcast %add3A_1152 : f32 to vector<16xf32>
    %add3A_1154 = arith.addf %mul3A_1151, %add3A_1153 : vector<16xf32>
    %mul3A_1155 = arith.mulf %add3A_1154, %add3A_1136 : vector<16xf32>
    %add3A_1156 = arith.constant 2.48015804E-5 : f32
    %add3A_1157 = vector.broadcast %add3A_1156 : f32 to vector<16xf32>
    %add3A_1158 = arith.addf %mul3A_1155, %add3A_1157 : vector<16xf32>
    %mul3A_1159 = arith.mulf %add3A_1158, %add3A_1136 : vector<16xf32>
    %add3A_1160 = arith.constant -0.00138888892 : f32
    %add3A_1161 = vector.broadcast %add3A_1160 : f32 to vector<16xf32>
    %add3A_1162 = arith.addf %mul3A_1159, %add3A_1161 : vector<16xf32>
    %mul3A_1163 = arith.mulf %add3A_1162, %add3A_1136 : vector<16xf32>
    %add3A_1164 = arith.constant 0.0416666679 : f32
    %add3A_1165 = vector.broadcast %add3A_1164 : f32 to vector<16xf32>
    %add3A_1166 = arith.addf %mul3A_1163, %add3A_1165 : vector<16xf32>
    %mul3A_1167 = arith.mulf %add3A_1166, %add3A_1136 : vector<16xf32>
    %add3A_1168 = arith.constant -5.000000e-01 : f32
    %add3A_1169 = vector.broadcast %add3A_1168 : f32 to vector<16xf32>
    %add3A_1170 = arith.addf %mul3A_1167, %add3A_1169 : vector<16xf32>
    %mul3A_1171 = arith.mulf %add3A_1170, %add3A_1136 : vector<16xf32>
    %add3A_1172 = arith.constant 1.000000e+00 : f32
    %add3A_1173 = vector.broadcast %add3A_1172 : f32 to vector<16xf32>
    %add3A_1174 = arith.addf %mul3A_1171, %add3A_1173 : vector<16xf32>
    %broadcast_in_dim3A_1175 = arith.constant -6.78928175E-18 : f32
    %broadcast_in_dim3A_1176 = vector.broadcast %broadcast_in_dim3A_1175 : f32 to vector<16xf32>
    %mul3A_1177 = arith.mulf %broadcast_in_dim3A_1176, %add3A_1136 : vector<16xf32>
    %add3A_1178 = arith.constant 2.7641205E-15 : f32
    %add3A_1179 = vector.broadcast %add3A_1178 : f32 to vector<16xf32>
    %add3A_1180 = arith.addf %mul3A_1177, %add3A_1179 : vector<16xf32>
    %mul3A_1181 = arith.mulf %add3A_1180, %add3A_1136 : vector<16xf32>
    %add3A_1182 = arith.constant -7.63832465E-13 : f32
    %add3A_1183 = vector.broadcast %add3A_1182 : f32 to vector<16xf32>
    %add3A_1184 = arith.addf %mul3A_1181, %add3A_1183 : vector<16xf32>
    %mul3A_1185 = arith.mulf %add3A_1184, %add3A_1136 : vector<16xf32>
    %add3A_1186 = arith.constant 1.60580341E-10 : f32
    %add3A_1187 = vector.broadcast %add3A_1186 : f32 to vector<16xf32>
    %add3A_1188 = arith.addf %mul3A_1185, %add3A_1187 : vector<16xf32>
    %mul3A_1189 = arith.mulf %add3A_1188, %add3A_1136 : vector<16xf32>
    %add3A_1190 = arith.constant -2.50520369E-8 : f32
    %add3A_1191 = vector.broadcast %add3A_1190 : f32 to vector<16xf32>
    %add3A_1192 = arith.addf %mul3A_1189, %add3A_1191 : vector<16xf32>
    %mul3A_1193 = arith.mulf %add3A_1192, %add3A_1136 : vector<16xf32>
    %add3A_1194 = arith.constant 2.75573166E-6 : f32
    %add3A_1195 = vector.broadcast %add3A_1194 : f32 to vector<16xf32>
    %add3A_1196 = arith.addf %mul3A_1193, %add3A_1195 : vector<16xf32>
    %mul3A_1197 = arith.mulf %add3A_1196, %add3A_1136 : vector<16xf32>
    %add3A_1198 = arith.constant -1.98412701E-4 : f32
    %add3A_1199 = vector.broadcast %add3A_1198 : f32 to vector<16xf32>
    %add3A_1200 = arith.addf %mul3A_1197, %add3A_1199 : vector<16xf32>
    %mul3A_1201 = arith.mulf %add3A_1200, %add3A_1136 : vector<16xf32>
    %add3A_1202 = arith.constant 0.00833333377 : f32
    %add3A_1203 = vector.broadcast %add3A_1202 : f32 to vector<16xf32>
    %add3A_1204 = arith.addf %mul3A_1201, %add3A_1203 : vector<16xf32>
    %mul3A_1205 = arith.mulf %add3A_1204, %add3A_1136 : vector<16xf32>
    %add3A_1206 = arith.constant -0.166666672 : f32
    %add3A_1207 = vector.broadcast %add3A_1206 : f32 to vector<16xf32>
    %add3A_1208 = arith.addf %mul3A_1205, %add3A_1207 : vector<16xf32>
    %mul3A_1209 = arith.mulf %add3A_1208, %add3A_1136 : vector<16xf32>
    %add3A_1210 = arith.constant 1.000000e+00 : f32
    %add3A_1211 = vector.broadcast %add3A_1210 : f32 to vector<16xf32>
    %add3A_1212 = arith.addf %mul3A_1209, %add3A_1211 : vector<16xf32>
    %broadcast_in_dim3A_1213 = arith.constant -3.45510317E-19 : f32
    %broadcast_in_dim3A_1214 = vector.broadcast %broadcast_in_dim3A_1213 : f32 to vector<16xf32>
    %mul3A_1215 = arith.mulf %broadcast_in_dim3A_1214, %add3A_1136 : vector<16xf32>
    %add3A_1216 = arith.constant 1.54019693E-16 : f32
    %add3A_1217 = vector.broadcast %add3A_1216 : f32 to vector<16xf32>
    %add3A_1218 = arith.addf %mul3A_1215, %add3A_1217 : vector<16xf32>
    %mul3A_1219 = arith.mulf %add3A_1218, %add3A_1136 : vector<16xf32>
    %add3A_1220 = arith.constant -4.77541387E-14 : f32
    %add3A_1221 = vector.broadcast %add3A_1220 : f32 to vector<16xf32>
    %add3A_1222 = arith.addf %mul3A_1219, %add3A_1221 : vector<16xf32>
    %mul3A_1223 = arith.mulf %add3A_1222, %add3A_1136 : vector<16xf32>
    %add3A_1224 = arith.constant 1.14702805E-11 : f32
    %add3A_1225 = vector.broadcast %add3A_1224 : f32 to vector<16xf32>
    %add3A_1226 = arith.addf %mul3A_1223, %add3A_1225 : vector<16xf32>
    %mul3A_1227 = arith.mulf %add3A_1226, %add3A_1136 : vector<16xf32>
    %add3A_1228 = arith.constant -2.08767226E-9 : f32
    %add3A_1229 = vector.broadcast %add3A_1228 : f32 to vector<16xf32>
    %add3A_1230 = arith.addf %mul3A_1227, %add3A_1229 : vector<16xf32>
    %mul3A_1231 = arith.mulf %add3A_1230, %add3A_1136 : vector<16xf32>
    %add3A_1232 = arith.constant 2.75573171E-7 : f32
    %add3A_1233 = vector.broadcast %add3A_1232 : f32 to vector<16xf32>
    %add3A_1234 = arith.addf %mul3A_1231, %add3A_1233 : vector<16xf32>
    %mul3A_1235 = arith.mulf %add3A_1234, %add3A_1136 : vector<16xf32>
    %add3A_1236 = arith.constant -2.48015876E-5 : f32
    %add3A_1237 = vector.broadcast %add3A_1236 : f32 to vector<16xf32>
    %add3A_1238 = arith.addf %mul3A_1235, %add3A_1237 : vector<16xf32>
    %mul3A_1239 = arith.mulf %add3A_1238, %add3A_1136 : vector<16xf32>
    %add3A_1240 = arith.constant 0.00138888892 : f32
    %add3A_1241 = vector.broadcast %add3A_1240 : f32 to vector<16xf32>
    %add3A_1242 = arith.addf %mul3A_1239, %add3A_1241 : vector<16xf32>
    %mul3A_1243 = arith.mulf %add3A_1242, %add3A_1136 : vector<16xf32>
    %add3A_1244 = arith.constant -0.0416666679 : f32
    %add3A_1245 = vector.broadcast %add3A_1244 : f32 to vector<16xf32>
    %add3A_1246 = arith.addf %mul3A_1243, %add3A_1245 : vector<16xf32>
    %mul3A_1247 = arith.mulf %add3A_1246, %add3A_1136 : vector<16xf32>
    %add3A_1248 = arith.constant 5.000000e-01 : f32
    %add3A_1249 = vector.broadcast %add3A_1248 : f32 to vector<16xf32>
    %add3A_1250 = arith.addf %mul3A_1247, %add3A_1249 : vector<16xf32>
    %mul3A_1251 = arith.mulf %add3A_1250, %gather3A_1116 : vector<16xf32>
    %mul3A_1252 = arith.mulf %mul3A_1251, %gather3A_1119 : vector<16xf32>
    %mul3A_1253 = arith.mulf %add3A_1250, %gather3A_1116 : vector<16xf32>
    %mul3A_1254 = arith.mulf %mul3A_1253, %gather3A_1122 : vector<16xf32>
    %mul3A_1255 = arith.mulf %add3A_1250, %gather3A_1119 : vector<16xf32>
    %mul3A_1256 = arith.mulf %mul3A_1255, %gather3A_1122 : vector<16xf32>
    %mul3A_1257 = arith.mulf %add3A_1212, %gather3A_1116 : vector<16xf32>
    %mul3A_1258 = arith.mulf %add3A_1212, %gather3A_1119 : vector<16xf32>
    %mul3A_1259 = arith.mulf %add3A_1212, %gather3A_1122 : vector<16xf32>
    %mul3A_1260 = arith.mulf %add3A_1250, %gather3A_1116 : vector<16xf32>
    %mul3A_1261 = arith.mulf %mul3A_1260, %gather3A_1116 : vector<16xf32>
    %add3A_1262 = arith.addf %add3A_1174, %mul3A_1261 : vector<16xf32>
    %sub3A_1263 = arith.subf %mul3A_1252, %mul3A_1259 : vector<16xf32>
    %add3A_1264 = arith.addf %mul3A_1254, %mul3A_1258 : vector<16xf32>
    %add3A_1265 = arith.addf %mul3A_1252, %mul3A_1259 : vector<16xf32>
    %mul3A_1266 = arith.mulf %add3A_1250, %gather3A_1119 : vector<16xf32>
    %mul3A_1267 = arith.mulf %mul3A_1266, %gather3A_1119 : vector<16xf32>
    %add3A_1268 = arith.addf %add3A_1174, %mul3A_1267 : vector<16xf32>
    %sub3A_1269 = arith.subf %mul3A_1256, %mul3A_1257 : vector<16xf32>
    %sub3A_1270 = arith.subf %mul3A_1254, %mul3A_1258 : vector<16xf32>
    %add3A_1271 = arith.addf %mul3A_1256, %mul3A_1257 : vector<16xf32>
    %mul3A_1272 = arith.mulf %add3A_1250, %gather3A_1122 : vector<16xf32>
    %mul3A_1273 = arith.mulf %mul3A_1272, %gather3A_1122 : vector<16xf32>
    %add3A_1274 = arith.addf %add3A_1174, %mul3A_1273 : vector<16xf32>
    %broadcast_in_dim3A_1275 = arith.constant 27 : i32
    %broadcast_in_dim3A_1276 = vector.broadcast %broadcast_in_dim3A_1275 : i32 to vector<16xi32>
    tpu.vector_store_idx %arg16[%add3A_1113, %broadcast_in_dim3A_1276], %add3A_1262 : memref<32x72xf32, #tpu.memory_space<vmem>>[vector<16xi32>, vector<16xi32>], vector<16xf32>,
    %broadcast_in_dim3A_1277 = arith.constant 28 : i32
    %broadcast_in_dim3A_1278 = vector.broadcast %broadcast_in_dim3A_1277 : i32 to vector<16xi32>
    tpu.vector_store_idx %arg16[%add3A_1113, %broadcast_in_dim3A_1278], %sub3A_1263 : memref<32x72xf32, #tpu.memory_space<vmem>>[vector<16xi32>, vector<16xi32>], vector<16xf32>,
    %broadcast_in_dim3A_1279 = arith.constant 29 : i32
    %broadcast_in_dim3A_1280 = vector.broadcast %broadcast_in_dim3A_1279 : i32 to vector<16xi32>
    tpu.vector_store_idx %arg16[%add3A_1113, %broadcast_in_dim3A_1280], %add3A_1264 : memref<32x72xf32, #tpu.memory_space<vmem>>[vector<16xi32>, vector<16xi32>], vector<16xf32>,
    %broadcast_in_dim3A_1281 = arith.constant 30 : i32
    %broadcast_in_dim3A_1282 = vector.broadcast %broadcast_in_dim3A_1281 : i32 to vector<16xi32>
    tpu.vector_store_idx %arg16[%add3A_1113, %broadcast_in_dim3A_1282], %add3A_1265 : memref<32x72xf32, #tpu.memory_space<vmem>>[vector<16xi32>, vector<16xi32>], vector<16xf32>,
    %broadcast_in_dim3A_1283 = arith.constant 31 : i32
    %broadcast_in_dim3A_1284 = vector.broadcast %broadcast_in_dim3A_1283 : i32 to vector<16xi32>
    tpu.vector_store_idx %arg16[%add3A_1113, %broadcast_in_dim3A_1284], %add3A_1268 : memref<32x72xf32, #tpu.memory_space<vmem>>[vector<16xi32>, vector<16xi32>], vector<16xf32>,
    %broadcast_in_dim3A_1285 = arith.constant 32 : i32
    %broadcast_in_dim3A_1286 = vector.broadcast %broadcast_in_dim3A_1285 : i32 to vector<16xi32>
    tpu.vector_store_idx %arg16[%add3A_1113, %broadcast_in_dim3A_1286], %sub3A_1269 : memref<32x72xf32, #tpu.memory_space<vmem>>[vector<16xi32>, vector<16xi32>], vector<16xf32>,
    %broadcast_in_dim3A_1287 = arith.constant 33 : i32
    %broadcast_in_dim3A_1288 = vector.broadcast %broadcast_in_dim3A_1287 : i32 to vector<16xi32>
    tpu.vector_store_idx %arg16[%add3A_1113, %broadcast_in_dim3A_1288], %sub3A_1270 : memref<32x72xf32, #tpu.memory_space<vmem>>[vector<16xi32>, vector<16xi32>], vector<16xf32>,
    %broadcast_in_dim3A_1289 = arith.constant 34 : i32
    %broadcast_in_dim3A_1290 = vector.broadcast %broadcast_in_dim3A_1289 : i32 to vector<16xi32>
    tpu.vector_store_idx %arg16[%add3A_1113, %broadcast_in_dim3A_1290], %add3A_1271 : memref<32x72xf32, #tpu.memory_space<vmem>>[vector<16xi32>, vector<16xi32>], vector<16xf32>,
    %broadcast_in_dim3A_1291 = arith.constant 35 : i32
    %broadcast_in_dim3A_1292 = vector.broadcast %broadcast_in_dim3A_1291 : i32 to vector<16xi32>
    tpu.vector_store_idx %arg16[%add3A_1113, %broadcast_in_dim3A_1292], %add3A_1274 : memref<32x72xf32, #tpu.memory_space<vmem>>[vector<16xi32>, vector<16xi32>], vector<16xf32>,
    %iota3A_1293 = tpu.iota {dimensions = array<i32: 0>} : vector<16xi32>
    %add3A_1294 = arith.constant 16 : i32
    %add3A_1295 = vector.broadcast %add3A_1294 : i32 to vector<16xi32>
    %add3A_1296 = arith.addi %iota3A_1293, %add3A_1295 : vector<16xi32>
    %broadcast_in_dim3A_1297 = arith.constant 9 : i32
    %broadcast_in_dim3A_1298 = vector.broadcast %broadcast_in_dim3A_1297 : i32 to vector<16xi32>
    %gather3A_1299 = tpu.vector_load_idx %arg12[%add3A_1296, %broadcast_in_dim3A_1298] : memref<32x24xf32, #tpu.memory_space<vmem>>[vector<16xi32>, vector<16xi32>], vector<16xf32>,
    %broadcast_in_dim3A_1300 = arith.constant 10 : i32
    %broadcast_in_dim3A_1301 = vector.broadcast %broadcast_in_dim3A_1300 : i32 to vector<16xi32>
    %gather3A_1302 = tpu.vector_load_idx %arg12[%add3A_1296, %broadcast_in_dim3A_1301] : memref<32x24xf32, #tpu.memory_space<vmem>>[vector<16xi32>, vector<16xi32>], vector<16xf32>,
    %broadcast_in_dim3A_1303 = arith.constant 11 : i32
    %broadcast_in_dim3A_1304 = vector.broadcast %broadcast_in_dim3A_1303 : i32 to vector<16xi32>
    %gather3A_1305 = tpu.vector_load_idx %arg12[%add3A_1296, %broadcast_in_dim3A_1304] : memref<32x24xf32, #tpu.memory_space<vmem>>[vector<16xi32>, vector<16xi32>], vector<16xf32>,
    %add3A_1306 = arith.constant 9.99999993E-9 : f32
    %add3A_1307 = vector.broadcast %add3A_1306 : f32 to vector<16xf32>
    %add3A_1308 = arith.addf %gather3A_1299, %add3A_1307 : vector<16xf32>
    %add3A_1309 = arith.constant 9.99999993E-9 : f32
    %add3A_1310 = vector.broadcast %add3A_1309 : f32 to vector<16xf32>
    %add3A_1311 = arith.addf %gather3A_1302, %add3A_1310 : vector<16xf32>
    %add3A_1312 = arith.constant 9.99999993E-9 : f32
    %add3A_1313 = vector.broadcast %add3A_1312 : f32 to vector<16xf32>
    %add3A_1314 = arith.addf %gather3A_1305, %add3A_1313 : vector<16xf32>
    %mul3A_1315 = arith.mulf %add3A_1308, %add3A_1308 : vector<16xf32>
    %mul3A_1316 = arith.mulf %add3A_1311, %add3A_1311 : vector<16xf32>
    %add3A_1317 = arith.addf %mul3A_1315, %mul3A_1316 : vector<16xf32>
    %mul3A_1318 = arith.mulf %add3A_1314, %add3A_1314 : vector<16xf32>
    %add3A_1319 = arith.addf %add3A_1317, %mul3A_1318 : vector<16xf32>
    %broadcast_in_dim3A_1320 = arith.constant -1.26392073E-16 : f32
    %broadcast_in_dim3A_1321 = vector.broadcast %broadcast_in_dim3A_1320 : f32 to vector<16xf32>
    %mul3A_1322 = arith.mulf %broadcast_in_dim3A_1321, %add3A_1319 : vector<16xf32>
    %add3A_1323 = arith.constant 4.68123939E-14 : f32
    %add3A_1324 = vector.broadcast %add3A_1323 : f32 to vector<16xf32>
    %add3A_1325 = arith.addf %mul3A_1322, %add3A_1324 : vector<16xf32>
    %mul3A_1326 = arith.mulf %add3A_1325, %add3A_1319 : vector<16xf32>
    %add3A_1327 = arith.constant -1.14524328E-11 : f32
    %add3A_1328 = vector.broadcast %add3A_1327 : f32 to vector<16xf32>
    %add3A_1329 = arith.addf %mul3A_1326, %add3A_1328 : vector<16xf32>
    %mul3A_1330 = arith.mulf %add3A_1329, %add3A_1319 : vector<16xf32>
    %add3A_1331 = arith.constant 2.08746664E-9 : f32
    %add3A_1332 = vector.broadcast %add3A_1331 : f32 to vector<16xf32>
    %add3A_1333 = arith.addf %mul3A_1330, %add3A_1332 : vector<16xf32>
    %mul3A_1334 = arith.mulf %add3A_1333, %add3A_1319 : vector<16xf32>
    %add3A_1335 = arith.constant -2.75571693E-7 : f32
    %add3A_1336 = vector.broadcast %add3A_1335 : f32 to vector<16xf32>
    %add3A_1337 = arith.addf %mul3A_1334, %add3A_1336 : vector<16xf32>
    %mul3A_1338 = arith.mulf %add3A_1337, %add3A_1319 : vector<16xf32>
    %add3A_1339 = arith.constant 2.48015804E-5 : f32
    %add3A_1340 = vector.broadcast %add3A_1339 : f32 to vector<16xf32>
    %add3A_1341 = arith.addf %mul3A_1338, %add3A_1340 : vector<16xf32>
    %mul3A_1342 = arith.mulf %add3A_1341, %add3A_1319 : vector<16xf32>
    %add3A_1343 = arith.constant -0.00138888892 : f32
    %add3A_1344 = vector.broadcast %add3A_1343 : f32 to vector<16xf32>
    %add3A_1345 = arith.addf %mul3A_1342, %add3A_1344 : vector<16xf32>
    %mul3A_1346 = arith.mulf %add3A_1345, %add3A_1319 : vector<16xf32>
    %add3A_1347 = arith.constant 0.0416666679 : f32
    %add3A_1348 = vector.broadcast %add3A_1347 : f32 to vector<16xf32>
    %add3A_1349 = arith.addf %mul3A_1346, %add3A_1348 : vector<16xf32>
    %mul3A_1350 = arith.mulf %add3A_1349, %add3A_1319 : vector<16xf32>
    %add3A_1351 = arith.constant -5.000000e-01 : f32
    %add3A_1352 = vector.broadcast %add3A_1351 : f32 to vector<16xf32>
    %add3A_1353 = arith.addf %mul3A_1350, %add3A_1352 : vector<16xf32>
    %mul3A_1354 = arith.mulf %add3A_1353, %add3A_1319 : vector<16xf32>
    %add3A_1355 = arith.constant 1.000000e+00 : f32
    %add3A_1356 = vector.broadcast %add3A_1355 : f32 to vector<16xf32>
    %add3A_1357 = arith.addf %mul3A_1354, %add3A_1356 : vector<16xf32>
    %broadcast_in_dim3A_1358 = arith.constant -6.78928175E-18 : f32
    %broadcast_in_dim3A_1359 = vector.broadcast %broadcast_in_dim3A_1358 : f32 to vector<16xf32>
    %mul3A_1360 = arith.mulf %broadcast_in_dim3A_1359, %add3A_1319 : vector<16xf32>
    %add3A_1361 = arith.constant 2.7641205E-15 : f32
    %add3A_1362 = vector.broadcast %add3A_1361 : f32 to vector<16xf32>
    %add3A_1363 = arith.addf %mul3A_1360, %add3A_1362 : vector<16xf32>
    %mul3A_1364 = arith.mulf %add3A_1363, %add3A_1319 : vector<16xf32>
    %add3A_1365 = arith.constant -7.63832465E-13 : f32
    %add3A_1366 = vector.broadcast %add3A_1365 : f32 to vector<16xf32>
    %add3A_1367 = arith.addf %mul3A_1364, %add3A_1366 : vector<16xf32>
    %mul3A_1368 = arith.mulf %add3A_1367, %add3A_1319 : vector<16xf32>
    %add3A_1369 = arith.constant 1.60580341E-10 : f32
    %add3A_1370 = vector.broadcast %add3A_1369 : f32 to vector<16xf32>
    %add3A_1371 = arith.addf %mul3A_1368, %add3A_1370 : vector<16xf32>
    %mul3A_1372 = arith.mulf %add3A_1371, %add3A_1319 : vector<16xf32>
    %add3A_1373 = arith.constant -2.50520369E-8 : f32
    %add3A_1374 = vector.broadcast %add3A_1373 : f32 to vector<16xf32>
    %add3A_1375 = arith.addf %mul3A_1372, %add3A_1374 : vector<16xf32>
    %mul3A_1376 = arith.mulf %add3A_1375, %add3A_1319 : vector<16xf32>
    %add3A_1377 = arith.constant 2.75573166E-6 : f32
    %add3A_1378 = vector.broadcast %add3A_1377 : f32 to vector<16xf32>
    %add3A_1379 = arith.addf %mul3A_1376, %add3A_1378 : vector<16xf32>
    %mul3A_1380 = arith.mulf %add3A_1379, %add3A_1319 : vector<16xf32>
    %add3A_1381 = arith.constant -1.98412701E-4 : f32
    %add3A_1382 = vector.broadcast %add3A_1381 : f32 to vector<16xf32>
    %add3A_1383 = arith.addf %mul3A_1380, %add3A_1382 : vector<16xf32>
    %mul3A_1384 = arith.mulf %add3A_1383, %add3A_1319 : vector<16xf32>
    %add3A_1385 = arith.constant 0.00833333377 : f32
    %add3A_1386 = vector.broadcast %add3A_1385 : f32 to vector<16xf32>
    %add3A_1387 = arith.addf %mul3A_1384, %add3A_1386 : vector<16xf32>
    %mul3A_1388 = arith.mulf %add3A_1387, %add3A_1319 : vector<16xf32>
    %add3A_1389 = arith.constant -0.166666672 : f32
    %add3A_1390 = vector.broadcast %add3A_1389 : f32 to vector<16xf32>
    %add3A_1391 = arith.addf %mul3A_1388, %add3A_1390 : vector<16xf32>
    %mul3A_1392 = arith.mulf %add3A_1391, %add3A_1319 : vector<16xf32>
    %add3A_1393 = arith.constant 1.000000e+00 : f32
    %add3A_1394 = vector.broadcast %add3A_1393 : f32 to vector<16xf32>
    %add3A_1395 = arith.addf %mul3A_1392, %add3A_1394 : vector<16xf32>
    %broadcast_in_dim3A_1396 = arith.constant -3.45510317E-19 : f32
    %broadcast_in_dim3A_1397 = vector.broadcast %broadcast_in_dim3A_1396 : f32 to vector<16xf32>
    %mul3A_1398 = arith.mulf %broadcast_in_dim3A_1397, %add3A_1319 : vector<16xf32>
    %add3A_1399 = arith.constant 1.54019693E-16 : f32
    %add3A_1400 = vector.broadcast %add3A_1399 : f32 to vector<16xf32>
    %add3A_1401 = arith.addf %mul3A_1398, %add3A_1400 : vector<16xf32>
    %mul3A_1402 = arith.mulf %add3A_1401, %add3A_1319 : vector<16xf32>
    %add3A_1403 = arith.constant -4.77541387E-14 : f32
    %add3A_1404 = vector.broadcast %add3A_1403 : f32 to vector<16xf32>
    %add3A_1405 = arith.addf %mul3A_1402, %add3A_1404 : vector<16xf32>
    %mul3A_1406 = arith.mulf %add3A_1405, %add3A_1319 : vector<16xf32>
    %add3A_1407 = arith.constant 1.14702805E-11 : f32
    %add3A_1408 = vector.broadcast %add3A_1407 : f32 to vector<16xf32>
    %add3A_1409 = arith.addf %mul3A_1406, %add3A_1408 : vector<16xf32>
    %mul3A_1410 = arith.mulf %add3A_1409, %add3A_1319 : vector<16xf32>
    %add3A_1411 = arith.constant -2.08767226E-9 : f32
    %add3A_1412 = vector.broadcast %add3A_1411 : f32 to vector<16xf32>
    %add3A_1413 = arith.addf %mul3A_1410, %add3A_1412 : vector<16xf32>
    %mul3A_1414 = arith.mulf %add3A_1413, %add3A_1319 : vector<16xf32>
    %add3A_1415 = arith.constant 2.75573171E-7 : f32
    %add3A_1416 = vector.broadcast %add3A_1415 : f32 to vector<16xf32>
    %add3A_1417 = arith.addf %mul3A_1414, %add3A_1416 : vector<16xf32>
    %mul3A_1418 = arith.mulf %add3A_1417, %add3A_1319 : vector<16xf32>
    %add3A_1419 = arith.constant -2.48015876E-5 : f32
    %add3A_1420 = vector.broadcast %add3A_1419 : f32 to vector<16xf32>
    %add3A_1421 = arith.addf %mul3A_1418, %add3A_1420 : vector<16xf32>
    %mul3A_1422 = arith.mulf %add3A_1421, %add3A_1319 : vector<16xf32>
    %add3A_1423 = arith.constant 0.00138888892 : f32
    %add3A_1424 = vector.broadcast %add3A_1423 : f32 to vector<16xf32>
    %add3A_1425 = arith.addf %mul3A_1422, %add3A_1424 : vector<16xf32>
    %mul3A_1426 = arith.mulf %add3A_1425, %add3A_1319 : vector<16xf32>
    %add3A_1427 = arith.constant -0.0416666679 : f32
    %add3A_1428 = vector.broadcast %add3A_1427 : f32 to vector<16xf32>
    %add3A_1429 = arith.addf %mul3A_1426, %add3A_1428 : vector<16xf32>
    %mul3A_1430 = arith.mulf %add3A_1429, %add3A_1319 : vector<16xf32>
    %add3A_1431 = arith.constant 5.000000e-01 : f32
    %add3A_1432 = vector.broadcast %add3A_1431 : f32 to vector<16xf32>
    %add3A_1433 = arith.addf %mul3A_1430, %add3A_1432 : vector<16xf32>
    %mul3A_1434 = arith.mulf %add3A_1433, %gather3A_1299 : vector<16xf32>
    %mul3A_1435 = arith.mulf %mul3A_1434, %gather3A_1302 : vector<16xf32>
    %mul3A_1436 = arith.mulf %add3A_1433, %gather3A_1299 : vector<16xf32>
    %mul3A_1437 = arith.mulf %mul3A_1436, %gather3A_1305 : vector<16xf32>
    %mul3A_1438 = arith.mulf %add3A_1433, %gather3A_1302 : vector<16xf32>
    %mul3A_1439 = arith.mulf %mul3A_1438, %gather3A_1305 : vector<16xf32>
    %mul3A_1440 = arith.mulf %add3A_1395, %gather3A_1299 : vector<16xf32>
    %mul3A_1441 = arith.mulf %add3A_1395, %gather3A_1302 : vector<16xf32>
    %mul3A_1442 = arith.mulf %add3A_1395, %gather3A_1305 : vector<16xf32>
    %mul3A_1443 = arith.mulf %add3A_1433, %gather3A_1299 : vector<16xf32>
    %mul3A_1444 = arith.mulf %mul3A_1443, %gather3A_1299 : vector<16xf32>
    %add3A_1445 = arith.addf %add3A_1357, %mul3A_1444 : vector<16xf32>
    %sub3A_1446 = arith.subf %mul3A_1435, %mul3A_1442 : vector<16xf32>
    %add3A_1447 = arith.addf %mul3A_1437, %mul3A_1441 : vector<16xf32>
    %add3A_1448 = arith.addf %mul3A_1435, %mul3A_1442 : vector<16xf32>
    %mul3A_1449 = arith.mulf %add3A_1433, %gather3A_1302 : vector<16xf32>
    %mul3A_1450 = arith.mulf %mul3A_1449, %gather3A_1302 : vector<16xf32>
    %add3A_1451 = arith.addf %add3A_1357, %mul3A_1450 : vector<16xf32>
    %sub3A_1452 = arith.subf %mul3A_1439, %mul3A_1440 : vector<16xf32>
    %sub3A_1453 = arith.subf %mul3A_1437, %mul3A_1441 : vector<16xf32>
    %add3A_1454 = arith.addf %mul3A_1439, %mul3A_1440 : vector<16xf32>
    %mul3A_1455 = arith.mulf %add3A_1433, %gather3A_1305 : vector<16xf32>
    %mul3A_1456 = arith.mulf %mul3A_1455, %gather3A_1305 : vector<16xf32>
    %add3A_1457 = arith.addf %add3A_1357, %mul3A_1456 : vector<16xf32>
    %broadcast_in_dim3A_1458 = arith.constant 27 : i32
    %broadcast_in_dim3A_1459 = vector.broadcast %broadcast_in_dim3A_1458 : i32 to vector<16xi32>
    tpu.vector_store_idx %arg16[%add3A_1296, %broadcast_in_dim3A_1459], %add3A_1445 : memref<32x72xf32, #tpu.memory_space<vmem>>[vector<16xi32>, vector<16xi32>], vector<16xf32>,
    %broadcast_in_dim3A_1460 = arith.constant 28 : i32
    %broadcast_in_dim3A_1461 = vector.broadcast %broadcast_in_dim3A_1460 : i32 to vector<16xi32>
    tpu.vector_store_idx %arg16[%add3A_1296, %broadcast_in_dim3A_1461], %sub3A_1446 : memref<32x72xf32, #tpu.memory_space<vmem>>[vector<16xi32>, vector<16xi32>], vector<16xf32>,
    %broadcast_in_dim3A_1462 = arith.constant 29 : i32
    %broadcast_in_dim3A_1463 = vector.broadcast %broadcast_in_dim3A_1462 : i32 to vector<16xi32>
    tpu.vector_store_idx %arg16[%add3A_1296, %broadcast_in_dim3A_1463], %add3A_1447 : memref<32x72xf32, #tpu.memory_space<vmem>>[vector<16xi32>, vector<16xi32>], vector<16xf32>,
    %broadcast_in_dim3A_1464 = arith.constant 30 : i32
    %broadcast_in_dim3A_1465 = vector.broadcast %broadcast_in_dim3A_1464 : i32 to vector<16xi32>
    tpu.vector_store_idx %arg16[%add3A_1296, %broadcast_in_dim3A_1465], %add3A_1448 : memref<32x72xf32, #tpu.memory_space<vmem>>[vector<16xi32>, vector<16xi32>], vector<16xf32>,
    %broadcast_in_dim3A_1466 = arith.constant 31 : i32
    %broadcast_in_dim3A_1467 = vector.broadcast %broadcast_in_dim3A_1466 : i32 to vector<16xi32>
    tpu.vector_store_idx %arg16[%add3A_1296, %broadcast_in_dim3A_1467], %add3A_1451 : memref<32x72xf32, #tpu.memory_space<vmem>>[vector<16xi32>, vector<16xi32>], vector<16xf32>,
    %broadcast_in_dim3A_1468 = arith.constant 32 : i32
    %broadcast_in_dim3A_1469 = vector.broadcast %broadcast_in_dim3A_1468 : i32 to vector<16xi32>
    tpu.vector_store_idx %arg16[%add3A_1296, %broadcast_in_dim3A_1469], %sub3A_1452 : memref<32x72xf32, #tpu.memory_space<vmem>>[vector<16xi32>, vector<16xi32>], vector<16xf32>,
    %broadcast_in_dim3A_1470 = arith.constant 33 : i32
    %broadcast_in_dim3A_1471 = vector.broadcast %broadcast_in_dim3A_1470 : i32 to vector<16xi32>
    tpu.vector_store_idx %arg16[%add3A_1296, %broadcast_in_dim3A_1471], %sub3A_1453 : memref<32x72xf32, #tpu.memory_space<vmem>>[vector<16xi32>, vector<16xi32>], vector<16xf32>,
    %broadcast_in_dim3A_1472 = arith.constant 34 : i32
    %broadcast_in_dim3A_1473 = vector.broadcast %broadcast_in_dim3A_1472 : i32 to vector<16xi32>
    tpu.vector_store_idx %arg16[%add3A_1296, %broadcast_in_dim3A_1473], %add3A_1454 : memref<32x72xf32, #tpu.memory_space<vmem>>[vector<16xi32>, vector<16xi32>], vector<16xf32>,
    %broadcast_in_dim3A_1474 = arith.constant 35 : i32
    %broadcast_in_dim3A_1475 = vector.broadcast %broadcast_in_dim3A_1474 : i32 to vector<16xi32>
    tpu.vector_store_idx %arg16[%add3A_1296, %broadcast_in_dim3A_1475], %add3A_1457 : memref<32x72xf32, #tpu.memory_space<vmem>>[vector<16xi32>, vector<16xi32>], vector<16xf32>,
    %iota3A_1476 = tpu.iota {dimensions = array<i32: 0>} : vector<16xi32>
    %add3A_1477 = arith.constant 0 : i32
    %add3A_1478 = vector.broadcast %add3A_1477 : i32 to vector<16xi32>
    %add3A_1479 = arith.addi %iota3A_1476, %add3A_1478 : vector<16xi32>
    %broadcast_in_dim3A_1480 = arith.constant 12 : i32
    %broadcast_in_dim3A_1481 = vector.broadcast %broadcast_in_dim3A_1480 : i32 to vector<16xi32>
    %gather3A_1482 = tpu.vector_load_idx %arg12[%add3A_1479, %broadcast_in_dim3A_1481] : memref<32x24xf32, #tpu.memory_space<vmem>>[vector<16xi32>, vector<16xi32>], vector<16xf32>,
    %broadcast_in_dim3A_1483 = arith.constant 13 : i32
    %broadcast_in_dim3A_1484 = vector.broadcast %broadcast_in_dim3A_1483 : i32 to vector<16xi32>
    %gather3A_1485 = tpu.vector_load_idx %arg12[%add3A_1479, %broadcast_in_dim3A_1484] : memref<32x24xf32, #tpu.memory_space<vmem>>[vector<16xi32>, vector<16xi32>], vector<16xf32>,
    %broadcast_in_dim3A_1486 = arith.constant 14 : i32
    %broadcast_in_dim3A_1487 = vector.broadcast %broadcast_in_dim3A_1486 : i32 to vector<16xi32>
    %gather3A_1488 = tpu.vector_load_idx %arg12[%add3A_1479, %broadcast_in_dim3A_1487] : memref<32x24xf32, #tpu.memory_space<vmem>>[vector<16xi32>, vector<16xi32>], vector<16xf32>,
    %add3A_1489 = arith.constant 9.99999993E-9 : f32
    %add3A_1490 = vector.broadcast %add3A_1489 : f32 to vector<16xf32>
    %add3A_1491 = arith.addf %gather3A_1482, %add3A_1490 : vector<16xf32>
    %add3A_1492 = arith.constant 9.99999993E-9 : f32
    %add3A_1493 = vector.broadcast %add3A_1492 : f32 to vector<16xf32>
    %add3A_1494 = arith.addf %gather3A_1485, %add3A_1493 : vector<16xf32>
    %add3A_1495 = arith.constant 9.99999993E-9 : f32
    %add3A_1496 = vector.broadcast %add3A_1495 : f32 to vector<16xf32>
    %add3A_1497 = arith.addf %gather3A_1488, %add3A_1496 : vector<16xf32>
    %mul3A_1498 = arith.mulf %add3A_1491, %add3A_1491 : vector<16xf32>
    %mul3A_1499 = arith.mulf %add3A_1494, %add3A_1494 : vector<16xf32>
    %add3A_1500 = arith.addf %mul3A_1498, %mul3A_1499 : vector<16xf32>
    %mul3A_1501 = arith.mulf %add3A_1497, %add3A_1497 : vector<16xf32>
    %add3A_1502 = arith.addf %add3A_1500, %mul3A_1501 : vector<16xf32>
    %broadcast_in_dim3A_1503 = arith.constant -1.26392073E-16 : f32
    %broadcast_in_dim3A_1504 = vector.broadcast %broadcast_in_dim3A_1503 : f32 to vector<16xf32>
    %mul3A_1505 = arith.mulf %broadcast_in_dim3A_1504, %add3A_1502 : vector<16xf32>
    %add3A_1506 = arith.constant 4.68123939E-14 : f32
    %add3A_1507 = vector.broadcast %add3A_1506 : f32 to vector<16xf32>
    %add3A_1508 = arith.addf %mul3A_1505, %add3A_1507 : vector<16xf32>
    %mul3A_1509 = arith.mulf %add3A_1508, %add3A_1502 : vector<16xf32>
    %add3A_1510 = arith.constant -1.14524328E-11 : f32
    %add3A_1511 = vector.broadcast %add3A_1510 : f32 to vector<16xf32>
    %add3A_1512 = arith.addf %mul3A_1509, %add3A_1511 : vector<16xf32>
    %mul3A_1513 = arith.mulf %add3A_1512, %add3A_1502 : vector<16xf32>
    %add3A_1514 = arith.constant 2.08746664E-9 : f32
    %add3A_1515 = vector.broadcast %add3A_1514 : f32 to vector<16xf32>
    %add3A_1516 = arith.addf %mul3A_1513, %add3A_1515 : vector<16xf32>
    %mul3A_1517 = arith.mulf %add3A_1516, %add3A_1502 : vector<16xf32>
    %add3A_1518 = arith.constant -2.75571693E-7 : f32
    %add3A_1519 = vector.broadcast %add3A_1518 : f32 to vector<16xf32>
    %add3A_1520 = arith.addf %mul3A_1517, %add3A_1519 : vector<16xf32>
    %mul3A_1521 = arith.mulf %add3A_1520, %add3A_1502 : vector<16xf32>
    %add3A_1522 = arith.constant 2.48015804E-5 : f32
    %add3A_1523 = vector.broadcast %add3A_1522 : f32 to vector<16xf32>
    %add3A_1524 = arith.addf %mul3A_1521, %add3A_1523 : vector<16xf32>
    %mul3A_1525 = arith.mulf %add3A_1524, %add3A_1502 : vector<16xf32>
    %add3A_1526 = arith.constant -0.00138888892 : f32
    %add3A_1527 = vector.broadcast %add3A_1526 : f32 to vector<16xf32>
    %add3A_1528 = arith.addf %mul3A_1525, %add3A_1527 : vector<16xf32>
    %mul3A_1529 = arith.mulf %add3A_1528, %add3A_1502 : vector<16xf32>
    %add3A_1530 = arith.constant 0.0416666679 : f32
    %add3A_1531 = vector.broadcast %add3A_1530 : f32 to vector<16xf32>
    %add3A_1532 = arith.addf %mul3A_1529, %add3A_1531 : vector<16xf32>
    %mul3A_1533 = arith.mulf %add3A_1532, %add3A_1502 : vector<16xf32>
    %add3A_1534 = arith.constant -5.000000e-01 : f32
    %add3A_1535 = vector.broadcast %add3A_1534 : f32 to vector<16xf32>
    %add3A_1536 = arith.addf %mul3A_1533, %add3A_1535 : vector<16xf32>
    %mul3A_1537 = arith.mulf %add3A_1536, %add3A_1502 : vector<16xf32>
    %add3A_1538 = arith.constant 1.000000e+00 : f32
    %add3A_1539 = vector.broadcast %add3A_1538 : f32 to vector<16xf32>
    %add3A_1540 = arith.addf %mul3A_1537, %add3A_1539 : vector<16xf32>
    %broadcast_in_dim3A_1541 = arith.constant -6.78928175E-18 : f32
    %broadcast_in_dim3A_1542 = vector.broadcast %broadcast_in_dim3A_1541 : f32 to vector<16xf32>
    %mul3A_1543 = arith.mulf %broadcast_in_dim3A_1542, %add3A_1502 : vector<16xf32>
    %add3A_1544 = arith.constant 2.7641205E-15 : f32
    %add3A_1545 = vector.broadcast %add3A_1544 : f32 to vector<16xf32>
    %add3A_1546 = arith.addf %mul3A_1543, %add3A_1545 : vector<16xf32>
    %mul3A_1547 = arith.mulf %add3A_1546, %add3A_1502 : vector<16xf32>
    %add3A_1548 = arith.constant -7.63832465E-13 : f32
    %add3A_1549 = vector.broadcast %add3A_1548 : f32 to vector<16xf32>
    %add3A_1550 = arith.addf %mul3A_1547, %add3A_1549 : vector<16xf32>
    %mul3A_1551 = arith.mulf %add3A_1550, %add3A_1502 : vector<16xf32>
    %add3A_1552 = arith.constant 1.60580341E-10 : f32
    %add3A_1553 = vector.broadcast %add3A_1552 : f32 to vector<16xf32>
    %add3A_1554 = arith.addf %mul3A_1551, %add3A_1553 : vector<16xf32>
    %mul3A_1555 = arith.mulf %add3A_1554, %add3A_1502 : vector<16xf32>
    %add3A_1556 = arith.constant -2.50520369E-8 : f32
    %add3A_1557 = vector.broadcast %add3A_1556 : f32 to vector<16xf32>
    %add3A_1558 = arith.addf %mul3A_1555, %add3A_1557 : vector<16xf32>
    %mul3A_1559 = arith.mulf %add3A_1558, %add3A_1502 : vector<16xf32>
    %add3A_1560 = arith.constant 2.75573166E-6 : f32
    %add3A_1561 = vector.broadcast %add3A_1560 : f32 to vector<16xf32>
    %add3A_1562 = arith.addf %mul3A_1559, %add3A_1561 : vector<16xf32>
    %mul3A_1563 = arith.mulf %add3A_1562, %add3A_1502 : vector<16xf32>
    %add3A_1564 = arith.constant -1.98412701E-4 : f32
    %add3A_1565 = vector.broadcast %add3A_1564 : f32 to vector<16xf32>
    %add3A_1566 = arith.addf %mul3A_1563, %add3A_1565 : vector<16xf32>
    %mul3A_1567 = arith.mulf %add3A_1566, %add3A_1502 : vector<16xf32>
    %add3A_1568 = arith.constant 0.00833333377 : f32
    %add3A_1569 = vector.broadcast %add3A_1568 : f32 to vector<16xf32>
    %add3A_1570 = arith.addf %mul3A_1567, %add3A_1569 : vector<16xf32>
    %mul3A_1571 = arith.mulf %add3A_1570, %add3A_1502 : vector<16xf32>
    %add3A_1572 = arith.constant -0.166666672 : f32
    %add3A_1573 = vector.broadcast %add3A_1572 : f32 to vector<16xf32>
    %add3A_1574 = arith.addf %mul3A_1571, %add3A_1573 : vector<16xf32>
    %mul3A_1575 = arith.mulf %add3A_1574, %add3A_1502 : vector<16xf32>
    %add3A_1576 = arith.constant 1.000000e+00 : f32
    %add3A_1577 = vector.broadcast %add3A_1576 : f32 to vector<16xf32>
    %add3A_1578 = arith.addf %mul3A_1575, %add3A_1577 : vector<16xf32>
    %broadcast_in_dim3A_1579 = arith.constant -3.45510317E-19 : f32
    %broadcast_in_dim3A_1580 = vector.broadcast %broadcast_in_dim3A_1579 : f32 to vector<16xf32>
    %mul3A_1581 = arith.mulf %broadcast_in_dim3A_1580, %add3A_1502 : vector<16xf32>
    %add3A_1582 = arith.constant 1.54019693E-16 : f32
    %add3A_1583 = vector.broadcast %add3A_1582 : f32 to vector<16xf32>
    %add3A_1584 = arith.addf %mul3A_1581, %add3A_1583 : vector<16xf32>
    %mul3A_1585 = arith.mulf %add3A_1584, %add3A_1502 : vector<16xf32>
    %add3A_1586 = arith.constant -4.77541387E-14 : f32
    %add3A_1587 = vector.broadcast %add3A_1586 : f32 to vector<16xf32>
    %add3A_1588 = arith.addf %mul3A_1585, %add3A_1587 : vector<16xf32>
    %mul3A_1589 = arith.mulf %add3A_1588, %add3A_1502 : vector<16xf32>
    %add3A_1590 = arith.constant 1.14702805E-11 : f32
    %add3A_1591 = vector.broadcast %add3A_1590 : f32 to vector<16xf32>
    %add3A_1592 = arith.addf %mul3A_1589, %add3A_1591 : vector<16xf32>
    %mul3A_1593 = arith.mulf %add3A_1592, %add3A_1502 : vector<16xf32>
    %add3A_1594 = arith.constant -2.08767226E-9 : f32
    %add3A_1595 = vector.broadcast %add3A_1594 : f32 to vector<16xf32>
    %add3A_1596 = arith.addf %mul3A_1593, %add3A_1595 : vector<16xf32>
    %mul3A_1597 = arith.mulf %add3A_1596, %add3A_1502 : vector<16xf32>
    %add3A_1598 = arith.constant 2.75573171E-7 : f32
    %add3A_1599 = vector.broadcast %add3A_1598 : f32 to vector<16xf32>
    %add3A_1600 = arith.addf %mul3A_1597, %add3A_1599 : vector<16xf32>
    %mul3A_1601 = arith.mulf %add3A_1600, %add3A_1502 : vector<16xf32>
    %add3A_1602 = arith.constant -2.48015876E-5 : f32
    %add3A_1603 = vector.broadcast %add3A_1602 : f32 to vector<16xf32>
    %add3A_1604 = arith.addf %mul3A_1601, %add3A_1603 : vector<16xf32>
    %mul3A_1605 = arith.mulf %add3A_1604, %add3A_1502 : vector<16xf32>
    %add3A_1606 = arith.constant 0.00138888892 : f32
    %add3A_1607 = vector.broadcast %add3A_1606 : f32 to vector<16xf32>
    %add3A_1608 = arith.addf %mul3A_1605, %add3A_1607 : vector<16xf32>
    %mul3A_1609 = arith.mulf %add3A_1608, %add3A_1502 : vector<16xf32>
    %add3A_1610 = arith.constant -0.0416666679 : f32
    %add3A_1611 = vector.broadcast %add3A_1610 : f32 to vector<16xf32>
    %add3A_1612 = arith.addf %mul3A_1609, %add3A_1611 : vector<16xf32>
    %mul3A_1613 = arith.mulf %add3A_1612, %add3A_1502 : vector<16xf32>
    %add3A_1614 = arith.constant 5.000000e-01 : f32
    %add3A_1615 = vector.broadcast %add3A_1614 : f32 to vector<16xf32>
    %add3A_1616 = arith.addf %mul3A_1613, %add3A_1615 : vector<16xf32>
    %mul3A_1617 = arith.mulf %add3A_1616, %gather3A_1482 : vector<16xf32>
    %mul3A_1618 = arith.mulf %mul3A_1617, %gather3A_1485 : vector<16xf32>
    %mul3A_1619 = arith.mulf %add3A_1616, %gather3A_1482 : vector<16xf32>
    %mul3A_1620 = arith.mulf %mul3A_1619, %gather3A_1488 : vector<16xf32>
    %mul3A_1621 = arith.mulf %add3A_1616, %gather3A_1485 : vector<16xf32>
    %mul3A_1622 = arith.mulf %mul3A_1621, %gather3A_1488 : vector<16xf32>
    %mul3A_1623 = arith.mulf %add3A_1578, %gather3A_1482 : vector<16xf32>
    %mul3A_1624 = arith.mulf %add3A_1578, %gather3A_1485 : vector<16xf32>
    %mul3A_1625 = arith.mulf %add3A_1578, %gather3A_1488 : vector<16xf32>
    %mul3A_1626 = arith.mulf %add3A_1616, %gather3A_1482 : vector<16xf32>
    %mul3A_1627 = arith.mulf %mul3A_1626, %gather3A_1482 : vector<16xf32>
    %add3A_1628 = arith.addf %add3A_1540, %mul3A_1627 : vector<16xf32>
    %sub3A_1629 = arith.subf %mul3A_1618, %mul3A_1625 : vector<16xf32>
    %add3A_1630 = arith.addf %mul3A_1620, %mul3A_1624 : vector<16xf32>
    %add3A_1631 = arith.addf %mul3A_1618, %mul3A_1625 : vector<16xf32>
    %mul3A_1632 = arith.mulf %add3A_1616, %gather3A_1485 : vector<16xf32>
    %mul3A_1633 = arith.mulf %mul3A_1632, %gather3A_1485 : vector<16xf32>
    %add3A_1634 = arith.addf %add3A_1540, %mul3A_1633 : vector<16xf32>
    %sub3A_1635 = arith.subf %mul3A_1622, %mul3A_1623 : vector<16xf32>
    %sub3A_1636 = arith.subf %mul3A_1620, %mul3A_1624 : vector<16xf32>
    %add3A_1637 = arith.addf %mul3A_1622, %mul3A_1623 : vector<16xf32>
    %mul3A_1638 = arith.mulf %add3A_1616, %gather3A_1488 : vector<16xf32>
    %mul3A_1639 = arith.mulf %mul3A_1638, %gather3A_1488 : vector<16xf32>
    %add3A_1640 = arith.addf %add3A_1540, %mul3A_1639 : vector<16xf32>
    %broadcast_in_dim3A_1641 = arith.constant 36 : i32
    %broadcast_in_dim3A_1642 = vector.broadcast %broadcast_in_dim3A_1641 : i32 to vector<16xi32>
    tpu.vector_store_idx %arg16[%add3A_1479, %broadcast_in_dim3A_1642], %add3A_1628 : memref<32x72xf32, #tpu.memory_space<vmem>>[vector<16xi32>, vector<16xi32>], vector<16xf32>,
    %broadcast_in_dim3A_1643 = arith.constant 37 : i32
    %broadcast_in_dim3A_1644 = vector.broadcast %broadcast_in_dim3A_1643 : i32 to vector<16xi32>
    tpu.vector_store_idx %arg16[%add3A_1479, %broadcast_in_dim3A_1644], %sub3A_1629 : memref<32x72xf32, #tpu.memory_space<vmem>>[vector<16xi32>, vector<16xi32>], vector<16xf32>,
    %broadcast_in_dim3A_1645 = arith.constant 38 : i32
    %broadcast_in_dim3A_1646 = vector.broadcast %broadcast_in_dim3A_1645 : i32 to vector<16xi32>
    tpu.vector_store_idx %arg16[%add3A_1479, %broadcast_in_dim3A_1646], %add3A_1630 : memref<32x72xf32, #tpu.memory_space<vmem>>[vector<16xi32>, vector<16xi32>], vector<16xf32>,
    %broadcast_in_dim3A_1647 = arith.constant 39 : i32
    %broadcast_in_dim3A_1648 = vector.broadcast %broadcast_in_dim3A_1647 : i32 to vector<16xi32>
    tpu.vector_store_idx %arg16[%add3A_1479, %broadcast_in_dim3A_1648], %add3A_1631 : memref<32x72xf32, #tpu.memory_space<vmem>>[vector<16xi32>, vector<16xi32>], vector<16xf32>,
    %broadcast_in_dim3A_1649 = arith.constant 40 : i32
    %broadcast_in_dim3A_1650 = vector.broadcast %broadcast_in_dim3A_1649 : i32 to vector<16xi32>
    tpu.vector_store_idx %arg16[%add3A_1479, %broadcast_in_dim3A_1650], %add3A_1634 : memref<32x72xf32, #tpu.memory_space<vmem>>[vector<16xi32>, vector<16xi32>], vector<16xf32>,
    %broadcast_in_dim3A_1651 = arith.constant 41 : i32
    %broadcast_in_dim3A_1652 = vector.broadcast %broadcast_in_dim3A_1651 : i32 to vector<16xi32>
    tpu.vector_store_idx %arg16[%add3A_1479, %broadcast_in_dim3A_1652], %sub3A_1635 : memref<32x72xf32, #tpu.memory_space<vmem>>[vector<16xi32>, vector<16xi32>], vector<16xf32>,
    %broadcast_in_dim3A_1653 = arith.constant 42 : i32
    %broadcast_in_dim3A_1654 = vector.broadcast %broadcast_in_dim3A_1653 : i32 to vector<16xi32>
    tpu.vector_store_idx %arg16[%add3A_1479, %broadcast_in_dim3A_1654], %sub3A_1636 : memref<32x72xf32, #tpu.memory_space<vmem>>[vector<16xi32>, vector<16xi32>], vector<16xf32>,
    %broadcast_in_dim3A_1655 = arith.constant 43 : i32
    %broadcast_in_dim3A_1656 = vector.broadcast %broadcast_in_dim3A_1655 : i32 to vector<16xi32>
    tpu.vector_store_idx %arg16[%add3A_1479, %broadcast_in_dim3A_1656], %add3A_1637 : memref<32x72xf32, #tpu.memory_space<vmem>>[vector<16xi32>, vector<16xi32>], vector<16xf32>,
    %broadcast_in_dim3A_1657 = arith.constant 44 : i32
    %broadcast_in_dim3A_1658 = vector.broadcast %broadcast_in_dim3A_1657 : i32 to vector<16xi32>
    tpu.vector_store_idx %arg16[%add3A_1479, %broadcast_in_dim3A_1658], %add3A_1640 : memref<32x72xf32, #tpu.memory_space<vmem>>[vector<16xi32>, vector<16xi32>], vector<16xf32>,
    %iota3A_1659 = tpu.iota {dimensions = array<i32: 0>} : vector<16xi32>
    %add3A_1660 = arith.constant 16 : i32
    %add3A_1661 = vector.broadcast %add3A_1660 : i32 to vector<16xi32>
    %add3A_1662 = arith.addi %iota3A_1659, %add3A_1661 : vector<16xi32>
    %broadcast_in_dim3A_1663 = arith.constant 12 : i32
    %broadcast_in_dim3A_1664 = vector.broadcast %broadcast_in_dim3A_1663 : i32 to vector<16xi32>
    %gather3A_1665 = tpu.vector_load_idx %arg12[%add3A_1662, %broadcast_in_dim3A_1664] : memref<32x24xf32, #tpu.memory_space<vmem>>[vector<16xi32>, vector<16xi32>], vector<16xf32>,
    %broadcast_in_dim3A_1666 = arith.constant 13 : i32
    %broadcast_in_dim3A_1667 = vector.broadcast %broadcast_in_dim3A_1666 : i32 to vector<16xi32>
    %gather3A_1668 = tpu.vector_load_idx %arg12[%add3A_1662, %broadcast_in_dim3A_1667] : memref<32x24xf32, #tpu.memory_space<vmem>>[vector<16xi32>, vector<16xi32>], vector<16xf32>,
    %broadcast_in_dim3A_1669 = arith.constant 14 : i32
    %broadcast_in_dim3A_1670 = vector.broadcast %broadcast_in_dim3A_1669 : i32 to vector<16xi32>
    %gather3A_1671 = tpu.vector_load_idx %arg12[%add3A_1662, %broadcast_in_dim3A_1670] : memref<32x24xf32, #tpu.memory_space<vmem>>[vector<16xi32>, vector<16xi32>], vector<16xf32>,
    %add3A_1672 = arith.constant 9.99999993E-9 : f32
    %add3A_1673 = vector.broadcast %add3A_1672 : f32 to vector<16xf32>
    %add3A_1674 = arith.addf %gather3A_1665, %add3A_1673 : vector<16xf32>
    %add3A_1675 = arith.constant 9.99999993E-9 : f32
    %add3A_1676 = vector.broadcast %add3A_1675 : f32 to vector<16xf32>
    %add3A_1677 = arith.addf %gather3A_1668, %add3A_1676 : vector<16xf32>
    %add3A_1678 = arith.constant 9.99999993E-9 : f32
    %add3A_1679 = vector.broadcast %add3A_1678 : f32 to vector<16xf32>
    %add3A_1680 = arith.addf %gather3A_1671, %add3A_1679 : vector<16xf32>
    %mul3A_1681 = arith.mulf %add3A_1674, %add3A_1674 : vector<16xf32>
    %mul3A_1682 = arith.mulf %add3A_1677, %add3A_1677 : vector<16xf32>
    %add3A_1683 = arith.addf %mul3A_1681, %mul3A_1682 : vector<16xf32>
    %mul3A_1684 = arith.mulf %add3A_1680, %add3A_1680 : vector<16xf32>
    %add3A_1685 = arith.addf %add3A_1683, %mul3A_1684 : vector<16xf32>
    %broadcast_in_dim3A_1686 = arith.constant -1.26392073E-16 : f32
    %broadcast_in_dim3A_1687 = vector.broadcast %broadcast_in_dim3A_1686 : f32 to vector<16xf32>
    %mul3A_1688 = arith.mulf %broadcast_in_dim3A_1687, %add3A_1685 : vector<16xf32>
    %add3A_1689 = arith.constant 4.68123939E-14 : f32
    %add3A_1690 = vector.broadcast %add3A_1689 : f32 to vector<16xf32>
    %add3A_1691 = arith.addf %mul3A_1688, %add3A_1690 : vector<16xf32>
    %mul3A_1692 = arith.mulf %add3A_1691, %add3A_1685 : vector<16xf32>
    %add3A_1693 = arith.constant -1.14524328E-11 : f32
    %add3A_1694 = vector.broadcast %add3A_1693 : f32 to vector<16xf32>
    %add3A_1695 = arith.addf %mul3A_1692, %add3A_1694 : vector<16xf32>
    %mul3A_1696 = arith.mulf %add3A_1695, %add3A_1685 : vector<16xf32>
    %add3A_1697 = arith.constant 2.08746664E-9 : f32
    %add3A_1698 = vector.broadcast %add3A_1697 : f32 to vector<16xf32>
    %add3A_1699 = arith.addf %mul3A_1696, %add3A_1698 : vector<16xf32>
    %mul3A_1700 = arith.mulf %add3A_1699, %add3A_1685 : vector<16xf32>
    %add3A_1701 = arith.constant -2.75571693E-7 : f32
    %add3A_1702 = vector.broadcast %add3A_1701 : f32 to vector<16xf32>
    %add3A_1703 = arith.addf %mul3A_1700, %add3A_1702 : vector<16xf32>
    %mul3A_1704 = arith.mulf %add3A_1703, %add3A_1685 : vector<16xf32>
    %add3A_1705 = arith.constant 2.48015804E-5 : f32
    %add3A_1706 = vector.broadcast %add3A_1705 : f32 to vector<16xf32>
    %add3A_1707 = arith.addf %mul3A_1704, %add3A_1706 : vector<16xf32>
    %mul3A_1708 = arith.mulf %add3A_1707, %add3A_1685 : vector<16xf32>
    %add3A_1709 = arith.constant -0.00138888892 : f32
    %add3A_1710 = vector.broadcast %add3A_1709 : f32 to vector<16xf32>
    %add3A_1711 = arith.addf %mul3A_1708, %add3A_1710 : vector<16xf32>
    %mul3A_1712 = arith.mulf %add3A_1711, %add3A_1685 : vector<16xf32>
    %add3A_1713 = arith.constant 0.0416666679 : f32
    %add3A_1714 = vector.broadcast %add3A_1713 : f32 to vector<16xf32>
    %add3A_1715 = arith.addf %mul3A_1712, %add3A_1714 : vector<16xf32>
    %mul3A_1716 = arith.mulf %add3A_1715, %add3A_1685 : vector<16xf32>
    %add3A_1717 = arith.constant -5.000000e-01 : f32
    %add3A_1718 = vector.broadcast %add3A_1717 : f32 to vector<16xf32>
    %add3A_1719 = arith.addf %mul3A_1716, %add3A_1718 : vector<16xf32>
    %mul3A_1720 = arith.mulf %add3A_1719, %add3A_1685 : vector<16xf32>
    %add3A_1721 = arith.constant 1.000000e+00 : f32
    %add3A_1722 = vector.broadcast %add3A_1721 : f32 to vector<16xf32>
    %add3A_1723 = arith.addf %mul3A_1720, %add3A_1722 : vector<16xf32>
    %broadcast_in_dim3A_1724 = arith.constant -6.78928175E-18 : f32
    %broadcast_in_dim3A_1725 = vector.broadcast %broadcast_in_dim3A_1724 : f32 to vector<16xf32>
    %mul3A_1726 = arith.mulf %broadcast_in_dim3A_1725, %add3A_1685 : vector<16xf32>
    %add3A_1727 = arith.constant 2.7641205E-15 : f32
    %add3A_1728 = vector.broadcast %add3A_1727 : f32 to vector<16xf32>
    %add3A_1729 = arith.addf %mul3A_1726, %add3A_1728 : vector<16xf32>
    %mul3A_1730 = arith.mulf %add3A_1729, %add3A_1685 : vector<16xf32>
    %add3A_1731 = arith.constant -7.63832465E-13 : f32
    %add3A_1732 = vector.broadcast %add3A_1731 : f32 to vector<16xf32>
    %add3A_1733 = arith.addf %mul3A_1730, %add3A_1732 : vector<16xf32>
    %mul3A_1734 = arith.mulf %add3A_1733, %add3A_1685 : vector<16xf32>
    %add3A_1735 = arith.constant 1.60580341E-10 : f32
    %add3A_1736 = vector.broadcast %add3A_1735 : f32 to vector<16xf32>
    %add3A_1737 = arith.addf %mul3A_1734, %add3A_1736 : vector<16xf32>
    %mul3A_1738 = arith.mulf %add3A_1737, %add3A_1685 : vector<16xf32>
    %add3A_1739 = arith.constant -2.50520369E-8 : f32
    %add3A_1740 = vector.broadcast %add3A_1739 : f32 to vector<16xf32>
    %add3A_1741 = arith.addf %mul3A_1738, %add3A_1740 : vector<16xf32>
    %mul3A_1742 = arith.mulf %add3A_1741, %add3A_1685 : vector<16xf32>
    %add3A_1743 = arith.constant 2.75573166E-6 : f32
    %add3A_1744 = vector.broadcast %add3A_1743 : f32 to vector<16xf32>
    %add3A_1745 = arith.addf %mul3A_1742, %add3A_1744 : vector<16xf32>
    %mul3A_1746 = arith.mulf %add3A_1745, %add3A_1685 : vector<16xf32>
    %add3A_1747 = arith.constant -1.98412701E-4 : f32
    %add3A_1748 = vector.broadcast %add3A_1747 : f32 to vector<16xf32>
    %add3A_1749 = arith.addf %mul3A_1746, %add3A_1748 : vector<16xf32>
    %mul3A_1750 = arith.mulf %add3A_1749, %add3A_1685 : vector<16xf32>
    %add3A_1751 = arith.constant 0.00833333377 : f32
    %add3A_1752 = vector.broadcast %add3A_1751 : f32 to vector<16xf32>
    %add3A_1753 = arith.addf %mul3A_1750, %add3A_1752 : vector<16xf32>
    %mul3A_1754 = arith.mulf %add3A_1753, %add3A_1685 : vector<16xf32>
    %add3A_1755 = arith.constant -0.166666672 : f32
    %add3A_1756 = vector.broadcast %add3A_1755 : f32 to vector<16xf32>
    %add3A_1757 = arith.addf %mul3A_1754, %add3A_1756 : vector<16xf32>
    %mul3A_1758 = arith.mulf %add3A_1757, %add3A_1685 : vector<16xf32>
    %add3A_1759 = arith.constant 1.000000e+00 : f32
    %add3A_1760 = vector.broadcast %add3A_1759 : f32 to vector<16xf32>
    %add3A_1761 = arith.addf %mul3A_1758, %add3A_1760 : vector<16xf32>
    %broadcast_in_dim3A_1762 = arith.constant -3.45510317E-19 : f32
    %broadcast_in_dim3A_1763 = vector.broadcast %broadcast_in_dim3A_1762 : f32 to vector<16xf32>
    %mul3A_1764 = arith.mulf %broadcast_in_dim3A_1763, %add3A_1685 : vector<16xf32>
    %add3A_1765 = arith.constant 1.54019693E-16 : f32
    %add3A_1766 = vector.broadcast %add3A_1765 : f32 to vector<16xf32>
    %add3A_1767 = arith.addf %mul3A_1764, %add3A_1766 : vector<16xf32>
    %mul3A_1768 = arith.mulf %add3A_1767, %add3A_1685 : vector<16xf32>
    %add3A_1769 = arith.constant -4.77541387E-14 : f32
    %add3A_1770 = vector.broadcast %add3A_1769 : f32 to vector<16xf32>
    %add3A_1771 = arith.addf %mul3A_1768, %add3A_1770 : vector<16xf32>
    %mul3A_1772 = arith.mulf %add3A_1771, %add3A_1685 : vector<16xf32>
    %add3A_1773 = arith.constant 1.14702805E-11 : f32
    %add3A_1774 = vector.broadcast %add3A_1773 : f32 to vector<16xf32>
    %add3A_1775 = arith.addf %mul3A_1772, %add3A_1774 : vector<16xf32>
    %mul3A_1776 = arith.mulf %add3A_1775, %add3A_1685 : vector<16xf32>
    %add3A_1777 = arith.constant -2.08767226E-9 : f32
    %add3A_1778 = vector.broadcast %add3A_1777 : f32 to vector<16xf32>
    %add3A_1779 = arith.addf %mul3A_1776, %add3A_1778 : vector<16xf32>
    %mul3A_1780 = arith.mulf %add3A_1779, %add3A_1685 : vector<16xf32>
    %add3A_1781 = arith.constant 2.75573171E-7 : f32
    %add3A_1782 = vector.broadcast %add3A_1781 : f32 to vector<16xf32>
    %add3A_1783 = arith.addf %mul3A_1780, %add3A_1782 : vector<16xf32>
    %mul3A_1784 = arith.mulf %add3A_1783, %add3A_1685 : vector<16xf32>
    %add3A_1785 = arith.constant -2.48015876E-5 : f32
    %add3A_1786 = vector.broadcast %add3A_1785 : f32 to vector<16xf32>
    %add3A_1787 = arith.addf %mul3A_1784, %add3A_1786 : vector<16xf32>
    %mul3A_1788 = arith.mulf %add3A_1787, %add3A_1685 : vector<16xf32>
    %add3A_1789 = arith.constant 0.00138888892 : f32
    %add3A_1790 = vector.broadcast %add3A_1789 : f32 to vector<16xf32>
    %add3A_1791 = arith.addf %mul3A_1788, %add3A_1790 : vector<16xf32>
    %mul3A_1792 = arith.mulf %add3A_1791, %add3A_1685 : vector<16xf32>
    %add3A_1793 = arith.constant -0.0416666679 : f32
    %add3A_1794 = vector.broadcast %add3A_1793 : f32 to vector<16xf32>
    %add3A_1795 = arith.addf %mul3A_1792, %add3A_1794 : vector<16xf32>
    %mul3A_1796 = arith.mulf %add3A_1795, %add3A_1685 : vector<16xf32>
    %add3A_1797 = arith.constant 5.000000e-01 : f32
    %add3A_1798 = vector.broadcast %add3A_1797 : f32 to vector<16xf32>
    %add3A_1799 = arith.addf %mul3A_1796, %add3A_1798 : vector<16xf32>
    %mul3A_1800 = arith.mulf %add3A_1799, %gather3A_1665 : vector<16xf32>
    %mul3A_1801 = arith.mulf %mul3A_1800, %gather3A_1668 : vector<16xf32>
    %mul3A_1802 = arith.mulf %add3A_1799, %gather3A_1665 : vector<16xf32>
    %mul3A_1803 = arith.mulf %mul3A_1802, %gather3A_1671 : vector<16xf32>
    %mul3A_1804 = arith.mulf %add3A_1799, %gather3A_1668 : vector<16xf32>
    %mul3A_1805 = arith.mulf %mul3A_1804, %gather3A_1671 : vector<16xf32>
    %mul3A_1806 = arith.mulf %add3A_1761, %gather3A_1665 : vector<16xf32>
    %mul3A_1807 = arith.mulf %add3A_1761, %gather3A_1668 : vector<16xf32>
    %mul3A_1808 = arith.mulf %add3A_1761, %gather3A_1671 : vector<16xf32>
    %mul3A_1809 = arith.mulf %add3A_1799, %gather3A_1665 : vector<16xf32>
    %mul3A_1810 = arith.mulf %mul3A_1809, %gather3A_1665 : vector<16xf32>
    %add3A_1811 = arith.addf %add3A_1723, %mul3A_1810 : vector<16xf32>
    %sub3A_1812 = arith.subf %mul3A_1801, %mul3A_1808 : vector<16xf32>
    %add3A_1813 = arith.addf %mul3A_1803, %mul3A_1807 : vector<16xf32>
    %add3A_1814 = arith.addf %mul3A_1801, %mul3A_1808 : vector<16xf32>
    %mul3A_1815 = arith.mulf %add3A_1799, %gather3A_1668 : vector<16xf32>
    %mul3A_1816 = arith.mulf %mul3A_1815, %gather3A_1668 : vector<16xf32>
    %add3A_1817 = arith.addf %add3A_1723, %mul3A_1816 : vector<16xf32>
    %sub3A_1818 = arith.subf %mul3A_1805, %mul3A_1806 : vector<16xf32>
    %sub3A_1819 = arith.subf %mul3A_1803, %mul3A_1807 : vector<16xf32>
    %add3A_1820 = arith.addf %mul3A_1805, %mul3A_1806 : vector<16xf32>
    %mul3A_1821 = arith.mulf %add3A_1799, %gather3A_1671 : vector<16xf32>
    %mul3A_1822 = arith.mulf %mul3A_1821, %gather3A_1671 : vector<16xf32>
    %add3A_1823 = arith.addf %add3A_1723, %mul3A_1822 : vector<16xf32>
    %broadcast_in_dim3A_1824 = arith.constant 36 : i32
    %broadcast_in_dim3A_1825 = vector.broadcast %broadcast_in_dim3A_1824 : i32 to vector<16xi32>
    tpu.vector_store_idx %arg16[%add3A_1662, %broadcast_in_dim3A_1825], %add3A_1811 : memref<32x72xf32, #tpu.memory_space<vmem>>[vector<16xi32>, vector<16xi32>], vector<16xf32>,
    %broadcast_in_dim3A_1826 = arith.constant 37 : i32
    %broadcast_in_dim3A_1827 = vector.broadcast %broadcast_in_dim3A_1826 : i32 to vector<16xi32>
    tpu.vector_store_idx %arg16[%add3A_1662, %broadcast_in_dim3A_1827], %sub3A_1812 : memref<32x72xf32, #tpu.memory_space<vmem>>[vector<16xi32>, vector<16xi32>], vector<16xf32>,
    %broadcast_in_dim3A_1828 = arith.constant 38 : i32
    %broadcast_in_dim3A_1829 = vector.broadcast %broadcast_in_dim3A_1828 : i32 to vector<16xi32>
    tpu.vector_store_idx %arg16[%add3A_1662, %broadcast_in_dim3A_1829], %add3A_1813 : memref<32x72xf32, #tpu.memory_space<vmem>>[vector<16xi32>, vector<16xi32>], vector<16xf32>,
    %broadcast_in_dim3A_1830 = arith.constant 39 : i32
    %broadcast_in_dim3A_1831 = vector.broadcast %broadcast_in_dim3A_1830 : i32 to vector<16xi32>
    tpu.vector_store_idx %arg16[%add3A_1662, %broadcast_in_dim3A_1831], %add3A_1814 : memref<32x72xf32, #tpu.memory_space<vmem>>[vector<16xi32>, vector<16xi32>], vector<16xf32>,
    %broadcast_in_dim3A_1832 = arith.constant 40 : i32
    %broadcast_in_dim3A_1833 = vector.broadcast %broadcast_in_dim3A_1832 : i32 to vector<16xi32>
    tpu.vector_store_idx %arg16[%add3A_1662, %broadcast_in_dim3A_1833], %add3A_1817 : memref<32x72xf32, #tpu.memory_space<vmem>>[vector<16xi32>, vector<16xi32>], vector<16xf32>,
    %broadcast_in_dim3A_1834 = arith.constant 41 : i32
    %broadcast_in_dim3A_1835 = vector.broadcast %broadcast_in_dim3A_1834 : i32 to vector<16xi32>
    tpu.vector_store_idx %arg16[%add3A_1662, %broadcast_in_dim3A_1835], %sub3A_1818 : memref<32x72xf32, #tpu.memory_space<vmem>>[vector<16xi32>, vector<16xi32>], vector<16xf32>,
    %broadcast_in_dim3A_1836 = arith.constant 42 : i32
    %broadcast_in_dim3A_1837 = vector.broadcast %broadcast_in_dim3A_1836 : i32 to vector<16xi32>
    tpu.vector_store_idx %arg16[%add3A_1662, %broadcast_in_dim3A_1837], %sub3A_1819 : memref<32x72xf32, #tpu.memory_space<vmem>>[vector<16xi32>, vector<16xi32>], vector<16xf32>,
    %broadcast_in_dim3A_1838 = arith.constant 43 : i32
    %broadcast_in_dim3A_1839 = vector.broadcast %broadcast_in_dim3A_1838 : i32 to vector<16xi32>
    tpu.vector_store_idx %arg16[%add3A_1662, %broadcast_in_dim3A_1839], %add3A_1820 : memref<32x72xf32, #tpu.memory_space<vmem>>[vector<16xi32>, vector<16xi32>], vector<16xf32>,
    %broadcast_in_dim3A_1840 = arith.constant 44 : i32
    %broadcast_in_dim3A_1841 = vector.broadcast %broadcast_in_dim3A_1840 : i32 to vector<16xi32>
    tpu.vector_store_idx %arg16[%add3A_1662, %broadcast_in_dim3A_1841], %add3A_1823 : memref<32x72xf32, #tpu.memory_space<vmem>>[vector<16xi32>, vector<16xi32>], vector<16xf32>,
    %iota3A_1842 = tpu.iota {dimensions = array<i32: 0>} : vector<16xi32>
    %add3A_1843 = arith.constant 0 : i32
    %add3A_1844 = vector.broadcast %add3A_1843 : i32 to vector<16xi32>
    %add3A_1845 = arith.addi %iota3A_1842, %add3A_1844 : vector<16xi32>
    %broadcast_in_dim3A_1846 = arith.constant 15 : i32
    %broadcast_in_dim3A_1847 = vector.broadcast %broadcast_in_dim3A_1846 : i32 to vector<16xi32>
    %gather3A_1848 = tpu.vector_load_idx %arg12[%add3A_1845, %broadcast_in_dim3A_1847] : memref<32x24xf32, #tpu.memory_space<vmem>>[vector<16xi32>, vector<16xi32>], vector<16xf32>,
    %broadcast_in_dim3A_1849 = arith.constant 16 : i32
    %broadcast_in_dim3A_1850 = vector.broadcast %broadcast_in_dim3A_1849 : i32 to vector<16xi32>
    %gather3A_1851 = tpu.vector_load_idx %arg12[%add3A_1845, %broadcast_in_dim3A_1850] : memref<32x24xf32, #tpu.memory_space<vmem>>[vector<16xi32>, vector<16xi32>], vector<16xf32>,
    %broadcast_in_dim3A_1852 = arith.constant 17 : i32
    %broadcast_in_dim3A_1853 = vector.broadcast %broadcast_in_dim3A_1852 : i32 to vector<16xi32>
    %gather3A_1854 = tpu.vector_load_idx %arg12[%add3A_1845, %broadcast_in_dim3A_1853] : memref<32x24xf32, #tpu.memory_space<vmem>>[vector<16xi32>, vector<16xi32>], vector<16xf32>,
    %add3A_1855 = arith.constant 9.99999993E-9 : f32
    %add3A_1856 = vector.broadcast %add3A_1855 : f32 to vector<16xf32>
    %add3A_1857 = arith.addf %gather3A_1848, %add3A_1856 : vector<16xf32>
    %add3A_1858 = arith.constant 9.99999993E-9 : f32
    %add3A_1859 = vector.broadcast %add3A_1858 : f32 to vector<16xf32>
    %add3A_1860 = arith.addf %gather3A_1851, %add3A_1859 : vector<16xf32>
    %add3A_1861 = arith.constant 9.99999993E-9 : f32
    %add3A_1862 = vector.broadcast %add3A_1861 : f32 to vector<16xf32>
    %add3A_1863 = arith.addf %gather3A_1854, %add3A_1862 : vector<16xf32>
    %mul3A_1864 = arith.mulf %add3A_1857, %add3A_1857 : vector<16xf32>
    %mul3A_1865 = arith.mulf %add3A_1860, %add3A_1860 : vector<16xf32>
    %add3A_1866 = arith.addf %mul3A_1864, %mul3A_1865 : vector<16xf32>
    %mul3A_1867 = arith.mulf %add3A_1863, %add3A_1863 : vector<16xf32>
    %add3A_1868 = arith.addf %add3A_1866, %mul3A_1867 : vector<16xf32>
    %broadcast_in_dim3A_1869 = arith.constant -1.26392073E-16 : f32
    %broadcast_in_dim3A_1870 = vector.broadcast %broadcast_in_dim3A_1869 : f32 to vector<16xf32>
    %mul3A_1871 = arith.mulf %broadcast_in_dim3A_1870, %add3A_1868 : vector<16xf32>
    %add3A_1872 = arith.constant 4.68123939E-14 : f32
    %add3A_1873 = vector.broadcast %add3A_1872 : f32 to vector<16xf32>
    %add3A_1874 = arith.addf %mul3A_1871, %add3A_1873 : vector<16xf32>
    %mul3A_1875 = arith.mulf %add3A_1874, %add3A_1868 : vector<16xf32>
    %add3A_1876 = arith.constant -1.14524328E-11 : f32
    %add3A_1877 = vector.broadcast %add3A_1876 : f32 to vector<16xf32>
    %add3A_1878 = arith.addf %mul3A_1875, %add3A_1877 : vector<16xf32>
    %mul3A_1879 = arith.mulf %add3A_1878, %add3A_1868 : vector<16xf32>
    %add3A_1880 = arith.constant 2.08746664E-9 : f32
    %add3A_1881 = vector.broadcast %add3A_1880 : f32 to vector<16xf32>
    %add3A_1882 = arith.addf %mul3A_1879, %add3A_1881 : vector<16xf32>
    %mul3A_1883 = arith.mulf %add3A_1882, %add3A_1868 : vector<16xf32>
    %add3A_1884 = arith.constant -2.75571693E-7 : f32
    %add3A_1885 = vector.broadcast %add3A_1884 : f32 to vector<16xf32>
    %add3A_1886 = arith.addf %mul3A_1883, %add3A_1885 : vector<16xf32>
    %mul3A_1887 = arith.mulf %add3A_1886, %add3A_1868 : vector<16xf32>
    %add3A_1888 = arith.constant 2.48015804E-5 : f32
    %add3A_1889 = vector.broadcast %add3A_1888 : f32 to vector<16xf32>
    %add3A_1890 = arith.addf %mul3A_1887, %add3A_1889 : vector<16xf32>
    %mul3A_1891 = arith.mulf %add3A_1890, %add3A_1868 : vector<16xf32>
    %add3A_1892 = arith.constant -0.00138888892 : f32
    %add3A_1893 = vector.broadcast %add3A_1892 : f32 to vector<16xf32>
    %add3A_1894 = arith.addf %mul3A_1891, %add3A_1893 : vector<16xf32>
    %mul3A_1895 = arith.mulf %add3A_1894, %add3A_1868 : vector<16xf32>
    %add3A_1896 = arith.constant 0.0416666679 : f32
    %add3A_1897 = vector.broadcast %add3A_1896 : f32 to vector<16xf32>
    %add3A_1898 = arith.addf %mul3A_1895, %add3A_1897 : vector<16xf32>
    %mul3A_1899 = arith.mulf %add3A_1898, %add3A_1868 : vector<16xf32>
    %add3A_1900 = arith.constant -5.000000e-01 : f32
    %add3A_1901 = vector.broadcast %add3A_1900 : f32 to vector<16xf32>
    %add3A_1902 = arith.addf %mul3A_1899, %add3A_1901 : vector<16xf32>
    %mul3A_1903 = arith.mulf %add3A_1902, %add3A_1868 : vector<16xf32>
    %add3A_1904 = arith.constant 1.000000e+00 : f32
    %add3A_1905 = vector.broadcast %add3A_1904 : f32 to vector<16xf32>
    %add3A_1906 = arith.addf %mul3A_1903, %add3A_1905 : vector<16xf32>
    %broadcast_in_dim3A_1907 = arith.constant -6.78928175E-18 : f32
    %broadcast_in_dim3A_1908 = vector.broadcast %broadcast_in_dim3A_1907 : f32 to vector<16xf32>
    %mul3A_1909 = arith.mulf %broadcast_in_dim3A_1908, %add3A_1868 : vector<16xf32>
    %add3A_1910 = arith.constant 2.7641205E-15 : f32
    %add3A_1911 = vector.broadcast %add3A_1910 : f32 to vector<16xf32>
    %add3A_1912 = arith.addf %mul3A_1909, %add3A_1911 : vector<16xf32>
    %mul3A_1913 = arith.mulf %add3A_1912, %add3A_1868 : vector<16xf32>
    %add3A_1914 = arith.constant -7.63832465E-13 : f32
    %add3A_1915 = vector.broadcast %add3A_1914 : f32 to vector<16xf32>
    %add3A_1916 = arith.addf %mul3A_1913, %add3A_1915 : vector<16xf32>
    %mul3A_1917 = arith.mulf %add3A_1916, %add3A_1868 : vector<16xf32>
    %add3A_1918 = arith.constant 1.60580341E-10 : f32
    %add3A_1919 = vector.broadcast %add3A_1918 : f32 to vector<16xf32>
    %add3A_1920 = arith.addf %mul3A_1917, %add3A_1919 : vector<16xf32>
    %mul3A_1921 = arith.mulf %add3A_1920, %add3A_1868 : vector<16xf32>
    %add3A_1922 = arith.constant -2.50520369E-8 : f32
    %add3A_1923 = vector.broadcast %add3A_1922 : f32 to vector<16xf32>
    %add3A_1924 = arith.addf %mul3A_1921, %add3A_1923 : vector<16xf32>
    %mul3A_1925 = arith.mulf %add3A_1924, %add3A_1868 : vector<16xf32>
    %add3A_1926 = arith.constant 2.75573166E-6 : f32
    %add3A_1927 = vector.broadcast %add3A_1926 : f32 to vector<16xf32>
    %add3A_1928 = arith.addf %mul3A_1925, %add3A_1927 : vector<16xf32>
    %mul3A_1929 = arith.mulf %add3A_1928, %add3A_1868 : vector<16xf32>
    %add3A_1930 = arith.constant -1.98412701E-4 : f32
    %add3A_1931 = vector.broadcast %add3A_1930 : f32 to vector<16xf32>
    %add3A_1932 = arith.addf %mul3A_1929, %add3A_1931 : vector<16xf32>
    %mul3A_1933 = arith.mulf %add3A_1932, %add3A_1868 : vector<16xf32>
    %add3A_1934 = arith.constant 0.00833333377 : f32
    %add3A_1935 = vector.broadcast %add3A_1934 : f32 to vector<16xf32>
    %add3A_1936 = arith.addf %mul3A_1933, %add3A_1935 : vector<16xf32>
    %mul3A_1937 = arith.mulf %add3A_1936, %add3A_1868 : vector<16xf32>
    %add3A_1938 = arith.constant -0.166666672 : f32
    %add3A_1939 = vector.broadcast %add3A_1938 : f32 to vector<16xf32>
    %add3A_1940 = arith.addf %mul3A_1937, %add3A_1939 : vector<16xf32>
    %mul3A_1941 = arith.mulf %add3A_1940, %add3A_1868 : vector<16xf32>
    %add3A_1942 = arith.constant 1.000000e+00 : f32
    %add3A_1943 = vector.broadcast %add3A_1942 : f32 to vector<16xf32>
    %add3A_1944 = arith.addf %mul3A_1941, %add3A_1943 : vector<16xf32>
    %broadcast_in_dim3A_1945 = arith.constant -3.45510317E-19 : f32
    %broadcast_in_dim3A_1946 = vector.broadcast %broadcast_in_dim3A_1945 : f32 to vector<16xf32>
    %mul3A_1947 = arith.mulf %broadcast_in_dim3A_1946, %add3A_1868 : vector<16xf32>
    %add3A_1948 = arith.constant 1.54019693E-16 : f32
    %add3A_1949 = vector.broadcast %add3A_1948 : f32 to vector<16xf32>
    %add3A_1950 = arith.addf %mul3A_1947, %add3A_1949 : vector<16xf32>
    %mul3A_1951 = arith.mulf %add3A_1950, %add3A_1868 : vector<16xf32>
    %add3A_1952 = arith.constant -4.77541387E-14 : f32
    %add3A_1953 = vector.broadcast %add3A_1952 : f32 to vector<16xf32>
    %add3A_1954 = arith.addf %mul3A_1951, %add3A_1953 : vector<16xf32>
    %mul3A_1955 = arith.mulf %add3A_1954, %add3A_1868 : vector<16xf32>
    %add3A_1956 = arith.constant 1.14702805E-11 : f32
    %add3A_1957 = vector.broadcast %add3A_1956 : f32 to vector<16xf32>
    %add3A_1958 = arith.addf %mul3A_1955, %add3A_1957 : vector<16xf32>
    %mul3A_1959 = arith.mulf %add3A_1958, %add3A_1868 : vector<16xf32>
    %add3A_1960 = arith.constant -2.08767226E-9 : f32
    %add3A_1961 = vector.broadcast %add3A_1960 : f32 to vector<16xf32>
    %add3A_1962 = arith.addf %mul3A_1959, %add3A_1961 : vector<16xf32>
    %mul3A_1963 = arith.mulf %add3A_1962, %add3A_1868 : vector<16xf32>
    %add3A_1964 = arith.constant 2.75573171E-7 : f32
    %add3A_1965 = vector.broadcast %add3A_1964 : f32 to vector<16xf32>
    %add3A_1966 = arith.addf %mul3A_1963, %add3A_1965 : vector<16xf32>
    %mul3A_1967 = arith.mulf %add3A_1966, %add3A_1868 : vector<16xf32>
    %add3A_1968 = arith.constant -2.48015876E-5 : f32
    %add3A_1969 = vector.broadcast %add3A_1968 : f32 to vector<16xf32>
    %add3A_1970 = arith.addf %mul3A_1967, %add3A_1969 : vector<16xf32>
    %mul3A_1971 = arith.mulf %add3A_1970, %add3A_1868 : vector<16xf32>
    %add3A_1972 = arith.constant 0.00138888892 : f32
    %add3A_1973 = vector.broadcast %add3A_1972 : f32 to vector<16xf32>
    %add3A_1974 = arith.addf %mul3A_1971, %add3A_1973 : vector<16xf32>
    %mul3A_1975 = arith.mulf %add3A_1974, %add3A_1868 : vector<16xf32>
    %add3A_1976 = arith.constant -0.0416666679 : f32
    %add3A_1977 = vector.broadcast %add3A_1976 : f32 to vector<16xf32>
    %add3A_1978 = arith.addf %mul3A_1975, %add3A_1977 : vector<16xf32>
    %mul3A_1979 = arith.mulf %add3A_1978, %add3A_1868 : vector<16xf32>
    %add3A_1980 = arith.constant 5.000000e-01 : f32
    %add3A_1981 = vector.broadcast %add3A_1980 : f32 to vector<16xf32>
    %add3A_1982 = arith.addf %mul3A_1979, %add3A_1981 : vector<16xf32>
    %mul3A_1983 = arith.mulf %add3A_1982, %gather3A_1848 : vector<16xf32>
    %mul3A_1984 = arith.mulf %mul3A_1983, %gather3A_1851 : vector<16xf32>
    %mul3A_1985 = arith.mulf %add3A_1982, %gather3A_1848 : vector<16xf32>
    %mul3A_1986 = arith.mulf %mul3A_1985, %gather3A_1854 : vector<16xf32>
    %mul3A_1987 = arith.mulf %add3A_1982, %gather3A_1851 : vector<16xf32>
    %mul3A_1988 = arith.mulf %mul3A_1987, %gather3A_1854 : vector<16xf32>
    %mul3A_1989 = arith.mulf %add3A_1944, %gather3A_1848 : vector<16xf32>
    %mul3A_1990 = arith.mulf %add3A_1944, %gather3A_1851 : vector<16xf32>
    %mul3A_1991 = arith.mulf %add3A_1944, %gather3A_1854 : vector<16xf32>
    %mul3A_1992 = arith.mulf %add3A_1982, %gather3A_1848 : vector<16xf32>
    %mul3A_1993 = arith.mulf %mul3A_1992, %gather3A_1848 : vector<16xf32>
    %add3A_1994 = arith.addf %add3A_1906, %mul3A_1993 : vector<16xf32>
    %sub3A_1995 = arith.subf %mul3A_1984, %mul3A_1991 : vector<16xf32>
    %add3A_1996 = arith.addf %mul3A_1986, %mul3A_1990 : vector<16xf32>
    %add3A_1997 = arith.addf %mul3A_1984, %mul3A_1991 : vector<16xf32>
    %mul3A_1998 = arith.mulf %add3A_1982, %gather3A_1851 : vector<16xf32>
    %mul3A_1999 = arith.mulf %mul3A_1998, %gather3A_1851 : vector<16xf32>
    %add3A_2000 = arith.addf %add3A_1906, %mul3A_1999 : vector<16xf32>
    %sub3A_2001 = arith.subf %mul3A_1988, %mul3A_1989 : vector<16xf32>
    %sub3A_2002 = arith.subf %mul3A_1986, %mul3A_1990 : vector<16xf32>
    %add3A_2003 = arith.addf %mul3A_1988, %mul3A_1989 : vector<16xf32>
    %mul3A_2004 = arith.mulf %add3A_1982, %gather3A_1854 : vector<16xf32>
    %mul3A_2005 = arith.mulf %mul3A_2004, %gather3A_1854 : vector<16xf32>
    %add3A_2006 = arith.addf %add3A_1906, %mul3A_2005 : vector<16xf32>
    %broadcast_in_dim3A_2007 = arith.constant 45 : i32
    %broadcast_in_dim3A_2008 = vector.broadcast %broadcast_in_dim3A_2007 : i32 to vector<16xi32>
    tpu.vector_store_idx %arg16[%add3A_1845, %broadcast_in_dim3A_2008], %add3A_1994 : memref<32x72xf32, #tpu.memory_space<vmem>>[vector<16xi32>, vector<16xi32>], vector<16xf32>,
    %broadcast_in_dim3A_2009 = arith.constant 46 : i32
    %broadcast_in_dim3A_2010 = vector.broadcast %broadcast_in_dim3A_2009 : i32 to vector<16xi32>
    tpu.vector_store_idx %arg16[%add3A_1845, %broadcast_in_dim3A_2010], %sub3A_1995 : memref<32x72xf32, #tpu.memory_space<vmem>>[vector<16xi32>, vector<16xi32>], vector<16xf32>,
    %broadcast_in_dim3A_2011 = arith.constant 47 : i32
    %broadcast_in_dim3A_2012 = vector.broadcast %broadcast_in_dim3A_2011 : i32 to vector<16xi32>
    tpu.vector_store_idx %arg16[%add3A_1845, %broadcast_in_dim3A_2012], %add3A_1996 : memref<32x72xf32, #tpu.memory_space<vmem>>[vector<16xi32>, vector<16xi32>], vector<16xf32>,
    %broadcast_in_dim3A_2013 = arith.constant 48 : i32
    %broadcast_in_dim3A_2014 = vector.broadcast %broadcast_in_dim3A_2013 : i32 to vector<16xi32>
    tpu.vector_store_idx %arg16[%add3A_1845, %broadcast_in_dim3A_2014], %add3A_1997 : memref<32x72xf32, #tpu.memory_space<vmem>>[vector<16xi32>, vector<16xi32>], vector<16xf32>,
    %broadcast_in_dim3A_2015 = arith.constant 49 : i32
    %broadcast_in_dim3A_2016 = vector.broadcast %broadcast_in_dim3A_2015 : i32 to vector<16xi32>
    tpu.vector_store_idx %arg16[%add3A_1845, %broadcast_in_dim3A_2016], %add3A_2000 : memref<32x72xf32, #tpu.memory_space<vmem>>[vector<16xi32>, vector<16xi32>], vector<16xf32>,
    %broadcast_in_dim3A_2017 = arith.constant 50 : i32
    %broadcast_in_dim3A_2018 = vector.broadcast %broadcast_in_dim3A_2017 : i32 to vector<16xi32>
    tpu.vector_store_idx %arg16[%add3A_1845, %broadcast_in_dim3A_2018], %sub3A_2001 : memref<32x72xf32, #tpu.memory_space<vmem>>[vector<16xi32>, vector<16xi32>], vector<16xf32>,
    %broadcast_in_dim3A_2019 = arith.constant 51 : i32
    %broadcast_in_dim3A_2020 = vector.broadcast %broadcast_in_dim3A_2019 : i32 to vector<16xi32>
    tpu.vector_store_idx %arg16[%add3A_1845, %broadcast_in_dim3A_2020], %sub3A_2002 : memref<32x72xf32, #tpu.memory_space<vmem>>[vector<16xi32>, vector<16xi32>], vector<16xf32>,
    %broadcast_in_dim3A_2021 = arith.constant 52 : i32
    %broadcast_in_dim3A_2022 = vector.broadcast %broadcast_in_dim3A_2021 : i32 to vector<16xi32>
    tpu.vector_store_idx %arg16[%add3A_1845, %broadcast_in_dim3A_2022], %add3A_2003 : memref<32x72xf32, #tpu.memory_space<vmem>>[vector<16xi32>, vector<16xi32>], vector<16xf32>,
    %broadcast_in_dim3A_2023 = arith.constant 53 : i32
    %broadcast_in_dim3A_2024 = vector.broadcast %broadcast_in_dim3A_2023 : i32 to vector<16xi32>
    tpu.vector_store_idx %arg16[%add3A_1845, %broadcast_in_dim3A_2024], %add3A_2006 : memref<32x72xf32, #tpu.memory_space<vmem>>[vector<16xi32>, vector<16xi32>], vector<16xf32>,
    %iota3A_2025 = tpu.iota {dimensions = array<i32: 0>} : vector<16xi32>
    %add3A_2026 = arith.constant 16 : i32
    %add3A_2027 = vector.broadcast %add3A_2026 : i32 to vector<16xi32>
    %add3A_2028 = arith.addi %iota3A_2025, %add3A_2027 : vector<16xi32>
    %broadcast_in_dim3A_2029 = arith.constant 15 : i32
    %broadcast_in_dim3A_2030 = vector.broadcast %broadcast_in_dim3A_2029 : i32 to vector<16xi32>
    %gather3A_2031 = tpu.vector_load_idx %arg12[%add3A_2028, %broadcast_in_dim3A_2030] : memref<32x24xf32, #tpu.memory_space<vmem>>[vector<16xi32>, vector<16xi32>], vector<16xf32>,
    %broadcast_in_dim3A_2032 = arith.constant 16 : i32
    %broadcast_in_dim3A_2033 = vector.broadcast %broadcast_in_dim3A_2032 : i32 to vector<16xi32>
    %gather3A_2034 = tpu.vector_load_idx %arg12[%add3A_2028, %broadcast_in_dim3A_2033] : memref<32x24xf32, #tpu.memory_space<vmem>>[vector<16xi32>, vector<16xi32>], vector<16xf32>,
    %broadcast_in_dim3A_2035 = arith.constant 17 : i32
    %broadcast_in_dim3A_2036 = vector.broadcast %broadcast_in_dim3A_2035 : i32 to vector<16xi32>
    %gather3A_2037 = tpu.vector_load_idx %arg12[%add3A_2028, %broadcast_in_dim3A_2036] : memref<32x24xf32, #tpu.memory_space<vmem>>[vector<16xi32>, vector<16xi32>], vector<16xf32>,
    %add3A_2038 = arith.constant 9.99999993E-9 : f32
    %add3A_2039 = vector.broadcast %add3A_2038 : f32 to vector<16xf32>
    %add3A_2040 = arith.addf %gather3A_2031, %add3A_2039 : vector<16xf32>
    %add3A_2041 = arith.constant 9.99999993E-9 : f32
    %add3A_2042 = vector.broadcast %add3A_2041 : f32 to vector<16xf32>
    %add3A_2043 = arith.addf %gather3A_2034, %add3A_2042 : vector<16xf32>
    %add3A_2044 = arith.constant 9.99999993E-9 : f32
    %add3A_2045 = vector.broadcast %add3A_2044 : f32 to vector<16xf32>
    %add3A_2046 = arith.addf %gather3A_2037, %add3A_2045 : vector<16xf32>
    %mul3A_2047 = arith.mulf %add3A_2040, %add3A_2040 : vector<16xf32>
    %mul3A_2048 = arith.mulf %add3A_2043, %add3A_2043 : vector<16xf32>
    %add3A_2049 = arith.addf %mul3A_2047, %mul3A_2048 : vector<16xf32>
    %mul3A_2050 = arith.mulf %add3A_2046, %add3A_2046 : vector<16xf32>
    %add3A_2051 = arith.addf %add3A_2049, %mul3A_2050 : vector<16xf32>
    %broadcast_in_dim3A_2052 = arith.constant -1.26392073E-16 : f32
    %broadcast_in_dim3A_2053 = vector.broadcast %broadcast_in_dim3A_2052 : f32 to vector<16xf32>
    %mul3A_2054 = arith.mulf %broadcast_in_dim3A_2053, %add3A_2051 : vector<16xf32>
    %add3A_2055 = arith.constant 4.68123939E-14 : f32
    %add3A_2056 = vector.broadcast %add3A_2055 : f32 to vector<16xf32>
    %add3A_2057 = arith.addf %mul3A_2054, %add3A_2056 : vector<16xf32>
    %mul3A_2058 = arith.mulf %add3A_2057, %add3A_2051 : vector<16xf32>
    %add3A_2059 = arith.constant -1.14524328E-11 : f32
    %add3A_2060 = vector.broadcast %add3A_2059 : f32 to vector<16xf32>
    %add3A_2061 = arith.addf %mul3A_2058, %add3A_2060 : vector<16xf32>
    %mul3A_2062 = arith.mulf %add3A_2061, %add3A_2051 : vector<16xf32>
    %add3A_2063 = arith.constant 2.08746664E-9 : f32
    %add3A_2064 = vector.broadcast %add3A_2063 : f32 to vector<16xf32>
    %add3A_2065 = arith.addf %mul3A_2062, %add3A_2064 : vector<16xf32>
    %mul3A_2066 = arith.mulf %add3A_2065, %add3A_2051 : vector<16xf32>
    %add3A_2067 = arith.constant -2.75571693E-7 : f32
    %add3A_2068 = vector.broadcast %add3A_2067 : f32 to vector<16xf32>
    %add3A_2069 = arith.addf %mul3A_2066, %add3A_2068 : vector<16xf32>
    %mul3A_2070 = arith.mulf %add3A_2069, %add3A_2051 : vector<16xf32>
    %add3A_2071 = arith.constant 2.48015804E-5 : f32
    %add3A_2072 = vector.broadcast %add3A_2071 : f32 to vector<16xf32>
    %add3A_2073 = arith.addf %mul3A_2070, %add3A_2072 : vector<16xf32>
    %mul3A_2074 = arith.mulf %add3A_2073, %add3A_2051 : vector<16xf32>
    %add3A_2075 = arith.constant -0.00138888892 : f32
    %add3A_2076 = vector.broadcast %add3A_2075 : f32 to vector<16xf32>
    %add3A_2077 = arith.addf %mul3A_2074, %add3A_2076 : vector<16xf32>
    %mul3A_2078 = arith.mulf %add3A_2077, %add3A_2051 : vector<16xf32>
    %add3A_2079 = arith.constant 0.0416666679 : f32
    %add3A_2080 = vector.broadcast %add3A_2079 : f32 to vector<16xf32>
    %add3A_2081 = arith.addf %mul3A_2078, %add3A_2080 : vector<16xf32>
    %mul3A_2082 = arith.mulf %add3A_2081, %add3A_2051 : vector<16xf32>
    %add3A_2083 = arith.constant -5.000000e-01 : f32
    %add3A_2084 = vector.broadcast %add3A_2083 : f32 to vector<16xf32>
    %add3A_2085 = arith.addf %mul3A_2082, %add3A_2084 : vector<16xf32>
    %mul3A_2086 = arith.mulf %add3A_2085, %add3A_2051 : vector<16xf32>
    %add3A_2087 = arith.constant 1.000000e+00 : f32
    %add3A_2088 = vector.broadcast %add3A_2087 : f32 to vector<16xf32>
    %add3A_2089 = arith.addf %mul3A_2086, %add3A_2088 : vector<16xf32>
    %broadcast_in_dim3A_2090 = arith.constant -6.78928175E-18 : f32
    %broadcast_in_dim3A_2091 = vector.broadcast %broadcast_in_dim3A_2090 : f32 to vector<16xf32>
    %mul3A_2092 = arith.mulf %broadcast_in_dim3A_2091, %add3A_2051 : vector<16xf32>
    %add3A_2093 = arith.constant 2.7641205E-15 : f32
    %add3A_2094 = vector.broadcast %add3A_2093 : f32 to vector<16xf32>
    %add3A_2095 = arith.addf %mul3A_2092, %add3A_2094 : vector<16xf32>
    %mul3A_2096 = arith.mulf %add3A_2095, %add3A_2051 : vector<16xf32>
    %add3A_2097 = arith.constant -7.63832465E-13 : f32
    %add3A_2098 = vector.broadcast %add3A_2097 : f32 to vector<16xf32>
    %add3A_2099 = arith.addf %mul3A_2096, %add3A_2098 : vector<16xf32>
    %mul3A_2100 = arith.mulf %add3A_2099, %add3A_2051 : vector<16xf32>
    %add3A_2101 = arith.constant 1.60580341E-10 : f32
    %add3A_2102 = vector.broadcast %add3A_2101 : f32 to vector<16xf32>
    %add3A_2103 = arith.addf %mul3A_2100, %add3A_2102 : vector<16xf32>
    %mul3A_2104 = arith.mulf %add3A_2103, %add3A_2051 : vector<16xf32>
    %add3A_2105 = arith.constant -2.50520369E-8 : f32
    %add3A_2106 = vector.broadcast %add3A_2105 : f32 to vector<16xf32>
    %add3A_2107 = arith.addf %mul3A_2104, %add3A_2106 : vector<16xf32>
    %mul3A_2108 = arith.mulf %add3A_2107, %add3A_2051 : vector<16xf32>
    %add3A_2109 = arith.constant 2.75573166E-6 : f32
    %add3A_2110 = vector.broadcast %add3A_2109 : f32 to vector<16xf32>
    %add3A_2111 = arith.addf %mul3A_2108, %add3A_2110 : vector<16xf32>
    %mul3A_2112 = arith.mulf %add3A_2111, %add3A_2051 : vector<16xf32>
    %add3A_2113 = arith.constant -1.98412701E-4 : f32
    %add3A_2114 = vector.broadcast %add3A_2113 : f32 to vector<16xf32>
    %add3A_2115 = arith.addf %mul3A_2112, %add3A_2114 : vector<16xf32>
    %mul3A_2116 = arith.mulf %add3A_2115, %add3A_2051 : vector<16xf32>
    %add3A_2117 = arith.constant 0.00833333377 : f32
    %add3A_2118 = vector.broadcast %add3A_2117 : f32 to vector<16xf32>
    %add3A_2119 = arith.addf %mul3A_2116, %add3A_2118 : vector<16xf32>
    %mul3A_2120 = arith.mulf %add3A_2119, %add3A_2051 : vector<16xf32>
    %add3A_2121 = arith.constant -0.166666672 : f32
    %add3A_2122 = vector.broadcast %add3A_2121 : f32 to vector<16xf32>
    %add3A_2123 = arith.addf %mul3A_2120, %add3A_2122 : vector<16xf32>
    %mul3A_2124 = arith.mulf %add3A_2123, %add3A_2051 : vector<16xf32>
    %add3A_2125 = arith.constant 1.000000e+00 : f32
    %add3A_2126 = vector.broadcast %add3A_2125 : f32 to vector<16xf32>
    %add3A_2127 = arith.addf %mul3A_2124, %add3A_2126 : vector<16xf32>
    %broadcast_in_dim3A_2128 = arith.constant -3.45510317E-19 : f32
    %broadcast_in_dim3A_2129 = vector.broadcast %broadcast_in_dim3A_2128 : f32 to vector<16xf32>
    %mul3A_2130 = arith.mulf %broadcast_in_dim3A_2129, %add3A_2051 : vector<16xf32>
    %add3A_2131 = arith.constant 1.54019693E-16 : f32
    %add3A_2132 = vector.broadcast %add3A_2131 : f32 to vector<16xf32>
    %add3A_2133 = arith.addf %mul3A_2130, %add3A_2132 : vector<16xf32>
    %mul3A_2134 = arith.mulf %add3A_2133, %add3A_2051 : vector<16xf32>
    %add3A_2135 = arith.constant -4.77541387E-14 : f32
    %add3A_2136 = vector.broadcast %add3A_2135 : f32 to vector<16xf32>
    %add3A_2137 = arith.addf %mul3A_2134, %add3A_2136 : vector<16xf32>
    %mul3A_2138 = arith.mulf %add3A_2137, %add3A_2051 : vector<16xf32>
    %add3A_2139 = arith.constant 1.14702805E-11 : f32
    %add3A_2140 = vector.broadcast %add3A_2139 : f32 to vector<16xf32>
    %add3A_2141 = arith.addf %mul3A_2138, %add3A_2140 : vector<16xf32>
    %mul3A_2142 = arith.mulf %add3A_2141, %add3A_2051 : vector<16xf32>
    %add3A_2143 = arith.constant -2.08767226E-9 : f32
    %add3A_2144 = vector.broadcast %add3A_2143 : f32 to vector<16xf32>
    %add3A_2145 = arith.addf %mul3A_2142, %add3A_2144 : vector<16xf32>
    %mul3A_2146 = arith.mulf %add3A_2145, %add3A_2051 : vector<16xf32>
    %add3A_2147 = arith.constant 2.75573171E-7 : f32
    %add3A_2148 = vector.broadcast %add3A_2147 : f32 to vector<16xf32>
    %add3A_2149 = arith.addf %mul3A_2146, %add3A_2148 : vector<16xf32>
    %mul3A_2150 = arith.mulf %add3A_2149, %add3A_2051 : vector<16xf32>
    %add3A_2151 = arith.constant -2.48015876E-5 : f32
    %add3A_2152 = vector.broadcast %add3A_2151 : f32 to vector<16xf32>
    %add3A_2153 = arith.addf %mul3A_2150, %add3A_2152 : vector<16xf32>
    %mul3A_2154 = arith.mulf %add3A_2153, %add3A_2051 : vector<16xf32>
    %add3A_2155 = arith.constant 0.00138888892 : f32
    %add3A_2156 = vector.broadcast %add3A_2155 : f32 to vector<16xf32>
    %add3A_2157 = arith.addf %mul3A_2154, %add3A_2156 : vector<16xf32>
    %mul3A_2158 = arith.mulf %add3A_2157, %add3A_2051 : vector<16xf32>
    %add3A_2159 = arith.constant -0.0416666679 : f32
    %add3A_2160 = vector.broadcast %add3A_2159 : f32 to vector<16xf32>
    %add3A_2161 = arith.addf %mul3A_2158, %add3A_2160 : vector<16xf32>
    %mul3A_2162 = arith.mulf %add3A_2161, %add3A_2051 : vector<16xf32>
    %add3A_2163 = arith.constant 5.000000e-01 : f32
    %add3A_2164 = vector.broadcast %add3A_2163 : f32 to vector<16xf32>
    %add3A_2165 = arith.addf %mul3A_2162, %add3A_2164 : vector<16xf32>
    %mul3A_2166 = arith.mulf %add3A_2165, %gather3A_2031 : vector<16xf32>
    %mul3A_2167 = arith.mulf %mul3A_2166, %gather3A_2034 : vector<16xf32>
    %mul3A_2168 = arith.mulf %add3A_2165, %gather3A_2031 : vector<16xf32>
    %mul3A_2169 = arith.mulf %mul3A_2168, %gather3A_2037 : vector<16xf32>
    %mul3A_2170 = arith.mulf %add3A_2165, %gather3A_2034 : vector<16xf32>
    %mul3A_2171 = arith.mulf %mul3A_2170, %gather3A_2037 : vector<16xf32>
    %mul3A_2172 = arith.mulf %add3A_2127, %gather3A_2031 : vector<16xf32>
    %mul3A_2173 = arith.mulf %add3A_2127, %gather3A_2034 : vector<16xf32>
    %mul3A_2174 = arith.mulf %add3A_2127, %gather3A_2037 : vector<16xf32>
    %mul3A_2175 = arith.mulf %add3A_2165, %gather3A_2031 : vector<16xf32>
    %mul3A_2176 = arith.mulf %mul3A_2175, %gather3A_2031 : vector<16xf32>
    %add3A_2177 = arith.addf %add3A_2089, %mul3A_2176 : vector<16xf32>
    %sub3A_2178 = arith.subf %mul3A_2167, %mul3A_2174 : vector<16xf32>
    %add3A_2179 = arith.addf %mul3A_2169, %mul3A_2173 : vector<16xf32>
    %add3A_2180 = arith.addf %mul3A_2167, %mul3A_2174 : vector<16xf32>
    %mul3A_2181 = arith.mulf %add3A_2165, %gather3A_2034 : vector<16xf32>
    %mul3A_2182 = arith.mulf %mul3A_2181, %gather3A_2034 : vector<16xf32>
    %add3A_2183 = arith.addf %add3A_2089, %mul3A_2182 : vector<16xf32>
    %sub3A_2184 = arith.subf %mul3A_2171, %mul3A_2172 : vector<16xf32>
    %sub3A_2185 = arith.subf %mul3A_2169, %mul3A_2173 : vector<16xf32>
    %add3A_2186 = arith.addf %mul3A_2171, %mul3A_2172 : vector<16xf32>
    %mul3A_2187 = arith.mulf %add3A_2165, %gather3A_2037 : vector<16xf32>
    %mul3A_2188 = arith.mulf %mul3A_2187, %gather3A_2037 : vector<16xf32>
    %add3A_2189 = arith.addf %add3A_2089, %mul3A_2188 : vector<16xf32>
    %broadcast_in_dim3A_2190 = arith.constant 45 : i32
    %broadcast_in_dim3A_2191 = vector.broadcast %broadcast_in_dim3A_2190 : i32 to vector<16xi32>
    tpu.vector_store_idx %arg16[%add3A_2028, %broadcast_in_dim3A_2191], %add3A_2177 : memref<32x72xf32, #tpu.memory_space<vmem>>[vector<16xi32>, vector<16xi32>], vector<16xf32>,
    %broadcast_in_dim3A_2192 = arith.constant 46 : i32
    %broadcast_in_dim3A_2193 = vector.broadcast %broadcast_in_dim3A_2192 : i32 to vector<16xi32>
    tpu.vector_store_idx %arg16[%add3A_2028, %broadcast_in_dim3A_2193], %sub3A_2178 : memref<32x72xf32, #tpu.memory_space<vmem>>[vector<16xi32>, vector<16xi32>], vector<16xf32>,
    %broadcast_in_dim3A_2194 = arith.constant 47 : i32
    %broadcast_in_dim3A_2195 = vector.broadcast %broadcast_in_dim3A_2194 : i32 to vector<16xi32>
    tpu.vector_store_idx %arg16[%add3A_2028, %broadcast_in_dim3A_2195], %add3A_2179 : memref<32x72xf32, #tpu.memory_space<vmem>>[vector<16xi32>, vector<16xi32>], vector<16xf32>,
    %broadcast_in_dim3A_2196 = arith.constant 48 : i32
    %broadcast_in_dim3A_2197 = vector.broadcast %broadcast_in_dim3A_2196 : i32 to vector<16xi32>
    tpu.vector_store_idx %arg16[%add3A_2028, %broadcast_in_dim3A_2197], %add3A_2180 : memref<32x72xf32, #tpu.memory_space<vmem>>[vector<16xi32>, vector<16xi32>], vector<16xf32>,
    %broadcast_in_dim3A_2198 = arith.constant 49 : i32
    %broadcast_in_dim3A_2199 = vector.broadcast %broadcast_in_dim3A_2198 : i32 to vector<16xi32>
    tpu.vector_store_idx %arg16[%add3A_2028, %broadcast_in_dim3A_2199], %add3A_2183 : memref<32x72xf32, #tpu.memory_space<vmem>>[vector<16xi32>, vector<16xi32>], vector<16xf32>,
    %broadcast_in_dim3A_2200 = arith.constant 50 : i32
    %broadcast_in_dim3A_2201 = vector.broadcast %broadcast_in_dim3A_2200 : i32 to vector<16xi32>
    tpu.vector_store_idx %arg16[%add3A_2028, %broadcast_in_dim3A_2201], %sub3A_2184 : memref<32x72xf32, #tpu.memory_space<vmem>>[vector<16xi32>, vector<16xi32>], vector<16xf32>,
    %broadcast_in_dim3A_2202 = arith.constant 51 : i32
    %broadcast_in_dim3A_2203 = vector.broadcast %broadcast_in_dim3A_2202 : i32 to vector<16xi32>
    tpu.vector_store_idx %arg16[%add3A_2028, %broadcast_in_dim3A_2203], %sub3A_2185 : memref<32x72xf32, #tpu.memory_space<vmem>>[vector<16xi32>, vector<16xi32>], vector<16xf32>,
    %broadcast_in_dim3A_2204 = arith.constant 52 : i32
    %broadcast_in_dim3A_2205 = vector.broadcast %broadcast_in_dim3A_2204 : i32 to vector<16xi32>
    tpu.vector_store_idx %arg16[%add3A_2028, %broadcast_in_dim3A_2205], %add3A_2186 : memref<32x72xf32, #tpu.memory_space<vmem>>[vector<16xi32>, vector<16xi32>], vector<16xf32>,
    %broadcast_in_dim3A_2206 = arith.constant 53 : i32
    %broadcast_in_dim3A_2207 = vector.broadcast %broadcast_in_dim3A_2206 : i32 to vector<16xi32>
    tpu.vector_store_idx %arg16[%add3A_2028, %broadcast_in_dim3A_2207], %add3A_2189 : memref<32x72xf32, #tpu.memory_space<vmem>>[vector<16xi32>, vector<16xi32>], vector<16xf32>,
    %iota3A_2208 = tpu.iota {dimensions = array<i32: 0>} : vector<16xi32>
    %add3A_2209 = arith.constant 0 : i32
    %add3A_2210 = vector.broadcast %add3A_2209 : i32 to vector<16xi32>
    %add3A_2211 = arith.addi %iota3A_2208, %add3A_2210 : vector<16xi32>
    %broadcast_in_dim3A_2212 = arith.constant 18 : i32
    %broadcast_in_dim3A_2213 = vector.broadcast %broadcast_in_dim3A_2212 : i32 to vector<16xi32>
    %gather3A_2214 = tpu.vector_load_idx %arg12[%add3A_2211, %broadcast_in_dim3A_2213] : memref<32x24xf32, #tpu.memory_space<vmem>>[vector<16xi32>, vector<16xi32>], vector<16xf32>,
    %broadcast_in_dim3A_2215 = arith.constant 19 : i32
    %broadcast_in_dim3A_2216 = vector.broadcast %broadcast_in_dim3A_2215 : i32 to vector<16xi32>
    %gather3A_2217 = tpu.vector_load_idx %arg12[%add3A_2211, %broadcast_in_dim3A_2216] : memref<32x24xf32, #tpu.memory_space<vmem>>[vector<16xi32>, vector<16xi32>], vector<16xf32>,
    %broadcast_in_dim3A_2218 = arith.constant 20 : i32
    %broadcast_in_dim3A_2219 = vector.broadcast %broadcast_in_dim3A_2218 : i32 to vector<16xi32>
    %gather3A_2220 = tpu.vector_load_idx %arg12[%add3A_2211, %broadcast_in_dim3A_2219] : memref<32x24xf32, #tpu.memory_space<vmem>>[vector<16xi32>, vector<16xi32>], vector<16xf32>,
    %add3A_2221 = arith.constant 9.99999993E-9 : f32
    %add3A_2222 = vector.broadcast %add3A_2221 : f32 to vector<16xf32>
    %add3A_2223 = arith.addf %gather3A_2214, %add3A_2222 : vector<16xf32>
    %add3A_2224 = arith.constant 9.99999993E-9 : f32
    %add3A_2225 = vector.broadcast %add3A_2224 : f32 to vector<16xf32>
    %add3A_2226 = arith.addf %gather3A_2217, %add3A_2225 : vector<16xf32>
    %add3A_2227 = arith.constant 9.99999993E-9 : f32
    %add3A_2228 = vector.broadcast %add3A_2227 : f32 to vector<16xf32>
    %add3A_2229 = arith.addf %gather3A_2220, %add3A_2228 : vector<16xf32>
    %mul3A_2230 = arith.mulf %add3A_2223, %add3A_2223 : vector<16xf32>
    %mul3A_2231 = arith.mulf %add3A_2226, %add3A_2226 : vector<16xf32>
    %add3A_2232 = arith.addf %mul3A_2230, %mul3A_2231 : vector<16xf32>
    %mul3A_2233 = arith.mulf %add3A_2229, %add3A_2229 : vector<16xf32>
    %add3A_2234 = arith.addf %add3A_2232, %mul3A_2233 : vector<16xf32>
    %broadcast_in_dim3A_2235 = arith.constant -1.26392073E-16 : f32
    %broadcast_in_dim3A_2236 = vector.broadcast %broadcast_in_dim3A_2235 : f32 to vector<16xf32>
    %mul3A_2237 = arith.mulf %broadcast_in_dim3A_2236, %add3A_2234 : vector<16xf32>
    %add3A_2238 = arith.constant 4.68123939E-14 : f32
    %add3A_2239 = vector.broadcast %add3A_2238 : f32 to vector<16xf32>
    %add3A_2240 = arith.addf %mul3A_2237, %add3A_2239 : vector<16xf32>
    %mul3A_2241 = arith.mulf %add3A_2240, %add3A_2234 : vector<16xf32>
    %add3A_2242 = arith.constant -1.14524328E-11 : f32
    %add3A_2243 = vector.broadcast %add3A_2242 : f32 to vector<16xf32>
    %add3A_2244 = arith.addf %mul3A_2241, %add3A_2243 : vector<16xf32>
    %mul3A_2245 = arith.mulf %add3A_2244, %add3A_2234 : vector<16xf32>
    %add3A_2246 = arith.constant 2.08746664E-9 : f32
    %add3A_2247 = vector.broadcast %add3A_2246 : f32 to vector<16xf32>
    %add3A_2248 = arith.addf %mul3A_2245, %add3A_2247 : vector<16xf32>
    %mul3A_2249 = arith.mulf %add3A_2248, %add3A_2234 : vector<16xf32>
    %add3A_2250 = arith.constant -2.75571693E-7 : f32
    %add3A_2251 = vector.broadcast %add3A_2250 : f32 to vector<16xf32>
    %add3A_2252 = arith.addf %mul3A_2249, %add3A_2251 : vector<16xf32>
    %mul3A_2253 = arith.mulf %add3A_2252, %add3A_2234 : vector<16xf32>
    %add3A_2254 = arith.constant 2.48015804E-5 : f32
    %add3A_2255 = vector.broadcast %add3A_2254 : f32 to vector<16xf32>
    %add3A_2256 = arith.addf %mul3A_2253, %add3A_2255 : vector<16xf32>
    %mul3A_2257 = arith.mulf %add3A_2256, %add3A_2234 : vector<16xf32>
    %add3A_2258 = arith.constant -0.00138888892 : f32
    %add3A_2259 = vector.broadcast %add3A_2258 : f32 to vector<16xf32>
    %add3A_2260 = arith.addf %mul3A_2257, %add3A_2259 : vector<16xf32>
    %mul3A_2261 = arith.mulf %add3A_2260, %add3A_2234 : vector<16xf32>
    %add3A_2262 = arith.constant 0.0416666679 : f32
    %add3A_2263 = vector.broadcast %add3A_2262 : f32 to vector<16xf32>
    %add3A_2264 = arith.addf %mul3A_2261, %add3A_2263 : vector<16xf32>
    %mul3A_2265 = arith.mulf %add3A_2264, %add3A_2234 : vector<16xf32>
    %add3A_2266 = arith.constant -5.000000e-01 : f32
    %add3A_2267 = vector.broadcast %add3A_2266 : f32 to vector<16xf32>
    %add3A_2268 = arith.addf %mul3A_2265, %add3A_2267 : vector<16xf32>
    %mul3A_2269 = arith.mulf %add3A_2268, %add3A_2234 : vector<16xf32>
    %add3A_2270 = arith.constant 1.000000e+00 : f32
    %add3A_2271 = vector.broadcast %add3A_2270 : f32 to vector<16xf32>
    %add3A_2272 = arith.addf %mul3A_2269, %add3A_2271 : vector<16xf32>
    %broadcast_in_dim3A_2273 = arith.constant -6.78928175E-18 : f32
    %broadcast_in_dim3A_2274 = vector.broadcast %broadcast_in_dim3A_2273 : f32 to vector<16xf32>
    %mul3A_2275 = arith.mulf %broadcast_in_dim3A_2274, %add3A_2234 : vector<16xf32>
    %add3A_2276 = arith.constant 2.7641205E-15 : f32
    %add3A_2277 = vector.broadcast %add3A_2276 : f32 to vector<16xf32>
    %add3A_2278 = arith.addf %mul3A_2275, %add3A_2277 : vector<16xf32>
    %mul3A_2279 = arith.mulf %add3A_2278, %add3A_2234 : vector<16xf32>
    %add3A_2280 = arith.constant -7.63832465E-13 : f32
    %add3A_2281 = vector.broadcast %add3A_2280 : f32 to vector<16xf32>
    %add3A_2282 = arith.addf %mul3A_2279, %add3A_2281 : vector<16xf32>
    %mul3A_2283 = arith.mulf %add3A_2282, %add3A_2234 : vector<16xf32>
    %add3A_2284 = arith.constant 1.60580341E-10 : f32
    %add3A_2285 = vector.broadcast %add3A_2284 : f32 to vector<16xf32>
    %add3A_2286 = arith.addf %mul3A_2283, %add3A_2285 : vector<16xf32>
    %mul3A_2287 = arith.mulf %add3A_2286, %add3A_2234 : vector<16xf32>
    %add3A_2288 = arith.constant -2.50520369E-8 : f32
    %add3A_2289 = vector.broadcast %add3A_2288 : f32 to vector<16xf32>
    %add3A_2290 = arith.addf %mul3A_2287, %add3A_2289 : vector<16xf32>
    %mul3A_2291 = arith.mulf %add3A_2290, %add3A_2234 : vector<16xf32>
    %add3A_2292 = arith.constant 2.75573166E-6 : f32
    %add3A_2293 = vector.broadcast %add3A_2292 : f32 to vector<16xf32>
    %add3A_2294 = arith.addf %mul3A_2291, %add3A_2293 : vector<16xf32>
    %mul3A_2295 = arith.mulf %add3A_2294, %add3A_2234 : vector<16xf32>
    %add3A_2296 = arith.constant -1.98412701E-4 : f32
    %add3A_2297 = vector.broadcast %add3A_2296 : f32 to vector<16xf32>
    %add3A_2298 = arith.addf %mul3A_2295, %add3A_2297 : vector<16xf32>
    %mul3A_2299 = arith.mulf %add3A_2298, %add3A_2234 : vector<16xf32>
    %add3A_2300 = arith.constant 0.00833333377 : f32
    %add3A_2301 = vector.broadcast %add3A_2300 : f32 to vector<16xf32>
    %add3A_2302 = arith.addf %mul3A_2299, %add3A_2301 : vector<16xf32>
    %mul3A_2303 = arith.mulf %add3A_2302, %add3A_2234 : vector<16xf32>
    %add3A_2304 = arith.constant -0.166666672 : f32
    %add3A_2305 = vector.broadcast %add3A_2304 : f32 to vector<16xf32>
    %add3A_2306 = arith.addf %mul3A_2303, %add3A_2305 : vector<16xf32>
    %mul3A_2307 = arith.mulf %add3A_2306, %add3A_2234 : vector<16xf32>
    %add3A_2308 = arith.constant 1.000000e+00 : f32
    %add3A_2309 = vector.broadcast %add3A_2308 : f32 to vector<16xf32>
    %add3A_2310 = arith.addf %mul3A_2307, %add3A_2309 : vector<16xf32>
    %broadcast_in_dim3A_2311 = arith.constant -3.45510317E-19 : f32
    %broadcast_in_dim3A_2312 = vector.broadcast %broadcast_in_dim3A_2311 : f32 to vector<16xf32>
    %mul3A_2313 = arith.mulf %broadcast_in_dim3A_2312, %add3A_2234 : vector<16xf32>
    %add3A_2314 = arith.constant 1.54019693E-16 : f32
    %add3A_2315 = vector.broadcast %add3A_2314 : f32 to vector<16xf32>
    %add3A_2316 = arith.addf %mul3A_2313, %add3A_2315 : vector<16xf32>
    %mul3A_2317 = arith.mulf %add3A_2316, %add3A_2234 : vector<16xf32>
    %add3A_2318 = arith.constant -4.77541387E-14 : f32
    %add3A_2319 = vector.broadcast %add3A_2318 : f32 to vector<16xf32>
    %add3A_2320 = arith.addf %mul3A_2317, %add3A_2319 : vector<16xf32>
    %mul3A_2321 = arith.mulf %add3A_2320, %add3A_2234 : vector<16xf32>
    %add3A_2322 = arith.constant 1.14702805E-11 : f32
    %add3A_2323 = vector.broadcast %add3A_2322 : f32 to vector<16xf32>
    %add3A_2324 = arith.addf %mul3A_2321, %add3A_2323 : vector<16xf32>
    %mul3A_2325 = arith.mulf %add3A_2324, %add3A_2234 : vector<16xf32>
    %add3A_2326 = arith.constant -2.08767226E-9 : f32
    %add3A_2327 = vector.broadcast %add3A_2326 : f32 to vector<16xf32>
    %add3A_2328 = arith.addf %mul3A_2325, %add3A_2327 : vector<16xf32>
    %mul3A_2329 = arith.mulf %add3A_2328, %add3A_2234 : vector<16xf32>
    %add3A_2330 = arith.constant 2.75573171E-7 : f32
    %add3A_2331 = vector.broadcast %add3A_2330 : f32 to vector<16xf32>
    %add3A_2332 = arith.addf %mul3A_2329, %add3A_2331 : vector<16xf32>
    %mul3A_2333 = arith.mulf %add3A_2332, %add3A_2234 : vector<16xf32>
    %add3A_2334 = arith.constant -2.48015876E-5 : f32
    %add3A_2335 = vector.broadcast %add3A_2334 : f32 to vector<16xf32>
    %add3A_2336 = arith.addf %mul3A_2333, %add3A_2335 : vector<16xf32>
    %mul3A_2337 = arith.mulf %add3A_2336, %add3A_2234 : vector<16xf32>
    %add3A_2338 = arith.constant 0.00138888892 : f32
    %add3A_2339 = vector.broadcast %add3A_2338 : f32 to vector<16xf32>
    %add3A_2340 = arith.addf %mul3A_2337, %add3A_2339 : vector<16xf32>
    %mul3A_2341 = arith.mulf %add3A_2340, %add3A_2234 : vector<16xf32>
    %add3A_2342 = arith.constant -0.0416666679 : f32
    %add3A_2343 = vector.broadcast %add3A_2342 : f32 to vector<16xf32>
    %add3A_2344 = arith.addf %mul3A_2341, %add3A_2343 : vector<16xf32>
    %mul3A_2345 = arith.mulf %add3A_2344, %add3A_2234 : vector<16xf32>
    %add3A_2346 = arith.constant 5.000000e-01 : f32
    %add3A_2347 = vector.broadcast %add3A_2346 : f32 to vector<16xf32>
    %add3A_2348 = arith.addf %mul3A_2345, %add3A_2347 : vector<16xf32>
    %mul3A_2349 = arith.mulf %add3A_2348, %gather3A_2214 : vector<16xf32>
    %mul3A_2350 = arith.mulf %mul3A_2349, %gather3A_2217 : vector<16xf32>
    %mul3A_2351 = arith.mulf %add3A_2348, %gather3A_2214 : vector<16xf32>
    %mul3A_2352 = arith.mulf %mul3A_2351, %gather3A_2220 : vector<16xf32>
    %mul3A_2353 = arith.mulf %add3A_2348, %gather3A_2217 : vector<16xf32>
    %mul3A_2354 = arith.mulf %mul3A_2353, %gather3A_2220 : vector<16xf32>
    %mul3A_2355 = arith.mulf %add3A_2310, %gather3A_2214 : vector<16xf32>
    %mul3A_2356 = arith.mulf %add3A_2310, %gather3A_2217 : vector<16xf32>
    %mul3A_2357 = arith.mulf %add3A_2310, %gather3A_2220 : vector<16xf32>
    %mul3A_2358 = arith.mulf %add3A_2348, %gather3A_2214 : vector<16xf32>
    %mul3A_2359 = arith.mulf %mul3A_2358, %gather3A_2214 : vector<16xf32>
    %add3A_2360 = arith.addf %add3A_2272, %mul3A_2359 : vector<16xf32>
    %sub3A_2361 = arith.subf %mul3A_2350, %mul3A_2357 : vector<16xf32>
    %add3A_2362 = arith.addf %mul3A_2352, %mul3A_2356 : vector<16xf32>
    %add3A_2363 = arith.addf %mul3A_2350, %mul3A_2357 : vector<16xf32>
    %mul3A_2364 = arith.mulf %add3A_2348, %gather3A_2217 : vector<16xf32>
    %mul3A_2365 = arith.mulf %mul3A_2364, %gather3A_2217 : vector<16xf32>
    %add3A_2366 = arith.addf %add3A_2272, %mul3A_2365 : vector<16xf32>
    %sub3A_2367 = arith.subf %mul3A_2354, %mul3A_2355 : vector<16xf32>
    %sub3A_2368 = arith.subf %mul3A_2352, %mul3A_2356 : vector<16xf32>
    %add3A_2369 = arith.addf %mul3A_2354, %mul3A_2355 : vector<16xf32>
    %mul3A_2370 = arith.mulf %add3A_2348, %gather3A_2220 : vector<16xf32>
    %mul3A_2371 = arith.mulf %mul3A_2370, %gather3A_2220 : vector<16xf32>
    %add3A_2372 = arith.addf %add3A_2272, %mul3A_2371 : vector<16xf32>
    %broadcast_in_dim3A_2373 = arith.constant 54 : i32
    %broadcast_in_dim3A_2374 = vector.broadcast %broadcast_in_dim3A_2373 : i32 to vector<16xi32>
    tpu.vector_store_idx %arg16[%add3A_2211, %broadcast_in_dim3A_2374], %add3A_2360 : memref<32x72xf32, #tpu.memory_space<vmem>>[vector<16xi32>, vector<16xi32>], vector<16xf32>,
    %broadcast_in_dim3A_2375 = arith.constant 55 : i32
    %broadcast_in_dim3A_2376 = vector.broadcast %broadcast_in_dim3A_2375 : i32 to vector<16xi32>
    tpu.vector_store_idx %arg16[%add3A_2211, %broadcast_in_dim3A_2376], %sub3A_2361 : memref<32x72xf32, #tpu.memory_space<vmem>>[vector<16xi32>, vector<16xi32>], vector<16xf32>,
    %broadcast_in_dim3A_2377 = arith.constant 56 : i32
    %broadcast_in_dim3A_2378 = vector.broadcast %broadcast_in_dim3A_2377 : i32 to vector<16xi32>
    tpu.vector_store_idx %arg16[%add3A_2211, %broadcast_in_dim3A_2378], %add3A_2362 : memref<32x72xf32, #tpu.memory_space<vmem>>[vector<16xi32>, vector<16xi32>], vector<16xf32>,
    %broadcast_in_dim3A_2379 = arith.constant 57 : i32
    %broadcast_in_dim3A_2380 = vector.broadcast %broadcast_in_dim3A_2379 : i32 to vector<16xi32>
    tpu.vector_store_idx %arg16[%add3A_2211, %broadcast_in_dim3A_2380], %add3A_2363 : memref<32x72xf32, #tpu.memory_space<vmem>>[vector<16xi32>, vector<16xi32>], vector<16xf32>,
    %broadcast_in_dim3A_2381 = arith.constant 58 : i32
    %broadcast_in_dim3A_2382 = vector.broadcast %broadcast_in_dim3A_2381 : i32 to vector<16xi32>
    tpu.vector_store_idx %arg16[%add3A_2211, %broadcast_in_dim3A_2382], %add3A_2366 : memref<32x72xf32, #tpu.memory_space<vmem>>[vector<16xi32>, vector<16xi32>], vector<16xf32>,
    %broadcast_in_dim3A_2383 = arith.constant 59 : i32
    %broadcast_in_dim3A_2384 = vector.broadcast %broadcast_in_dim3A_2383 : i32 to vector<16xi32>
    tpu.vector_store_idx %arg16[%add3A_2211, %broadcast_in_dim3A_2384], %sub3A_2367 : memref<32x72xf32, #tpu.memory_space<vmem>>[vector<16xi32>, vector<16xi32>], vector<16xf32>,
    %broadcast_in_dim3A_2385 = arith.constant 60 : i32
    %broadcast_in_dim3A_2386 = vector.broadcast %broadcast_in_dim3A_2385 : i32 to vector<16xi32>
    tpu.vector_store_idx %arg16[%add3A_2211, %broadcast_in_dim3A_2386], %sub3A_2368 : memref<32x72xf32, #tpu.memory_space<vmem>>[vector<16xi32>, vector<16xi32>], vector<16xf32>,
    %broadcast_in_dim3A_2387 = arith.constant 61 : i32
    %broadcast_in_dim3A_2388 = vector.broadcast %broadcast_in_dim3A_2387 : i32 to vector<16xi32>
    tpu.vector_store_idx %arg16[%add3A_2211, %broadcast_in_dim3A_2388], %add3A_2369 : memref<32x72xf32, #tpu.memory_space<vmem>>[vector<16xi32>, vector<16xi32>], vector<16xf32>,
    %broadcast_in_dim3A_2389 = arith.constant 62 : i32
    %broadcast_in_dim3A_2390 = vector.broadcast %broadcast_in_dim3A_2389 : i32 to vector<16xi32>
    tpu.vector_store_idx %arg16[%add3A_2211, %broadcast_in_dim3A_2390], %add3A_2372 : memref<32x72xf32, #tpu.memory_space<vmem>>[vector<16xi32>, vector<16xi32>], vector<16xf32>,
    %iota3A_2391 = tpu.iota {dimensions = array<i32: 0>} : vector<16xi32>
    %add3A_2392 = arith.constant 16 : i32
    %add3A_2393 = vector.broadcast %add3A_2392 : i32 to vector<16xi32>
    %add3A_2394 = arith.addi %iota3A_2391, %add3A_2393 : vector<16xi32>
    %broadcast_in_dim3A_2395 = arith.constant 18 : i32
    %broadcast_in_dim3A_2396 = vector.broadcast %broadcast_in_dim3A_2395 : i32 to vector<16xi32>
    %gather3A_2397 = tpu.vector_load_idx %arg12[%add3A_2394, %broadcast_in_dim3A_2396] : memref<32x24xf32, #tpu.memory_space<vmem>>[vector<16xi32>, vector<16xi32>], vector<16xf32>,
    %broadcast_in_dim3A_2398 = arith.constant 19 : i32
    %broadcast_in_dim3A_2399 = vector.broadcast %broadcast_in_dim3A_2398 : i32 to vector<16xi32>
    %gather3A_2400 = tpu.vector_load_idx %arg12[%add3A_2394, %broadcast_in_dim3A_2399] : memref<32x24xf32, #tpu.memory_space<vmem>>[vector<16xi32>, vector<16xi32>], vector<16xf32>,
    %broadcast_in_dim3A_2401 = arith.constant 20 : i32
    %broadcast_in_dim3A_2402 = vector.broadcast %broadcast_in_dim3A_2401 : i32 to vector<16xi32>
    %gather3A_2403 = tpu.vector_load_idx %arg12[%add3A_2394, %broadcast_in_dim3A_2402] : memref<32x24xf32, #tpu.memory_space<vmem>>[vector<16xi32>, vector<16xi32>], vector<16xf32>,
    %add3A_2404 = arith.constant 9.99999993E-9 : f32
    %add3A_2405 = vector.broadcast %add3A_2404 : f32 to vector<16xf32>
    %add3A_2406 = arith.addf %gather3A_2397, %add3A_2405 : vector<16xf32>
    %add3A_2407 = arith.constant 9.99999993E-9 : f32
    %add3A_2408 = vector.broadcast %add3A_2407 : f32 to vector<16xf32>
    %add3A_2409 = arith.addf %gather3A_2400, %add3A_2408 : vector<16xf32>
    %add3A_2410 = arith.constant 9.99999993E-9 : f32
    %add3A_2411 = vector.broadcast %add3A_2410 : f32 to vector<16xf32>
    %add3A_2412 = arith.addf %gather3A_2403, %add3A_2411 : vector<16xf32>
    %mul3A_2413 = arith.mulf %add3A_2406, %add3A_2406 : vector<16xf32>
    %mul3A_2414 = arith.mulf %add3A_2409, %add3A_2409 : vector<16xf32>
    %add3A_2415 = arith.addf %mul3A_2413, %mul3A_2414 : vector<16xf32>
    %mul3A_2416 = arith.mulf %add3A_2412, %add3A_2412 : vector<16xf32>
    %add3A_2417 = arith.addf %add3A_2415, %mul3A_2416 : vector<16xf32>
    %broadcast_in_dim3A_2418 = arith.constant -1.26392073E-16 : f32
    %broadcast_in_dim3A_2419 = vector.broadcast %broadcast_in_dim3A_2418 : f32 to vector<16xf32>
    %mul3A_2420 = arith.mulf %broadcast_in_dim3A_2419, %add3A_2417 : vector<16xf32>
    %add3A_2421 = arith.constant 4.68123939E-14 : f32
    %add3A_2422 = vector.broadcast %add3A_2421 : f32 to vector<16xf32>
    %add3A_2423 = arith.addf %mul3A_2420, %add3A_2422 : vector<16xf32>
    %mul3A_2424 = arith.mulf %add3A_2423, %add3A_2417 : vector<16xf32>
    %add3A_2425 = arith.constant -1.14524328E-11 : f32
    %add3A_2426 = vector.broadcast %add3A_2425 : f32 to vector<16xf32>
    %add3A_2427 = arith.addf %mul3A_2424, %add3A_2426 : vector<16xf32>
    %mul3A_2428 = arith.mulf %add3A_2427, %add3A_2417 : vector<16xf32>
    %add3A_2429 = arith.constant 2.08746664E-9 : f32
    %add3A_2430 = vector.broadcast %add3A_2429 : f32 to vector<16xf32>
    %add3A_2431 = arith.addf %mul3A_2428, %add3A_2430 : vector<16xf32>
    %mul3A_2432 = arith.mulf %add3A_2431, %add3A_2417 : vector<16xf32>
    %add3A_2433 = arith.constant -2.75571693E-7 : f32
    %add3A_2434 = vector.broadcast %add3A_2433 : f32 to vector<16xf32>
    %add3A_2435 = arith.addf %mul3A_2432, %add3A_2434 : vector<16xf32>
    %mul3A_2436 = arith.mulf %add3A_2435, %add3A_2417 : vector<16xf32>
    %add3A_2437 = arith.constant 2.48015804E-5 : f32
    %add3A_2438 = vector.broadcast %add3A_2437 : f32 to vector<16xf32>
    %add3A_2439 = arith.addf %mul3A_2436, %add3A_2438 : vector<16xf32>
    %mul3A_2440 = arith.mulf %add3A_2439, %add3A_2417 : vector<16xf32>
    %add3A_2441 = arith.constant -0.00138888892 : f32
    %add3A_2442 = vector.broadcast %add3A_2441 : f32 to vector<16xf32>
    %add3A_2443 = arith.addf %mul3A_2440, %add3A_2442 : vector<16xf32>
    %mul3A_2444 = arith.mulf %add3A_2443, %add3A_2417 : vector<16xf32>
    %add3A_2445 = arith.constant 0.0416666679 : f32
    %add3A_2446 = vector.broadcast %add3A_2445 : f32 to vector<16xf32>
    %add3A_2447 = arith.addf %mul3A_2444, %add3A_2446 : vector<16xf32>
    %mul3A_2448 = arith.mulf %add3A_2447, %add3A_2417 : vector<16xf32>
    %add3A_2449 = arith.constant -5.000000e-01 : f32
    %add3A_2450 = vector.broadcast %add3A_2449 : f32 to vector<16xf32>
    %add3A_2451 = arith.addf %mul3A_2448, %add3A_2450 : vector<16xf32>
    %mul3A_2452 = arith.mulf %add3A_2451, %add3A_2417 : vector<16xf32>
    %add3A_2453 = arith.constant 1.000000e+00 : f32
    %add3A_2454 = vector.broadcast %add3A_2453 : f32 to vector<16xf32>
    %add3A_2455 = arith.addf %mul3A_2452, %add3A_2454 : vector<16xf32>
    %broadcast_in_dim3A_2456 = arith.constant -6.78928175E-18 : f32
    %broadcast_in_dim3A_2457 = vector.broadcast %broadcast_in_dim3A_2456 : f32 to vector<16xf32>
    %mul3A_2458 = arith.mulf %broadcast_in_dim3A_2457, %add3A_2417 : vector<16xf32>
    %add3A_2459 = arith.constant 2.7641205E-15 : f32
    %add3A_2460 = vector.broadcast %add3A_2459 : f32 to vector<16xf32>
    %add3A_2461 = arith.addf %mul3A_2458, %add3A_2460 : vector<16xf32>
    %mul3A_2462 = arith.mulf %add3A_2461, %add3A_2417 : vector<16xf32>
    %add3A_2463 = arith.constant -7.63832465E-13 : f32
    %add3A_2464 = vector.broadcast %add3A_2463 : f32 to vector<16xf32>
    %add3A_2465 = arith.addf %mul3A_2462, %add3A_2464 : vector<16xf32>
    %mul3A_2466 = arith.mulf %add3A_2465, %add3A_2417 : vector<16xf32>
    %add3A_2467 = arith.constant 1.60580341E-10 : f32
    %add3A_2468 = vector.broadcast %add3A_2467 : f32 to vector<16xf32>
    %add3A_2469 = arith.addf %mul3A_2466, %add3A_2468 : vector<16xf32>
    %mul3A_2470 = arith.mulf %add3A_2469, %add3A_2417 : vector<16xf32>
    %add3A_2471 = arith.constant -2.50520369E-8 : f32
    %add3A_2472 = vector.broadcast %add3A_2471 : f32 to vector<16xf32>
    %add3A_2473 = arith.addf %mul3A_2470, %add3A_2472 : vector<16xf32>
    %mul3A_2474 = arith.mulf %add3A_2473, %add3A_2417 : vector<16xf32>
    %add3A_2475 = arith.constant 2.75573166E-6 : f32
    %add3A_2476 = vector.broadcast %add3A_2475 : f32 to vector<16xf32>
    %add3A_2477 = arith.addf %mul3A_2474, %add3A_2476 : vector<16xf32>
    %mul3A_2478 = arith.mulf %add3A_2477, %add3A_2417 : vector<16xf32>
    %add3A_2479 = arith.constant -1.98412701E-4 : f32
    %add3A_2480 = vector.broadcast %add3A_2479 : f32 to vector<16xf32>
    %add3A_2481 = arith.addf %mul3A_2478, %add3A_2480 : vector<16xf32>
    %mul3A_2482 = arith.mulf %add3A_2481, %add3A_2417 : vector<16xf32>
    %add3A_2483 = arith.constant 0.00833333377 : f32
    %add3A_2484 = vector.broadcast %add3A_2483 : f32 to vector<16xf32>
    %add3A_2485 = arith.addf %mul3A_2482, %add3A_2484 : vector<16xf32>
    %mul3A_2486 = arith.mulf %add3A_2485, %add3A_2417 : vector<16xf32>
    %add3A_2487 = arith.constant -0.166666672 : f32
    %add3A_2488 = vector.broadcast %add3A_2487 : f32 to vector<16xf32>
    %add3A_2489 = arith.addf %mul3A_2486, %add3A_2488 : vector<16xf32>
    %mul3A_2490 = arith.mulf %add3A_2489, %add3A_2417 : vector<16xf32>
    %add3A_2491 = arith.constant 1.000000e+00 : f32
    %add3A_2492 = vector.broadcast %add3A_2491 : f32 to vector<16xf32>
    %add3A_2493 = arith.addf %mul3A_2490, %add3A_2492 : vector<16xf32>
    %broadcast_in_dim3A_2494 = arith.constant -3.45510317E-19 : f32
    %broadcast_in_dim3A_2495 = vector.broadcast %broadcast_in_dim3A_2494 : f32 to vector<16xf32>
    %mul3A_2496 = arith.mulf %broadcast_in_dim3A_2495, %add3A_2417 : vector<16xf32>
    %add3A_2497 = arith.constant 1.54019693E-16 : f32
    %add3A_2498 = vector.broadcast %add3A_2497 : f32 to vector<16xf32>
    %add3A_2499 = arith.addf %mul3A_2496, %add3A_2498 : vector<16xf32>
    %mul3A_2500 = arith.mulf %add3A_2499, %add3A_2417 : vector<16xf32>
    %add3A_2501 = arith.constant -4.77541387E-14 : f32
    %add3A_2502 = vector.broadcast %add3A_2501 : f32 to vector<16xf32>
    %add3A_2503 = arith.addf %mul3A_2500, %add3A_2502 : vector<16xf32>
    %mul3A_2504 = arith.mulf %add3A_2503, %add3A_2417 : vector<16xf32>
    %add3A_2505 = arith.constant 1.14702805E-11 : f32
    %add3A_2506 = vector.broadcast %add3A_2505 : f32 to vector<16xf32>
    %add3A_2507 = arith.addf %mul3A_2504, %add3A_2506 : vector<16xf32>
    %mul3A_2508 = arith.mulf %add3A_2507, %add3A_2417 : vector<16xf32>
    %add3A_2509 = arith.constant -2.08767226E-9 : f32
    %add3A_2510 = vector.broadcast %add3A_2509 : f32 to vector<16xf32>
    %add3A_2511 = arith.addf %mul3A_2508, %add3A_2510 : vector<16xf32>
    %mul3A_2512 = arith.mulf %add3A_2511, %add3A_2417 : vector<16xf32>
    %add3A_2513 = arith.constant 2.75573171E-7 : f32
    %add3A_2514 = vector.broadcast %add3A_2513 : f32 to vector<16xf32>
    %add3A_2515 = arith.addf %mul3A_2512, %add3A_2514 : vector<16xf32>
    %mul3A_2516 = arith.mulf %add3A_2515, %add3A_2417 : vector<16xf32>
    %add3A_2517 = arith.constant -2.48015876E-5 : f32
    %add3A_2518 = vector.broadcast %add3A_2517 : f32 to vector<16xf32>
    %add3A_2519 = arith.addf %mul3A_2516, %add3A_2518 : vector<16xf32>
    %mul3A_2520 = arith.mulf %add3A_2519, %add3A_2417 : vector<16xf32>
    %add3A_2521 = arith.constant 0.00138888892 : f32
    %add3A_2522 = vector.broadcast %add3A_2521 : f32 to vector<16xf32>
    %add3A_2523 = arith.addf %mul3A_2520, %add3A_2522 : vector<16xf32>
    %mul3A_2524 = arith.mulf %add3A_2523, %add3A_2417 : vector<16xf32>
    %add3A_2525 = arith.constant -0.0416666679 : f32
    %add3A_2526 = vector.broadcast %add3A_2525 : f32 to vector<16xf32>
    %add3A_2527 = arith.addf %mul3A_2524, %add3A_2526 : vector<16xf32>
    %mul3A_2528 = arith.mulf %add3A_2527, %add3A_2417 : vector<16xf32>
    %add3A_2529 = arith.constant 5.000000e-01 : f32
    %add3A_2530 = vector.broadcast %add3A_2529 : f32 to vector<16xf32>
    %add3A_2531 = arith.addf %mul3A_2528, %add3A_2530 : vector<16xf32>
    %mul3A_2532 = arith.mulf %add3A_2531, %gather3A_2397 : vector<16xf32>
    %mul3A_2533 = arith.mulf %mul3A_2532, %gather3A_2400 : vector<16xf32>
    %mul3A_2534 = arith.mulf %add3A_2531, %gather3A_2397 : vector<16xf32>
    %mul3A_2535 = arith.mulf %mul3A_2534, %gather3A_2403 : vector<16xf32>
    %mul3A_2536 = arith.mulf %add3A_2531, %gather3A_2400 : vector<16xf32>
    %mul3A_2537 = arith.mulf %mul3A_2536, %gather3A_2403 : vector<16xf32>
    %mul3A_2538 = arith.mulf %add3A_2493, %gather3A_2397 : vector<16xf32>
    %mul3A_2539 = arith.mulf %add3A_2493, %gather3A_2400 : vector<16xf32>
    %mul3A_2540 = arith.mulf %add3A_2493, %gather3A_2403 : vector<16xf32>
    %mul3A_2541 = arith.mulf %add3A_2531, %gather3A_2397 : vector<16xf32>
    %mul3A_2542 = arith.mulf %mul3A_2541, %gather3A_2397 : vector<16xf32>
    %add3A_2543 = arith.addf %add3A_2455, %mul3A_2542 : vector<16xf32>
    %sub3A_2544 = arith.subf %mul3A_2533, %mul3A_2540 : vector<16xf32>
    %add3A_2545 = arith.addf %mul3A_2535, %mul3A_2539 : vector<16xf32>
    %add3A_2546 = arith.addf %mul3A_2533, %mul3A_2540 : vector<16xf32>
    %mul3A_2547 = arith.mulf %add3A_2531, %gather3A_2400 : vector<16xf32>
    %mul3A_2548 = arith.mulf %mul3A_2547, %gather3A_2400 : vector<16xf32>
    %add3A_2549 = arith.addf %add3A_2455, %mul3A_2548 : vector<16xf32>
    %sub3A_2550 = arith.subf %mul3A_2537, %mul3A_2538 : vector<16xf32>
    %sub3A_2551 = arith.subf %mul3A_2535, %mul3A_2539 : vector<16xf32>
    %add3A_2552 = arith.addf %mul3A_2537, %mul3A_2538 : vector<16xf32>
    %mul3A_2553 = arith.mulf %add3A_2531, %gather3A_2403 : vector<16xf32>
    %mul3A_2554 = arith.mulf %mul3A_2553, %gather3A_2403 : vector<16xf32>
    %add3A_2555 = arith.addf %add3A_2455, %mul3A_2554 : vector<16xf32>
    %broadcast_in_dim3A_2556 = arith.constant 54 : i32
    %broadcast_in_dim3A_2557 = vector.broadcast %broadcast_in_dim3A_2556 : i32 to vector<16xi32>
    tpu.vector_store_idx %arg16[%add3A_2394, %broadcast_in_dim3A_2557], %add3A_2543 : memref<32x72xf32, #tpu.memory_space<vmem>>[vector<16xi32>, vector<16xi32>], vector<16xf32>,
    %broadcast_in_dim3A_2558 = arith.constant 55 : i32
    %broadcast_in_dim3A_2559 = vector.broadcast %broadcast_in_dim3A_2558 : i32 to vector<16xi32>
    tpu.vector_store_idx %arg16[%add3A_2394, %broadcast_in_dim3A_2559], %sub3A_2544 : memref<32x72xf32, #tpu.memory_space<vmem>>[vector<16xi32>, vector<16xi32>], vector<16xf32>,
    %broadcast_in_dim3A_2560 = arith.constant 56 : i32
    %broadcast_in_dim3A_2561 = vector.broadcast %broadcast_in_dim3A_2560 : i32 to vector<16xi32>
    tpu.vector_store_idx %arg16[%add3A_2394, %broadcast_in_dim3A_2561], %add3A_2545 : memref<32x72xf32, #tpu.memory_space<vmem>>[vector<16xi32>, vector<16xi32>], vector<16xf32>,
    %broadcast_in_dim3A_2562 = arith.constant 57 : i32
    %broadcast_in_dim3A_2563 = vector.broadcast %broadcast_in_dim3A_2562 : i32 to vector<16xi32>
    tpu.vector_store_idx %arg16[%add3A_2394, %broadcast_in_dim3A_2563], %add3A_2546 : memref<32x72xf32, #tpu.memory_space<vmem>>[vector<16xi32>, vector<16xi32>], vector<16xf32>,
    %broadcast_in_dim3A_2564 = arith.constant 58 : i32
    %broadcast_in_dim3A_2565 = vector.broadcast %broadcast_in_dim3A_2564 : i32 to vector<16xi32>
    tpu.vector_store_idx %arg16[%add3A_2394, %broadcast_in_dim3A_2565], %add3A_2549 : memref<32x72xf32, #tpu.memory_space<vmem>>[vector<16xi32>, vector<16xi32>], vector<16xf32>,
    %broadcast_in_dim3A_2566 = arith.constant 59 : i32
    %broadcast_in_dim3A_2567 = vector.broadcast %broadcast_in_dim3A_2566 : i32 to vector<16xi32>
    tpu.vector_store_idx %arg16[%add3A_2394, %broadcast_in_dim3A_2567], %sub3A_2550 : memref<32x72xf32, #tpu.memory_space<vmem>>[vector<16xi32>, vector<16xi32>], vector<16xf32>,
    %broadcast_in_dim3A_2568 = arith.constant 60 : i32
    %broadcast_in_dim3A_2569 = vector.broadcast %broadcast_in_dim3A_2568 : i32 to vector<16xi32>
    tpu.vector_store_idx %arg16[%add3A_2394, %broadcast_in_dim3A_2569], %sub3A_2551 : memref<32x72xf32, #tpu.memory_space<vmem>>[vector<16xi32>, vector<16xi32>], vector<16xf32>,
    %broadcast_in_dim3A_2570 = arith.constant 61 : i32
    %broadcast_in_dim3A_2571 = vector.broadcast %broadcast_in_dim3A_2570 : i32 to vector<16xi32>
    tpu.vector_store_idx %arg16[%add3A_2394, %broadcast_in_dim3A_2571], %add3A_2552 : memref<32x72xf32, #tpu.memory_space<vmem>>[vector<16xi32>, vector<16xi32>], vector<16xf32>,
    %broadcast_in_dim3A_2572 = arith.constant 62 : i32
    %broadcast_in_dim3A_2573 = vector.broadcast %broadcast_in_dim3A_2572 : i32 to vector<16xi32>
    tpu.vector_store_idx %arg16[%add3A_2394, %broadcast_in_dim3A_2573], %add3A_2555 : memref<32x72xf32, #tpu.memory_space<vmem>>[vector<16xi32>, vector<16xi32>], vector<16xf32>,
    %iota3A_2574 = tpu.iota {dimensions = array<i32: 0>} : vector<16xi32>
    %add3A_2575 = arith.constant 0 : i32
    %add3A_2576 = vector.broadcast %add3A_2575 : i32 to vector<16xi32>
    %add3A_2577 = arith.addi %iota3A_2574, %add3A_2576 : vector<16xi32>
    %broadcast_in_dim3A_2578 = arith.constant 21 : i32
    %broadcast_in_dim3A_2579 = vector.broadcast %broadcast_in_dim3A_2578 : i32 to vector<16xi32>
    %gather3A_2580 = tpu.vector_load_idx %arg12[%add3A_2577, %broadcast_in_dim3A_2579] : memref<32x24xf32, #tpu.memory_space<vmem>>[vector<16xi32>, vector<16xi32>], vector<16xf32>,
    %broadcast_in_dim3A_2581 = arith.constant 22 : i32
    %broadcast_in_dim3A_2582 = vector.broadcast %broadcast_in_dim3A_2581 : i32 to vector<16xi32>
    %gather3A_2583 = tpu.vector_load_idx %arg12[%add3A_2577, %broadcast_in_dim3A_2582] : memref<32x24xf32, #tpu.memory_space<vmem>>[vector<16xi32>, vector<16xi32>], vector<16xf32>,
    %broadcast_in_dim3A_2584 = arith.constant 23 : i32
    %broadcast_in_dim3A_2585 = vector.broadcast %broadcast_in_dim3A_2584 : i32 to vector<16xi32>
    %gather3A_2586 = tpu.vector_load_idx %arg12[%add3A_2577, %broadcast_in_dim3A_2585] : memref<32x24xf32, #tpu.memory_space<vmem>>[vector<16xi32>, vector<16xi32>], vector<16xf32>,
    %add3A_2587 = arith.constant 9.99999993E-9 : f32
    %add3A_2588 = vector.broadcast %add3A_2587 : f32 to vector<16xf32>
    %add3A_2589 = arith.addf %gather3A_2580, %add3A_2588 : vector<16xf32>
    %add3A_2590 = arith.constant 9.99999993E-9 : f32
    %add3A_2591 = vector.broadcast %add3A_2590 : f32 to vector<16xf32>
    %add3A_2592 = arith.addf %gather3A_2583, %add3A_2591 : vector<16xf32>
    %add3A_2593 = arith.constant 9.99999993E-9 : f32
    %add3A_2594 = vector.broadcast %add3A_2593 : f32 to vector<16xf32>
    %add3A_2595 = arith.addf %gather3A_2586, %add3A_2594 : vector<16xf32>
    %mul3A_2596 = arith.mulf %add3A_2589, %add3A_2589 : vector<16xf32>
    %mul3A_2597 = arith.mulf %add3A_2592, %add3A_2592 : vector<16xf32>
    %add3A_2598 = arith.addf %mul3A_2596, %mul3A_2597 : vector<16xf32>
    %mul3A_2599 = arith.mulf %add3A_2595, %add3A_2595 : vector<16xf32>
    %add3A_2600 = arith.addf %add3A_2598, %mul3A_2599 : vector<16xf32>
    %broadcast_in_dim3A_2601 = arith.constant -1.26392073E-16 : f32
    %broadcast_in_dim3A_2602 = vector.broadcast %broadcast_in_dim3A_2601 : f32 to vector<16xf32>
    %mul3A_2603 = arith.mulf %broadcast_in_dim3A_2602, %add3A_2600 : vector<16xf32>
    %add3A_2604 = arith.constant 4.68123939E-14 : f32
    %add3A_2605 = vector.broadcast %add3A_2604 : f32 to vector<16xf32>
    %add3A_2606 = arith.addf %mul3A_2603, %add3A_2605 : vector<16xf32>
    %mul3A_2607 = arith.mulf %add3A_2606, %add3A_2600 : vector<16xf32>
    %add3A_2608 = arith.constant -1.14524328E-11 : f32
    %add3A_2609 = vector.broadcast %add3A_2608 : f32 to vector<16xf32>
    %add3A_2610 = arith.addf %mul3A_2607, %add3A_2609 : vector<16xf32>
    %mul3A_2611 = arith.mulf %add3A_2610, %add3A_2600 : vector<16xf32>
    %add3A_2612 = arith.constant 2.08746664E-9 : f32
    %add3A_2613 = vector.broadcast %add3A_2612 : f32 to vector<16xf32>
    %add3A_2614 = arith.addf %mul3A_2611, %add3A_2613 : vector<16xf32>
    %mul3A_2615 = arith.mulf %add3A_2614, %add3A_2600 : vector<16xf32>
    %add3A_2616 = arith.constant -2.75571693E-7 : f32
    %add3A_2617 = vector.broadcast %add3A_2616 : f32 to vector<16xf32>
    %add3A_2618 = arith.addf %mul3A_2615, %add3A_2617 : vector<16xf32>
    %mul3A_2619 = arith.mulf %add3A_2618, %add3A_2600 : vector<16xf32>
    %add3A_2620 = arith.constant 2.48015804E-5 : f32
    %add3A_2621 = vector.broadcast %add3A_2620 : f32 to vector<16xf32>
    %add3A_2622 = arith.addf %mul3A_2619, %add3A_2621 : vector<16xf32>
    %mul3A_2623 = arith.mulf %add3A_2622, %add3A_2600 : vector<16xf32>
    %add3A_2624 = arith.constant -0.00138888892 : f32
    %add3A_2625 = vector.broadcast %add3A_2624 : f32 to vector<16xf32>
    %add3A_2626 = arith.addf %mul3A_2623, %add3A_2625 : vector<16xf32>
    %mul3A_2627 = arith.mulf %add3A_2626, %add3A_2600 : vector<16xf32>
    %add3A_2628 = arith.constant 0.0416666679 : f32
    %add3A_2629 = vector.broadcast %add3A_2628 : f32 to vector<16xf32>
    %add3A_2630 = arith.addf %mul3A_2627, %add3A_2629 : vector<16xf32>
    %mul3A_2631 = arith.mulf %add3A_2630, %add3A_2600 : vector<16xf32>
    %add3A_2632 = arith.constant -5.000000e-01 : f32
    %add3A_2633 = vector.broadcast %add3A_2632 : f32 to vector<16xf32>
    %add3A_2634 = arith.addf %mul3A_2631, %add3A_2633 : vector<16xf32>
    %mul3A_2635 = arith.mulf %add3A_2634, %add3A_2600 : vector<16xf32>
    %add3A_2636 = arith.constant 1.000000e+00 : f32
    %add3A_2637 = vector.broadcast %add3A_2636 : f32 to vector<16xf32>
    %add3A_2638 = arith.addf %mul3A_2635, %add3A_2637 : vector<16xf32>
    %broadcast_in_dim3A_2639 = arith.constant -6.78928175E-18 : f32
    %broadcast_in_dim3A_2640 = vector.broadcast %broadcast_in_dim3A_2639 : f32 to vector<16xf32>
    %mul3A_2641 = arith.mulf %broadcast_in_dim3A_2640, %add3A_2600 : vector<16xf32>
    %add3A_2642 = arith.constant 2.7641205E-15 : f32
    %add3A_2643 = vector.broadcast %add3A_2642 : f32 to vector<16xf32>
    %add3A_2644 = arith.addf %mul3A_2641, %add3A_2643 : vector<16xf32>
    %mul3A_2645 = arith.mulf %add3A_2644, %add3A_2600 : vector<16xf32>
    %add3A_2646 = arith.constant -7.63832465E-13 : f32
    %add3A_2647 = vector.broadcast %add3A_2646 : f32 to vector<16xf32>
    %add3A_2648 = arith.addf %mul3A_2645, %add3A_2647 : vector<16xf32>
    %mul3A_2649 = arith.mulf %add3A_2648, %add3A_2600 : vector<16xf32>
    %add3A_2650 = arith.constant 1.60580341E-10 : f32
    %add3A_2651 = vector.broadcast %add3A_2650 : f32 to vector<16xf32>
    %add3A_2652 = arith.addf %mul3A_2649, %add3A_2651 : vector<16xf32>
    %mul3A_2653 = arith.mulf %add3A_2652, %add3A_2600 : vector<16xf32>
    %add3A_2654 = arith.constant -2.50520369E-8 : f32
    %add3A_2655 = vector.broadcast %add3A_2654 : f32 to vector<16xf32>
    %add3A_2656 = arith.addf %mul3A_2653, %add3A_2655 : vector<16xf32>
    %mul3A_2657 = arith.mulf %add3A_2656, %add3A_2600 : vector<16xf32>
    %add3A_2658 = arith.constant 2.75573166E-6 : f32
    %add3A_2659 = vector.broadcast %add3A_2658 : f32 to vector<16xf32>
    %add3A_2660 = arith.addf %mul3A_2657, %add3A_2659 : vector<16xf32>
    %mul3A_2661 = arith.mulf %add3A_2660, %add3A_2600 : vector<16xf32>
    %add3A_2662 = arith.constant -1.98412701E-4 : f32
    %add3A_2663 = vector.broadcast %add3A_2662 : f32 to vector<16xf32>
    %add3A_2664 = arith.addf %mul3A_2661, %add3A_2663 : vector<16xf32>
    %mul3A_2665 = arith.mulf %add3A_2664, %add3A_2600 : vector<16xf32>
    %add3A_2666 = arith.constant 0.00833333377 : f32
    %add3A_2667 = vector.broadcast %add3A_2666 : f32 to vector<16xf32>
    %add3A_2668 = arith.addf %mul3A_2665, %add3A_2667 : vector<16xf32>
    %mul3A_2669 = arith.mulf %add3A_2668, %add3A_2600 : vector<16xf32>
    %add3A_2670 = arith.constant -0.166666672 : f32
    %add3A_2671 = vector.broadcast %add3A_2670 : f32 to vector<16xf32>
    %add3A_2672 = arith.addf %mul3A_2669, %add3A_2671 : vector<16xf32>
    %mul3A_2673 = arith.mulf %add3A_2672, %add3A_2600 : vector<16xf32>
    %add3A_2674 = arith.constant 1.000000e+00 : f32
    %add3A_2675 = vector.broadcast %add3A_2674 : f32 to vector<16xf32>
    %add3A_2676 = arith.addf %mul3A_2673, %add3A_2675 : vector<16xf32>
    %broadcast_in_dim3A_2677 = arith.constant -3.45510317E-19 : f32
    %broadcast_in_dim3A_2678 = vector.broadcast %broadcast_in_dim3A_2677 : f32 to vector<16xf32>
    %mul3A_2679 = arith.mulf %broadcast_in_dim3A_2678, %add3A_2600 : vector<16xf32>
    %add3A_2680 = arith.constant 1.54019693E-16 : f32
    %add3A_2681 = vector.broadcast %add3A_2680 : f32 to vector<16xf32>
    %add3A_2682 = arith.addf %mul3A_2679, %add3A_2681 : vector<16xf32>
    %mul3A_2683 = arith.mulf %add3A_2682, %add3A_2600 : vector<16xf32>
    %add3A_2684 = arith.constant -4.77541387E-14 : f32
    %add3A_2685 = vector.broadcast %add3A_2684 : f32 to vector<16xf32>
    %add3A_2686 = arith.addf %mul3A_2683, %add3A_2685 : vector<16xf32>
    %mul3A_2687 = arith.mulf %add3A_2686, %add3A_2600 : vector<16xf32>
    %add3A_2688 = arith.constant 1.14702805E-11 : f32
    %add3A_2689 = vector.broadcast %add3A_2688 : f32 to vector<16xf32>
    %add3A_2690 = arith.addf %mul3A_2687, %add3A_2689 : vector<16xf32>
    %mul3A_2691 = arith.mulf %add3A_2690, %add3A_2600 : vector<16xf32>
    %add3A_2692 = arith.constant -2.08767226E-9 : f32
    %add3A_2693 = vector.broadcast %add3A_2692 : f32 to vector<16xf32>
    %add3A_2694 = arith.addf %mul3A_2691, %add3A_2693 : vector<16xf32>
    %mul3A_2695 = arith.mulf %add3A_2694, %add3A_2600 : vector<16xf32>
    %add3A_2696 = arith.constant 2.75573171E-7 : f32
    %add3A_2697 = vector.broadcast %add3A_2696 : f32 to vector<16xf32>
    %add3A_2698 = arith.addf %mul3A_2695, %add3A_2697 : vector<16xf32>
    %mul3A_2699 = arith.mulf %add3A_2698, %add3A_2600 : vector<16xf32>
    %add3A_2700 = arith.constant -2.48015876E-5 : f32
    %add3A_2701 = vector.broadcast %add3A_2700 : f32 to vector<16xf32>
    %add3A_2702 = arith.addf %mul3A_2699, %add3A_2701 : vector<16xf32>
    %mul3A_2703 = arith.mulf %add3A_2702, %add3A_2600 : vector<16xf32>
    %add3A_2704 = arith.constant 0.00138888892 : f32
    %add3A_2705 = vector.broadcast %add3A_2704 : f32 to vector<16xf32>
    %add3A_2706 = arith.addf %mul3A_2703, %add3A_2705 : vector<16xf32>
    %mul3A_2707 = arith.mulf %add3A_2706, %add3A_2600 : vector<16xf32>
    %add3A_2708 = arith.constant -0.0416666679 : f32
    %add3A_2709 = vector.broadcast %add3A_2708 : f32 to vector<16xf32>
    %add3A_2710 = arith.addf %mul3A_2707, %add3A_2709 : vector<16xf32>
    %mul3A_2711 = arith.mulf %add3A_2710, %add3A_2600 : vector<16xf32>
    %add3A_2712 = arith.constant 5.000000e-01 : f32
    %add3A_2713 = vector.broadcast %add3A_2712 : f32 to vector<16xf32>
    %add3A_2714 = arith.addf %mul3A_2711, %add3A_2713 : vector<16xf32>
    %mul3A_2715 = arith.mulf %add3A_2714, %gather3A_2580 : vector<16xf32>
    %mul3A_2716 = arith.mulf %mul3A_2715, %gather3A_2583 : vector<16xf32>
    %mul3A_2717 = arith.mulf %add3A_2714, %gather3A_2580 : vector<16xf32>
    %mul3A_2718 = arith.mulf %mul3A_2717, %gather3A_2586 : vector<16xf32>
    %mul3A_2719 = arith.mulf %add3A_2714, %gather3A_2583 : vector<16xf32>
    %mul3A_2720 = arith.mulf %mul3A_2719, %gather3A_2586 : vector<16xf32>
    %mul3A_2721 = arith.mulf %add3A_2676, %gather3A_2580 : vector<16xf32>
    %mul3A_2722 = arith.mulf %add3A_2676, %gather3A_2583 : vector<16xf32>
    %mul3A_2723 = arith.mulf %add3A_2676, %gather3A_2586 : vector<16xf32>
    %mul3A_2724 = arith.mulf %add3A_2714, %gather3A_2580 : vector<16xf32>
    %mul3A_2725 = arith.mulf %mul3A_2724, %gather3A_2580 : vector<16xf32>
    %add3A_2726 = arith.addf %add3A_2638, %mul3A_2725 : vector<16xf32>
    %sub3A_2727 = arith.subf %mul3A_2716, %mul3A_2723 : vector<16xf32>
    %add3A_2728 = arith.addf %mul3A_2718, %mul3A_2722 : vector<16xf32>
    %add3A_2729 = arith.addf %mul3A_2716, %mul3A_2723 : vector<16xf32>
    %mul3A_2730 = arith.mulf %add3A_2714, %gather3A_2583 : vector<16xf32>
    %mul3A_2731 = arith.mulf %mul3A_2730, %gather3A_2583 : vector<16xf32>
    %add3A_2732 = arith.addf %add3A_2638, %mul3A_2731 : vector<16xf32>
    %sub3A_2733 = arith.subf %mul3A_2720, %mul3A_2721 : vector<16xf32>
    %sub3A_2734 = arith.subf %mul3A_2718, %mul3A_2722 : vector<16xf32>
    %add3A_2735 = arith.addf %mul3A_2720, %mul3A_2721 : vector<16xf32>
    %mul3A_2736 = arith.mulf %add3A_2714, %gather3A_2586 : vector<16xf32>
    %mul3A_2737 = arith.mulf %mul3A_2736, %gather3A_2586 : vector<16xf32>
    %add3A_2738 = arith.addf %add3A_2638, %mul3A_2737 : vector<16xf32>
    %broadcast_in_dim3A_2739 = arith.constant 63 : i32
    %broadcast_in_dim3A_2740 = vector.broadcast %broadcast_in_dim3A_2739 : i32 to vector<16xi32>
    tpu.vector_store_idx %arg16[%add3A_2577, %broadcast_in_dim3A_2740], %add3A_2726 : memref<32x72xf32, #tpu.memory_space<vmem>>[vector<16xi32>, vector<16xi32>], vector<16xf32>,
    %broadcast_in_dim3A_2741 = arith.constant 64 : i32
    %broadcast_in_dim3A_2742 = vector.broadcast %broadcast_in_dim3A_2741 : i32 to vector<16xi32>
    tpu.vector_store_idx %arg16[%add3A_2577, %broadcast_in_dim3A_2742], %sub3A_2727 : memref<32x72xf32, #tpu.memory_space<vmem>>[vector<16xi32>, vector<16xi32>], vector<16xf32>,
    %broadcast_in_dim3A_2743 = arith.constant 65 : i32
    %broadcast_in_dim3A_2744 = vector.broadcast %broadcast_in_dim3A_2743 : i32 to vector<16xi32>
    tpu.vector_store_idx %arg16[%add3A_2577, %broadcast_in_dim3A_2744], %add3A_2728 : memref<32x72xf32, #tpu.memory_space<vmem>>[vector<16xi32>, vector<16xi32>], vector<16xf32>,
    %broadcast_in_dim3A_2745 = arith.constant 66 : i32
    %broadcast_in_dim3A_2746 = vector.broadcast %broadcast_in_dim3A_2745 : i32 to vector<16xi32>
    tpu.vector_store_idx %arg16[%add3A_2577, %broadcast_in_dim3A_2746], %add3A_2729 : memref<32x72xf32, #tpu.memory_space<vmem>>[vector<16xi32>, vector<16xi32>], vector<16xf32>,
    %broadcast_in_dim3A_2747 = arith.constant 67 : i32
    %broadcast_in_dim3A_2748 = vector.broadcast %broadcast_in_dim3A_2747 : i32 to vector<16xi32>
    tpu.vector_store_idx %arg16[%add3A_2577, %broadcast_in_dim3A_2748], %add3A_2732 : memref<32x72xf32, #tpu.memory_space<vmem>>[vector<16xi32>, vector<16xi32>], vector<16xf32>,
    %broadcast_in_dim3A_2749 = arith.constant 68 : i32
    %broadcast_in_dim3A_2750 = vector.broadcast %broadcast_in_dim3A_2749 : i32 to vector<16xi32>
    tpu.vector_store_idx %arg16[%add3A_2577, %broadcast_in_dim3A_2750], %sub3A_2733 : memref<32x72xf32, #tpu.memory_space<vmem>>[vector<16xi32>, vector<16xi32>], vector<16xf32>,
    %broadcast_in_dim3A_2751 = arith.constant 69 : i32
    %broadcast_in_dim3A_2752 = vector.broadcast %broadcast_in_dim3A_2751 : i32 to vector<16xi32>
    tpu.vector_store_idx %arg16[%add3A_2577, %broadcast_in_dim3A_2752], %sub3A_2734 : memref<32x72xf32, #tpu.memory_space<vmem>>[vector<16xi32>, vector<16xi32>], vector<16xf32>,
    %broadcast_in_dim3A_2753 = arith.constant 70 : i32
    %broadcast_in_dim3A_2754 = vector.broadcast %broadcast_in_dim3A_2753 : i32 to vector<16xi32>
    tpu.vector_store_idx %arg16[%add3A_2577, %broadcast_in_dim3A_2754], %add3A_2735 : memref<32x72xf32, #tpu.memory_space<vmem>>[vector<16xi32>, vector<16xi32>], vector<16xf32>,
    %broadcast_in_dim3A_2755 = arith.constant 71 : i32
    %broadcast_in_dim3A_2756 = vector.broadcast %broadcast_in_dim3A_2755 : i32 to vector<16xi32>
    tpu.vector_store_idx %arg16[%add3A_2577, %broadcast_in_dim3A_2756], %add3A_2738 : memref<32x72xf32, #tpu.memory_space<vmem>>[vector<16xi32>, vector<16xi32>], vector<16xf32>,
    %iota3A_2757 = tpu.iota {dimensions = array<i32: 0>} : vector<16xi32>
    %add3A_2758 = arith.constant 16 : i32
    %add3A_2759 = vector.broadcast %add3A_2758 : i32 to vector<16xi32>
    %add3A_2760 = arith.addi %iota3A_2757, %add3A_2759 : vector<16xi32>
    %broadcast_in_dim3A_2761 = arith.constant 21 : i32
    %broadcast_in_dim3A_2762 = vector.broadcast %broadcast_in_dim3A_2761 : i32 to vector<16xi32>
    %gather3A_2763 = tpu.vector_load_idx %arg12[%add3A_2760, %broadcast_in_dim3A_2762] : memref<32x24xf32, #tpu.memory_space<vmem>>[vector<16xi32>, vector<16xi32>], vector<16xf32>,
    %broadcast_in_dim3A_2764 = arith.constant 22 : i32
    %broadcast_in_dim3A_2765 = vector.broadcast %broadcast_in_dim3A_2764 : i32 to vector<16xi32>
    %gather3A_2766 = tpu.vector_load_idx %arg12[%add3A_2760, %broadcast_in_dim3A_2765] : memref<32x24xf32, #tpu.memory_space<vmem>>[vector<16xi32>, vector<16xi32>], vector<16xf32>,
    %broadcast_in_dim3A_2767 = arith.constant 23 : i32
    %broadcast_in_dim3A_2768 = vector.broadcast %broadcast_in_dim3A_2767 : i32 to vector<16xi32>
    %gather3A_2769 = tpu.vector_load_idx %arg12[%add3A_2760, %broadcast_in_dim3A_2768] : memref<32x24xf32, #tpu.memory_space<vmem>>[vector<16xi32>, vector<16xi32>], vector<16xf32>,
    %add3A_2770 = arith.constant 9.99999993E-9 : f32
    %add3A_2771 = vector.broadcast %add3A_2770 : f32 to vector<16xf32>
    %add3A_2772 = arith.addf %gather3A_2763, %add3A_2771 : vector<16xf32>
    %add3A_2773 = arith.constant 9.99999993E-9 : f32
    %add3A_2774 = vector.broadcast %add3A_2773 : f32 to vector<16xf32>
    %add3A_2775 = arith.addf %gather3A_2766, %add3A_2774 : vector<16xf32>
    %add3A_2776 = arith.constant 9.99999993E-9 : f32
    %add3A_2777 = vector.broadcast %add3A_2776 : f32 to vector<16xf32>
    %add3A_2778 = arith.addf %gather3A_2769, %add3A_2777 : vector<16xf32>
    %mul3A_2779 = arith.mulf %add3A_2772, %add3A_2772 : vector<16xf32>
    %mul3A_2780 = arith.mulf %add3A_2775, %add3A_2775 : vector<16xf32>
    %add3A_2781 = arith.addf %mul3A_2779, %mul3A_2780 : vector<16xf32>
    %mul3A_2782 = arith.mulf %add3A_2778, %add3A_2778 : vector<16xf32>
    %add3A_2783 = arith.addf %add3A_2781, %mul3A_2782 : vector<16xf32>
    %broadcast_in_dim3A_2784 = arith.constant -1.26392073E-16 : f32
    %broadcast_in_dim3A_2785 = vector.broadcast %broadcast_in_dim3A_2784 : f32 to vector<16xf32>
    %mul3A_2786 = arith.mulf %broadcast_in_dim3A_2785, %add3A_2783 : vector<16xf32>
    %add3A_2787 = arith.constant 4.68123939E-14 : f32
    %add3A_2788 = vector.broadcast %add3A_2787 : f32 to vector<16xf32>
    %add3A_2789 = arith.addf %mul3A_2786, %add3A_2788 : vector<16xf32>
    %mul3A_2790 = arith.mulf %add3A_2789, %add3A_2783 : vector<16xf32>
    %add3A_2791 = arith.constant -1.14524328E-11 : f32
    %add3A_2792 = vector.broadcast %add3A_2791 : f32 to vector<16xf32>
    %add3A_2793 = arith.addf %mul3A_2790, %add3A_2792 : vector<16xf32>
    %mul3A_2794 = arith.mulf %add3A_2793, %add3A_2783 : vector<16xf32>
    %add3A_2795 = arith.constant 2.08746664E-9 : f32
    %add3A_2796 = vector.broadcast %add3A_2795 : f32 to vector<16xf32>
    %add3A_2797 = arith.addf %mul3A_2794, %add3A_2796 : vector<16xf32>
    %mul3A_2798 = arith.mulf %add3A_2797, %add3A_2783 : vector<16xf32>
    %add3A_2799 = arith.constant -2.75571693E-7 : f32
    %add3A_2800 = vector.broadcast %add3A_2799 : f32 to vector<16xf32>
    %add3A_2801 = arith.addf %mul3A_2798, %add3A_2800 : vector<16xf32>
    %mul3A_2802 = arith.mulf %add3A_2801, %add3A_2783 : vector<16xf32>
    %add3A_2803 = arith.constant 2.48015804E-5 : f32
    %add3A_2804 = vector.broadcast %add3A_2803 : f32 to vector<16xf32>
    %add3A_2805 = arith.addf %mul3A_2802, %add3A_2804 : vector<16xf32>
    %mul3A_2806 = arith.mulf %add3A_2805, %add3A_2783 : vector<16xf32>
    %add3A_2807 = arith.constant -0.00138888892 : f32
    %add3A_2808 = vector.broadcast %add3A_2807 : f32 to vector<16xf32>
    %add3A_2809 = arith.addf %mul3A_2806, %add3A_2808 : vector<16xf32>
    %mul3A_2810 = arith.mulf %add3A_2809, %add3A_2783 : vector<16xf32>
    %add3A_2811 = arith.constant 0.0416666679 : f32
    %add3A_2812 = vector.broadcast %add3A_2811 : f32 to vector<16xf32>
    %add3A_2813 = arith.addf %mul3A_2810, %add3A_2812 : vector<16xf32>
    %mul3A_2814 = arith.mulf %add3A_2813, %add3A_2783 : vector<16xf32>
    %add3A_2815 = arith.constant -5.000000e-01 : f32
    %add3A_2816 = vector.broadcast %add3A_2815 : f32 to vector<16xf32>
    %add3A_2817 = arith.addf %mul3A_2814, %add3A_2816 : vector<16xf32>
    %mul3A_2818 = arith.mulf %add3A_2817, %add3A_2783 : vector<16xf32>
    %add3A_2819 = arith.constant 1.000000e+00 : f32
    %add3A_2820 = vector.broadcast %add3A_2819 : f32 to vector<16xf32>
    %add3A_2821 = arith.addf %mul3A_2818, %add3A_2820 : vector<16xf32>
    %broadcast_in_dim3A_2822 = arith.constant -6.78928175E-18 : f32
    %broadcast_in_dim3A_2823 = vector.broadcast %broadcast_in_dim3A_2822 : f32 to vector<16xf32>
    %mul3A_2824 = arith.mulf %broadcast_in_dim3A_2823, %add3A_2783 : vector<16xf32>
    %add3A_2825 = arith.constant 2.7641205E-15 : f32
    %add3A_2826 = vector.broadcast %add3A_2825 : f32 to vector<16xf32>
    %add3A_2827 = arith.addf %mul3A_2824, %add3A_2826 : vector<16xf32>
    %mul3A_2828 = arith.mulf %add3A_2827, %add3A_2783 : vector<16xf32>
    %add3A_2829 = arith.constant -7.63832465E-13 : f32
    %add3A_2830 = vector.broadcast %add3A_2829 : f32 to vector<16xf32>
    %add3A_2831 = arith.addf %mul3A_2828, %add3A_2830 : vector<16xf32>
    %mul3A_2832 = arith.mulf %add3A_2831, %add3A_2783 : vector<16xf32>
    %add3A_2833 = arith.constant 1.60580341E-10 : f32
    %add3A_2834 = vector.broadcast %add3A_2833 : f32 to vector<16xf32>
    %add3A_2835 = arith.addf %mul3A_2832, %add3A_2834 : vector<16xf32>
    %mul3A_2836 = arith.mulf %add3A_2835, %add3A_2783 : vector<16xf32>
    %add3A_2837 = arith.constant -2.50520369E-8 : f32
    %add3A_2838 = vector.broadcast %add3A_2837 : f32 to vector<16xf32>
    %add3A_2839 = arith.addf %mul3A_2836, %add3A_2838 : vector<16xf32>
    %mul3A_2840 = arith.mulf %add3A_2839, %add3A_2783 : vector<16xf32>
    %add3A_2841 = arith.constant 2.75573166E-6 : f32
    %add3A_2842 = vector.broadcast %add3A_2841 : f32 to vector<16xf32>
    %add3A_2843 = arith.addf %mul3A_2840, %add3A_2842 : vector<16xf32>
    %mul3A_2844 = arith.mulf %add3A_2843, %add3A_2783 : vector<16xf32>
    %add3A_2845 = arith.constant -1.98412701E-4 : f32
    %add3A_2846 = vector.broadcast %add3A_2845 : f32 to vector<16xf32>
    %add3A_2847 = arith.addf %mul3A_2844, %add3A_2846 : vector<16xf32>
    %mul3A_2848 = arith.mulf %add3A_2847, %add3A_2783 : vector<16xf32>
    %add3A_2849 = arith.constant 0.00833333377 : f32
    %add3A_2850 = vector.broadcast %add3A_2849 : f32 to vector<16xf32>
    %add3A_2851 = arith.addf %mul3A_2848, %add3A_2850 : vector<16xf32>
    %mul3A_2852 = arith.mulf %add3A_2851, %add3A_2783 : vector<16xf32>
    %add3A_2853 = arith.constant -0.166666672 : f32
    %add3A_2854 = vector.broadcast %add3A_2853 : f32 to vector<16xf32>
    %add3A_2855 = arith.addf %mul3A_2852, %add3A_2854 : vector<16xf32>
    %mul3A_2856 = arith.mulf %add3A_2855, %add3A_2783 : vector<16xf32>
    %add3A_2857 = arith.constant 1.000000e+00 : f32
    %add3A_2858 = vector.broadcast %add3A_2857 : f32 to vector<16xf32>
    %add3A_2859 = arith.addf %mul3A_2856, %add3A_2858 : vector<16xf32>
    %broadcast_in_dim3A_2860 = arith.constant -3.45510317E-19 : f32
    %broadcast_in_dim3A_2861 = vector.broadcast %broadcast_in_dim3A_2860 : f32 to vector<16xf32>
    %mul3A_2862 = arith.mulf %broadcast_in_dim3A_2861, %add3A_2783 : vector<16xf32>
    %add3A_2863 = arith.constant 1.54019693E-16 : f32
    %add3A_2864 = vector.broadcast %add3A_2863 : f32 to vector<16xf32>
    %add3A_2865 = arith.addf %mul3A_2862, %add3A_2864 : vector<16xf32>
    %mul3A_2866 = arith.mulf %add3A_2865, %add3A_2783 : vector<16xf32>
    %add3A_2867 = arith.constant -4.77541387E-14 : f32
    %add3A_2868 = vector.broadcast %add3A_2867 : f32 to vector<16xf32>
    %add3A_2869 = arith.addf %mul3A_2866, %add3A_2868 : vector<16xf32>
    %mul3A_2870 = arith.mulf %add3A_2869, %add3A_2783 : vector<16xf32>
    %add3A_2871 = arith.constant 1.14702805E-11 : f32
    %add3A_2872 = vector.broadcast %add3A_2871 : f32 to vector<16xf32>
    %add3A_2873 = arith.addf %mul3A_2870, %add3A_2872 : vector<16xf32>
    %mul3A_2874 = arith.mulf %add3A_2873, %add3A_2783 : vector<16xf32>
    %add3A_2875 = arith.constant -2.08767226E-9 : f32
    %add3A_2876 = vector.broadcast %add3A_2875 : f32 to vector<16xf32>
    %add3A_2877 = arith.addf %mul3A_2874, %add3A_2876 : vector<16xf32>
    %mul3A_2878 = arith.mulf %add3A_2877, %add3A_2783 : vector<16xf32>
    %add3A_2879 = arith.constant 2.75573171E-7 : f32
    %add3A_2880 = vector.broadcast %add3A_2879 : f32 to vector<16xf32>
    %add3A_2881 = arith.addf %mul3A_2878, %add3A_2880 : vector<16xf32>
    %mul3A_2882 = arith.mulf %add3A_2881, %add3A_2783 : vector<16xf32>
    %add3A_2883 = arith.constant -2.48015876E-5 : f32
    %add3A_2884 = vector.broadcast %add3A_2883 : f32 to vector<16xf32>
    %add3A_2885 = arith.addf %mul3A_2882, %add3A_2884 : vector<16xf32>
    %mul3A_2886 = arith.mulf %add3A_2885, %add3A_2783 : vector<16xf32>
    %add3A_2887 = arith.constant 0.00138888892 : f32
    %add3A_2888 = vector.broadcast %add3A_2887 : f32 to vector<16xf32>
    %add3A_2889 = arith.addf %mul3A_2886, %add3A_2888 : vector<16xf32>
    %mul3A_2890 = arith.mulf %add3A_2889, %add3A_2783 : vector<16xf32>
    %add3A_2891 = arith.constant -0.0416666679 : f32
    %add3A_2892 = vector.broadcast %add3A_2891 : f32 to vector<16xf32>
    %add3A_2893 = arith.addf %mul3A_2890, %add3A_2892 : vector<16xf32>
    %mul3A_2894 = arith.mulf %add3A_2893, %add3A_2783 : vector<16xf32>
    %add3A_2895 = arith.constant 5.000000e-01 : f32
    %add3A_2896 = vector.broadcast %add3A_2895 : f32 to vector<16xf32>
    %add3A_2897 = arith.addf %mul3A_2894, %add3A_2896 : vector<16xf32>
    %mul3A_2898 = arith.mulf %add3A_2897, %gather3A_2763 : vector<16xf32>
    %mul3A_2899 = arith.mulf %mul3A_2898, %gather3A_2766 : vector<16xf32>
    %mul3A_2900 = arith.mulf %add3A_2897, %gather3A_2763 : vector<16xf32>
    %mul3A_2901 = arith.mulf %mul3A_2900, %gather3A_2769 : vector<16xf32>
    %mul3A_2902 = arith.mulf %add3A_2897, %gather3A_2766 : vector<16xf32>
    %mul3A_2903 = arith.mulf %mul3A_2902, %gather3A_2769 : vector<16xf32>
    %mul3A_2904 = arith.mulf %add3A_2859, %gather3A_2763 : vector<16xf32>
    %mul3A_2905 = arith.mulf %add3A_2859, %gather3A_2766 : vector<16xf32>
    %mul3A_2906 = arith.mulf %add3A_2859, %gather3A_2769 : vector<16xf32>
    %mul3A_2907 = arith.mulf %add3A_2897, %gather3A_2763 : vector<16xf32>
    %mul3A_2908 = arith.mulf %mul3A_2907, %gather3A_2763 : vector<16xf32>
    %add3A_2909 = arith.addf %add3A_2821, %mul3A_2908 : vector<16xf32>
    %sub3A_2910 = arith.subf %mul3A_2899, %mul3A_2906 : vector<16xf32>
    %add3A_2911 = arith.addf %mul3A_2901, %mul3A_2905 : vector<16xf32>
    %add3A_2912 = arith.addf %mul3A_2899, %mul3A_2906 : vector<16xf32>
    %mul3A_2913 = arith.mulf %add3A_2897, %gather3A_2766 : vector<16xf32>
    %mul3A_2914 = arith.mulf %mul3A_2913, %gather3A_2766 : vector<16xf32>
    %add3A_2915 = arith.addf %add3A_2821, %mul3A_2914 : vector<16xf32>
    %sub3A_2916 = arith.subf %mul3A_2903, %mul3A_2904 : vector<16xf32>
    %sub3A_2917 = arith.subf %mul3A_2901, %mul3A_2905 : vector<16xf32>
    %add3A_2918 = arith.addf %mul3A_2903, %mul3A_2904 : vector<16xf32>
    %mul3A_2919 = arith.mulf %add3A_2897, %gather3A_2769 : vector<16xf32>
    %mul3A_2920 = arith.mulf %mul3A_2919, %gather3A_2769 : vector<16xf32>
    %add3A_2921 = arith.addf %add3A_2821, %mul3A_2920 : vector<16xf32>
    %broadcast_in_dim3A_2922 = arith.constant 63 : i32
    %broadcast_in_dim3A_2923 = vector.broadcast %broadcast_in_dim3A_2922 : i32 to vector<16xi32>
    tpu.vector_store_idx %arg16[%add3A_2760, %broadcast_in_dim3A_2923], %add3A_2909 : memref<32x72xf32, #tpu.memory_space<vmem>>[vector<16xi32>, vector<16xi32>], vector<16xf32>,
    %broadcast_in_dim3A_2924 = arith.constant 64 : i32
    %broadcast_in_dim3A_2925 = vector.broadcast %broadcast_in_dim3A_2924 : i32 to vector<16xi32>
    tpu.vector_store_idx %arg16[%add3A_2760, %broadcast_in_dim3A_2925], %sub3A_2910 : memref<32x72xf32, #tpu.memory_space<vmem>>[vector<16xi32>, vector<16xi32>], vector<16xf32>,
    %broadcast_in_dim3A_2926 = arith.constant 65 : i32
    %broadcast_in_dim3A_2927 = vector.broadcast %broadcast_in_dim3A_2926 : i32 to vector<16xi32>
    tpu.vector_store_idx %arg16[%add3A_2760, %broadcast_in_dim3A_2927], %add3A_2911 : memref<32x72xf32, #tpu.memory_space<vmem>>[vector<16xi32>, vector<16xi32>], vector<16xf32>,
    %broadcast_in_dim3A_2928 = arith.constant 66 : i32
    %broadcast_in_dim3A_2929 = vector.broadcast %broadcast_in_dim3A_2928 : i32 to vector<16xi32>
    tpu.vector_store_idx %arg16[%add3A_2760, %broadcast_in_dim3A_2929], %add3A_2912 : memref<32x72xf32, #tpu.memory_space<vmem>>[vector<16xi32>, vector<16xi32>], vector<16xf32>,
    %broadcast_in_dim3A_2930 = arith.constant 67 : i32
    %broadcast_in_dim3A_2931 = vector.broadcast %broadcast_in_dim3A_2930 : i32 to vector<16xi32>
    tpu.vector_store_idx %arg16[%add3A_2760, %broadcast_in_dim3A_2931], %add3A_2915 : memref<32x72xf32, #tpu.memory_space<vmem>>[vector<16xi32>, vector<16xi32>], vector<16xf32>,
    %broadcast_in_dim3A_2932 = arith.constant 68 : i32
    %broadcast_in_dim3A_2933 = vector.broadcast %broadcast_in_dim3A_2932 : i32 to vector<16xi32>
    tpu.vector_store_idx %arg16[%add3A_2760, %broadcast_in_dim3A_2933], %sub3A_2916 : memref<32x72xf32, #tpu.memory_space<vmem>>[vector<16xi32>, vector<16xi32>], vector<16xf32>,
    %broadcast_in_dim3A_2934 = arith.constant 69 : i32
    %broadcast_in_dim3A_2935 = vector.broadcast %broadcast_in_dim3A_2934 : i32 to vector<16xi32>
    tpu.vector_store_idx %arg16[%add3A_2760, %broadcast_in_dim3A_2935], %sub3A_2917 : memref<32x72xf32, #tpu.memory_space<vmem>>[vector<16xi32>, vector<16xi32>], vector<16xf32>,
    %broadcast_in_dim3A_2936 = arith.constant 70 : i32
    %broadcast_in_dim3A_2937 = vector.broadcast %broadcast_in_dim3A_2936 : i32 to vector<16xi32>
    tpu.vector_store_idx %arg16[%add3A_2760, %broadcast_in_dim3A_2937], %add3A_2918 : memref<32x72xf32, #tpu.memory_space<vmem>>[vector<16xi32>, vector<16xi32>], vector<16xf32>,
    %broadcast_in_dim3A_2938 = arith.constant 71 : i32
    %broadcast_in_dim3A_2939 = vector.broadcast %broadcast_in_dim3A_2938 : i32 to vector<16xi32>
    tpu.vector_store_idx %arg16[%add3A_2760, %broadcast_in_dim3A_2939], %add3A_2921 : memref<32x72xf32, #tpu.memory_space<vmem>>[vector<16xi32>, vector<16xi32>], vector<16xf32>,
    %dma_start3A_2940 = arith.constant 0 : i32
    %dma_start3A_2941 = tpu.memref_slice %arg7[%mul3A_2, %dma_start3A_2940] : memref<1024x72xf32, #tpu.memory_space<hbm>> -> memref<32x72xf32, #tpu.memory_space<hbm>>
    %dma_start3A_2942 = arith.constant 0 : i32
    %dma_start3A_2943 = tpu.memref_slice %arg7[%mul3A_2, %dma_start3A_2942] : memref<1024x72xf32, #tpu.memory_space<hbm>> -> memref<32x72xf32, #tpu.memory_space<hbm>>
    tpu.enqueue_dma source(%arg16 : memref<32x72xf32, #tpu.memory_space<vmem>>) target(%dma_start3A_2943 : memref<32x72xf32, #tpu.memory_space<hbm>>) target_semaphore(%arg17 : memref<!tpu.dma_semaphore, #tpu.memory_space<semaphore_mem>>)
    %dma_wait3A_2944 = arith.constant 0 : i32
    %dma_wait3A_2945 = arith.constant 0 : i32
    %dma_wait3A_2946 = tpu.memref_slice %arg4[%dma_wait3A_2944, %dma_wait3A_2945] : memref<1000x8xf32, #tpu.memory_space<hbm>> -> memref<1000x8xf32, #tpu.memory_space<hbm>>
    tpu.wait_indirect_dma semaphore(%arg18 : memref<!tpu.dma_semaphore, #tpu.memory_space<semaphore_mem>>) src(%dma_wait3A_2946 : memref<1000x8xf32, #tpu.memory_space<hbm>>) dst(%arg13 : memref<32x8xf32, #tpu.memory_space<vmem>>)
    %dma_start3A_2947 = arith.constant 0 : i32
    %dma_start3A_2948 = arith.constant 0 : i32
    %dma_start3A_2949 = tpu.memref_slice %arg13[%dma_start3A_2947, %dma_start3A_2948] : memref<32x8xf32, #tpu.memory_space<vmem>> -> memref<32x3xf32, #tpu.memory_space<vmem>>
    %dma_start3A_2950 = arith.constant 0 : i32
    %dma_start3A_2951 = tpu.memref_slice %arg8[%mul3A_2, %dma_start3A_2950] : memref<1024x3xf32, #tpu.memory_space<hbm>> -> memref<32x3xf32, #tpu.memory_space<hbm>>
    %dma_start3A_2952 = arith.constant 0 : i32
    %dma_start3A_2953 = tpu.memref_slice %arg8[%mul3A_2, %dma_start3A_2952] : memref<1024x3xf32, #tpu.memory_space<hbm>> -> memref<32x3xf32, #tpu.memory_space<hbm>>
    %dma_start3A_2954 = arith.constant 0 : i32
    %dma_start3A_2955 = arith.constant 0 : i32
    %dma_start3A_2956 = tpu.memref_slice %arg13[%dma_start3A_2954, %dma_start3A_2955] : memref<32x8xf32, #tpu.memory_space<vmem>> -> memref<32x3xf32, #tpu.memory_space<vmem>>
    tpu.enqueue_dma source(%dma_start3A_2956 : memref<32x3xf32, #tpu.memory_space<vmem>>) target(%dma_start3A_2953 : memref<32x3xf32, #tpu.memory_space<hbm>>) target_semaphore(%arg18 : memref<!tpu.dma_semaphore, #tpu.memory_space<semaphore_mem>>)
    %dma_wait3A_2957 = arith.constant 0 : i32
    %dma_wait3A_2958 = arith.constant 0 : i32
    %dma_wait3A_2959 = tpu.memref_slice %arg6[%dma_wait3A_2957, %dma_wait3A_2958] : memref<1000x32xf32, #tpu.memory_space<hbm>> -> memref<1000x32xf32, #tpu.memory_space<hbm>>
    tpu.wait_indirect_dma semaphore(%arg20 : memref<!tpu.dma_semaphore, #tpu.memory_space<semaphore_mem>>) src(%dma_wait3A_2959 : memref<1000x32xf32, #tpu.memory_space<hbm>>) dst(%arg15 : memref<32x32xf32, #tpu.memory_space<vmem>>)
    %dma_start3A_2960 = arith.constant 0 : i32
    %dma_start3A_2961 = arith.constant 0 : i32
    %dma_start3A_2962 = tpu.memref_slice %arg15[%dma_start3A_2960, %dma_start3A_2961] : memref<32x32xf32, #tpu.memory_space<vmem>> -> memref<32x24xf32, #tpu.memory_space<vmem>>
    %dma_start3A_2963 = arith.constant 0 : i32
    %dma_start3A_2964 = tpu.memref_slice %arg10[%mul3A_2, %dma_start3A_2963] : memref<1024x27xf32, #tpu.memory_space<hbm>> -> memref<32x24xf32, #tpu.memory_space<hbm>>
    %dma_start3A_2965 = arith.constant 0 : i32
    %dma_start3A_2966 = tpu.memref_slice %arg10[%mul3A_2, %dma_start3A_2965] : memref<1024x27xf32, #tpu.memory_space<hbm>> -> memref<32x24xf32, #tpu.memory_space<hbm>>
    %dma_start3A_2967 = arith.constant 0 : i32
    %dma_start3A_2968 = arith.constant 0 : i32
    %dma_start3A_2969 = tpu.memref_slice %arg15[%dma_start3A_2967, %dma_start3A_2968] : memref<32x32xf32, #tpu.memory_space<vmem>> -> memref<32x24xf32, #tpu.memory_space<vmem>>
    tpu.enqueue_dma source(%dma_start3A_2969 : memref<32x24xf32, #tpu.memory_space<vmem>>) target(%dma_start3A_2966 : memref<32x24xf32, #tpu.memory_space<hbm>>) target_semaphore(%arg20 : memref<!tpu.dma_semaphore, #tpu.memory_space<semaphore_mem>>)
    %dma_start3A_2970 = arith.constant 0 : i32
    %dma_start3A_2971 = arith.constant 24 : i32
    %dma_start3A_2972 = tpu.memref_slice %arg15[%dma_start3A_2970, %dma_start3A_2971] : memref<32x32xf32, #tpu.memory_space<vmem>> -> memref<32x3xf32, #tpu.memory_space<vmem>>
    %dma_start3A_2973 = arith.constant 24 : i32
    %dma_start3A_2974 = tpu.memref_slice %arg10[%mul3A_2, %dma_start3A_2973] : memref<1024x27xf32, #tpu.memory_space<hbm>> -> memref<32x3xf32, #tpu.memory_space<hbm>>
    %dma_start3A_2975 = arith.constant 24 : i32
    %dma_start3A_2976 = tpu.memref_slice %arg10[%mul3A_2, %dma_start3A_2975] : memref<1024x27xf32, #tpu.memory_space<hbm>> -> memref<32x3xf32, #tpu.memory_space<hbm>>
    %dma_start3A_2977 = arith.constant 0 : i32
    %dma_start3A_2978 = arith.constant 24 : i32
    %dma_start3A_2979 = tpu.memref_slice %arg15[%dma_start3A_2977, %dma_start3A_2978] : memref<32x32xf32, #tpu.memory_space<vmem>> -> memref<32x3xf32, #tpu.memory_space<vmem>>
    tpu.enqueue_dma source(%dma_start3A_2979 : memref<32x3xf32, #tpu.memory_space<vmem>>) target(%dma_start3A_2976 : memref<32x3xf32, #tpu.memory_space<hbm>>) target_semaphore(%arg20 : memref<!tpu.dma_semaphore, #tpu.memory_space<semaphore_mem>>)
    %dma_wait3A_2980 = arith.constant 0 : i32
    %dma_wait3A_2981 = arith.constant 0 : i32
    %dma_wait3A_2982 = tpu.memref_slice %arg5[%dma_wait3A_2980, %dma_wait3A_2981] : memref<1000x104xf32, #tpu.memory_space<hbm>> -> memref<1000x104xf32, #tpu.memory_space<hbm>>
    tpu.wait_indirect_dma semaphore(%arg19 : memref<!tpu.dma_semaphore, #tpu.memory_space<semaphore_mem>>) src(%dma_wait3A_2982 : memref<1000x104xf32, #tpu.memory_space<hbm>>) dst(%arg14 : memref<32x104xf32, #tpu.memory_space<vmem>>)
    %dma_start3A_2983 = arith.constant 0 : i32
    %dma_start3A_2984 = arith.constant 0 : i32
    %dma_start3A_2985 = tpu.memref_slice %arg14[%dma_start3A_2983, %dma_start3A_2984] : memref<32x104xf32, #tpu.memory_space<vmem>> -> memref<32x96xf32, #tpu.memory_space<vmem>>
    %dma_start3A_2986 = arith.constant 0 : i32
    %dma_start3A_2987 = tpu.memref_slice %arg9[%mul3A_2, %dma_start3A_2986] : memref<1024x100xf32, #tpu.memory_space<hbm>> -> memref<32x96xf32, #tpu.memory_space<hbm>>
    %dma_start3A_2988 = arith.constant 0 : i32
    %dma_start3A_2989 = tpu.memref_slice %arg9[%mul3A_2, %dma_start3A_2988] : memref<1024x100xf32, #tpu.memory_space<hbm>> -> memref<32x96xf32, #tpu.memory_space<hbm>>
    %dma_start3A_2990 = arith.constant 0 : i32
    %dma_start3A_2991 = arith.constant 0 : i32
    %dma_start3A_2992 = tpu.memref_slice %arg14[%dma_start3A_2990, %dma_start3A_2991] : memref<32x104xf32, #tpu.memory_space<vmem>> -> memref<32x96xf32, #tpu.memory_space<vmem>>
    tpu.enqueue_dma source(%dma_start3A_2992 : memref<32x96xf32, #tpu.memory_space<vmem>>) target(%dma_start3A_2989 : memref<32x96xf32, #tpu.memory_space<hbm>>) target_semaphore(%arg19 : memref<!tpu.dma_semaphore, #tpu.memory_space<semaphore_mem>>)
    %dma_start3A_2993 = arith.constant 0 : i32
    %dma_start3A_2994 = arith.constant 96 : i32
    %dma_start3A_2995 = tpu.memref_slice %arg14[%dma_start3A_2993, %dma_start3A_2994] : memref<32x104xf32, #tpu.memory_space<vmem>> -> memref<32x4xf32, #tpu.memory_space<vmem>>
    %dma_start3A_2996 = arith.constant 96 : i32
    %dma_start3A_2997 = tpu.memref_slice %arg9[%mul3A_2, %dma_start3A_2996] : memref<1024x100xf32, #tpu.memory_space<hbm>> -> memref<32x4xf32, #tpu.memory_space<hbm>>
    %dma_start3A_2998 = arith.constant 96 : i32
    %dma_start3A_2999 = tpu.memref_slice %arg9[%mul3A_2, %dma_start3A_2998] : memref<1024x100xf32, #tpu.memory_space<hbm>> -> memref<32x4xf32, #tpu.memory_space<hbm>>
    %dma_start3A_3000 = arith.constant 0 : i32
    %dma_start3A_3001 = arith.constant 96 : i32
    %dma_start3A_3002 = tpu.memref_slice %arg14[%dma_start3A_3000, %dma_start3A_3001] : memref<32x104xf32, #tpu.memory_space<vmem>> -> memref<32x4xf32, #tpu.memory_space<vmem>>
    tpu.enqueue_dma source(%dma_start3A_3002 : memref<32x4xf32, #tpu.memory_space<vmem>>) target(%dma_start3A_2999 : memref<32x4xf32, #tpu.memory_space<hbm>>) target_semaphore(%arg19 : memref<!tpu.dma_semaphore, #tpu.memory_space<semaphore_mem>>)
    %dma_wait3A_3003 = arith.constant 0 : i32
    %dma_wait3A_3004 = tpu.memref_slice %arg7[%mul3A_2, %dma_wait3A_3003] : memref<1024x72xf32, #tpu.memory_space<hbm>> -> memref<32x72xf32, #tpu.memory_space<hbm>>
    %dma_wait3A_3005 = arith.constant 0 : i32
    %dma_wait3A_3006 = tpu.memref_slice %arg7[%mul3A_2, %dma_wait3A_3005] : memref<1024x72xf32, #tpu.memory_space<hbm>> -> memref<32x72xf32, #tpu.memory_space<hbm>>
    tpu.wait_dma2 semaphore(%arg17 : memref<!tpu.dma_semaphore, #tpu.memory_space<semaphore_mem>>) src(%arg16 : memref<32x72xf32, #tpu.memory_space<vmem>>) dst(%dma_wait3A_3006 : memref<32x72xf32, #tpu.memory_space<hbm>>)
    %dma_wait3A_3007 = arith.constant 0 : i32
    %dma_wait3A_3008 = arith.constant 0 : i32
    %dma_wait3A_3009 = tpu.memref_slice %arg13[%dma_wait3A_3007, %dma_wait3A_3008] : memref<32x8xf32, #tpu.memory_space<vmem>> -> memref<32x3xf32, #tpu.memory_space<vmem>>
    %dma_wait3A_3010 = arith.constant 0 : i32
    %dma_wait3A_3011 = tpu.memref_slice %arg8[%mul3A_2, %dma_wait3A_3010] : memref<1024x3xf32, #tpu.memory_space<hbm>> -> memref<32x3xf32, #tpu.memory_space<hbm>>
    %dma_wait3A_3012 = arith.constant 0 : i32
    %dma_wait3A_3013 = tpu.memref_slice %arg8[%mul3A_2, %dma_wait3A_3012] : memref<1024x3xf32, #tpu.memory_space<hbm>> -> memref<32x3xf32, #tpu.memory_space<hbm>>
    %dma_wait3A_3014 = arith.constant 0 : i32
    %dma_wait3A_3015 = arith.constant 0 : i32
    %dma_wait3A_3016 = tpu.memref_slice %arg13[%dma_wait3A_3014, %dma_wait3A_3015] : memref<32x8xf32, #tpu.memory_space<vmem>> -> memref<32x3xf32, #tpu.memory_space<vmem>>
    tpu.wait_dma2 semaphore(%arg18 : memref<!tpu.dma_semaphore, #tpu.memory_space<semaphore_mem>>) src(%dma_wait3A_3016 : memref<32x3xf32, #tpu.memory_space<vmem>>) dst(%dma_wait3A_3013 : memref<32x3xf32, #tpu.memory_space<hbm>>)
    %dma_wait3A_3017 = arith.constant 0 : i32
    %dma_wait3A_3018 = arith.constant 0 : i32
    %dma_wait3A_3019 = tpu.memref_slice %arg15[%dma_wait3A_3017, %dma_wait3A_3018] : memref<32x32xf32, #tpu.memory_space<vmem>> -> memref<32x24xf32, #tpu.memory_space<vmem>>
    %dma_wait3A_3020 = arith.constant 0 : i32
    %dma_wait3A_3021 = tpu.memref_slice %arg10[%mul3A_2, %dma_wait3A_3020] : memref<1024x27xf32, #tpu.memory_space<hbm>> -> memref<32x24xf32, #tpu.memory_space<hbm>>
    %dma_wait3A_3022 = arith.constant 0 : i32
    %dma_wait3A_3023 = tpu.memref_slice %arg10[%mul3A_2, %dma_wait3A_3022] : memref<1024x27xf32, #tpu.memory_space<hbm>> -> memref<32x24xf32, #tpu.memory_space<hbm>>
    %dma_wait3A_3024 = arith.constant 0 : i32
    %dma_wait3A_3025 = arith.constant 0 : i32
    %dma_wait3A_3026 = tpu.memref_slice %arg15[%dma_wait3A_3024, %dma_wait3A_3025] : memref<32x32xf32, #tpu.memory_space<vmem>> -> memref<32x24xf32, #tpu.memory_space<vmem>>
    tpu.wait_dma2 semaphore(%arg20 : memref<!tpu.dma_semaphore, #tpu.memory_space<semaphore_mem>>) src(%dma_wait3A_3026 : memref<32x24xf32, #tpu.memory_space<vmem>>) dst(%dma_wait3A_3023 : memref<32x24xf32, #tpu.memory_space<hbm>>)
    %dma_wait3A_3027 = arith.constant 0 : i32
    %dma_wait3A_3028 = arith.constant 24 : i32
    %dma_wait3A_3029 = tpu.memref_slice %arg15[%dma_wait3A_3027, %dma_wait3A_3028] : memref<32x32xf32, #tpu.memory_space<vmem>> -> memref<32x3xf32, #tpu.memory_space<vmem>>
    %dma_wait3A_3030 = arith.constant 24 : i32
    %dma_wait3A_3031 = tpu.memref_slice %arg10[%mul3A_2, %dma_wait3A_3030] : memref<1024x27xf32, #tpu.memory_space<hbm>> -> memref<32x3xf32, #tpu.memory_space<hbm>>
    %dma_wait3A_3032 = arith.constant 24 : i32
    %dma_wait3A_3033 = tpu.memref_slice %arg10[%mul3A_2, %dma_wait3A_3032] : memref<1024x27xf32, #tpu.memory_space<hbm>> -> memref<32x3xf32, #tpu.memory_space<hbm>>
    %dma_wait3A_3034 = arith.constant 0 : i32
    %dma_wait3A_3035 = arith.constant 24 : i32
    %dma_wait3A_3036 = tpu.memref_slice %arg15[%dma_wait3A_3034, %dma_wait3A_3035] : memref<32x32xf32, #tpu.memory_space<vmem>> -> memref<32x3xf32, #tpu.memory_space<vmem>>
    tpu.wait_dma2 semaphore(%arg20 : memref<!tpu.dma_semaphore, #tpu.memory_space<semaphore_mem>>) src(%dma_wait3A_3036 : memref<32x3xf32, #tpu.memory_space<vmem>>) dst(%dma_wait3A_3033 : memref<32x3xf32, #tpu.memory_space<hbm>>)
    %dma_wait3A_3037 = arith.constant 0 : i32
    %dma_wait3A_3038 = arith.constant 0 : i32
    %dma_wait3A_3039 = tpu.memref_slice %arg14[%dma_wait3A_3037, %dma_wait3A_3038] : memref<32x104xf32, #tpu.memory_space<vmem>> -> memref<32x96xf32, #tpu.memory_space<vmem>>
    %dma_wait3A_3040 = arith.constant 0 : i32
    %dma_wait3A_3041 = tpu.memref_slice %arg9[%mul3A_2, %dma_wait3A_3040] : memref<1024x100xf32, #tpu.memory_space<hbm>> -> memref<32x96xf32, #tpu.memory_space<hbm>>
    %dma_wait3A_3042 = arith.constant 0 : i32
    %dma_wait3A_3043 = tpu.memref_slice %arg9[%mul3A_2, %dma_wait3A_3042] : memref<1024x100xf32, #tpu.memory_space<hbm>> -> memref<32x96xf32, #tpu.memory_space<hbm>>
    %dma_wait3A_3044 = arith.constant 0 : i32
    %dma_wait3A_3045 = arith.constant 0 : i32
    %dma_wait3A_3046 = tpu.memref_slice %arg14[%dma_wait3A_3044, %dma_wait3A_3045] : memref<32x104xf32, #tpu.memory_space<vmem>> -> memref<32x96xf32, #tpu.memory_space<vmem>>
    tpu.wait_dma2 semaphore(%arg19 : memref<!tpu.dma_semaphore, #tpu.memory_space<semaphore_mem>>) src(%dma_wait3A_3046 : memref<32x96xf32, #tpu.memory_space<vmem>>) dst(%dma_wait3A_3043 : memref<32x96xf32, #tpu.memory_space<hbm>>)
    %dma_wait3A_3047 = arith.constant 0 : i32
    %dma_wait3A_3048 = arith.constant 96 : i32
    %dma_wait3A_3049 = tpu.memref_slice %arg14[%dma_wait3A_3047, %dma_wait3A_3048] : memref<32x104xf32, #tpu.memory_space<vmem>> -> memref<32x4xf32, #tpu.memory_space<vmem>>
    %dma_wait3A_3050 = arith.constant 96 : i32
    %dma_wait3A_3051 = tpu.memref_slice %arg9[%mul3A_2, %dma_wait3A_3050] : memref<1024x100xf32, #tpu.memory_space<hbm>> -> memref<32x4xf32, #tpu.memory_space<hbm>>
    %dma_wait3A_3052 = arith.constant 96 : i32
    %dma_wait3A_3053 = tpu.memref_slice %arg9[%mul3A_2, %dma_wait3A_3052] : memref<1024x100xf32, #tpu.memory_space<hbm>> -> memref<32x4xf32, #tpu.memory_space<hbm>>
    %dma_wait3A_3054 = arith.constant 0 : i32
    %dma_wait3A_3055 = arith.constant 96 : i32
    %dma_wait3A_3056 = tpu.memref_slice %arg14[%dma_wait3A_3054, %dma_wait3A_3055] : memref<32x104xf32, #tpu.memory_space<vmem>> -> memref<32x4xf32, #tpu.memory_space<vmem>>
    tpu.wait_dma2 semaphore(%arg19 : memref<!tpu.dma_semaphore, #tpu.memory_space<semaphore_mem>>) src(%dma_wait3A_3056 : memref<32x4xf32, #tpu.memory_space<vmem>>) dst(%dma_wait3A_3053 : memref<32x4xf32, #tpu.memory_space<hbm>>)
    return
  }
}

#map = affine_map<(d0, d1) -> (0, 0)>
module attributes {stable_mosaic.version = 14 : i64} {
  func.func @body(%arg0: i32, %arg1: i32, %arg2: memref<1024x495xf32, #tpu.memory_space<hbm>>, %arg3: memref<1024x72xf32, #tpu.memory_space<hbm>>, %arg4: memref<1024x495xf32, #tpu.memory_space<hbm>>, %arg5: memref<32x72xf32, #tpu.memory_space<vmem>>, %arg6: memref<32x495xf32, #tpu.memory_space<vmem>>, %arg7: memref<!tpu.dma_semaphore, #tpu.memory_space<semaphore_mem>>) attributes {dimension_semantics = [#tpu.dimension_semantics<core_parallel>, #tpu.dimension_semantics<subcore_parallel>], iteration_bounds = array<i64: 2, 16>, scalar_prefetch = 0 : i64, scratch_operands = 3 : i64, tpu.core_type = #tpu.core_type<sc_vector_subcore>, window_params = [{transform_indices = #map}, {transform_indices = #map}, {transform_indices = #map}]} {
    %mul3A = arith.constant 2 : i32
    %mul3A_0 = arith.muli %arg1, %mul3A : i32
    %add3A = arith.addi %mul3A_0, %arg0 : i32
    %mul3A_1 = arith.constant 32 : i32
    %mul3A_2 = arith.muli %add3A, %mul3A_1 : i32
    %dma_start3A = arith.constant 0 : i32
    %dma_start3A_3 = tpu.memref_slice %arg3[%mul3A_2, %dma_start3A] : memref<1024x72xf32, #tpu.memory_space<hbm>> -> memref<32x72xf32, #tpu.memory_space<hbm>>
    %dma_start3A_4 = arith.constant 0 : i32
    %dma_start3A_5 = tpu.memref_slice %arg3[%mul3A_2, %dma_start3A_4] : memref<1024x72xf32, #tpu.memory_space<hbm>> -> memref<32x72xf32, #tpu.memory_space<hbm>>
    tpu.enqueue_dma source(%dma_start3A_5 : memref<32x72xf32, #tpu.memory_space<hbm>>) target(%arg5 : memref<32x72xf32, #tpu.memory_space<vmem>>) target_semaphore(%arg7 : memref<!tpu.dma_semaphore, #tpu.memory_space<semaphore_mem>>)
    "tpu.region"() ({
      %run_scoped3A = tpu.sem_alloc : memref<!tpu.dma_semaphore, #tpu.memory_space<semaphore_mem>>
      %dma_start3A_790 = arith.constant 0 : i32
      %dma_start3A_791 = tpu.memref_slice %arg2[%mul3A_2, %dma_start3A_790] : memref<1024x495xf32, #tpu.memory_space<hbm>> -> memref<32x495xf32, #tpu.memory_space<hbm>>
      %dma_start3A_792 = arith.constant 0 : i32
      %dma_start3A_793 = tpu.memref_slice %arg2[%mul3A_2, %dma_start3A_792] : memref<1024x495xf32, #tpu.memory_space<hbm>> -> memref<32x495xf32, #tpu.memory_space<hbm>>
      tpu.enqueue_dma source(%dma_start3A_793 : memref<32x495xf32, #tpu.memory_space<hbm>>) target(%arg6 : memref<32x495xf32, #tpu.memory_space<vmem>>) target_semaphore(%run_scoped3A : memref<!tpu.dma_semaphore, #tpu.memory_space<semaphore_mem>>)
      %dma_wait3A_794 = arith.constant 0 : i32
      %dma_wait3A_795 = tpu.memref_slice %arg2[%mul3A_2, %dma_wait3A_794] : memref<1024x495xf32, #tpu.memory_space<hbm>> -> memref<32x495xf32, #tpu.memory_space<hbm>>
      %dma_wait3A_796 = arith.constant 0 : i32
      %dma_wait3A_797 = tpu.memref_slice %arg2[%mul3A_2, %dma_wait3A_796] : memref<1024x495xf32, #tpu.memory_space<hbm>> -> memref<32x495xf32, #tpu.memory_space<hbm>>
      tpu.wait_dma2 semaphore(%run_scoped3A : memref<!tpu.dma_semaphore, #tpu.memory_space<semaphore_mem>>) src(%dma_wait3A_797 : memref<32x495xf32, #tpu.memory_space<hbm>>) dst(%arg6 : memref<32x495xf32, #tpu.memory_space<vmem>>)
      tpu.yield
    }) : () -> ()
    %dma_wait3A = arith.constant 0 : i32
    %dma_wait3A_6 = tpu.memref_slice %arg3[%mul3A_2, %dma_wait3A] : memref<1024x72xf32, #tpu.memory_space<hbm>> -> memref<32x72xf32, #tpu.memory_space<hbm>>
    %dma_wait3A_7 = arith.constant 0 : i32
    %dma_wait3A_8 = tpu.memref_slice %arg3[%mul3A_2, %dma_wait3A_7] : memref<1024x72xf32, #tpu.memory_space<hbm>> -> memref<32x72xf32, #tpu.memory_space<hbm>>
    tpu.wait_dma2 semaphore(%arg7 : memref<!tpu.dma_semaphore, #tpu.memory_space<semaphore_mem>>) src(%dma_wait3A_8 : memref<32x72xf32, #tpu.memory_space<hbm>>) dst(%arg5 : memref<32x72xf32, #tpu.memory_space<vmem>>)
    %iota3A = tpu.iota {dimensions = array<i32: 0>} : vector<16xi32>
    %add3A_9 = arith.constant 0 : i32
    %add3A_10 = vector.broadcast %add3A_9 : i32 to vector<16xi32>
    %add3A_11 = arith.addi %iota3A, %add3A_10 : vector<16xi32>
    %broadcast_in_dim3A = arith.constant 0 : i32
    %broadcast_in_dim3A_12 = vector.broadcast %broadcast_in_dim3A : i32 to vector<16xi32>
    %gather3A = tpu.vector_load_idx %arg5[%add3A_11, %broadcast_in_dim3A_12] : memref<32x72xf32, #tpu.memory_space<vmem>>[vector<16xi32>, vector<16xi32>], vector<16xf32>,
    %broadcast_in_dim3A_13 = arith.constant 0 : i32
    %broadcast_in_dim3A_14 = vector.broadcast %broadcast_in_dim3A_13 : i32 to vector<16xi32>
    tpu.vector_store_idx %arg6[%add3A_11, %broadcast_in_dim3A_14], %gather3A : memref<32x495xf32, #tpu.memory_space<vmem>>[vector<16xi32>, vector<16xi32>], vector<16xf32>,
    %broadcast_in_dim3A_15 = arith.constant 1 : i32
    %broadcast_in_dim3A_16 = vector.broadcast %broadcast_in_dim3A_15 : i32 to vector<16xi32>
    %gather3A_17 = tpu.vector_load_idx %arg5[%add3A_11, %broadcast_in_dim3A_16] : memref<32x72xf32, #tpu.memory_space<vmem>>[vector<16xi32>, vector<16xi32>], vector<16xf32>,
    %broadcast_in_dim3A_18 = arith.constant 1 : i32
    %broadcast_in_dim3A_19 = vector.broadcast %broadcast_in_dim3A_18 : i32 to vector<16xi32>
    tpu.vector_store_idx %arg6[%add3A_11, %broadcast_in_dim3A_19], %gather3A_17 : memref<32x495xf32, #tpu.memory_space<vmem>>[vector<16xi32>, vector<16xi32>], vector<16xf32>,
    %broadcast_in_dim3A_20 = arith.constant 2 : i32
    %broadcast_in_dim3A_21 = vector.broadcast %broadcast_in_dim3A_20 : i32 to vector<16xi32>
    %gather3A_22 = tpu.vector_load_idx %arg5[%add3A_11, %broadcast_in_dim3A_21] : memref<32x72xf32, #tpu.memory_space<vmem>>[vector<16xi32>, vector<16xi32>], vector<16xf32>,
    %broadcast_in_dim3A_23 = arith.constant 2 : i32
    %broadcast_in_dim3A_24 = vector.broadcast %broadcast_in_dim3A_23 : i32 to vector<16xi32>
    tpu.vector_store_idx %arg6[%add3A_11, %broadcast_in_dim3A_24], %gather3A_22 : memref<32x495xf32, #tpu.memory_space<vmem>>[vector<16xi32>, vector<16xi32>], vector<16xf32>,
    %broadcast_in_dim3A_25 = arith.constant 3 : i32
    %broadcast_in_dim3A_26 = vector.broadcast %broadcast_in_dim3A_25 : i32 to vector<16xi32>
    %gather3A_27 = tpu.vector_load_idx %arg5[%add3A_11, %broadcast_in_dim3A_26] : memref<32x72xf32, #tpu.memory_space<vmem>>[vector<16xi32>, vector<16xi32>], vector<16xf32>,
    %broadcast_in_dim3A_28 = arith.constant 3 : i32
    %broadcast_in_dim3A_29 = vector.broadcast %broadcast_in_dim3A_28 : i32 to vector<16xi32>
    tpu.vector_store_idx %arg6[%add3A_11, %broadcast_in_dim3A_29], %gather3A_27 : memref<32x495xf32, #tpu.memory_space<vmem>>[vector<16xi32>, vector<16xi32>], vector<16xf32>,
    %broadcast_in_dim3A_30 = arith.constant 4 : i32
    %broadcast_in_dim3A_31 = vector.broadcast %broadcast_in_dim3A_30 : i32 to vector<16xi32>
    %gather3A_32 = tpu.vector_load_idx %arg5[%add3A_11, %broadcast_in_dim3A_31] : memref<32x72xf32, #tpu.memory_space<vmem>>[vector<16xi32>, vector<16xi32>], vector<16xf32>,
    %broadcast_in_dim3A_33 = arith.constant 4 : i32
    %broadcast_in_dim3A_34 = vector.broadcast %broadcast_in_dim3A_33 : i32 to vector<16xi32>
    tpu.vector_store_idx %arg6[%add3A_11, %broadcast_in_dim3A_34], %gather3A_32 : memref<32x495xf32, #tpu.memory_space<vmem>>[vector<16xi32>, vector<16xi32>], vector<16xf32>,
    %broadcast_in_dim3A_35 = arith.constant 5 : i32
    %broadcast_in_dim3A_36 = vector.broadcast %broadcast_in_dim3A_35 : i32 to vector<16xi32>
    %gather3A_37 = tpu.vector_load_idx %arg5[%add3A_11, %broadcast_in_dim3A_36] : memref<32x72xf32, #tpu.memory_space<vmem>>[vector<16xi32>, vector<16xi32>], vector<16xf32>,
    %broadcast_in_dim3A_38 = arith.constant 5 : i32
    %broadcast_in_dim3A_39 = vector.broadcast %broadcast_in_dim3A_38 : i32 to vector<16xi32>
    tpu.vector_store_idx %arg6[%add3A_11, %broadcast_in_dim3A_39], %gather3A_37 : memref<32x495xf32, #tpu.memory_space<vmem>>[vector<16xi32>, vector<16xi32>], vector<16xf32>,
    %broadcast_in_dim3A_40 = arith.constant 6 : i32
    %broadcast_in_dim3A_41 = vector.broadcast %broadcast_in_dim3A_40 : i32 to vector<16xi32>
    %gather3A_42 = tpu.vector_load_idx %arg5[%add3A_11, %broadcast_in_dim3A_41] : memref<32x72xf32, #tpu.memory_space<vmem>>[vector<16xi32>, vector<16xi32>], vector<16xf32>,
    %broadcast_in_dim3A_43 = arith.constant 6 : i32
    %broadcast_in_dim3A_44 = vector.broadcast %broadcast_in_dim3A_43 : i32 to vector<16xi32>
    tpu.vector_store_idx %arg6[%add3A_11, %broadcast_in_dim3A_44], %gather3A_42 : memref<32x495xf32, #tpu.memory_space<vmem>>[vector<16xi32>, vector<16xi32>], vector<16xf32>,
    %broadcast_in_dim3A_45 = arith.constant 7 : i32
    %broadcast_in_dim3A_46 = vector.broadcast %broadcast_in_dim3A_45 : i32 to vector<16xi32>
    %gather3A_47 = tpu.vector_load_idx %arg5[%add3A_11, %broadcast_in_dim3A_46] : memref<32x72xf32, #tpu.memory_space<vmem>>[vector<16xi32>, vector<16xi32>], vector<16xf32>,
    %broadcast_in_dim3A_48 = arith.constant 7 : i32
    %broadcast_in_dim3A_49 = vector.broadcast %broadcast_in_dim3A_48 : i32 to vector<16xi32>
    tpu.vector_store_idx %arg6[%add3A_11, %broadcast_in_dim3A_49], %gather3A_47 : memref<32x495xf32, #tpu.memory_space<vmem>>[vector<16xi32>, vector<16xi32>], vector<16xf32>,
    %broadcast_in_dim3A_50 = arith.constant 8 : i32
    %broadcast_in_dim3A_51 = vector.broadcast %broadcast_in_dim3A_50 : i32 to vector<16xi32>
    %gather3A_52 = tpu.vector_load_idx %arg5[%add3A_11, %broadcast_in_dim3A_51] : memref<32x72xf32, #tpu.memory_space<vmem>>[vector<16xi32>, vector<16xi32>], vector<16xf32>,
    %broadcast_in_dim3A_53 = arith.constant 8 : i32
    %broadcast_in_dim3A_54 = vector.broadcast %broadcast_in_dim3A_53 : i32 to vector<16xi32>
    tpu.vector_store_idx %arg6[%add3A_11, %broadcast_in_dim3A_54], %gather3A_52 : memref<32x495xf32, #tpu.memory_space<vmem>>[vector<16xi32>, vector<16xi32>], vector<16xf32>,
    %iota3A_55 = tpu.iota {dimensions = array<i32: 0>} : vector<16xi32>
    %add3A_56 = arith.constant 16 : i32
    %add3A_57 = vector.broadcast %add3A_56 : i32 to vector<16xi32>
    %add3A_58 = arith.addi %iota3A_55, %add3A_57 : vector<16xi32>
    %broadcast_in_dim3A_59 = arith.constant 0 : i32
    %broadcast_in_dim3A_60 = vector.broadcast %broadcast_in_dim3A_59 : i32 to vector<16xi32>
    %gather3A_61 = tpu.vector_load_idx %arg5[%add3A_58, %broadcast_in_dim3A_60] : memref<32x72xf32, #tpu.memory_space<vmem>>[vector<16xi32>, vector<16xi32>], vector<16xf32>,
    %broadcast_in_dim3A_62 = arith.constant 0 : i32
    %broadcast_in_dim3A_63 = vector.broadcast %broadcast_in_dim3A_62 : i32 to vector<16xi32>
    tpu.vector_store_idx %arg6[%add3A_58, %broadcast_in_dim3A_63], %gather3A_61 : memref<32x495xf32, #tpu.memory_space<vmem>>[vector<16xi32>, vector<16xi32>], vector<16xf32>,
    %broadcast_in_dim3A_64 = arith.constant 1 : i32
    %broadcast_in_dim3A_65 = vector.broadcast %broadcast_in_dim3A_64 : i32 to vector<16xi32>
    %gather3A_66 = tpu.vector_load_idx %arg5[%add3A_58, %broadcast_in_dim3A_65] : memref<32x72xf32, #tpu.memory_space<vmem>>[vector<16xi32>, vector<16xi32>], vector<16xf32>,
    %broadcast_in_dim3A_67 = arith.constant 1 : i32
    %broadcast_in_dim3A_68 = vector.broadcast %broadcast_in_dim3A_67 : i32 to vector<16xi32>
    tpu.vector_store_idx %arg6[%add3A_58, %broadcast_in_dim3A_68], %gather3A_66 : memref<32x495xf32, #tpu.memory_space<vmem>>[vector<16xi32>, vector<16xi32>], vector<16xf32>,
    %broadcast_in_dim3A_69 = arith.constant 2 : i32
    %broadcast_in_dim3A_70 = vector.broadcast %broadcast_in_dim3A_69 : i32 to vector<16xi32>
    %gather3A_71 = tpu.vector_load_idx %arg5[%add3A_58, %broadcast_in_dim3A_70] : memref<32x72xf32, #tpu.memory_space<vmem>>[vector<16xi32>, vector<16xi32>], vector<16xf32>,
    %broadcast_in_dim3A_72 = arith.constant 2 : i32
    %broadcast_in_dim3A_73 = vector.broadcast %broadcast_in_dim3A_72 : i32 to vector<16xi32>
    tpu.vector_store_idx %arg6[%add3A_58, %broadcast_in_dim3A_73], %gather3A_71 : memref<32x495xf32, #tpu.memory_space<vmem>>[vector<16xi32>, vector<16xi32>], vector<16xf32>,
    %broadcast_in_dim3A_74 = arith.constant 3 : i32
    %broadcast_in_dim3A_75 = vector.broadcast %broadcast_in_dim3A_74 : i32 to vector<16xi32>
    %gather3A_76 = tpu.vector_load_idx %arg5[%add3A_58, %broadcast_in_dim3A_75] : memref<32x72xf32, #tpu.memory_space<vmem>>[vector<16xi32>, vector<16xi32>], vector<16xf32>,
    %broadcast_in_dim3A_77 = arith.constant 3 : i32
    %broadcast_in_dim3A_78 = vector.broadcast %broadcast_in_dim3A_77 : i32 to vector<16xi32>
    tpu.vector_store_idx %arg6[%add3A_58, %broadcast_in_dim3A_78], %gather3A_76 : memref<32x495xf32, #tpu.memory_space<vmem>>[vector<16xi32>, vector<16xi32>], vector<16xf32>,
    %broadcast_in_dim3A_79 = arith.constant 4 : i32
    %broadcast_in_dim3A_80 = vector.broadcast %broadcast_in_dim3A_79 : i32 to vector<16xi32>
    %gather3A_81 = tpu.vector_load_idx %arg5[%add3A_58, %broadcast_in_dim3A_80] : memref<32x72xf32, #tpu.memory_space<vmem>>[vector<16xi32>, vector<16xi32>], vector<16xf32>,
    %broadcast_in_dim3A_82 = arith.constant 4 : i32
    %broadcast_in_dim3A_83 = vector.broadcast %broadcast_in_dim3A_82 : i32 to vector<16xi32>
    tpu.vector_store_idx %arg6[%add3A_58, %broadcast_in_dim3A_83], %gather3A_81 : memref<32x495xf32, #tpu.memory_space<vmem>>[vector<16xi32>, vector<16xi32>], vector<16xf32>,
    %broadcast_in_dim3A_84 = arith.constant 5 : i32
    %broadcast_in_dim3A_85 = vector.broadcast %broadcast_in_dim3A_84 : i32 to vector<16xi32>
    %gather3A_86 = tpu.vector_load_idx %arg5[%add3A_58, %broadcast_in_dim3A_85] : memref<32x72xf32, #tpu.memory_space<vmem>>[vector<16xi32>, vector<16xi32>], vector<16xf32>,
    %broadcast_in_dim3A_87 = arith.constant 5 : i32
    %broadcast_in_dim3A_88 = vector.broadcast %broadcast_in_dim3A_87 : i32 to vector<16xi32>
    tpu.vector_store_idx %arg6[%add3A_58, %broadcast_in_dim3A_88], %gather3A_86 : memref<32x495xf32, #tpu.memory_space<vmem>>[vector<16xi32>, vector<16xi32>], vector<16xf32>,
    %broadcast_in_dim3A_89 = arith.constant 6 : i32
    %broadcast_in_dim3A_90 = vector.broadcast %broadcast_in_dim3A_89 : i32 to vector<16xi32>
    %gather3A_91 = tpu.vector_load_idx %arg5[%add3A_58, %broadcast_in_dim3A_90] : memref<32x72xf32, #tpu.memory_space<vmem>>[vector<16xi32>, vector<16xi32>], vector<16xf32>,
    %broadcast_in_dim3A_92 = arith.constant 6 : i32
    %broadcast_in_dim3A_93 = vector.broadcast %broadcast_in_dim3A_92 : i32 to vector<16xi32>
    tpu.vector_store_idx %arg6[%add3A_58, %broadcast_in_dim3A_93], %gather3A_91 : memref<32x495xf32, #tpu.memory_space<vmem>>[vector<16xi32>, vector<16xi32>], vector<16xf32>,
    %broadcast_in_dim3A_94 = arith.constant 7 : i32
    %broadcast_in_dim3A_95 = vector.broadcast %broadcast_in_dim3A_94 : i32 to vector<16xi32>
    %gather3A_96 = tpu.vector_load_idx %arg5[%add3A_58, %broadcast_in_dim3A_95] : memref<32x72xf32, #tpu.memory_space<vmem>>[vector<16xi32>, vector<16xi32>], vector<16xf32>,
    %broadcast_in_dim3A_97 = arith.constant 7 : i32
    %broadcast_in_dim3A_98 = vector.broadcast %broadcast_in_dim3A_97 : i32 to vector<16xi32>
    tpu.vector_store_idx %arg6[%add3A_58, %broadcast_in_dim3A_98], %gather3A_96 : memref<32x495xf32, #tpu.memory_space<vmem>>[vector<16xi32>, vector<16xi32>], vector<16xf32>,
    %broadcast_in_dim3A_99 = arith.constant 8 : i32
    %broadcast_in_dim3A_100 = vector.broadcast %broadcast_in_dim3A_99 : i32 to vector<16xi32>
    %gather3A_101 = tpu.vector_load_idx %arg5[%add3A_58, %broadcast_in_dim3A_100] : memref<32x72xf32, #tpu.memory_space<vmem>>[vector<16xi32>, vector<16xi32>], vector<16xf32>,
    %broadcast_in_dim3A_102 = arith.constant 8 : i32
    %broadcast_in_dim3A_103 = vector.broadcast %broadcast_in_dim3A_102 : i32 to vector<16xi32>
    tpu.vector_store_idx %arg6[%add3A_58, %broadcast_in_dim3A_103], %gather3A_101 : memref<32x495xf32, #tpu.memory_space<vmem>>[vector<16xi32>, vector<16xi32>], vector<16xf32>,
    %iota3A_104 = tpu.iota {dimensions = array<i32: 0>} : vector<16xi32>
    %add3A_105 = arith.constant 0 : i32
    %add3A_106 = vector.broadcast %add3A_105 : i32 to vector<16xi32>
    %add3A_107 = arith.addi %iota3A_104, %add3A_106 : vector<16xi32>
    %broadcast_in_dim3A_108 = arith.constant 9 : i32
    %broadcast_in_dim3A_109 = vector.broadcast %broadcast_in_dim3A_108 : i32 to vector<16xi32>
    %gather3A_110 = tpu.vector_load_idx %arg5[%add3A_107, %broadcast_in_dim3A_109] : memref<32x72xf32, #tpu.memory_space<vmem>>[vector<16xi32>, vector<16xi32>], vector<16xf32>,
    %broadcast_in_dim3A_111 = arith.constant 108 : i32
    %broadcast_in_dim3A_112 = vector.broadcast %broadcast_in_dim3A_111 : i32 to vector<16xi32>
    tpu.vector_store_idx %arg6[%add3A_107, %broadcast_in_dim3A_112], %gather3A_110 : memref<32x495xf32, #tpu.memory_space<vmem>>[vector<16xi32>, vector<16xi32>], vector<16xf32>,
    %broadcast_in_dim3A_113 = arith.constant 10 : i32
    %broadcast_in_dim3A_114 = vector.broadcast %broadcast_in_dim3A_113 : i32 to vector<16xi32>
    %gather3A_115 = tpu.vector_load_idx %arg5[%add3A_107, %broadcast_in_dim3A_114] : memref<32x72xf32, #tpu.memory_space<vmem>>[vector<16xi32>, vector<16xi32>], vector<16xf32>,
    %broadcast_in_dim3A_116 = arith.constant 109 : i32
    %broadcast_in_dim3A_117 = vector.broadcast %broadcast_in_dim3A_116 : i32 to vector<16xi32>
    tpu.vector_store_idx %arg6[%add3A_107, %broadcast_in_dim3A_117], %gather3A_115 : memref<32x495xf32, #tpu.memory_space<vmem>>[vector<16xi32>, vector<16xi32>], vector<16xf32>,
    %broadcast_in_dim3A_118 = arith.constant 11 : i32
    %broadcast_in_dim3A_119 = vector.broadcast %broadcast_in_dim3A_118 : i32 to vector<16xi32>
    %gather3A_120 = tpu.vector_load_idx %arg5[%add3A_107, %broadcast_in_dim3A_119] : memref<32x72xf32, #tpu.memory_space<vmem>>[vector<16xi32>, vector<16xi32>], vector<16xf32>,
    %broadcast_in_dim3A_121 = arith.constant 110 : i32
    %broadcast_in_dim3A_122 = vector.broadcast %broadcast_in_dim3A_121 : i32 to vector<16xi32>
    tpu.vector_store_idx %arg6[%add3A_107, %broadcast_in_dim3A_122], %gather3A_120 : memref<32x495xf32, #tpu.memory_space<vmem>>[vector<16xi32>, vector<16xi32>], vector<16xf32>,
    %broadcast_in_dim3A_123 = arith.constant 12 : i32
    %broadcast_in_dim3A_124 = vector.broadcast %broadcast_in_dim3A_123 : i32 to vector<16xi32>
    %gather3A_125 = tpu.vector_load_idx %arg5[%add3A_107, %broadcast_in_dim3A_124] : memref<32x72xf32, #tpu.memory_space<vmem>>[vector<16xi32>, vector<16xi32>], vector<16xf32>,
    %broadcast_in_dim3A_126 = arith.constant 111 : i32
    %broadcast_in_dim3A_127 = vector.broadcast %broadcast_in_dim3A_126 : i32 to vector<16xi32>
    tpu.vector_store_idx %arg6[%add3A_107, %broadcast_in_dim3A_127], %gather3A_125 : memref<32x495xf32, #tpu.memory_space<vmem>>[vector<16xi32>, vector<16xi32>], vector<16xf32>,
    %broadcast_in_dim3A_128 = arith.constant 13 : i32
    %broadcast_in_dim3A_129 = vector.broadcast %broadcast_in_dim3A_128 : i32 to vector<16xi32>
    %gather3A_130 = tpu.vector_load_idx %arg5[%add3A_107, %broadcast_in_dim3A_129] : memref<32x72xf32, #tpu.memory_space<vmem>>[vector<16xi32>, vector<16xi32>], vector<16xf32>,
    %broadcast_in_dim3A_131 = arith.constant 112 : i32
    %broadcast_in_dim3A_132 = vector.broadcast %broadcast_in_dim3A_131 : i32 to vector<16xi32>
    tpu.vector_store_idx %arg6[%add3A_107, %broadcast_in_dim3A_132], %gather3A_130 : memref<32x495xf32, #tpu.memory_space<vmem>>[vector<16xi32>, vector<16xi32>], vector<16xf32>,
    %broadcast_in_dim3A_133 = arith.constant 14 : i32
    %broadcast_in_dim3A_134 = vector.broadcast %broadcast_in_dim3A_133 : i32 to vector<16xi32>
    %gather3A_135 = tpu.vector_load_idx %arg5[%add3A_107, %broadcast_in_dim3A_134] : memref<32x72xf32, #tpu.memory_space<vmem>>[vector<16xi32>, vector<16xi32>], vector<16xf32>,
    %broadcast_in_dim3A_136 = arith.constant 113 : i32
    %broadcast_in_dim3A_137 = vector.broadcast %broadcast_in_dim3A_136 : i32 to vector<16xi32>
    tpu.vector_store_idx %arg6[%add3A_107, %broadcast_in_dim3A_137], %gather3A_135 : memref<32x495xf32, #tpu.memory_space<vmem>>[vector<16xi32>, vector<16xi32>], vector<16xf32>,
    %broadcast_in_dim3A_138 = arith.constant 15 : i32
    %broadcast_in_dim3A_139 = vector.broadcast %broadcast_in_dim3A_138 : i32 to vector<16xi32>
    %gather3A_140 = tpu.vector_load_idx %arg5[%add3A_107, %broadcast_in_dim3A_139] : memref<32x72xf32, #tpu.memory_space<vmem>>[vector<16xi32>, vector<16xi32>], vector<16xf32>,
    %broadcast_in_dim3A_141 = arith.constant 114 : i32
    %broadcast_in_dim3A_142 = vector.broadcast %broadcast_in_dim3A_141 : i32 to vector<16xi32>
    tpu.vector_store_idx %arg6[%add3A_107, %broadcast_in_dim3A_142], %gather3A_140 : memref<32x495xf32, #tpu.memory_space<vmem>>[vector<16xi32>, vector<16xi32>], vector<16xf32>,
    %broadcast_in_dim3A_143 = arith.constant 16 : i32
    %broadcast_in_dim3A_144 = vector.broadcast %broadcast_in_dim3A_143 : i32 to vector<16xi32>
    %gather3A_145 = tpu.vector_load_idx %arg5[%add3A_107, %broadcast_in_dim3A_144] : memref<32x72xf32, #tpu.memory_space<vmem>>[vector<16xi32>, vector<16xi32>], vector<16xf32>,
    %broadcast_in_dim3A_146 = arith.constant 115 : i32
    %broadcast_in_dim3A_147 = vector.broadcast %broadcast_in_dim3A_146 : i32 to vector<16xi32>
    tpu.vector_store_idx %arg6[%add3A_107, %broadcast_in_dim3A_147], %gather3A_145 : memref<32x495xf32, #tpu.memory_space<vmem>>[vector<16xi32>, vector<16xi32>], vector<16xf32>,
    %broadcast_in_dim3A_148 = arith.constant 17 : i32
    %broadcast_in_dim3A_149 = vector.broadcast %broadcast_in_dim3A_148 : i32 to vector<16xi32>
    %gather3A_150 = tpu.vector_load_idx %arg5[%add3A_107, %broadcast_in_dim3A_149] : memref<32x72xf32, #tpu.memory_space<vmem>>[vector<16xi32>, vector<16xi32>], vector<16xf32>,
    %broadcast_in_dim3A_151 = arith.constant 116 : i32
    %broadcast_in_dim3A_152 = vector.broadcast %broadcast_in_dim3A_151 : i32 to vector<16xi32>
    tpu.vector_store_idx %arg6[%add3A_107, %broadcast_in_dim3A_152], %gather3A_150 : memref<32x495xf32, #tpu.memory_space<vmem>>[vector<16xi32>, vector<16xi32>], vector<16xf32>,
    %iota3A_153 = tpu.iota {dimensions = array<i32: 0>} : vector<16xi32>
    %add3A_154 = arith.constant 16 : i32
    %add3A_155 = vector.broadcast %add3A_154 : i32 to vector<16xi32>
    %add3A_156 = arith.addi %iota3A_153, %add3A_155 : vector<16xi32>
    %broadcast_in_dim3A_157 = arith.constant 9 : i32
    %broadcast_in_dim3A_158 = vector.broadcast %broadcast_in_dim3A_157 : i32 to vector<16xi32>
    %gather3A_159 = tpu.vector_load_idx %arg5[%add3A_156, %broadcast_in_dim3A_158] : memref<32x72xf32, #tpu.memory_space<vmem>>[vector<16xi32>, vector<16xi32>], vector<16xf32>,
    %broadcast_in_dim3A_160 = arith.constant 108 : i32
    %broadcast_in_dim3A_161 = vector.broadcast %broadcast_in_dim3A_160 : i32 to vector<16xi32>
    tpu.vector_store_idx %arg6[%add3A_156, %broadcast_in_dim3A_161], %gather3A_159 : memref<32x495xf32, #tpu.memory_space<vmem>>[vector<16xi32>, vector<16xi32>], vector<16xf32>,
    %broadcast_in_dim3A_162 = arith.constant 10 : i32
    %broadcast_in_dim3A_163 = vector.broadcast %broadcast_in_dim3A_162 : i32 to vector<16xi32>
    %gather3A_164 = tpu.vector_load_idx %arg5[%add3A_156, %broadcast_in_dim3A_163] : memref<32x72xf32, #tpu.memory_space<vmem>>[vector<16xi32>, vector<16xi32>], vector<16xf32>,
    %broadcast_in_dim3A_165 = arith.constant 109 : i32
    %broadcast_in_dim3A_166 = vector.broadcast %broadcast_in_dim3A_165 : i32 to vector<16xi32>
    tpu.vector_store_idx %arg6[%add3A_156, %broadcast_in_dim3A_166], %gather3A_164 : memref<32x495xf32, #tpu.memory_space<vmem>>[vector<16xi32>, vector<16xi32>], vector<16xf32>,
    %broadcast_in_dim3A_167 = arith.constant 11 : i32
    %broadcast_in_dim3A_168 = vector.broadcast %broadcast_in_dim3A_167 : i32 to vector<16xi32>
    %gather3A_169 = tpu.vector_load_idx %arg5[%add3A_156, %broadcast_in_dim3A_168] : memref<32x72xf32, #tpu.memory_space<vmem>>[vector<16xi32>, vector<16xi32>], vector<16xf32>,
    %broadcast_in_dim3A_170 = arith.constant 110 : i32
    %broadcast_in_dim3A_171 = vector.broadcast %broadcast_in_dim3A_170 : i32 to vector<16xi32>
    tpu.vector_store_idx %arg6[%add3A_156, %broadcast_in_dim3A_171], %gather3A_169 : memref<32x495xf32, #tpu.memory_space<vmem>>[vector<16xi32>, vector<16xi32>], vector<16xf32>,
    %broadcast_in_dim3A_172 = arith.constant 12 : i32
    %broadcast_in_dim3A_173 = vector.broadcast %broadcast_in_dim3A_172 : i32 to vector<16xi32>
    %gather3A_174 = tpu.vector_load_idx %arg5[%add3A_156, %broadcast_in_dim3A_173] : memref<32x72xf32, #tpu.memory_space<vmem>>[vector<16xi32>, vector<16xi32>], vector<16xf32>,
    %broadcast_in_dim3A_175 = arith.constant 111 : i32
    %broadcast_in_dim3A_176 = vector.broadcast %broadcast_in_dim3A_175 : i32 to vector<16xi32>
    tpu.vector_store_idx %arg6[%add3A_156, %broadcast_in_dim3A_176], %gather3A_174 : memref<32x495xf32, #tpu.memory_space<vmem>>[vector<16xi32>, vector<16xi32>], vector<16xf32>,
    %broadcast_in_dim3A_177 = arith.constant 13 : i32
    %broadcast_in_dim3A_178 = vector.broadcast %broadcast_in_dim3A_177 : i32 to vector<16xi32>
    %gather3A_179 = tpu.vector_load_idx %arg5[%add3A_156, %broadcast_in_dim3A_178] : memref<32x72xf32, #tpu.memory_space<vmem>>[vector<16xi32>, vector<16xi32>], vector<16xf32>,
    %broadcast_in_dim3A_180 = arith.constant 112 : i32
    %broadcast_in_dim3A_181 = vector.broadcast %broadcast_in_dim3A_180 : i32 to vector<16xi32>
    tpu.vector_store_idx %arg6[%add3A_156, %broadcast_in_dim3A_181], %gather3A_179 : memref<32x495xf32, #tpu.memory_space<vmem>>[vector<16xi32>, vector<16xi32>], vector<16xf32>,
    %broadcast_in_dim3A_182 = arith.constant 14 : i32
    %broadcast_in_dim3A_183 = vector.broadcast %broadcast_in_dim3A_182 : i32 to vector<16xi32>
    %gather3A_184 = tpu.vector_load_idx %arg5[%add3A_156, %broadcast_in_dim3A_183] : memref<32x72xf32, #tpu.memory_space<vmem>>[vector<16xi32>, vector<16xi32>], vector<16xf32>,
    %broadcast_in_dim3A_185 = arith.constant 113 : i32
    %broadcast_in_dim3A_186 = vector.broadcast %broadcast_in_dim3A_185 : i32 to vector<16xi32>
    tpu.vector_store_idx %arg6[%add3A_156, %broadcast_in_dim3A_186], %gather3A_184 : memref<32x495xf32, #tpu.memory_space<vmem>>[vector<16xi32>, vector<16xi32>], vector<16xf32>,
    %broadcast_in_dim3A_187 = arith.constant 15 : i32
    %broadcast_in_dim3A_188 = vector.broadcast %broadcast_in_dim3A_187 : i32 to vector<16xi32>
    %gather3A_189 = tpu.vector_load_idx %arg5[%add3A_156, %broadcast_in_dim3A_188] : memref<32x72xf32, #tpu.memory_space<vmem>>[vector<16xi32>, vector<16xi32>], vector<16xf32>,
    %broadcast_in_dim3A_190 = arith.constant 114 : i32
    %broadcast_in_dim3A_191 = vector.broadcast %broadcast_in_dim3A_190 : i32 to vector<16xi32>
    tpu.vector_store_idx %arg6[%add3A_156, %broadcast_in_dim3A_191], %gather3A_189 : memref<32x495xf32, #tpu.memory_space<vmem>>[vector<16xi32>, vector<16xi32>], vector<16xf32>,
    %broadcast_in_dim3A_192 = arith.constant 16 : i32
    %broadcast_in_dim3A_193 = vector.broadcast %broadcast_in_dim3A_192 : i32 to vector<16xi32>
    %gather3A_194 = tpu.vector_load_idx %arg5[%add3A_156, %broadcast_in_dim3A_193] : memref<32x72xf32, #tpu.memory_space<vmem>>[vector<16xi32>, vector<16xi32>], vector<16xf32>,
    %broadcast_in_dim3A_195 = arith.constant 115 : i32
    %broadcast_in_dim3A_196 = vector.broadcast %broadcast_in_dim3A_195 : i32 to vector<16xi32>
    tpu.vector_store_idx %arg6[%add3A_156, %broadcast_in_dim3A_196], %gather3A_194 : memref<32x495xf32, #tpu.memory_space<vmem>>[vector<16xi32>, vector<16xi32>], vector<16xf32>,
    %broadcast_in_dim3A_197 = arith.constant 17 : i32
    %broadcast_in_dim3A_198 = vector.broadcast %broadcast_in_dim3A_197 : i32 to vector<16xi32>
    %gather3A_199 = tpu.vector_load_idx %arg5[%add3A_156, %broadcast_in_dim3A_198] : memref<32x72xf32, #tpu.memory_space<vmem>>[vector<16xi32>, vector<16xi32>], vector<16xf32>,
    %broadcast_in_dim3A_200 = arith.constant 116 : i32
    %broadcast_in_dim3A_201 = vector.broadcast %broadcast_in_dim3A_200 : i32 to vector<16xi32>
    tpu.vector_store_idx %arg6[%add3A_156, %broadcast_in_dim3A_201], %gather3A_199 : memref<32x495xf32, #tpu.memory_space<vmem>>[vector<16xi32>, vector<16xi32>], vector<16xf32>,
    %iota3A_202 = tpu.iota {dimensions = array<i32: 0>} : vector<16xi32>
    %add3A_203 = arith.constant 0 : i32
    %add3A_204 = vector.broadcast %add3A_203 : i32 to vector<16xi32>
    %add3A_205 = arith.addi %iota3A_202, %add3A_204 : vector<16xi32>
    %broadcast_in_dim3A_206 = arith.constant 18 : i32
    %broadcast_in_dim3A_207 = vector.broadcast %broadcast_in_dim3A_206 : i32 to vector<16xi32>
    %gather3A_208 = tpu.vector_load_idx %arg5[%add3A_205, %broadcast_in_dim3A_207] : memref<32x72xf32, #tpu.memory_space<vmem>>[vector<16xi32>, vector<16xi32>], vector<16xf32>,
    %broadcast_in_dim3A_209 = arith.constant 135 : i32
    %broadcast_in_dim3A_210 = vector.broadcast %broadcast_in_dim3A_209 : i32 to vector<16xi32>
    tpu.vector_store_idx %arg6[%add3A_205, %broadcast_in_dim3A_210], %gather3A_208 : memref<32x495xf32, #tpu.memory_space<vmem>>[vector<16xi32>, vector<16xi32>], vector<16xf32>,
    %broadcast_in_dim3A_211 = arith.constant 19 : i32
    %broadcast_in_dim3A_212 = vector.broadcast %broadcast_in_dim3A_211 : i32 to vector<16xi32>
    %gather3A_213 = tpu.vector_load_idx %arg5[%add3A_205, %broadcast_in_dim3A_212] : memref<32x72xf32, #tpu.memory_space<vmem>>[vector<16xi32>, vector<16xi32>], vector<16xf32>,
    %broadcast_in_dim3A_214 = arith.constant 136 : i32
    %broadcast_in_dim3A_215 = vector.broadcast %broadcast_in_dim3A_214 : i32 to vector<16xi32>
    tpu.vector_store_idx %arg6[%add3A_205, %broadcast_in_dim3A_215], %gather3A_213 : memref<32x495xf32, #tpu.memory_space<vmem>>[vector<16xi32>, vector<16xi32>], vector<16xf32>,
    %broadcast_in_dim3A_216 = arith.constant 20 : i32
    %broadcast_in_dim3A_217 = vector.broadcast %broadcast_in_dim3A_216 : i32 to vector<16xi32>
    %gather3A_218 = tpu.vector_load_idx %arg5[%add3A_205, %broadcast_in_dim3A_217] : memref<32x72xf32, #tpu.memory_space<vmem>>[vector<16xi32>, vector<16xi32>], vector<16xf32>,
    %broadcast_in_dim3A_219 = arith.constant 137 : i32
    %broadcast_in_dim3A_220 = vector.broadcast %broadcast_in_dim3A_219 : i32 to vector<16xi32>
    tpu.vector_store_idx %arg6[%add3A_205, %broadcast_in_dim3A_220], %gather3A_218 : memref<32x495xf32, #tpu.memory_space<vmem>>[vector<16xi32>, vector<16xi32>], vector<16xf32>,
    %broadcast_in_dim3A_221 = arith.constant 21 : i32
    %broadcast_in_dim3A_222 = vector.broadcast %broadcast_in_dim3A_221 : i32 to vector<16xi32>
    %gather3A_223 = tpu.vector_load_idx %arg5[%add3A_205, %broadcast_in_dim3A_222] : memref<32x72xf32, #tpu.memory_space<vmem>>[vector<16xi32>, vector<16xi32>], vector<16xf32>,
    %broadcast_in_dim3A_224 = arith.constant 138 : i32
    %broadcast_in_dim3A_225 = vector.broadcast %broadcast_in_dim3A_224 : i32 to vector<16xi32>
    tpu.vector_store_idx %arg6[%add3A_205, %broadcast_in_dim3A_225], %gather3A_223 : memref<32x495xf32, #tpu.memory_space<vmem>>[vector<16xi32>, vector<16xi32>], vector<16xf32>,
    %broadcast_in_dim3A_226 = arith.constant 22 : i32
    %broadcast_in_dim3A_227 = vector.broadcast %broadcast_in_dim3A_226 : i32 to vector<16xi32>
    %gather3A_228 = tpu.vector_load_idx %arg5[%add3A_205, %broadcast_in_dim3A_227] : memref<32x72xf32, #tpu.memory_space<vmem>>[vector<16xi32>, vector<16xi32>], vector<16xf32>,
    %broadcast_in_dim3A_229 = arith.constant 139 : i32
    %broadcast_in_dim3A_230 = vector.broadcast %broadcast_in_dim3A_229 : i32 to vector<16xi32>
    tpu.vector_store_idx %arg6[%add3A_205, %broadcast_in_dim3A_230], %gather3A_228 : memref<32x495xf32, #tpu.memory_space<vmem>>[vector<16xi32>, vector<16xi32>], vector<16xf32>,
    %broadcast_in_dim3A_231 = arith.constant 23 : i32
    %broadcast_in_dim3A_232 = vector.broadcast %broadcast_in_dim3A_231 : i32 to vector<16xi32>
    %gather3A_233 = tpu.vector_load_idx %arg5[%add3A_205, %broadcast_in_dim3A_232] : memref<32x72xf32, #tpu.memory_space<vmem>>[vector<16xi32>, vector<16xi32>], vector<16xf32>,
    %broadcast_in_dim3A_234 = arith.constant 140 : i32
    %broadcast_in_dim3A_235 = vector.broadcast %broadcast_in_dim3A_234 : i32 to vector<16xi32>
    tpu.vector_store_idx %arg6[%add3A_205, %broadcast_in_dim3A_235], %gather3A_233 : memref<32x495xf32, #tpu.memory_space<vmem>>[vector<16xi32>, vector<16xi32>], vector<16xf32>,
    %broadcast_in_dim3A_236 = arith.constant 24 : i32
    %broadcast_in_dim3A_237 = vector.broadcast %broadcast_in_dim3A_236 : i32 to vector<16xi32>
    %gather3A_238 = tpu.vector_load_idx %arg5[%add3A_205, %broadcast_in_dim3A_237] : memref<32x72xf32, #tpu.memory_space<vmem>>[vector<16xi32>, vector<16xi32>], vector<16xf32>,
    %broadcast_in_dim3A_239 = arith.constant 141 : i32
    %broadcast_in_dim3A_240 = vector.broadcast %broadcast_in_dim3A_239 : i32 to vector<16xi32>
    tpu.vector_store_idx %arg6[%add3A_205, %broadcast_in_dim3A_240], %gather3A_238 : memref<32x495xf32, #tpu.memory_space<vmem>>[vector<16xi32>, vector<16xi32>], vector<16xf32>,
    %broadcast_in_dim3A_241 = arith.constant 25 : i32
    %broadcast_in_dim3A_242 = vector.broadcast %broadcast_in_dim3A_241 : i32 to vector<16xi32>
    %gather3A_243 = tpu.vector_load_idx %arg5[%add3A_205, %broadcast_in_dim3A_242] : memref<32x72xf32, #tpu.memory_space<vmem>>[vector<16xi32>, vector<16xi32>], vector<16xf32>,
    %broadcast_in_dim3A_244 = arith.constant 142 : i32
    %broadcast_in_dim3A_245 = vector.broadcast %broadcast_in_dim3A_244 : i32 to vector<16xi32>
    tpu.vector_store_idx %arg6[%add3A_205, %broadcast_in_dim3A_245], %gather3A_243 : memref<32x495xf32, #tpu.memory_space<vmem>>[vector<16xi32>, vector<16xi32>], vector<16xf32>,
    %broadcast_in_dim3A_246 = arith.constant 26 : i32
    %broadcast_in_dim3A_247 = vector.broadcast %broadcast_in_dim3A_246 : i32 to vector<16xi32>
    %gather3A_248 = tpu.vector_load_idx %arg5[%add3A_205, %broadcast_in_dim3A_247] : memref<32x72xf32, #tpu.memory_space<vmem>>[vector<16xi32>, vector<16xi32>], vector<16xf32>,
    %broadcast_in_dim3A_249 = arith.constant 143 : i32
    %broadcast_in_dim3A_250 = vector.broadcast %broadcast_in_dim3A_249 : i32 to vector<16xi32>
    tpu.vector_store_idx %arg6[%add3A_205, %broadcast_in_dim3A_250], %gather3A_248 : memref<32x495xf32, #tpu.memory_space<vmem>>[vector<16xi32>, vector<16xi32>], vector<16xf32>,
    %iota3A_251 = tpu.iota {dimensions = array<i32: 0>} : vector<16xi32>
    %add3A_252 = arith.constant 16 : i32
    %add3A_253 = vector.broadcast %add3A_252 : i32 to vector<16xi32>
    %add3A_254 = arith.addi %iota3A_251, %add3A_253 : vector<16xi32>
    %broadcast_in_dim3A_255 = arith.constant 18 : i32
    %broadcast_in_dim3A_256 = vector.broadcast %broadcast_in_dim3A_255 : i32 to vector<16xi32>
    %gather3A_257 = tpu.vector_load_idx %arg5[%add3A_254, %broadcast_in_dim3A_256] : memref<32x72xf32, #tpu.memory_space<vmem>>[vector<16xi32>, vector<16xi32>], vector<16xf32>,
    %broadcast_in_dim3A_258 = arith.constant 135 : i32
    %broadcast_in_dim3A_259 = vector.broadcast %broadcast_in_dim3A_258 : i32 to vector<16xi32>
    tpu.vector_store_idx %arg6[%add3A_254, %broadcast_in_dim3A_259], %gather3A_257 : memref<32x495xf32, #tpu.memory_space<vmem>>[vector<16xi32>, vector<16xi32>], vector<16xf32>,
    %broadcast_in_dim3A_260 = arith.constant 19 : i32
    %broadcast_in_dim3A_261 = vector.broadcast %broadcast_in_dim3A_260 : i32 to vector<16xi32>
    %gather3A_262 = tpu.vector_load_idx %arg5[%add3A_254, %broadcast_in_dim3A_261] : memref<32x72xf32, #tpu.memory_space<vmem>>[vector<16xi32>, vector<16xi32>], vector<16xf32>,
    %broadcast_in_dim3A_263 = arith.constant 136 : i32
    %broadcast_in_dim3A_264 = vector.broadcast %broadcast_in_dim3A_263 : i32 to vector<16xi32>
    tpu.vector_store_idx %arg6[%add3A_254, %broadcast_in_dim3A_264], %gather3A_262 : memref<32x495xf32, #tpu.memory_space<vmem>>[vector<16xi32>, vector<16xi32>], vector<16xf32>,
    %broadcast_in_dim3A_265 = arith.constant 20 : i32
    %broadcast_in_dim3A_266 = vector.broadcast %broadcast_in_dim3A_265 : i32 to vector<16xi32>
    %gather3A_267 = tpu.vector_load_idx %arg5[%add3A_254, %broadcast_in_dim3A_266] : memref<32x72xf32, #tpu.memory_space<vmem>>[vector<16xi32>, vector<16xi32>], vector<16xf32>,
    %broadcast_in_dim3A_268 = arith.constant 137 : i32
    %broadcast_in_dim3A_269 = vector.broadcast %broadcast_in_dim3A_268 : i32 to vector<16xi32>
    tpu.vector_store_idx %arg6[%add3A_254, %broadcast_in_dim3A_269], %gather3A_267 : memref<32x495xf32, #tpu.memory_space<vmem>>[vector<16xi32>, vector<16xi32>], vector<16xf32>,
    %broadcast_in_dim3A_270 = arith.constant 21 : i32
    %broadcast_in_dim3A_271 = vector.broadcast %broadcast_in_dim3A_270 : i32 to vector<16xi32>
    %gather3A_272 = tpu.vector_load_idx %arg5[%add3A_254, %broadcast_in_dim3A_271] : memref<32x72xf32, #tpu.memory_space<vmem>>[vector<16xi32>, vector<16xi32>], vector<16xf32>,
    %broadcast_in_dim3A_273 = arith.constant 138 : i32
    %broadcast_in_dim3A_274 = vector.broadcast %broadcast_in_dim3A_273 : i32 to vector<16xi32>
    tpu.vector_store_idx %arg6[%add3A_254, %broadcast_in_dim3A_274], %gather3A_272 : memref<32x495xf32, #tpu.memory_space<vmem>>[vector<16xi32>, vector<16xi32>], vector<16xf32>,
    %broadcast_in_dim3A_275 = arith.constant 22 : i32
    %broadcast_in_dim3A_276 = vector.broadcast %broadcast_in_dim3A_275 : i32 to vector<16xi32>
    %gather3A_277 = tpu.vector_load_idx %arg5[%add3A_254, %broadcast_in_dim3A_276] : memref<32x72xf32, #tpu.memory_space<vmem>>[vector<16xi32>, vector<16xi32>], vector<16xf32>,
    %broadcast_in_dim3A_278 = arith.constant 139 : i32
    %broadcast_in_dim3A_279 = vector.broadcast %broadcast_in_dim3A_278 : i32 to vector<16xi32>
    tpu.vector_store_idx %arg6[%add3A_254, %broadcast_in_dim3A_279], %gather3A_277 : memref<32x495xf32, #tpu.memory_space<vmem>>[vector<16xi32>, vector<16xi32>], vector<16xf32>,
    %broadcast_in_dim3A_280 = arith.constant 23 : i32
    %broadcast_in_dim3A_281 = vector.broadcast %broadcast_in_dim3A_280 : i32 to vector<16xi32>
    %gather3A_282 = tpu.vector_load_idx %arg5[%add3A_254, %broadcast_in_dim3A_281] : memref<32x72xf32, #tpu.memory_space<vmem>>[vector<16xi32>, vector<16xi32>], vector<16xf32>,
    %broadcast_in_dim3A_283 = arith.constant 140 : i32
    %broadcast_in_dim3A_284 = vector.broadcast %broadcast_in_dim3A_283 : i32 to vector<16xi32>
    tpu.vector_store_idx %arg6[%add3A_254, %broadcast_in_dim3A_284], %gather3A_282 : memref<32x495xf32, #tpu.memory_space<vmem>>[vector<16xi32>, vector<16xi32>], vector<16xf32>,
    %broadcast_in_dim3A_285 = arith.constant 24 : i32
    %broadcast_in_dim3A_286 = vector.broadcast %broadcast_in_dim3A_285 : i32 to vector<16xi32>
    %gather3A_287 = tpu.vector_load_idx %arg5[%add3A_254, %broadcast_in_dim3A_286] : memref<32x72xf32, #tpu.memory_space<vmem>>[vector<16xi32>, vector<16xi32>], vector<16xf32>,
    %broadcast_in_dim3A_288 = arith.constant 141 : i32
    %broadcast_in_dim3A_289 = vector.broadcast %broadcast_in_dim3A_288 : i32 to vector<16xi32>
    tpu.vector_store_idx %arg6[%add3A_254, %broadcast_in_dim3A_289], %gather3A_287 : memref<32x495xf32, #tpu.memory_space<vmem>>[vector<16xi32>, vector<16xi32>], vector<16xf32>,
    %broadcast_in_dim3A_290 = arith.constant 25 : i32
    %broadcast_in_dim3A_291 = vector.broadcast %broadcast_in_dim3A_290 : i32 to vector<16xi32>
    %gather3A_292 = tpu.vector_load_idx %arg5[%add3A_254, %broadcast_in_dim3A_291] : memref<32x72xf32, #tpu.memory_space<vmem>>[vector<16xi32>, vector<16xi32>], vector<16xf32>,
    %broadcast_in_dim3A_293 = arith.constant 142 : i32
    %broadcast_in_dim3A_294 = vector.broadcast %broadcast_in_dim3A_293 : i32 to vector<16xi32>
    tpu.vector_store_idx %arg6[%add3A_254, %broadcast_in_dim3A_294], %gather3A_292 : memref<32x495xf32, #tpu.memory_space<vmem>>[vector<16xi32>, vector<16xi32>], vector<16xf32>,
    %broadcast_in_dim3A_295 = arith.constant 26 : i32
    %broadcast_in_dim3A_296 = vector.broadcast %broadcast_in_dim3A_295 : i32 to vector<16xi32>
    %gather3A_297 = tpu.vector_load_idx %arg5[%add3A_254, %broadcast_in_dim3A_296] : memref<32x72xf32, #tpu.memory_space<vmem>>[vector<16xi32>, vector<16xi32>], vector<16xf32>,
    %broadcast_in_dim3A_298 = arith.constant 143 : i32
    %broadcast_in_dim3A_299 = vector.broadcast %broadcast_in_dim3A_298 : i32 to vector<16xi32>
    tpu.vector_store_idx %arg6[%add3A_254, %broadcast_in_dim3A_299], %gather3A_297 : memref<32x495xf32, #tpu.memory_space<vmem>>[vector<16xi32>, vector<16xi32>], vector<16xf32>,
    %iota3A_300 = tpu.iota {dimensions = array<i32: 0>} : vector<16xi32>
    %add3A_301 = arith.constant 0 : i32
    %add3A_302 = vector.broadcast %add3A_301 : i32 to vector<16xi32>
    %add3A_303 = arith.addi %iota3A_300, %add3A_302 : vector<16xi32>
    %broadcast_in_dim3A_304 = arith.constant 27 : i32
    %broadcast_in_dim3A_305 = vector.broadcast %broadcast_in_dim3A_304 : i32 to vector<16xi32>
    %gather3A_306 = tpu.vector_load_idx %arg5[%add3A_303, %broadcast_in_dim3A_305] : memref<32x72xf32, #tpu.memory_space<vmem>>[vector<16xi32>, vector<16xi32>], vector<16xf32>,
    %broadcast_in_dim3A_307 = arith.constant 144 : i32
    %broadcast_in_dim3A_308 = vector.broadcast %broadcast_in_dim3A_307 : i32 to vector<16xi32>
    tpu.vector_store_idx %arg6[%add3A_303, %broadcast_in_dim3A_308], %gather3A_306 : memref<32x495xf32, #tpu.memory_space<vmem>>[vector<16xi32>, vector<16xi32>], vector<16xf32>,
    %broadcast_in_dim3A_309 = arith.constant 28 : i32
    %broadcast_in_dim3A_310 = vector.broadcast %broadcast_in_dim3A_309 : i32 to vector<16xi32>
    %gather3A_311 = tpu.vector_load_idx %arg5[%add3A_303, %broadcast_in_dim3A_310] : memref<32x72xf32, #tpu.memory_space<vmem>>[vector<16xi32>, vector<16xi32>], vector<16xf32>,
    %broadcast_in_dim3A_312 = arith.constant 145 : i32
    %broadcast_in_dim3A_313 = vector.broadcast %broadcast_in_dim3A_312 : i32 to vector<16xi32>
    tpu.vector_store_idx %arg6[%add3A_303, %broadcast_in_dim3A_313], %gather3A_311 : memref<32x495xf32, #tpu.memory_space<vmem>>[vector<16xi32>, vector<16xi32>], vector<16xf32>,
    %broadcast_in_dim3A_314 = arith.constant 29 : i32
    %broadcast_in_dim3A_315 = vector.broadcast %broadcast_in_dim3A_314 : i32 to vector<16xi32>
    %gather3A_316 = tpu.vector_load_idx %arg5[%add3A_303, %broadcast_in_dim3A_315] : memref<32x72xf32, #tpu.memory_space<vmem>>[vector<16xi32>, vector<16xi32>], vector<16xf32>,
    %broadcast_in_dim3A_317 = arith.constant 146 : i32
    %broadcast_in_dim3A_318 = vector.broadcast %broadcast_in_dim3A_317 : i32 to vector<16xi32>
    tpu.vector_store_idx %arg6[%add3A_303, %broadcast_in_dim3A_318], %gather3A_316 : memref<32x495xf32, #tpu.memory_space<vmem>>[vector<16xi32>, vector<16xi32>], vector<16xf32>,
    %broadcast_in_dim3A_319 = arith.constant 30 : i32
    %broadcast_in_dim3A_320 = vector.broadcast %broadcast_in_dim3A_319 : i32 to vector<16xi32>
    %gather3A_321 = tpu.vector_load_idx %arg5[%add3A_303, %broadcast_in_dim3A_320] : memref<32x72xf32, #tpu.memory_space<vmem>>[vector<16xi32>, vector<16xi32>], vector<16xf32>,
    %broadcast_in_dim3A_322 = arith.constant 147 : i32
    %broadcast_in_dim3A_323 = vector.broadcast %broadcast_in_dim3A_322 : i32 to vector<16xi32>
    tpu.vector_store_idx %arg6[%add3A_303, %broadcast_in_dim3A_323], %gather3A_321 : memref<32x495xf32, #tpu.memory_space<vmem>>[vector<16xi32>, vector<16xi32>], vector<16xf32>,
    %broadcast_in_dim3A_324 = arith.constant 31 : i32
    %broadcast_in_dim3A_325 = vector.broadcast %broadcast_in_dim3A_324 : i32 to vector<16xi32>
    %gather3A_326 = tpu.vector_load_idx %arg5[%add3A_303, %broadcast_in_dim3A_325] : memref<32x72xf32, #tpu.memory_space<vmem>>[vector<16xi32>, vector<16xi32>], vector<16xf32>,
    %broadcast_in_dim3A_327 = arith.constant 148 : i32
    %broadcast_in_dim3A_328 = vector.broadcast %broadcast_in_dim3A_327 : i32 to vector<16xi32>
    tpu.vector_store_idx %arg6[%add3A_303, %broadcast_in_dim3A_328], %gather3A_326 : memref<32x495xf32, #tpu.memory_space<vmem>>[vector<16xi32>, vector<16xi32>], vector<16xf32>,
    %broadcast_in_dim3A_329 = arith.constant 32 : i32
    %broadcast_in_dim3A_330 = vector.broadcast %broadcast_in_dim3A_329 : i32 to vector<16xi32>
    %gather3A_331 = tpu.vector_load_idx %arg5[%add3A_303, %broadcast_in_dim3A_330] : memref<32x72xf32, #tpu.memory_space<vmem>>[vector<16xi32>, vector<16xi32>], vector<16xf32>,
    %broadcast_in_dim3A_332 = arith.constant 149 : i32
    %broadcast_in_dim3A_333 = vector.broadcast %broadcast_in_dim3A_332 : i32 to vector<16xi32>
    tpu.vector_store_idx %arg6[%add3A_303, %broadcast_in_dim3A_333], %gather3A_331 : memref<32x495xf32, #tpu.memory_space<vmem>>[vector<16xi32>, vector<16xi32>], vector<16xf32>,
    %broadcast_in_dim3A_334 = arith.constant 33 : i32
    %broadcast_in_dim3A_335 = vector.broadcast %broadcast_in_dim3A_334 : i32 to vector<16xi32>
    %gather3A_336 = tpu.vector_load_idx %arg5[%add3A_303, %broadcast_in_dim3A_335] : memref<32x72xf32, #tpu.memory_space<vmem>>[vector<16xi32>, vector<16xi32>], vector<16xf32>,
    %broadcast_in_dim3A_337 = arith.constant 150 : i32
    %broadcast_in_dim3A_338 = vector.broadcast %broadcast_in_dim3A_337 : i32 to vector<16xi32>
    tpu.vector_store_idx %arg6[%add3A_303, %broadcast_in_dim3A_338], %gather3A_336 : memref<32x495xf32, #tpu.memory_space<vmem>>[vector<16xi32>, vector<16xi32>], vector<16xf32>,
    %broadcast_in_dim3A_339 = arith.constant 34 : i32
    %broadcast_in_dim3A_340 = vector.broadcast %broadcast_in_dim3A_339 : i32 to vector<16xi32>
    %gather3A_341 = tpu.vector_load_idx %arg5[%add3A_303, %broadcast_in_dim3A_340] : memref<32x72xf32, #tpu.memory_space<vmem>>[vector<16xi32>, vector<16xi32>], vector<16xf32>,
    %broadcast_in_dim3A_342 = arith.constant 151 : i32
    %broadcast_in_dim3A_343 = vector.broadcast %broadcast_in_dim3A_342 : i32 to vector<16xi32>
    tpu.vector_store_idx %arg6[%add3A_303, %broadcast_in_dim3A_343], %gather3A_341 : memref<32x495xf32, #tpu.memory_space<vmem>>[vector<16xi32>, vector<16xi32>], vector<16xf32>,
    %broadcast_in_dim3A_344 = arith.constant 35 : i32
    %broadcast_in_dim3A_345 = vector.broadcast %broadcast_in_dim3A_344 : i32 to vector<16xi32>
    %gather3A_346 = tpu.vector_load_idx %arg5[%add3A_303, %broadcast_in_dim3A_345] : memref<32x72xf32, #tpu.memory_space<vmem>>[vector<16xi32>, vector<16xi32>], vector<16xf32>,
    %broadcast_in_dim3A_347 = arith.constant 152 : i32
    %broadcast_in_dim3A_348 = vector.broadcast %broadcast_in_dim3A_347 : i32 to vector<16xi32>
    tpu.vector_store_idx %arg6[%add3A_303, %broadcast_in_dim3A_348], %gather3A_346 : memref<32x495xf32, #tpu.memory_space<vmem>>[vector<16xi32>, vector<16xi32>], vector<16xf32>,
    %iota3A_349 = tpu.iota {dimensions = array<i32: 0>} : vector<16xi32>
    %add3A_350 = arith.constant 16 : i32
    %add3A_351 = vector.broadcast %add3A_350 : i32 to vector<16xi32>
    %add3A_352 = arith.addi %iota3A_349, %add3A_351 : vector<16xi32>
    %broadcast_in_dim3A_353 = arith.constant 27 : i32
    %broadcast_in_dim3A_354 = vector.broadcast %broadcast_in_dim3A_353 : i32 to vector<16xi32>
    %gather3A_355 = tpu.vector_load_idx %arg5[%add3A_352, %broadcast_in_dim3A_354] : memref<32x72xf32, #tpu.memory_space<vmem>>[vector<16xi32>, vector<16xi32>], vector<16xf32>,
    %broadcast_in_dim3A_356 = arith.constant 144 : i32
    %broadcast_in_dim3A_357 = vector.broadcast %broadcast_in_dim3A_356 : i32 to vector<16xi32>
    tpu.vector_store_idx %arg6[%add3A_352, %broadcast_in_dim3A_357], %gather3A_355 : memref<32x495xf32, #tpu.memory_space<vmem>>[vector<16xi32>, vector<16xi32>], vector<16xf32>,
    %broadcast_in_dim3A_358 = arith.constant 28 : i32
    %broadcast_in_dim3A_359 = vector.broadcast %broadcast_in_dim3A_358 : i32 to vector<16xi32>
    %gather3A_360 = tpu.vector_load_idx %arg5[%add3A_352, %broadcast_in_dim3A_359] : memref<32x72xf32, #tpu.memory_space<vmem>>[vector<16xi32>, vector<16xi32>], vector<16xf32>,
    %broadcast_in_dim3A_361 = arith.constant 145 : i32
    %broadcast_in_dim3A_362 = vector.broadcast %broadcast_in_dim3A_361 : i32 to vector<16xi32>
    tpu.vector_store_idx %arg6[%add3A_352, %broadcast_in_dim3A_362], %gather3A_360 : memref<32x495xf32, #tpu.memory_space<vmem>>[vector<16xi32>, vector<16xi32>], vector<16xf32>,
    %broadcast_in_dim3A_363 = arith.constant 29 : i32
    %broadcast_in_dim3A_364 = vector.broadcast %broadcast_in_dim3A_363 : i32 to vector<16xi32>
    %gather3A_365 = tpu.vector_load_idx %arg5[%add3A_352, %broadcast_in_dim3A_364] : memref<32x72xf32, #tpu.memory_space<vmem>>[vector<16xi32>, vector<16xi32>], vector<16xf32>,
    %broadcast_in_dim3A_366 = arith.constant 146 : i32
    %broadcast_in_dim3A_367 = vector.broadcast %broadcast_in_dim3A_366 : i32 to vector<16xi32>
    tpu.vector_store_idx %arg6[%add3A_352, %broadcast_in_dim3A_367], %gather3A_365 : memref<32x495xf32, #tpu.memory_space<vmem>>[vector<16xi32>, vector<16xi32>], vector<16xf32>,
    %broadcast_in_dim3A_368 = arith.constant 30 : i32
    %broadcast_in_dim3A_369 = vector.broadcast %broadcast_in_dim3A_368 : i32 to vector<16xi32>
    %gather3A_370 = tpu.vector_load_idx %arg5[%add3A_352, %broadcast_in_dim3A_369] : memref<32x72xf32, #tpu.memory_space<vmem>>[vector<16xi32>, vector<16xi32>], vector<16xf32>,
    %broadcast_in_dim3A_371 = arith.constant 147 : i32
    %broadcast_in_dim3A_372 = vector.broadcast %broadcast_in_dim3A_371 : i32 to vector<16xi32>
    tpu.vector_store_idx %arg6[%add3A_352, %broadcast_in_dim3A_372], %gather3A_370 : memref<32x495xf32, #tpu.memory_space<vmem>>[vector<16xi32>, vector<16xi32>], vector<16xf32>,
    %broadcast_in_dim3A_373 = arith.constant 31 : i32
    %broadcast_in_dim3A_374 = vector.broadcast %broadcast_in_dim3A_373 : i32 to vector<16xi32>
    %gather3A_375 = tpu.vector_load_idx %arg5[%add3A_352, %broadcast_in_dim3A_374] : memref<32x72xf32, #tpu.memory_space<vmem>>[vector<16xi32>, vector<16xi32>], vector<16xf32>,
    %broadcast_in_dim3A_376 = arith.constant 148 : i32
    %broadcast_in_dim3A_377 = vector.broadcast %broadcast_in_dim3A_376 : i32 to vector<16xi32>
    tpu.vector_store_idx %arg6[%add3A_352, %broadcast_in_dim3A_377], %gather3A_375 : memref<32x495xf32, #tpu.memory_space<vmem>>[vector<16xi32>, vector<16xi32>], vector<16xf32>,
    %broadcast_in_dim3A_378 = arith.constant 32 : i32
    %broadcast_in_dim3A_379 = vector.broadcast %broadcast_in_dim3A_378 : i32 to vector<16xi32>
    %gather3A_380 = tpu.vector_load_idx %arg5[%add3A_352, %broadcast_in_dim3A_379] : memref<32x72xf32, #tpu.memory_space<vmem>>[vector<16xi32>, vector<16xi32>], vector<16xf32>,
    %broadcast_in_dim3A_381 = arith.constant 149 : i32
    %broadcast_in_dim3A_382 = vector.broadcast %broadcast_in_dim3A_381 : i32 to vector<16xi32>
    tpu.vector_store_idx %arg6[%add3A_352, %broadcast_in_dim3A_382], %gather3A_380 : memref<32x495xf32, #tpu.memory_space<vmem>>[vector<16xi32>, vector<16xi32>], vector<16xf32>,
    %broadcast_in_dim3A_383 = arith.constant 33 : i32
    %broadcast_in_dim3A_384 = vector.broadcast %broadcast_in_dim3A_383 : i32 to vector<16xi32>
    %gather3A_385 = tpu.vector_load_idx %arg5[%add3A_352, %broadcast_in_dim3A_384] : memref<32x72xf32, #tpu.memory_space<vmem>>[vector<16xi32>, vector<16xi32>], vector<16xf32>,
    %broadcast_in_dim3A_386 = arith.constant 150 : i32
    %broadcast_in_dim3A_387 = vector.broadcast %broadcast_in_dim3A_386 : i32 to vector<16xi32>
    tpu.vector_store_idx %arg6[%add3A_352, %broadcast_in_dim3A_387], %gather3A_385 : memref<32x495xf32, #tpu.memory_space<vmem>>[vector<16xi32>, vector<16xi32>], vector<16xf32>,
    %broadcast_in_dim3A_388 = arith.constant 34 : i32
    %broadcast_in_dim3A_389 = vector.broadcast %broadcast_in_dim3A_388 : i32 to vector<16xi32>
    %gather3A_390 = tpu.vector_load_idx %arg5[%add3A_352, %broadcast_in_dim3A_389] : memref<32x72xf32, #tpu.memory_space<vmem>>[vector<16xi32>, vector<16xi32>], vector<16xf32>,
    %broadcast_in_dim3A_391 = arith.constant 151 : i32
    %broadcast_in_dim3A_392 = vector.broadcast %broadcast_in_dim3A_391 : i32 to vector<16xi32>
    tpu.vector_store_idx %arg6[%add3A_352, %broadcast_in_dim3A_392], %gather3A_390 : memref<32x495xf32, #tpu.memory_space<vmem>>[vector<16xi32>, vector<16xi32>], vector<16xf32>,
    %broadcast_in_dim3A_393 = arith.constant 35 : i32
    %broadcast_in_dim3A_394 = vector.broadcast %broadcast_in_dim3A_393 : i32 to vector<16xi32>
    %gather3A_395 = tpu.vector_load_idx %arg5[%add3A_352, %broadcast_in_dim3A_394] : memref<32x72xf32, #tpu.memory_space<vmem>>[vector<16xi32>, vector<16xi32>], vector<16xf32>,
    %broadcast_in_dim3A_396 = arith.constant 152 : i32
    %broadcast_in_dim3A_397 = vector.broadcast %broadcast_in_dim3A_396 : i32 to vector<16xi32>
    tpu.vector_store_idx %arg6[%add3A_352, %broadcast_in_dim3A_397], %gather3A_395 : memref<32x495xf32, #tpu.memory_space<vmem>>[vector<16xi32>, vector<16xi32>], vector<16xf32>,
    %iota3A_398 = tpu.iota {dimensions = array<i32: 0>} : vector<16xi32>
    %add3A_399 = arith.constant 0 : i32
    %add3A_400 = vector.broadcast %add3A_399 : i32 to vector<16xi32>
    %add3A_401 = arith.addi %iota3A_398, %add3A_400 : vector<16xi32>
    %broadcast_in_dim3A_402 = arith.constant 36 : i32
    %broadcast_in_dim3A_403 = vector.broadcast %broadcast_in_dim3A_402 : i32 to vector<16xi32>
    %gather3A_404 = tpu.vector_load_idx %arg5[%add3A_401, %broadcast_in_dim3A_403] : memref<32x72xf32, #tpu.memory_space<vmem>>[vector<16xi32>, vector<16xi32>], vector<16xf32>,
    %broadcast_in_dim3A_405 = arith.constant 153 : i32
    %broadcast_in_dim3A_406 = vector.broadcast %broadcast_in_dim3A_405 : i32 to vector<16xi32>
    tpu.vector_store_idx %arg6[%add3A_401, %broadcast_in_dim3A_406], %gather3A_404 : memref<32x495xf32, #tpu.memory_space<vmem>>[vector<16xi32>, vector<16xi32>], vector<16xf32>,
    %broadcast_in_dim3A_407 = arith.constant 37 : i32
    %broadcast_in_dim3A_408 = vector.broadcast %broadcast_in_dim3A_407 : i32 to vector<16xi32>
    %gather3A_409 = tpu.vector_load_idx %arg5[%add3A_401, %broadcast_in_dim3A_408] : memref<32x72xf32, #tpu.memory_space<vmem>>[vector<16xi32>, vector<16xi32>], vector<16xf32>,
    %broadcast_in_dim3A_410 = arith.constant 154 : i32
    %broadcast_in_dim3A_411 = vector.broadcast %broadcast_in_dim3A_410 : i32 to vector<16xi32>
    tpu.vector_store_idx %arg6[%add3A_401, %broadcast_in_dim3A_411], %gather3A_409 : memref<32x495xf32, #tpu.memory_space<vmem>>[vector<16xi32>, vector<16xi32>], vector<16xf32>,
    %broadcast_in_dim3A_412 = arith.constant 38 : i32
    %broadcast_in_dim3A_413 = vector.broadcast %broadcast_in_dim3A_412 : i32 to vector<16xi32>
    %gather3A_414 = tpu.vector_load_idx %arg5[%add3A_401, %broadcast_in_dim3A_413] : memref<32x72xf32, #tpu.memory_space<vmem>>[vector<16xi32>, vector<16xi32>], vector<16xf32>,
    %broadcast_in_dim3A_415 = arith.constant 155 : i32
    %broadcast_in_dim3A_416 = vector.broadcast %broadcast_in_dim3A_415 : i32 to vector<16xi32>
    tpu.vector_store_idx %arg6[%add3A_401, %broadcast_in_dim3A_416], %gather3A_414 : memref<32x495xf32, #tpu.memory_space<vmem>>[vector<16xi32>, vector<16xi32>], vector<16xf32>,
    %broadcast_in_dim3A_417 = arith.constant 39 : i32
    %broadcast_in_dim3A_418 = vector.broadcast %broadcast_in_dim3A_417 : i32 to vector<16xi32>
    %gather3A_419 = tpu.vector_load_idx %arg5[%add3A_401, %broadcast_in_dim3A_418] : memref<32x72xf32, #tpu.memory_space<vmem>>[vector<16xi32>, vector<16xi32>], vector<16xf32>,
    %broadcast_in_dim3A_420 = arith.constant 156 : i32
    %broadcast_in_dim3A_421 = vector.broadcast %broadcast_in_dim3A_420 : i32 to vector<16xi32>
    tpu.vector_store_idx %arg6[%add3A_401, %broadcast_in_dim3A_421], %gather3A_419 : memref<32x495xf32, #tpu.memory_space<vmem>>[vector<16xi32>, vector<16xi32>], vector<16xf32>,
    %broadcast_in_dim3A_422 = arith.constant 40 : i32
    %broadcast_in_dim3A_423 = vector.broadcast %broadcast_in_dim3A_422 : i32 to vector<16xi32>
    %gather3A_424 = tpu.vector_load_idx %arg5[%add3A_401, %broadcast_in_dim3A_423] : memref<32x72xf32, #tpu.memory_space<vmem>>[vector<16xi32>, vector<16xi32>], vector<16xf32>,
    %broadcast_in_dim3A_425 = arith.constant 157 : i32
    %broadcast_in_dim3A_426 = vector.broadcast %broadcast_in_dim3A_425 : i32 to vector<16xi32>
    tpu.vector_store_idx %arg6[%add3A_401, %broadcast_in_dim3A_426], %gather3A_424 : memref<32x495xf32, #tpu.memory_space<vmem>>[vector<16xi32>, vector<16xi32>], vector<16xf32>,
    %broadcast_in_dim3A_427 = arith.constant 41 : i32
    %broadcast_in_dim3A_428 = vector.broadcast %broadcast_in_dim3A_427 : i32 to vector<16xi32>
    %gather3A_429 = tpu.vector_load_idx %arg5[%add3A_401, %broadcast_in_dim3A_428] : memref<32x72xf32, #tpu.memory_space<vmem>>[vector<16xi32>, vector<16xi32>], vector<16xf32>,
    %broadcast_in_dim3A_430 = arith.constant 158 : i32
    %broadcast_in_dim3A_431 = vector.broadcast %broadcast_in_dim3A_430 : i32 to vector<16xi32>
    tpu.vector_store_idx %arg6[%add3A_401, %broadcast_in_dim3A_431], %gather3A_429 : memref<32x495xf32, #tpu.memory_space<vmem>>[vector<16xi32>, vector<16xi32>], vector<16xf32>,
    %broadcast_in_dim3A_432 = arith.constant 42 : i32
    %broadcast_in_dim3A_433 = vector.broadcast %broadcast_in_dim3A_432 : i32 to vector<16xi32>
    %gather3A_434 = tpu.vector_load_idx %arg5[%add3A_401, %broadcast_in_dim3A_433] : memref<32x72xf32, #tpu.memory_space<vmem>>[vector<16xi32>, vector<16xi32>], vector<16xf32>,
    %broadcast_in_dim3A_435 = arith.constant 159 : i32
    %broadcast_in_dim3A_436 = vector.broadcast %broadcast_in_dim3A_435 : i32 to vector<16xi32>
    tpu.vector_store_idx %arg6[%add3A_401, %broadcast_in_dim3A_436], %gather3A_434 : memref<32x495xf32, #tpu.memory_space<vmem>>[vector<16xi32>, vector<16xi32>], vector<16xf32>,
    %broadcast_in_dim3A_437 = arith.constant 43 : i32
    %broadcast_in_dim3A_438 = vector.broadcast %broadcast_in_dim3A_437 : i32 to vector<16xi32>
    %gather3A_439 = tpu.vector_load_idx %arg5[%add3A_401, %broadcast_in_dim3A_438] : memref<32x72xf32, #tpu.memory_space<vmem>>[vector<16xi32>, vector<16xi32>], vector<16xf32>,
    %broadcast_in_dim3A_440 = arith.constant 160 : i32
    %broadcast_in_dim3A_441 = vector.broadcast %broadcast_in_dim3A_440 : i32 to vector<16xi32>
    tpu.vector_store_idx %arg6[%add3A_401, %broadcast_in_dim3A_441], %gather3A_439 : memref<32x495xf32, #tpu.memory_space<vmem>>[vector<16xi32>, vector<16xi32>], vector<16xf32>,
    %broadcast_in_dim3A_442 = arith.constant 44 : i32
    %broadcast_in_dim3A_443 = vector.broadcast %broadcast_in_dim3A_442 : i32 to vector<16xi32>
    %gather3A_444 = tpu.vector_load_idx %arg5[%add3A_401, %broadcast_in_dim3A_443] : memref<32x72xf32, #tpu.memory_space<vmem>>[vector<16xi32>, vector<16xi32>], vector<16xf32>,
    %broadcast_in_dim3A_445 = arith.constant 161 : i32
    %broadcast_in_dim3A_446 = vector.broadcast %broadcast_in_dim3A_445 : i32 to vector<16xi32>
    tpu.vector_store_idx %arg6[%add3A_401, %broadcast_in_dim3A_446], %gather3A_444 : memref<32x495xf32, #tpu.memory_space<vmem>>[vector<16xi32>, vector<16xi32>], vector<16xf32>,
    %iota3A_447 = tpu.iota {dimensions = array<i32: 0>} : vector<16xi32>
    %add3A_448 = arith.constant 16 : i32
    %add3A_449 = vector.broadcast %add3A_448 : i32 to vector<16xi32>
    %add3A_450 = arith.addi %iota3A_447, %add3A_449 : vector<16xi32>
    %broadcast_in_dim3A_451 = arith.constant 36 : i32
    %broadcast_in_dim3A_452 = vector.broadcast %broadcast_in_dim3A_451 : i32 to vector<16xi32>
    %gather3A_453 = tpu.vector_load_idx %arg5[%add3A_450, %broadcast_in_dim3A_452] : memref<32x72xf32, #tpu.memory_space<vmem>>[vector<16xi32>, vector<16xi32>], vector<16xf32>,
    %broadcast_in_dim3A_454 = arith.constant 153 : i32
    %broadcast_in_dim3A_455 = vector.broadcast %broadcast_in_dim3A_454 : i32 to vector<16xi32>
    tpu.vector_store_idx %arg6[%add3A_450, %broadcast_in_dim3A_455], %gather3A_453 : memref<32x495xf32, #tpu.memory_space<vmem>>[vector<16xi32>, vector<16xi32>], vector<16xf32>,
    %broadcast_in_dim3A_456 = arith.constant 37 : i32
    %broadcast_in_dim3A_457 = vector.broadcast %broadcast_in_dim3A_456 : i32 to vector<16xi32>
    %gather3A_458 = tpu.vector_load_idx %arg5[%add3A_450, %broadcast_in_dim3A_457] : memref<32x72xf32, #tpu.memory_space<vmem>>[vector<16xi32>, vector<16xi32>], vector<16xf32>,
    %broadcast_in_dim3A_459 = arith.constant 154 : i32
    %broadcast_in_dim3A_460 = vector.broadcast %broadcast_in_dim3A_459 : i32 to vector<16xi32>
    tpu.vector_store_idx %arg6[%add3A_450, %broadcast_in_dim3A_460], %gather3A_458 : memref<32x495xf32, #tpu.memory_space<vmem>>[vector<16xi32>, vector<16xi32>], vector<16xf32>,
    %broadcast_in_dim3A_461 = arith.constant 38 : i32
    %broadcast_in_dim3A_462 = vector.broadcast %broadcast_in_dim3A_461 : i32 to vector<16xi32>
    %gather3A_463 = tpu.vector_load_idx %arg5[%add3A_450, %broadcast_in_dim3A_462] : memref<32x72xf32, #tpu.memory_space<vmem>>[vector<16xi32>, vector<16xi32>], vector<16xf32>,
    %broadcast_in_dim3A_464 = arith.constant 155 : i32
    %broadcast_in_dim3A_465 = vector.broadcast %broadcast_in_dim3A_464 : i32 to vector<16xi32>
    tpu.vector_store_idx %arg6[%add3A_450, %broadcast_in_dim3A_465], %gather3A_463 : memref<32x495xf32, #tpu.memory_space<vmem>>[vector<16xi32>, vector<16xi32>], vector<16xf32>,
    %broadcast_in_dim3A_466 = arith.constant 39 : i32
    %broadcast_in_dim3A_467 = vector.broadcast %broadcast_in_dim3A_466 : i32 to vector<16xi32>
    %gather3A_468 = tpu.vector_load_idx %arg5[%add3A_450, %broadcast_in_dim3A_467] : memref<32x72xf32, #tpu.memory_space<vmem>>[vector<16xi32>, vector<16xi32>], vector<16xf32>,
    %broadcast_in_dim3A_469 = arith.constant 156 : i32
    %broadcast_in_dim3A_470 = vector.broadcast %broadcast_in_dim3A_469 : i32 to vector<16xi32>
    tpu.vector_store_idx %arg6[%add3A_450, %broadcast_in_dim3A_470], %gather3A_468 : memref<32x495xf32, #tpu.memory_space<vmem>>[vector<16xi32>, vector<16xi32>], vector<16xf32>,
    %broadcast_in_dim3A_471 = arith.constant 40 : i32
    %broadcast_in_dim3A_472 = vector.broadcast %broadcast_in_dim3A_471 : i32 to vector<16xi32>
    %gather3A_473 = tpu.vector_load_idx %arg5[%add3A_450, %broadcast_in_dim3A_472] : memref<32x72xf32, #tpu.memory_space<vmem>>[vector<16xi32>, vector<16xi32>], vector<16xf32>,
    %broadcast_in_dim3A_474 = arith.constant 157 : i32
    %broadcast_in_dim3A_475 = vector.broadcast %broadcast_in_dim3A_474 : i32 to vector<16xi32>
    tpu.vector_store_idx %arg6[%add3A_450, %broadcast_in_dim3A_475], %gather3A_473 : memref<32x495xf32, #tpu.memory_space<vmem>>[vector<16xi32>, vector<16xi32>], vector<16xf32>,
    %broadcast_in_dim3A_476 = arith.constant 41 : i32
    %broadcast_in_dim3A_477 = vector.broadcast %broadcast_in_dim3A_476 : i32 to vector<16xi32>
    %gather3A_478 = tpu.vector_load_idx %arg5[%add3A_450, %broadcast_in_dim3A_477] : memref<32x72xf32, #tpu.memory_space<vmem>>[vector<16xi32>, vector<16xi32>], vector<16xf32>,
    %broadcast_in_dim3A_479 = arith.constant 158 : i32
    %broadcast_in_dim3A_480 = vector.broadcast %broadcast_in_dim3A_479 : i32 to vector<16xi32>
    tpu.vector_store_idx %arg6[%add3A_450, %broadcast_in_dim3A_480], %gather3A_478 : memref<32x495xf32, #tpu.memory_space<vmem>>[vector<16xi32>, vector<16xi32>], vector<16xf32>,
    %broadcast_in_dim3A_481 = arith.constant 42 : i32
    %broadcast_in_dim3A_482 = vector.broadcast %broadcast_in_dim3A_481 : i32 to vector<16xi32>
    %gather3A_483 = tpu.vector_load_idx %arg5[%add3A_450, %broadcast_in_dim3A_482] : memref<32x72xf32, #tpu.memory_space<vmem>>[vector<16xi32>, vector<16xi32>], vector<16xf32>,
    %broadcast_in_dim3A_484 = arith.constant 159 : i32
    %broadcast_in_dim3A_485 = vector.broadcast %broadcast_in_dim3A_484 : i32 to vector<16xi32>
    tpu.vector_store_idx %arg6[%add3A_450, %broadcast_in_dim3A_485], %gather3A_483 : memref<32x495xf32, #tpu.memory_space<vmem>>[vector<16xi32>, vector<16xi32>], vector<16xf32>,
    %broadcast_in_dim3A_486 = arith.constant 43 : i32
    %broadcast_in_dim3A_487 = vector.broadcast %broadcast_in_dim3A_486 : i32 to vector<16xi32>
    %gather3A_488 = tpu.vector_load_idx %arg5[%add3A_450, %broadcast_in_dim3A_487] : memref<32x72xf32, #tpu.memory_space<vmem>>[vector<16xi32>, vector<16xi32>], vector<16xf32>,
    %broadcast_in_dim3A_489 = arith.constant 160 : i32
    %broadcast_in_dim3A_490 = vector.broadcast %broadcast_in_dim3A_489 : i32 to vector<16xi32>
    tpu.vector_store_idx %arg6[%add3A_450, %broadcast_in_dim3A_490], %gather3A_488 : memref<32x495xf32, #tpu.memory_space<vmem>>[vector<16xi32>, vector<16xi32>], vector<16xf32>,
    %broadcast_in_dim3A_491 = arith.constant 44 : i32
    %broadcast_in_dim3A_492 = vector.broadcast %broadcast_in_dim3A_491 : i32 to vector<16xi32>
    %gather3A_493 = tpu.vector_load_idx %arg5[%add3A_450, %broadcast_in_dim3A_492] : memref<32x72xf32, #tpu.memory_space<vmem>>[vector<16xi32>, vector<16xi32>], vector<16xf32>,
    %broadcast_in_dim3A_494 = arith.constant 161 : i32
    %broadcast_in_dim3A_495 = vector.broadcast %broadcast_in_dim3A_494 : i32 to vector<16xi32>
    tpu.vector_store_idx %arg6[%add3A_450, %broadcast_in_dim3A_495], %gather3A_493 : memref<32x495xf32, #tpu.memory_space<vmem>>[vector<16xi32>, vector<16xi32>], vector<16xf32>,
    %iota3A_496 = tpu.iota {dimensions = array<i32: 0>} : vector<16xi32>
    %add3A_497 = arith.constant 0 : i32
    %add3A_498 = vector.broadcast %add3A_497 : i32 to vector<16xi32>
    %add3A_499 = arith.addi %iota3A_496, %add3A_498 : vector<16xi32>
    %broadcast_in_dim3A_500 = arith.constant 45 : i32
    %broadcast_in_dim3A_501 = vector.broadcast %broadcast_in_dim3A_500 : i32 to vector<16xi32>
    %gather3A_502 = tpu.vector_load_idx %arg5[%add3A_499, %broadcast_in_dim3A_501] : memref<32x72xf32, #tpu.memory_space<vmem>>[vector<16xi32>, vector<16xi32>], vector<16xf32>,
    %broadcast_in_dim3A_503 = arith.constant 198 : i32
    %broadcast_in_dim3A_504 = vector.broadcast %broadcast_in_dim3A_503 : i32 to vector<16xi32>
    tpu.vector_store_idx %arg6[%add3A_499, %broadcast_in_dim3A_504], %gather3A_502 : memref<32x495xf32, #tpu.memory_space<vmem>>[vector<16xi32>, vector<16xi32>], vector<16xf32>,
    %broadcast_in_dim3A_505 = arith.constant 46 : i32
    %broadcast_in_dim3A_506 = vector.broadcast %broadcast_in_dim3A_505 : i32 to vector<16xi32>
    %gather3A_507 = tpu.vector_load_idx %arg5[%add3A_499, %broadcast_in_dim3A_506] : memref<32x72xf32, #tpu.memory_space<vmem>>[vector<16xi32>, vector<16xi32>], vector<16xf32>,
    %broadcast_in_dim3A_508 = arith.constant 199 : i32
    %broadcast_in_dim3A_509 = vector.broadcast %broadcast_in_dim3A_508 : i32 to vector<16xi32>
    tpu.vector_store_idx %arg6[%add3A_499, %broadcast_in_dim3A_509], %gather3A_507 : memref<32x495xf32, #tpu.memory_space<vmem>>[vector<16xi32>, vector<16xi32>], vector<16xf32>,
    %broadcast_in_dim3A_510 = arith.constant 47 : i32
    %broadcast_in_dim3A_511 = vector.broadcast %broadcast_in_dim3A_510 : i32 to vector<16xi32>
    %gather3A_512 = tpu.vector_load_idx %arg5[%add3A_499, %broadcast_in_dim3A_511] : memref<32x72xf32, #tpu.memory_space<vmem>>[vector<16xi32>, vector<16xi32>], vector<16xf32>,
    %broadcast_in_dim3A_513 = arith.constant 200 : i32
    %broadcast_in_dim3A_514 = vector.broadcast %broadcast_in_dim3A_513 : i32 to vector<16xi32>
    tpu.vector_store_idx %arg6[%add3A_499, %broadcast_in_dim3A_514], %gather3A_512 : memref<32x495xf32, #tpu.memory_space<vmem>>[vector<16xi32>, vector<16xi32>], vector<16xf32>,
    %broadcast_in_dim3A_515 = arith.constant 48 : i32
    %broadcast_in_dim3A_516 = vector.broadcast %broadcast_in_dim3A_515 : i32 to vector<16xi32>
    %gather3A_517 = tpu.vector_load_idx %arg5[%add3A_499, %broadcast_in_dim3A_516] : memref<32x72xf32, #tpu.memory_space<vmem>>[vector<16xi32>, vector<16xi32>], vector<16xf32>,
    %broadcast_in_dim3A_518 = arith.constant 201 : i32
    %broadcast_in_dim3A_519 = vector.broadcast %broadcast_in_dim3A_518 : i32 to vector<16xi32>
    tpu.vector_store_idx %arg6[%add3A_499, %broadcast_in_dim3A_519], %gather3A_517 : memref<32x495xf32, #tpu.memory_space<vmem>>[vector<16xi32>, vector<16xi32>], vector<16xf32>,
    %broadcast_in_dim3A_520 = arith.constant 49 : i32
    %broadcast_in_dim3A_521 = vector.broadcast %broadcast_in_dim3A_520 : i32 to vector<16xi32>
    %gather3A_522 = tpu.vector_load_idx %arg5[%add3A_499, %broadcast_in_dim3A_521] : memref<32x72xf32, #tpu.memory_space<vmem>>[vector<16xi32>, vector<16xi32>], vector<16xf32>,
    %broadcast_in_dim3A_523 = arith.constant 202 : i32
    %broadcast_in_dim3A_524 = vector.broadcast %broadcast_in_dim3A_523 : i32 to vector<16xi32>
    tpu.vector_store_idx %arg6[%add3A_499, %broadcast_in_dim3A_524], %gather3A_522 : memref<32x495xf32, #tpu.memory_space<vmem>>[vector<16xi32>, vector<16xi32>], vector<16xf32>,
    %broadcast_in_dim3A_525 = arith.constant 50 : i32
    %broadcast_in_dim3A_526 = vector.broadcast %broadcast_in_dim3A_525 : i32 to vector<16xi32>
    %gather3A_527 = tpu.vector_load_idx %arg5[%add3A_499, %broadcast_in_dim3A_526] : memref<32x72xf32, #tpu.memory_space<vmem>>[vector<16xi32>, vector<16xi32>], vector<16xf32>,
    %broadcast_in_dim3A_528 = arith.constant 203 : i32
    %broadcast_in_dim3A_529 = vector.broadcast %broadcast_in_dim3A_528 : i32 to vector<16xi32>
    tpu.vector_store_idx %arg6[%add3A_499, %broadcast_in_dim3A_529], %gather3A_527 : memref<32x495xf32, #tpu.memory_space<vmem>>[vector<16xi32>, vector<16xi32>], vector<16xf32>,
    %broadcast_in_dim3A_530 = arith.constant 51 : i32
    %broadcast_in_dim3A_531 = vector.broadcast %broadcast_in_dim3A_530 : i32 to vector<16xi32>
    %gather3A_532 = tpu.vector_load_idx %arg5[%add3A_499, %broadcast_in_dim3A_531] : memref<32x72xf32, #tpu.memory_space<vmem>>[vector<16xi32>, vector<16xi32>], vector<16xf32>,
    %broadcast_in_dim3A_533 = arith.constant 204 : i32
    %broadcast_in_dim3A_534 = vector.broadcast %broadcast_in_dim3A_533 : i32 to vector<16xi32>
    tpu.vector_store_idx %arg6[%add3A_499, %broadcast_in_dim3A_534], %gather3A_532 : memref<32x495xf32, #tpu.memory_space<vmem>>[vector<16xi32>, vector<16xi32>], vector<16xf32>,
    %broadcast_in_dim3A_535 = arith.constant 52 : i32
    %broadcast_in_dim3A_536 = vector.broadcast %broadcast_in_dim3A_535 : i32 to vector<16xi32>
    %gather3A_537 = tpu.vector_load_idx %arg5[%add3A_499, %broadcast_in_dim3A_536] : memref<32x72xf32, #tpu.memory_space<vmem>>[vector<16xi32>, vector<16xi32>], vector<16xf32>,
    %broadcast_in_dim3A_538 = arith.constant 205 : i32
    %broadcast_in_dim3A_539 = vector.broadcast %broadcast_in_dim3A_538 : i32 to vector<16xi32>
    tpu.vector_store_idx %arg6[%add3A_499, %broadcast_in_dim3A_539], %gather3A_537 : memref<32x495xf32, #tpu.memory_space<vmem>>[vector<16xi32>, vector<16xi32>], vector<16xf32>,
    %broadcast_in_dim3A_540 = arith.constant 53 : i32
    %broadcast_in_dim3A_541 = vector.broadcast %broadcast_in_dim3A_540 : i32 to vector<16xi32>
    %gather3A_542 = tpu.vector_load_idx %arg5[%add3A_499, %broadcast_in_dim3A_541] : memref<32x72xf32, #tpu.memory_space<vmem>>[vector<16xi32>, vector<16xi32>], vector<16xf32>,
    %broadcast_in_dim3A_543 = arith.constant 206 : i32
    %broadcast_in_dim3A_544 = vector.broadcast %broadcast_in_dim3A_543 : i32 to vector<16xi32>
    tpu.vector_store_idx %arg6[%add3A_499, %broadcast_in_dim3A_544], %gather3A_542 : memref<32x495xf32, #tpu.memory_space<vmem>>[vector<16xi32>, vector<16xi32>], vector<16xf32>,
    %iota3A_545 = tpu.iota {dimensions = array<i32: 0>} : vector<16xi32>
    %add3A_546 = arith.constant 16 : i32
    %add3A_547 = vector.broadcast %add3A_546 : i32 to vector<16xi32>
    %add3A_548 = arith.addi %iota3A_545, %add3A_547 : vector<16xi32>
    %broadcast_in_dim3A_549 = arith.constant 45 : i32
    %broadcast_in_dim3A_550 = vector.broadcast %broadcast_in_dim3A_549 : i32 to vector<16xi32>
    %gather3A_551 = tpu.vector_load_idx %arg5[%add3A_548, %broadcast_in_dim3A_550] : memref<32x72xf32, #tpu.memory_space<vmem>>[vector<16xi32>, vector<16xi32>], vector<16xf32>,
    %broadcast_in_dim3A_552 = arith.constant 198 : i32
    %broadcast_in_dim3A_553 = vector.broadcast %broadcast_in_dim3A_552 : i32 to vector<16xi32>
    tpu.vector_store_idx %arg6[%add3A_548, %broadcast_in_dim3A_553], %gather3A_551 : memref<32x495xf32, #tpu.memory_space<vmem>>[vector<16xi32>, vector<16xi32>], vector<16xf32>,
    %broadcast_in_dim3A_554 = arith.constant 46 : i32
    %broadcast_in_dim3A_555 = vector.broadcast %broadcast_in_dim3A_554 : i32 to vector<16xi32>
    %gather3A_556 = tpu.vector_load_idx %arg5[%add3A_548, %broadcast_in_dim3A_555] : memref<32x72xf32, #tpu.memory_space<vmem>>[vector<16xi32>, vector<16xi32>], vector<16xf32>,
    %broadcast_in_dim3A_557 = arith.constant 199 : i32
    %broadcast_in_dim3A_558 = vector.broadcast %broadcast_in_dim3A_557 : i32 to vector<16xi32>
    tpu.vector_store_idx %arg6[%add3A_548, %broadcast_in_dim3A_558], %gather3A_556 : memref<32x495xf32, #tpu.memory_space<vmem>>[vector<16xi32>, vector<16xi32>], vector<16xf32>,
    %broadcast_in_dim3A_559 = arith.constant 47 : i32
    %broadcast_in_dim3A_560 = vector.broadcast %broadcast_in_dim3A_559 : i32 to vector<16xi32>
    %gather3A_561 = tpu.vector_load_idx %arg5[%add3A_548, %broadcast_in_dim3A_560] : memref<32x72xf32, #tpu.memory_space<vmem>>[vector<16xi32>, vector<16xi32>], vector<16xf32>,
    %broadcast_in_dim3A_562 = arith.constant 200 : i32
    %broadcast_in_dim3A_563 = vector.broadcast %broadcast_in_dim3A_562 : i32 to vector<16xi32>
    tpu.vector_store_idx %arg6[%add3A_548, %broadcast_in_dim3A_563], %gather3A_561 : memref<32x495xf32, #tpu.memory_space<vmem>>[vector<16xi32>, vector<16xi32>], vector<16xf32>,
    %broadcast_in_dim3A_564 = arith.constant 48 : i32
    %broadcast_in_dim3A_565 = vector.broadcast %broadcast_in_dim3A_564 : i32 to vector<16xi32>
    %gather3A_566 = tpu.vector_load_idx %arg5[%add3A_548, %broadcast_in_dim3A_565] : memref<32x72xf32, #tpu.memory_space<vmem>>[vector<16xi32>, vector<16xi32>], vector<16xf32>,
    %broadcast_in_dim3A_567 = arith.constant 201 : i32
    %broadcast_in_dim3A_568 = vector.broadcast %broadcast_in_dim3A_567 : i32 to vector<16xi32>
    tpu.vector_store_idx %arg6[%add3A_548, %broadcast_in_dim3A_568], %gather3A_566 : memref<32x495xf32, #tpu.memory_space<vmem>>[vector<16xi32>, vector<16xi32>], vector<16xf32>,
    %broadcast_in_dim3A_569 = arith.constant 49 : i32
    %broadcast_in_dim3A_570 = vector.broadcast %broadcast_in_dim3A_569 : i32 to vector<16xi32>
    %gather3A_571 = tpu.vector_load_idx %arg5[%add3A_548, %broadcast_in_dim3A_570] : memref<32x72xf32, #tpu.memory_space<vmem>>[vector<16xi32>, vector<16xi32>], vector<16xf32>,
    %broadcast_in_dim3A_572 = arith.constant 202 : i32
    %broadcast_in_dim3A_573 = vector.broadcast %broadcast_in_dim3A_572 : i32 to vector<16xi32>
    tpu.vector_store_idx %arg6[%add3A_548, %broadcast_in_dim3A_573], %gather3A_571 : memref<32x495xf32, #tpu.memory_space<vmem>>[vector<16xi32>, vector<16xi32>], vector<16xf32>,
    %broadcast_in_dim3A_574 = arith.constant 50 : i32
    %broadcast_in_dim3A_575 = vector.broadcast %broadcast_in_dim3A_574 : i32 to vector<16xi32>
    %gather3A_576 = tpu.vector_load_idx %arg5[%add3A_548, %broadcast_in_dim3A_575] : memref<32x72xf32, #tpu.memory_space<vmem>>[vector<16xi32>, vector<16xi32>], vector<16xf32>,
    %broadcast_in_dim3A_577 = arith.constant 203 : i32
    %broadcast_in_dim3A_578 = vector.broadcast %broadcast_in_dim3A_577 : i32 to vector<16xi32>
    tpu.vector_store_idx %arg6[%add3A_548, %broadcast_in_dim3A_578], %gather3A_576 : memref<32x495xf32, #tpu.memory_space<vmem>>[vector<16xi32>, vector<16xi32>], vector<16xf32>,
    %broadcast_in_dim3A_579 = arith.constant 51 : i32
    %broadcast_in_dim3A_580 = vector.broadcast %broadcast_in_dim3A_579 : i32 to vector<16xi32>
    %gather3A_581 = tpu.vector_load_idx %arg5[%add3A_548, %broadcast_in_dim3A_580] : memref<32x72xf32, #tpu.memory_space<vmem>>[vector<16xi32>, vector<16xi32>], vector<16xf32>,
    %broadcast_in_dim3A_582 = arith.constant 204 : i32
    %broadcast_in_dim3A_583 = vector.broadcast %broadcast_in_dim3A_582 : i32 to vector<16xi32>
    tpu.vector_store_idx %arg6[%add3A_548, %broadcast_in_dim3A_583], %gather3A_581 : memref<32x495xf32, #tpu.memory_space<vmem>>[vector<16xi32>, vector<16xi32>], vector<16xf32>,
    %broadcast_in_dim3A_584 = arith.constant 52 : i32
    %broadcast_in_dim3A_585 = vector.broadcast %broadcast_in_dim3A_584 : i32 to vector<16xi32>
    %gather3A_586 = tpu.vector_load_idx %arg5[%add3A_548, %broadcast_in_dim3A_585] : memref<32x72xf32, #tpu.memory_space<vmem>>[vector<16xi32>, vector<16xi32>], vector<16xf32>,
    %broadcast_in_dim3A_587 = arith.constant 205 : i32
    %broadcast_in_dim3A_588 = vector.broadcast %broadcast_in_dim3A_587 : i32 to vector<16xi32>
    tpu.vector_store_idx %arg6[%add3A_548, %broadcast_in_dim3A_588], %gather3A_586 : memref<32x495xf32, #tpu.memory_space<vmem>>[vector<16xi32>, vector<16xi32>], vector<16xf32>,
    %broadcast_in_dim3A_589 = arith.constant 53 : i32
    %broadcast_in_dim3A_590 = vector.broadcast %broadcast_in_dim3A_589 : i32 to vector<16xi32>
    %gather3A_591 = tpu.vector_load_idx %arg5[%add3A_548, %broadcast_in_dim3A_590] : memref<32x72xf32, #tpu.memory_space<vmem>>[vector<16xi32>, vector<16xi32>], vector<16xf32>,
    %broadcast_in_dim3A_592 = arith.constant 206 : i32
    %broadcast_in_dim3A_593 = vector.broadcast %broadcast_in_dim3A_592 : i32 to vector<16xi32>
    tpu.vector_store_idx %arg6[%add3A_548, %broadcast_in_dim3A_593], %gather3A_591 : memref<32x495xf32, #tpu.memory_space<vmem>>[vector<16xi32>, vector<16xi32>], vector<16xf32>,
    %iota3A_594 = tpu.iota {dimensions = array<i32: 0>} : vector<16xi32>
    %add3A_595 = arith.constant 0 : i32
    %add3A_596 = vector.broadcast %add3A_595 : i32 to vector<16xi32>
    %add3A_597 = arith.addi %iota3A_594, %add3A_596 : vector<16xi32>
    %broadcast_in_dim3A_598 = arith.constant 54 : i32
    %broadcast_in_dim3A_599 = vector.broadcast %broadcast_in_dim3A_598 : i32 to vector<16xi32>
    %gather3A_600 = tpu.vector_load_idx %arg5[%add3A_597, %broadcast_in_dim3A_599] : memref<32x72xf32, #tpu.memory_space<vmem>>[vector<16xi32>, vector<16xi32>], vector<16xf32>,
    %broadcast_in_dim3A_601 = arith.constant 207 : i32
    %broadcast_in_dim3A_602 = vector.broadcast %broadcast_in_dim3A_601 : i32 to vector<16xi32>
    tpu.vector_store_idx %arg6[%add3A_597, %broadcast_in_dim3A_602], %gather3A_600 : memref<32x495xf32, #tpu.memory_space<vmem>>[vector<16xi32>, vector<16xi32>], vector<16xf32>,
    %broadcast_in_dim3A_603 = arith.constant 55 : i32
    %broadcast_in_dim3A_604 = vector.broadcast %broadcast_in_dim3A_603 : i32 to vector<16xi32>
    %gather3A_605 = tpu.vector_load_idx %arg5[%add3A_597, %broadcast_in_dim3A_604] : memref<32x72xf32, #tpu.memory_space<vmem>>[vector<16xi32>, vector<16xi32>], vector<16xf32>,
    %broadcast_in_dim3A_606 = arith.constant 208 : i32
    %broadcast_in_dim3A_607 = vector.broadcast %broadcast_in_dim3A_606 : i32 to vector<16xi32>
    tpu.vector_store_idx %arg6[%add3A_597, %broadcast_in_dim3A_607], %gather3A_605 : memref<32x495xf32, #tpu.memory_space<vmem>>[vector<16xi32>, vector<16xi32>], vector<16xf32>,
    %broadcast_in_dim3A_608 = arith.constant 56 : i32
    %broadcast_in_dim3A_609 = vector.broadcast %broadcast_in_dim3A_608 : i32 to vector<16xi32>
    %gather3A_610 = tpu.vector_load_idx %arg5[%add3A_597, %broadcast_in_dim3A_609] : memref<32x72xf32, #tpu.memory_space<vmem>>[vector<16xi32>, vector<16xi32>], vector<16xf32>,
    %broadcast_in_dim3A_611 = arith.constant 209 : i32
    %broadcast_in_dim3A_612 = vector.broadcast %broadcast_in_dim3A_611 : i32 to vector<16xi32>
    tpu.vector_store_idx %arg6[%add3A_597, %broadcast_in_dim3A_612], %gather3A_610 : memref<32x495xf32, #tpu.memory_space<vmem>>[vector<16xi32>, vector<16xi32>], vector<16xf32>,
    %broadcast_in_dim3A_613 = arith.constant 57 : i32
    %broadcast_in_dim3A_614 = vector.broadcast %broadcast_in_dim3A_613 : i32 to vector<16xi32>
    %gather3A_615 = tpu.vector_load_idx %arg5[%add3A_597, %broadcast_in_dim3A_614] : memref<32x72xf32, #tpu.memory_space<vmem>>[vector<16xi32>, vector<16xi32>], vector<16xf32>,
    %broadcast_in_dim3A_616 = arith.constant 210 : i32
    %broadcast_in_dim3A_617 = vector.broadcast %broadcast_in_dim3A_616 : i32 to vector<16xi32>
    tpu.vector_store_idx %arg6[%add3A_597, %broadcast_in_dim3A_617], %gather3A_615 : memref<32x495xf32, #tpu.memory_space<vmem>>[vector<16xi32>, vector<16xi32>], vector<16xf32>,
    %broadcast_in_dim3A_618 = arith.constant 58 : i32
    %broadcast_in_dim3A_619 = vector.broadcast %broadcast_in_dim3A_618 : i32 to vector<16xi32>
    %gather3A_620 = tpu.vector_load_idx %arg5[%add3A_597, %broadcast_in_dim3A_619] : memref<32x72xf32, #tpu.memory_space<vmem>>[vector<16xi32>, vector<16xi32>], vector<16xf32>,
    %broadcast_in_dim3A_621 = arith.constant 211 : i32
    %broadcast_in_dim3A_622 = vector.broadcast %broadcast_in_dim3A_621 : i32 to vector<16xi32>
    tpu.vector_store_idx %arg6[%add3A_597, %broadcast_in_dim3A_622], %gather3A_620 : memref<32x495xf32, #tpu.memory_space<vmem>>[vector<16xi32>, vector<16xi32>], vector<16xf32>,
    %broadcast_in_dim3A_623 = arith.constant 59 : i32
    %broadcast_in_dim3A_624 = vector.broadcast %broadcast_in_dim3A_623 : i32 to vector<16xi32>
    %gather3A_625 = tpu.vector_load_idx %arg5[%add3A_597, %broadcast_in_dim3A_624] : memref<32x72xf32, #tpu.memory_space<vmem>>[vector<16xi32>, vector<16xi32>], vector<16xf32>,
    %broadcast_in_dim3A_626 = arith.constant 212 : i32
    %broadcast_in_dim3A_627 = vector.broadcast %broadcast_in_dim3A_626 : i32 to vector<16xi32>
    tpu.vector_store_idx %arg6[%add3A_597, %broadcast_in_dim3A_627], %gather3A_625 : memref<32x495xf32, #tpu.memory_space<vmem>>[vector<16xi32>, vector<16xi32>], vector<16xf32>,
    %broadcast_in_dim3A_628 = arith.constant 60 : i32
    %broadcast_in_dim3A_629 = vector.broadcast %broadcast_in_dim3A_628 : i32 to vector<16xi32>
    %gather3A_630 = tpu.vector_load_idx %arg5[%add3A_597, %broadcast_in_dim3A_629] : memref<32x72xf32, #tpu.memory_space<vmem>>[vector<16xi32>, vector<16xi32>], vector<16xf32>,
    %broadcast_in_dim3A_631 = arith.constant 213 : i32
    %broadcast_in_dim3A_632 = vector.broadcast %broadcast_in_dim3A_631 : i32 to vector<16xi32>
    tpu.vector_store_idx %arg6[%add3A_597, %broadcast_in_dim3A_632], %gather3A_630 : memref<32x495xf32, #tpu.memory_space<vmem>>[vector<16xi32>, vector<16xi32>], vector<16xf32>,
    %broadcast_in_dim3A_633 = arith.constant 61 : i32
    %broadcast_in_dim3A_634 = vector.broadcast %broadcast_in_dim3A_633 : i32 to vector<16xi32>
    %gather3A_635 = tpu.vector_load_idx %arg5[%add3A_597, %broadcast_in_dim3A_634] : memref<32x72xf32, #tpu.memory_space<vmem>>[vector<16xi32>, vector<16xi32>], vector<16xf32>,
    %broadcast_in_dim3A_636 = arith.constant 214 : i32
    %broadcast_in_dim3A_637 = vector.broadcast %broadcast_in_dim3A_636 : i32 to vector<16xi32>
    tpu.vector_store_idx %arg6[%add3A_597, %broadcast_in_dim3A_637], %gather3A_635 : memref<32x495xf32, #tpu.memory_space<vmem>>[vector<16xi32>, vector<16xi32>], vector<16xf32>,
    %broadcast_in_dim3A_638 = arith.constant 62 : i32
    %broadcast_in_dim3A_639 = vector.broadcast %broadcast_in_dim3A_638 : i32 to vector<16xi32>
    %gather3A_640 = tpu.vector_load_idx %arg5[%add3A_597, %broadcast_in_dim3A_639] : memref<32x72xf32, #tpu.memory_space<vmem>>[vector<16xi32>, vector<16xi32>], vector<16xf32>,
    %broadcast_in_dim3A_641 = arith.constant 215 : i32
    %broadcast_in_dim3A_642 = vector.broadcast %broadcast_in_dim3A_641 : i32 to vector<16xi32>
    tpu.vector_store_idx %arg6[%add3A_597, %broadcast_in_dim3A_642], %gather3A_640 : memref<32x495xf32, #tpu.memory_space<vmem>>[vector<16xi32>, vector<16xi32>], vector<16xf32>,
    %iota3A_643 = tpu.iota {dimensions = array<i32: 0>} : vector<16xi32>
    %add3A_644 = arith.constant 16 : i32
    %add3A_645 = vector.broadcast %add3A_644 : i32 to vector<16xi32>
    %add3A_646 = arith.addi %iota3A_643, %add3A_645 : vector<16xi32>
    %broadcast_in_dim3A_647 = arith.constant 54 : i32
    %broadcast_in_dim3A_648 = vector.broadcast %broadcast_in_dim3A_647 : i32 to vector<16xi32>
    %gather3A_649 = tpu.vector_load_idx %arg5[%add3A_646, %broadcast_in_dim3A_648] : memref<32x72xf32, #tpu.memory_space<vmem>>[vector<16xi32>, vector<16xi32>], vector<16xf32>,
    %broadcast_in_dim3A_650 = arith.constant 207 : i32
    %broadcast_in_dim3A_651 = vector.broadcast %broadcast_in_dim3A_650 : i32 to vector<16xi32>
    tpu.vector_store_idx %arg6[%add3A_646, %broadcast_in_dim3A_651], %gather3A_649 : memref<32x495xf32, #tpu.memory_space<vmem>>[vector<16xi32>, vector<16xi32>], vector<16xf32>,
    %broadcast_in_dim3A_652 = arith.constant 55 : i32
    %broadcast_in_dim3A_653 = vector.broadcast %broadcast_in_dim3A_652 : i32 to vector<16xi32>
    %gather3A_654 = tpu.vector_load_idx %arg5[%add3A_646, %broadcast_in_dim3A_653] : memref<32x72xf32, #tpu.memory_space<vmem>>[vector<16xi32>, vector<16xi32>], vector<16xf32>,
    %broadcast_in_dim3A_655 = arith.constant 208 : i32
    %broadcast_in_dim3A_656 = vector.broadcast %broadcast_in_dim3A_655 : i32 to vector<16xi32>
    tpu.vector_store_idx %arg6[%add3A_646, %broadcast_in_dim3A_656], %gather3A_654 : memref<32x495xf32, #tpu.memory_space<vmem>>[vector<16xi32>, vector<16xi32>], vector<16xf32>,
    %broadcast_in_dim3A_657 = arith.constant 56 : i32
    %broadcast_in_dim3A_658 = vector.broadcast %broadcast_in_dim3A_657 : i32 to vector<16xi32>
    %gather3A_659 = tpu.vector_load_idx %arg5[%add3A_646, %broadcast_in_dim3A_658] : memref<32x72xf32, #tpu.memory_space<vmem>>[vector<16xi32>, vector<16xi32>], vector<16xf32>,
    %broadcast_in_dim3A_660 = arith.constant 209 : i32
    %broadcast_in_dim3A_661 = vector.broadcast %broadcast_in_dim3A_660 : i32 to vector<16xi32>
    tpu.vector_store_idx %arg6[%add3A_646, %broadcast_in_dim3A_661], %gather3A_659 : memref<32x495xf32, #tpu.memory_space<vmem>>[vector<16xi32>, vector<16xi32>], vector<16xf32>,
    %broadcast_in_dim3A_662 = arith.constant 57 : i32
    %broadcast_in_dim3A_663 = vector.broadcast %broadcast_in_dim3A_662 : i32 to vector<16xi32>
    %gather3A_664 = tpu.vector_load_idx %arg5[%add3A_646, %broadcast_in_dim3A_663] : memref<32x72xf32, #tpu.memory_space<vmem>>[vector<16xi32>, vector<16xi32>], vector<16xf32>,
    %broadcast_in_dim3A_665 = arith.constant 210 : i32
    %broadcast_in_dim3A_666 = vector.broadcast %broadcast_in_dim3A_665 : i32 to vector<16xi32>
    tpu.vector_store_idx %arg6[%add3A_646, %broadcast_in_dim3A_666], %gather3A_664 : memref<32x495xf32, #tpu.memory_space<vmem>>[vector<16xi32>, vector<16xi32>], vector<16xf32>,
    %broadcast_in_dim3A_667 = arith.constant 58 : i32
    %broadcast_in_dim3A_668 = vector.broadcast %broadcast_in_dim3A_667 : i32 to vector<16xi32>
    %gather3A_669 = tpu.vector_load_idx %arg5[%add3A_646, %broadcast_in_dim3A_668] : memref<32x72xf32, #tpu.memory_space<vmem>>[vector<16xi32>, vector<16xi32>], vector<16xf32>,
    %broadcast_in_dim3A_670 = arith.constant 211 : i32
    %broadcast_in_dim3A_671 = vector.broadcast %broadcast_in_dim3A_670 : i32 to vector<16xi32>
    tpu.vector_store_idx %arg6[%add3A_646, %broadcast_in_dim3A_671], %gather3A_669 : memref<32x495xf32, #tpu.memory_space<vmem>>[vector<16xi32>, vector<16xi32>], vector<16xf32>,
    %broadcast_in_dim3A_672 = arith.constant 59 : i32
    %broadcast_in_dim3A_673 = vector.broadcast %broadcast_in_dim3A_672 : i32 to vector<16xi32>
    %gather3A_674 = tpu.vector_load_idx %arg5[%add3A_646, %broadcast_in_dim3A_673] : memref<32x72xf32, #tpu.memory_space<vmem>>[vector<16xi32>, vector<16xi32>], vector<16xf32>,
    %broadcast_in_dim3A_675 = arith.constant 212 : i32
    %broadcast_in_dim3A_676 = vector.broadcast %broadcast_in_dim3A_675 : i32 to vector<16xi32>
    tpu.vector_store_idx %arg6[%add3A_646, %broadcast_in_dim3A_676], %gather3A_674 : memref<32x495xf32, #tpu.memory_space<vmem>>[vector<16xi32>, vector<16xi32>], vector<16xf32>,
    %broadcast_in_dim3A_677 = arith.constant 60 : i32
    %broadcast_in_dim3A_678 = vector.broadcast %broadcast_in_dim3A_677 : i32 to vector<16xi32>
    %gather3A_679 = tpu.vector_load_idx %arg5[%add3A_646, %broadcast_in_dim3A_678] : memref<32x72xf32, #tpu.memory_space<vmem>>[vector<16xi32>, vector<16xi32>], vector<16xf32>,
    %broadcast_in_dim3A_680 = arith.constant 213 : i32
    %broadcast_in_dim3A_681 = vector.broadcast %broadcast_in_dim3A_680 : i32 to vector<16xi32>
    tpu.vector_store_idx %arg6[%add3A_646, %broadcast_in_dim3A_681], %gather3A_679 : memref<32x495xf32, #tpu.memory_space<vmem>>[vector<16xi32>, vector<16xi32>], vector<16xf32>,
    %broadcast_in_dim3A_682 = arith.constant 61 : i32
    %broadcast_in_dim3A_683 = vector.broadcast %broadcast_in_dim3A_682 : i32 to vector<16xi32>
    %gather3A_684 = tpu.vector_load_idx %arg5[%add3A_646, %broadcast_in_dim3A_683] : memref<32x72xf32, #tpu.memory_space<vmem>>[vector<16xi32>, vector<16xi32>], vector<16xf32>,
    %broadcast_in_dim3A_685 = arith.constant 214 : i32
    %broadcast_in_dim3A_686 = vector.broadcast %broadcast_in_dim3A_685 : i32 to vector<16xi32>
    tpu.vector_store_idx %arg6[%add3A_646, %broadcast_in_dim3A_686], %gather3A_684 : memref<32x495xf32, #tpu.memory_space<vmem>>[vector<16xi32>, vector<16xi32>], vector<16xf32>,
    %broadcast_in_dim3A_687 = arith.constant 62 : i32
    %broadcast_in_dim3A_688 = vector.broadcast %broadcast_in_dim3A_687 : i32 to vector<16xi32>
    %gather3A_689 = tpu.vector_load_idx %arg5[%add3A_646, %broadcast_in_dim3A_688] : memref<32x72xf32, #tpu.memory_space<vmem>>[vector<16xi32>, vector<16xi32>], vector<16xf32>,
    %broadcast_in_dim3A_690 = arith.constant 215 : i32
    %broadcast_in_dim3A_691 = vector.broadcast %broadcast_in_dim3A_690 : i32 to vector<16xi32>
    tpu.vector_store_idx %arg6[%add3A_646, %broadcast_in_dim3A_691], %gather3A_689 : memref<32x495xf32, #tpu.memory_space<vmem>>[vector<16xi32>, vector<16xi32>], vector<16xf32>,
    %iota3A_692 = tpu.iota {dimensions = array<i32: 0>} : vector<16xi32>
    %add3A_693 = arith.constant 0 : i32
    %add3A_694 = vector.broadcast %add3A_693 : i32 to vector<16xi32>
    %add3A_695 = arith.addi %iota3A_692, %add3A_694 : vector<16xi32>
    %broadcast_in_dim3A_696 = arith.constant 63 : i32
    %broadcast_in_dim3A_697 = vector.broadcast %broadcast_in_dim3A_696 : i32 to vector<16xi32>
    %gather3A_698 = tpu.vector_load_idx %arg5[%add3A_695, %broadcast_in_dim3A_697] : memref<32x72xf32, #tpu.memory_space<vmem>>[vector<16xi32>, vector<16xi32>], vector<16xf32>,
    %broadcast_in_dim3A_699 = arith.constant 216 : i32
    %broadcast_in_dim3A_700 = vector.broadcast %broadcast_in_dim3A_699 : i32 to vector<16xi32>
    tpu.vector_store_idx %arg6[%add3A_695, %broadcast_in_dim3A_700], %gather3A_698 : memref<32x495xf32, #tpu.memory_space<vmem>>[vector<16xi32>, vector<16xi32>], vector<16xf32>,
    %broadcast_in_dim3A_701 = arith.constant 64 : i32
    %broadcast_in_dim3A_702 = vector.broadcast %broadcast_in_dim3A_701 : i32 to vector<16xi32>
    %gather3A_703 = tpu.vector_load_idx %arg5[%add3A_695, %broadcast_in_dim3A_702] : memref<32x72xf32, #tpu.memory_space<vmem>>[vector<16xi32>, vector<16xi32>], vector<16xf32>,
    %broadcast_in_dim3A_704 = arith.constant 217 : i32
    %broadcast_in_dim3A_705 = vector.broadcast %broadcast_in_dim3A_704 : i32 to vector<16xi32>
    tpu.vector_store_idx %arg6[%add3A_695, %broadcast_in_dim3A_705], %gather3A_703 : memref<32x495xf32, #tpu.memory_space<vmem>>[vector<16xi32>, vector<16xi32>], vector<16xf32>,
    %broadcast_in_dim3A_706 = arith.constant 65 : i32
    %broadcast_in_dim3A_707 = vector.broadcast %broadcast_in_dim3A_706 : i32 to vector<16xi32>
    %gather3A_708 = tpu.vector_load_idx %arg5[%add3A_695, %broadcast_in_dim3A_707] : memref<32x72xf32, #tpu.memory_space<vmem>>[vector<16xi32>, vector<16xi32>], vector<16xf32>,
    %broadcast_in_dim3A_709 = arith.constant 218 : i32
    %broadcast_in_dim3A_710 = vector.broadcast %broadcast_in_dim3A_709 : i32 to vector<16xi32>
    tpu.vector_store_idx %arg6[%add3A_695, %broadcast_in_dim3A_710], %gather3A_708 : memref<32x495xf32, #tpu.memory_space<vmem>>[vector<16xi32>, vector<16xi32>], vector<16xf32>,
    %broadcast_in_dim3A_711 = arith.constant 66 : i32
    %broadcast_in_dim3A_712 = vector.broadcast %broadcast_in_dim3A_711 : i32 to vector<16xi32>
    %gather3A_713 = tpu.vector_load_idx %arg5[%add3A_695, %broadcast_in_dim3A_712] : memref<32x72xf32, #tpu.memory_space<vmem>>[vector<16xi32>, vector<16xi32>], vector<16xf32>,
    %broadcast_in_dim3A_714 = arith.constant 219 : i32
    %broadcast_in_dim3A_715 = vector.broadcast %broadcast_in_dim3A_714 : i32 to vector<16xi32>
    tpu.vector_store_idx %arg6[%add3A_695, %broadcast_in_dim3A_715], %gather3A_713 : memref<32x495xf32, #tpu.memory_space<vmem>>[vector<16xi32>, vector<16xi32>], vector<16xf32>,
    %broadcast_in_dim3A_716 = arith.constant 67 : i32
    %broadcast_in_dim3A_717 = vector.broadcast %broadcast_in_dim3A_716 : i32 to vector<16xi32>
    %gather3A_718 = tpu.vector_load_idx %arg5[%add3A_695, %broadcast_in_dim3A_717] : memref<32x72xf32, #tpu.memory_space<vmem>>[vector<16xi32>, vector<16xi32>], vector<16xf32>,
    %broadcast_in_dim3A_719 = arith.constant 220 : i32
    %broadcast_in_dim3A_720 = vector.broadcast %broadcast_in_dim3A_719 : i32 to vector<16xi32>
    tpu.vector_store_idx %arg6[%add3A_695, %broadcast_in_dim3A_720], %gather3A_718 : memref<32x495xf32, #tpu.memory_space<vmem>>[vector<16xi32>, vector<16xi32>], vector<16xf32>,
    %broadcast_in_dim3A_721 = arith.constant 68 : i32
    %broadcast_in_dim3A_722 = vector.broadcast %broadcast_in_dim3A_721 : i32 to vector<16xi32>
    %gather3A_723 = tpu.vector_load_idx %arg5[%add3A_695, %broadcast_in_dim3A_722] : memref<32x72xf32, #tpu.memory_space<vmem>>[vector<16xi32>, vector<16xi32>], vector<16xf32>,
    %broadcast_in_dim3A_724 = arith.constant 221 : i32
    %broadcast_in_dim3A_725 = vector.broadcast %broadcast_in_dim3A_724 : i32 to vector<16xi32>
    tpu.vector_store_idx %arg6[%add3A_695, %broadcast_in_dim3A_725], %gather3A_723 : memref<32x495xf32, #tpu.memory_space<vmem>>[vector<16xi32>, vector<16xi32>], vector<16xf32>,
    %broadcast_in_dim3A_726 = arith.constant 69 : i32
    %broadcast_in_dim3A_727 = vector.broadcast %broadcast_in_dim3A_726 : i32 to vector<16xi32>
    %gather3A_728 = tpu.vector_load_idx %arg5[%add3A_695, %broadcast_in_dim3A_727] : memref<32x72xf32, #tpu.memory_space<vmem>>[vector<16xi32>, vector<16xi32>], vector<16xf32>,
    %broadcast_in_dim3A_729 = arith.constant 222 : i32
    %broadcast_in_dim3A_730 = vector.broadcast %broadcast_in_dim3A_729 : i32 to vector<16xi32>
    tpu.vector_store_idx %arg6[%add3A_695, %broadcast_in_dim3A_730], %gather3A_728 : memref<32x495xf32, #tpu.memory_space<vmem>>[vector<16xi32>, vector<16xi32>], vector<16xf32>,
    %broadcast_in_dim3A_731 = arith.constant 70 : i32
    %broadcast_in_dim3A_732 = vector.broadcast %broadcast_in_dim3A_731 : i32 to vector<16xi32>
    %gather3A_733 = tpu.vector_load_idx %arg5[%add3A_695, %broadcast_in_dim3A_732] : memref<32x72xf32, #tpu.memory_space<vmem>>[vector<16xi32>, vector<16xi32>], vector<16xf32>,
    %broadcast_in_dim3A_734 = arith.constant 223 : i32
    %broadcast_in_dim3A_735 = vector.broadcast %broadcast_in_dim3A_734 : i32 to vector<16xi32>
    tpu.vector_store_idx %arg6[%add3A_695, %broadcast_in_dim3A_735], %gather3A_733 : memref<32x495xf32, #tpu.memory_space<vmem>>[vector<16xi32>, vector<16xi32>], vector<16xf32>,
    %broadcast_in_dim3A_736 = arith.constant 71 : i32
    %broadcast_in_dim3A_737 = vector.broadcast %broadcast_in_dim3A_736 : i32 to vector<16xi32>
    %gather3A_738 = tpu.vector_load_idx %arg5[%add3A_695, %broadcast_in_dim3A_737] : memref<32x72xf32, #tpu.memory_space<vmem>>[vector<16xi32>, vector<16xi32>], vector<16xf32>,
    %broadcast_in_dim3A_739 = arith.constant 224 : i32
    %broadcast_in_dim3A_740 = vector.broadcast %broadcast_in_dim3A_739 : i32 to vector<16xi32>
    tpu.vector_store_idx %arg6[%add3A_695, %broadcast_in_dim3A_740], %gather3A_738 : memref<32x495xf32, #tpu.memory_space<vmem>>[vector<16xi32>, vector<16xi32>], vector<16xf32>,
    %iota3A_741 = tpu.iota {dimensions = array<i32: 0>} : vector<16xi32>
    %add3A_742 = arith.constant 16 : i32
    %add3A_743 = vector.broadcast %add3A_742 : i32 to vector<16xi32>
    %add3A_744 = arith.addi %iota3A_741, %add3A_743 : vector<16xi32>
    %broadcast_in_dim3A_745 = arith.constant 63 : i32
    %broadcast_in_dim3A_746 = vector.broadcast %broadcast_in_dim3A_745 : i32 to vector<16xi32>
    %gather3A_747 = tpu.vector_load_idx %arg5[%add3A_744, %broadcast_in_dim3A_746] : memref<32x72xf32, #tpu.memory_space<vmem>>[vector<16xi32>, vector<16xi32>], vector<16xf32>,
    %broadcast_in_dim3A_748 = arith.constant 216 : i32
    %broadcast_in_dim3A_749 = vector.broadcast %broadcast_in_dim3A_748 : i32 to vector<16xi32>
    tpu.vector_store_idx %arg6[%add3A_744, %broadcast_in_dim3A_749], %gather3A_747 : memref<32x495xf32, #tpu.memory_space<vmem>>[vector<16xi32>, vector<16xi32>], vector<16xf32>,
    %broadcast_in_dim3A_750 = arith.constant 64 : i32
    %broadcast_in_dim3A_751 = vector.broadcast %broadcast_in_dim3A_750 : i32 to vector<16xi32>
    %gather3A_752 = tpu.vector_load_idx %arg5[%add3A_744, %broadcast_in_dim3A_751] : memref<32x72xf32, #tpu.memory_space<vmem>>[vector<16xi32>, vector<16xi32>], vector<16xf32>,
    %broadcast_in_dim3A_753 = arith.constant 217 : i32
    %broadcast_in_dim3A_754 = vector.broadcast %broadcast_in_dim3A_753 : i32 to vector<16xi32>
    tpu.vector_store_idx %arg6[%add3A_744, %broadcast_in_dim3A_754], %gather3A_752 : memref<32x495xf32, #tpu.memory_space<vmem>>[vector<16xi32>, vector<16xi32>], vector<16xf32>,
    %broadcast_in_dim3A_755 = arith.constant 65 : i32
    %broadcast_in_dim3A_756 = vector.broadcast %broadcast_in_dim3A_755 : i32 to vector<16xi32>
    %gather3A_757 = tpu.vector_load_idx %arg5[%add3A_744, %broadcast_in_dim3A_756] : memref<32x72xf32, #tpu.memory_space<vmem>>[vector<16xi32>, vector<16xi32>], vector<16xf32>,
    %broadcast_in_dim3A_758 = arith.constant 218 : i32
    %broadcast_in_dim3A_759 = vector.broadcast %broadcast_in_dim3A_758 : i32 to vector<16xi32>
    tpu.vector_store_idx %arg6[%add3A_744, %broadcast_in_dim3A_759], %gather3A_757 : memref<32x495xf32, #tpu.memory_space<vmem>>[vector<16xi32>, vector<16xi32>], vector<16xf32>,
    %broadcast_in_dim3A_760 = arith.constant 66 : i32
    %broadcast_in_dim3A_761 = vector.broadcast %broadcast_in_dim3A_760 : i32 to vector<16xi32>
    %gather3A_762 = tpu.vector_load_idx %arg5[%add3A_744, %broadcast_in_dim3A_761] : memref<32x72xf32, #tpu.memory_space<vmem>>[vector<16xi32>, vector<16xi32>], vector<16xf32>,
    %broadcast_in_dim3A_763 = arith.constant 219 : i32
    %broadcast_in_dim3A_764 = vector.broadcast %broadcast_in_dim3A_763 : i32 to vector<16xi32>
    tpu.vector_store_idx %arg6[%add3A_744, %broadcast_in_dim3A_764], %gather3A_762 : memref<32x495xf32, #tpu.memory_space<vmem>>[vector<16xi32>, vector<16xi32>], vector<16xf32>,
    %broadcast_in_dim3A_765 = arith.constant 67 : i32
    %broadcast_in_dim3A_766 = vector.broadcast %broadcast_in_dim3A_765 : i32 to vector<16xi32>
    %gather3A_767 = tpu.vector_load_idx %arg5[%add3A_744, %broadcast_in_dim3A_766] : memref<32x72xf32, #tpu.memory_space<vmem>>[vector<16xi32>, vector<16xi32>], vector<16xf32>,
    %broadcast_in_dim3A_768 = arith.constant 220 : i32
    %broadcast_in_dim3A_769 = vector.broadcast %broadcast_in_dim3A_768 : i32 to vector<16xi32>
    tpu.vector_store_idx %arg6[%add3A_744, %broadcast_in_dim3A_769], %gather3A_767 : memref<32x495xf32, #tpu.memory_space<vmem>>[vector<16xi32>, vector<16xi32>], vector<16xf32>,
    %broadcast_in_dim3A_770 = arith.constant 68 : i32
    %broadcast_in_dim3A_771 = vector.broadcast %broadcast_in_dim3A_770 : i32 to vector<16xi32>
    %gather3A_772 = tpu.vector_load_idx %arg5[%add3A_744, %broadcast_in_dim3A_771] : memref<32x72xf32, #tpu.memory_space<vmem>>[vector<16xi32>, vector<16xi32>], vector<16xf32>,
    %broadcast_in_dim3A_773 = arith.constant 221 : i32
    %broadcast_in_dim3A_774 = vector.broadcast %broadcast_in_dim3A_773 : i32 to vector<16xi32>
    tpu.vector_store_idx %arg6[%add3A_744, %broadcast_in_dim3A_774], %gather3A_772 : memref<32x495xf32, #tpu.memory_space<vmem>>[vector<16xi32>, vector<16xi32>], vector<16xf32>,
    %broadcast_in_dim3A_775 = arith.constant 69 : i32
    %broadcast_in_dim3A_776 = vector.broadcast %broadcast_in_dim3A_775 : i32 to vector<16xi32>
    %gather3A_777 = tpu.vector_load_idx %arg5[%add3A_744, %broadcast_in_dim3A_776] : memref<32x72xf32, #tpu.memory_space<vmem>>[vector<16xi32>, vector<16xi32>], vector<16xf32>,
    %broadcast_in_dim3A_778 = arith.constant 222 : i32
    %broadcast_in_dim3A_779 = vector.broadcast %broadcast_in_dim3A_778 : i32 to vector<16xi32>
    tpu.vector_store_idx %arg6[%add3A_744, %broadcast_in_dim3A_779], %gather3A_777 : memref<32x495xf32, #tpu.memory_space<vmem>>[vector<16xi32>, vector<16xi32>], vector<16xf32>,
    %broadcast_in_dim3A_780 = arith.constant 70 : i32
    %broadcast_in_dim3A_781 = vector.broadcast %broadcast_in_dim3A_780 : i32 to vector<16xi32>
    %gather3A_782 = tpu.vector_load_idx %arg5[%add3A_744, %broadcast_in_dim3A_781] : memref<32x72xf32, #tpu.memory_space<vmem>>[vector<16xi32>, vector<16xi32>], vector<16xf32>,
    %broadcast_in_dim3A_783 = arith.constant 223 : i32
    %broadcast_in_dim3A_784 = vector.broadcast %broadcast_in_dim3A_783 : i32 to vector<16xi32>
    tpu.vector_store_idx %arg6[%add3A_744, %broadcast_in_dim3A_784], %gather3A_782 : memref<32x495xf32, #tpu.memory_space<vmem>>[vector<16xi32>, vector<16xi32>], vector<16xf32>,
    %broadcast_in_dim3A_785 = arith.constant 71 : i32
    %broadcast_in_dim3A_786 = vector.broadcast %broadcast_in_dim3A_785 : i32 to vector<16xi32>
    %gather3A_787 = tpu.vector_load_idx %arg5[%add3A_744, %broadcast_in_dim3A_786] : memref<32x72xf32, #tpu.memory_space<vmem>>[vector<16xi32>, vector<16xi32>], vector<16xf32>,
    %broadcast_in_dim3A_788 = arith.constant 224 : i32
    %broadcast_in_dim3A_789 = vector.broadcast %broadcast_in_dim3A_788 : i32 to vector<16xi32>
    tpu.vector_store_idx %arg6[%add3A_744, %broadcast_in_dim3A_789], %gather3A_787 : memref<32x495xf32, #tpu.memory_space<vmem>>[vector<16xi32>, vector<16xi32>], vector<16xf32>,
    "tpu.region"() ({
      %run_scoped3A = tpu.sem_alloc : memref<!tpu.dma_semaphore, #tpu.memory_space<semaphore_mem>>
      %dma_start3A_790 = arith.constant 0 : i32
      %dma_start3A_791 = tpu.memref_slice %arg4[%mul3A_2, %dma_start3A_790] : memref<1024x495xf32, #tpu.memory_space<hbm>> -> memref<32x495xf32, #tpu.memory_space<hbm>>
      %dma_start3A_792 = arith.constant 0 : i32
      %dma_start3A_793 = tpu.memref_slice %arg4[%mul3A_2, %dma_start3A_792] : memref<1024x495xf32, #tpu.memory_space<hbm>> -> memref<32x495xf32, #tpu.memory_space<hbm>>
      tpu.enqueue_dma source(%arg6 : memref<32x495xf32, #tpu.memory_space<vmem>>) target(%dma_start3A_793 : memref<32x495xf32, #tpu.memory_space<hbm>>) target_semaphore(%run_scoped3A : memref<!tpu.dma_semaphore, #tpu.memory_space<semaphore_mem>>)
      %dma_wait3A_794 = arith.constant 0 : i32
      %dma_wait3A_795 = tpu.memref_slice %arg4[%mul3A_2, %dma_wait3A_794] : memref<1024x495xf32, #tpu.memory_space<hbm>> -> memref<32x495xf32, #tpu.memory_space<hbm>>
      %dma_wait3A_796 = arith.constant 0 : i32
      %dma_wait3A_797 = tpu.memref_slice %arg4[%mul3A_2, %dma_wait3A_796] : memref<1024x495xf32, #tpu.memory_space<hbm>> -> memref<32x495xf32, #tpu.memory_space<hbm>>
      tpu.wait_dma2 semaphore(%run_scoped3A : memref<!tpu.dma_semaphore, #tpu.memory_space<semaphore_mem>>) src(%arg6 : memref<32x495xf32, #tpu.memory_space<vmem>>) dst(%dma_wait3A_797 : memref<32x495xf32, #tpu.memory_space<hbm>>)
      tpu.yield
    }) : () -> ()
    return
  }
}

</mosaic_0001>

<sc_bundles>
// kernel: kernel.4.cloned.1.call-start
scs
__scs_entry_jumppad:
0x0: {  	(pc) =	sbr.rel $0x88, $3  }
0x1: {  	(tag) =	ssettag $0x0;
	lr =	simm.s32 $0x1  }
0x2: {  	[smem:$0x3F9B] =	sst lr;
	_ =	strace $0xD0000000  }
0x3: {  	_ = 	snop  }
0x4: {  	_ = 	snop  }
0x5: {  	_ = 	snop  }
0x6: {  	_ = 	snop  }
0x7: {  	_ = 	snop  }
__scs_overlays_trampoline_lowered:
0x8: {  	[smem:$0x3FAA] =	sst s0  }
0x9: {  	[smem:$0x3FAB] =	sst s1  }
0xa: {  	[smem:$0x3FAC] =	sst s2  }
0xb: {  	[smem:$0x3FAD] =	sst s3  }
0xc: {  	[smem:$0x3FAE] =	sst s4  }
0xd: {  	[smem:$0x3FAF] =	sst s5  }
0xe: {  	[smem:$0x3FB0] =	sst s6  }
0xf: {  	[smem:$0x3FB1] =	sst s7  }
0x10: {  	[smem:$0x3FB2] =	sst s8  }
0x11: {  	[smem:$0x3FB3] =	sst s9;
	s0 =	simm.s32 @!p0 $0x0  }
0x12: {  	s1 =	sld [smem:$0x3F99];
	s0 =	simm.s32 @p0 $0x1  }
0x13: {  	[smem:$0x3FB4] =	sst s0;
	s0 =	simm.s32 @!p1 $0x0  }
0x14: {  	s2 =	sld [smem:$0x3F98];
	s0 =	simm.s32 @p1 $0x1  }
0x15: {  	[smem:$0x3FB5] =	sst s0;
	s0 =	simm.s32 @!p2 $0x0  }
0x16: {  	s3 =	sld [smem:$0x3FDB];
	s0 =	simm.s32 @p2 $0x1  }
0x17: {  	s4 =	simm.s32 $0x1BF5;
	[smem:$0x3FB7] =	sst s0  }
0x18: {  	s0 =	sld [smem:$0x3F9A];
	_ =	swait.ge [sflag:s4], $0x0  }
0x19: {  	s7 =	sld [smem:$0x3F9B]  }
0x1a: {  	s8 =	sadd.s32 $0xFFFFE003, lr  }
0x1b: {  	s9 =	sadd.s32 $0xFFFFFEF7, lr;
	s5 =	simm.s32 $0xFFFFFFFF;
	p2 =	slt.u32 s8, $0xFFFFF086  }
0x1c: {  	p1 =	slt.u32 s9, $0xF7A;
	s5 =	simm.s32 @!p2 $0x0  }
0x1d: {  	s5 =	simm.s32 @p1 $0x1;
	p0 =	seq.s32 s7, s2  }
0x1e: {  	s7 =	smul.u32 @!p0 $0xF7A, s2;
	p2 =	seq.s32 @!p0 s5, $0x0  }
0x1f: {  	s9 =	smul.u32 $0xF7A, s1;
	s8 =	simm.s32 @!p0 $0x1BF5;
	p2 =	por !p2, p0  }
0x20: {  	[sflag:s8] =	ssyncset.s32 @!p0 $0xFFFFF086;
	s6 =	sadd.s32 @!p0 s3, s7;
	s7 =	simm.s32 @!p0 $0x108  }
0x21: {  	s3 =	sadd.s32 s3, s9;
	s6 =	sadd.s32 @!p0 $0x88, s6;
	s7 =	simm.s32 @p2 $0x1082  }
0x22: {  	[simem:s7], [sflag:s8] =	dma.local @!p0 [hbm:s6], $0xF7A  }
0x23: {  	s9 =	sor.u32 $0xD0000000, s2;
	s6 =	simm.s32 $0x108;
	_ =	swait.ge @!p0 [sflag:s8], $0x0  }
0x24: {  	s3 =	sadd.s32 $0x88, s3;
	s6 =	simm.s32 @!p1 $0x1082;
	[sflag:s4] =	ssyncset.s32 $0xFFFFF086  }
0x25: {  	[simem:s6], [sflag:s4] =	dma.local [hbm:s3], $0xF7A  }
0x26: {  	[smem:$0x3F9B] =	sst s1;
	(tag) =	ssettag s2;
	_ =	strace s9  }
0x27: {  	s1 =	sld [smem:$0x3FAB]  }
0x28: {  	s2 =	sld [smem:$0x3FAC]  }
0x29: {  	s4 =	sld [smem:$0x3FAE]  }
0x2a: {  	p0 =	seq.s32 s5, $0x0;
	s5 =	sld [smem:$0x3FAF]  }
0x2b: {  	s6 =	sld [smem:$0x3FB0]  }
0x2c: {  	s7 =	sld [smem:$0x3FB1]  }
0x2d: {  	s3 =	simm.s32 $0x108;
	s8 =	sld [smem:$0x3FB2]  }
0x2e: {  	s3 =	simm.s32 @!p0 $0x1082;
	s9 =	sld [smem:$0x3FB3]  }
0x2f: {  	lr =	sadd.s32 s0, s3;
	s0 =	sld [smem:$0x3FAA]  }
0x30: {  	s3 =	sld [smem:$0x3FAD]  }
0x31: {  	[smem:$0x3FB6] =	sst s10  }
0x32: {  	s10 =	sld [smem:$0x3FB4];
	_ =	sdelay $0x3  }
0x33: {  	p0 =	seq.s32 s10, $0x1;
	s10 =	sld [smem:$0x3FB6];
	_ =	sdelay $0x3  }
0x34: {  	[smem:$0x3FB6] =	sst s10  }
0x35: {  	s10 =	sld [smem:$0x3FB5];
	_ =	sdelay $0x3  }
0x36: {  	p1 =	seq.s32 s10, $0x1;
	s10 =	sld [smem:$0x3FB6];
	_ =	sdelay $0x3  }
0x37: {  	[smem:$0x3FB6] =	sst s10  }
0x38: {  	s10 =	sld [smem:$0x3FB7]  }
0x39: {  	_ = 	snop;
	(pc) =	sbr.ind lr, $3  }
0x3a: {  	_ = 	snop  }
0x3b: {  	_ = 	snop  }
0x3c: {  	p2 =	seq.s32 s10, $0x1;
	s10 =	sld [smem:$0x3FB6]  }
0x3d: {  	_ =	shalt  }
0x3e: {  	_ =	shalt  }
0x3f: {  	_ =	shalt  }
0x40: {  	_ =	shalt  }
0x41: {  	_ =	shalt  }
0x42: {  	_ =	shalt  }
0x43: {  	_ =	shalt  }
0x44: {  	_ =	shalt  }
0x45: {  	_ =	shalt  }
0x46: {  	_ =	shalt  }
0x47: {  	_ =	shalt  }
0x48: {  	_ =	shalt  }
0x49: {  	_ =	shalt  }
0x4a: {  	_ =	shalt  }
0x4b: {  	_ =	shalt  }
0x4c: {  	_ =	shalt  }
0x4d: {  	_ =	shalt  }
0x4e: {  	_ =	shalt  }
0x4f: {  	_ =	shalt  }
0x50: {  	_ =	shalt  }
0x51: {  	_ =	shalt  }
0x52: {  	_ =	shalt  }
0x53: {  	_ =	shalt  }
0x54: {  	_ =	shalt  }
0x55: {  	_ =	shalt  }
0x56: {  	_ =	shalt  }
0x57: {  	_ =	shalt  }
0x58: {  	_ =	shalt  }
0x59: {  	_ =	shalt  }
0x5a: {  	_ =	shalt  }
0x5b: {  	_ =	shalt  }
0x5c: {  	_ =	shalt  }
0x5d: {  	_ =	shalt  }
0x5e: {  	_ =	shalt  }
0x5f: {  	_ =	shalt  }
0x60: {  	_ =	shalt  }
0x61: {  	_ =	shalt  }
0x62: {  	_ =	shalt  }
0x63: {  	_ =	shalt  }
0x64: {  	_ =	shalt  }
0x65: {  	_ =	shalt  }
0x66: {  	_ =	shalt  }
0x67: {  	_ =	shalt  }
0x68: {  	_ =	shalt  }
0x69: {  	_ =	shalt  }
0x6a: {  	_ =	shalt  }
0x6b: {  	_ =	shalt  }
0x6c: {  	_ =	shalt  }
0x6d: {  	_ =	shalt  }
0x6e: {  	_ =	shalt  }
0x6f: {  	_ =	shalt  }
0x70: {  	_ =	shalt  }
0x71: {  	_ =	shalt  }
0x72: {  	_ =	shalt  }
0x73: {  	_ =	shalt  }
0x74: {  	_ =	shalt  }
0x75: {  	_ =	shalt  }
0x76: {  	_ =	shalt  }
0x77: {  	_ =	shalt  }
0x78: {  	_ =	shalt  }
0x79: {  	_ =	shalt  }
0x7a: {  	_ =	shalt  }
0x7b: {  	_ =	shalt  }
0x7c: {  	_ =	shalt  }
0x7d: {  	_ =	shalt  }
0x7e: {  	_ =	shalt  }
0x7f: {  	_ =	shalt  }
0x80: {  	_ =	shalt  }
0x81: {  	_ =	shalt  }
0x82: {  	_ =	shalt  }
0x83: {  	_ =	shalt  }
0x84: {  	_ =	shalt  }
0x85: {  	_ =	shalt  }
0x86: {  	_ =	shalt  }
0x87: {  	_ =	shalt  }
.Lfunc_end0:
.L_simem_size_0:
called_computation_lowered:
.L_overlay_start_0:
0x88: {  	s2 =	sld [smem:$0x3FD9]  }
0x89: {  	s3 =	sld [smem:$0x3FFE];
	_ =	sdelay $0x1  }
0x8a: {  	s1 =	srdreg.scid  }
0x8b: {  	s0 =	sand.u32 $0x1, s1  }
0x8c: {  	s14 =	sshll.u32 s0, $0xA;
	s2 =	sadd.s32 s3, s2  }
0x8d: {  	s2 =	sadd.s32 s2, s14  }
0x8e: {  	[smem:$0x3FC2] =	sst s2  }
0x8f: {  	_ = 	snop  }
0x90: {  	s2 =	sld [smem:$0x3FD0];
	_ =	sdelay $0x2  }
0x91: {  	s4 =	simm.s32 $0xA;
	s5 =	simm.s32 $0x10;
	s15 =	sld [smem:$0x3FC9]  }
0x92: {  	[smem:s5], [sflag:s4] =	dma.local [hbm:s2], $0x1  }
0x93: {  	_ =	swait.eq [sflag:s4], $0x1  }
0x94: {  	[sflag:s4] =	ssyncset.done $0x0  }
0x95: {  	s16 =	sld [smem:$0x12];
	[sflag:s4] =	ssyncadd.s32 $0xFFFFFFFF  }
0x96: {  	s17 =	sld [smem:$0x13];
	(tm) =	ssettm $0x1  }
0x97: {  	s18 =	sld [smem:$0x3FFB];
	_ =	sdelay $0x3  }
0x98: {  	_ =	strace s18  }
0x99: {  	s5 =	sld [smem:$0x3FFC];
	_ =	sdelay $0x3  }
0x9a: {  	_ =	strace s5  }
0x9b: {  	s5 =	sld [smem:$0x3FFD];
	_ =	sdelay $0x3  }
0x9c: {  	_ =	strace s5  }
0x9d: {  	_ =	strace $0x8FFFFFFF  }
0x9e: {  	s19 =	sld [smem:$0x3FDB];
	_ =	sdelay $0x1  }
0x9f: {  	s6 =	simm.s32 $_scs_section_size  }
0xa0: {  	s7 =	simm.s32 $_size__tile_overlayer_lowered;
	s8 =	simm.s32 $_tile_overlayer_lowered  }
0xa1: {  	s22 =	simm.s32 $0x1BFF;
	s21 =	sshll.u32 s8, $0x1;
	s5 =	sadd.s32 s6, s19  }
0xa2: {  	s9 =	simm.s32 $0x0;
	s20 =	sshll.u32 s7, $0x1;
	s7 =	sadd.s32 s21, s5  }
0xa3: {  	[timem:s9], [sflag:s22] =	dma.local [hbm:s7], s20  }
0xa4: {  	_ =	swait.ge [sflag:s22], s20  }
0xa5: {  	s6 =	ssub.s32 $0x0, s20;
	[sflag:s22] =	ssyncset.done $0x0  }
0xa6: {  	[sflag:s22] =	ssyncadd.s32 s6;
	_ =	sdelay $0x1  }
0xa7: {  	s23 =	simm.s32 $0x1B8B  }
0xa8: {  	_ =	swait.ge [sflag:s23], $0x1  }
0xa9: {  	[sflag:s23] =	ssyncset.done $0x0  }
0xaa: {  	s25 =	simm.s32 $0x1B8E;
	s24 =	sld [smem:$0x3FFE];
	[sflag:s23] =	ssyncadd.s32 $0xFFFFFFFF  }
0xab: {  	s26 =	simm.s32 $execute0_lowered;
	[smem:$0x3FD2] =	sst s25  }
0xac: {  	s7 =	sshll.u32 s26, $0x1;
	_ =	strace $0x80000046;
	[dreg:$0x1] =	wrdreg $0xFFFFFFFF  }
0xad: {  	s28 =	simm.s32 $_size_execute0_lowered;
	s5 =	sadd.s32 s5, s7;
	[dreg:$0x0] =	wrdreg $0x0  }
0xae: {  	s7 =	sshll.u32 s28, $0x1;
	[dreg:$0x2] =	wrdreg s5  }
0xaf: {  	[dreg:$0x3] =	wrdreg s7  }
0xb0: {  	[dreg:$0x4] =	wrdreg $0xC0  }
0xb1: {  	_ =	task [dreg:s9], $0x5FFFF  }
0xb2: {  	[dreg:$0x1] =	wrdreg $0xFFFFFFFF  }
0xb3: {  	[dreg:$0x0] =	wrdreg $0x60  }
0xb4: {  	[dreg:$0x2] =	wrdreg s15  }
0xb5: {  	[dreg:$0x3] =	wrdreg s24  }
0xb6: {  	[dreg:$0x4] =	wrdreg s17  }
0xb7: {  	[dreg:$0x5] =	wrdreg s16  }
0xb8: {  	[dreg:$0x6] =	wrdreg $0x9  }
0xb9: {  	_ =	task.clear_ibuf [dreg:s9], $0x7FFFF;
	_ =	strace $0x90000046  }
0xba: {  	s29 =	simm.s32 $0x9;
	_ =	strace $0x80000048  }
0xbb: {  	_ =	swait.ge [sflag:s29], $0x1  }
0xbc: {  	[sflag:s29] =	ssyncadd.s32 $0xFFFFFFFF  }
0xbd: {  	_ =	strace $0x90000048  }
0xbe: {  	_ =	sfence  }
0xbf: {  	s30 =	sld [smem:$0x0];
	_ =	sdelay $0x2  }
0xc0: {  	s31 =	sshll.u32 s1, $0xD;
	s1 =	sshrl.u32 s1, $0x2  }
0xc1: {  	s3 =	sand.u32 $0x4000, s31;
	s1 =	sadd.s32 s1, s30  }
0xc2: {  	s0 =	sor.u32 s3, s0;
	s1 =	sshll.u32 s1, $0x11  }
0xc3: {  	s0 =	sor.u32 s1, s0  }
0xc4: {  	s0 =	sadd.s32 $0x8F2B, s0  }
0xc5: {  	[sflag:s0] =	ssyncadd.remote.s32 $0x1  }
0xc6: {  	_ =	sfence.sel $0xFFFF  }
0xc7: {  	[dreg:$0x0] =	wrdreg $0xFFFFFFFF;
	(pc) =	sbr.abs _section_cstart, $3  }
0xc8: {  	[dreg:$0x1] =	wrdreg $0xFFFFFFFF  }
0xc9: {  	_ =	task.clear_ibuf [dreg:s9], $0x2FFFF;
	_ =	strace $0x9FFFFFFF  }
0xca: {  	(tm) =	ssettm $0x7FFFFFFF  }
0xcb: {  	_ =	shalt  }
tec
execute0_lowered:
.L_overlay_start_1:
0x0: {  	(tag) =	ssettag $0x1  }
0x1: {  	v1 =	vlaneseq.u32  }
0x2: {  	v0 =	vmul.u32 $0x18, v1  }
0x3: {  	v1 =	vmul.u32 $0x48, v1  }
0x4: {  	v2 =	vor.u32 $0x1, v0  }
0x5: {  	v18 =	vadd.s32 $0x483, v1;
	v19 =	vadd.s32 $0x484, v1;
	v20 =	vadd.s32 $0x485, v1  }
0x6: {  	v21 =	vadd.s32 $0x486, v1;
	v22 =	vadd.s32 $0x487, v1;
	v23 =	vadd.s32 $0x488, v1  }
0x7: {  	v24 =	vor.u32 $0x3, v0;
	v25 =	vor.u32 $0x4, v0;
	v26 =	vor.u32 $0x5, v0  }
0x8: {  	s7 =	rddreg [dreg:$0x0];
	v27 =	vadd.s32 $0x9, v1;
	v28 =	vadd.s32 $0xA, v1;
	[tilespmem:$0x1FF00] =	vst v2;
	v2 =	vor.u32 $0x2, v0  }
0x9: {  	s8 =	rddreg [dreg:$0x1];
	v29 =	vadd.s32 $0xB, v1;
	v30 =	vadd.s32 $0xC, v1;
	[tilespmem:$0x1FF10] =	vst v2;
	v2 =	vor.u32 $0x1, v1  }
0xa: {  	s0 =	rddreg [dreg:$0x2];
	s2 =	srdreg.scid;
	v31 =	vadd.s32 $0xD, v1;
	v32 =	vadd.s32 $0xE, v1;
	[tilespmem:$0x1FF20] =	vst v2;
	v2 =	vor.u32 $0x2, v1  }
0xb: {  	s1 =	stileid.u32;
	s12 =	rddreg [dreg:$0x3];
	v33 =	vadd.s32 $0xF, v1;
	v34 =	vadd.s32 $0x10, v1;
	[tilespmem:$0x1FF30] =	vst v2;
	v2 =	vor.u32 $0x3, v1  }
0xc: {  	s3 =	simm.s32 $0x0;
	s17 =	simm.s32 $0x420;
	s18 =	simm.s32 $0x1120;
	v35 =	vadd.s32 $0x11, v1;
	v36 =	vadd.s32 $0x183, v0;
	[tilespmem:$0x1FF40] =	vst v2;
	v2 =	vor.u32 $0x4, v1  }
0xd: {  	s19 =	simm.s32 $0x1;
	s20 =	simm.s32 $0x1520;
	s21 =	simm.s32 $0x2;
	v37 =	vadd.s32 $0x184, v0;
	v38 =	vadd.s32 $0x185, v0;
	[tilespmem:$0x1FF50] =	vst v2;
	v2 =	vor.u32 $0x5, v1  }
0xe: {  	s22 =	simm.s32 $0x4;
	s23 =	simm.s32 $0x3;
	s24 =	simm.s32 $0x0;
	v39 =	vadd.s32 $0x489, v1;
	v40 =	vadd.s32 $0x48A, v1;
	[tilespmem:$0x1FF60] =	vst v2;
	v2 =	vor.u32 $0x6, v1  }
0xf: {  	s9 =	sand.u32 $0x1, s2;
	s4 =	sshll.u32 s1, $0x1;
	s2 =	rddreg [dreg:$0x4];
	v41 =	vadd.s32 $0x48B, v1;
	v42 =	vadd.s32 $0x48C, v1;
	[tilespmem:$0x1FF70] =	vst v2;
	v2 =	vor.u32 $0x7, v1  }
0x10: {  	[smem:$0x7FF] =	sst s3;
	s5 =	sadd.s32 $0x2800, s8;
	s6 =	sadd.s32 $0x2C00, s8;
	v43 =	vadd.s32 $0x48D, v1;
	v44 =	vadd.s32 $0x48E, v1;
	[tilespmem:$0x1FF80] =	vst v2;
	v2 =	vadd.s32 $0x8, v1  }
0x11: {  	s10 =	sor.u32 s9, s4;
	s4 =	sadd.s32 $0x1C00, s8;
	s9 =	ssub.s32 $0x2, s9;
	v45 =	vadd.s32 $0x48F, v1;
	v46 =	vadd.s32 $0x490, v1;
	[tilespmem:$0x1FF90] =	vst v2;
	v2 =	vadd.s32 $0x180, v0  }
0x12: {  	s11 =	smul.u32 $0x120, s10;
	s13 =	sshll.u32 s10, $0x5;
	s14 =	sshll.u32 s10, $0x7;
	v47 =	vadd.s32 $0x491, v1;
	v48 =	vor.u32 $0x6, v0;
	[tilespmem:$0x1FFA0] =	vst v2;
	v2 =	vadd.s32 $0x181, v0  }
0x13: {  	s30 =	sshrl.u32 s9, $0x1;
	s31 =	sshll.u32 s10, $0x2;
	s16 =	smul.u32 $0x1A0, s10;
	v49 =	vor.u32 $0x7, v0;
	v51 =	vadd.s32 $0x12, v1;
	[tilespmem:$0x1FFB0] =	vst v2;
	v2 =	vadd.s32 $0x182, v0  }
0x14: {  	v52 =	vadd.s32 $0x13, v1;
	v53 =	vadd.s32 $0x14, v1;
	s13 =	sadd.s32 s13, s8;
	s14 =	sadd.s32 s14, s8;
	s15 =	ssub.s32 s9, s30;
	[tilespmem:$0x1FFC0] =	vst v2;
	v2 =	vadd.s32 $0x480, v1  }
0x15: {  	v54 =	vadd.s32 $0x15, v1;
	v55 =	vadd.s32 $0x16, v1;
	s7 =	sadd.s32 s7, s31;
	s11 =	sadd.s32 s11, s8;
	s9 =	sadd.s32 $0x6000, s13;
	[tilespmem:$0x1FFD0] =	vst v2;
	v2 =	vadd.s32 $0x481, v1  }
0x16: {  	v56 =	vadd.s32 $0x17, v1;
	v57 =	vadd.s32 $0x18, v1;
	s10 =	sadd.s32 $0x6400, s14;
	s12 =	sadd.s32 s12, s16;
	s16 =	simm.s32 $0x20;
	[tilespmem:$0x1FFE0] =	vst v2;
	v2 =	vadd.s32 $0x482, v1  }
0x17: {  	v50 =	vadd.s32 $0x8, v0;
	v58 =	vadd.s32 $0x19, v1;
	v59 =	vadd.s32 $0x1A, v1;
	s8 =	sadd.s32 $0x7400, s11;
	s11 =	sadd.s32 $0x6403, s14;
	s13 =	sadd.s32 $0xC, s12;
	[tilespmem:$0x1FFF0] =	vst v2  }
0x18: {  	v60 =	vadd.s32 $0x186, v0;
	v61 =	vadd.s32 $0x187, v0;
	v62 =	vadd.s32 $0x188, v0;
	s14 =	smax.u32 s15, $0x1;
	s15 =	simm.s32 $0x5;
	_ =	strace $0x80000047  }
.LBB2_1:
0x19: {  	[tilespmem:s3], [sflag:$0x5] =	stream.linear.gather [hbm4b:s7+s3], $0x20, $0x38;
	[tilespmem:$0x1E20] =	vst v63  }
0x1a: {  	_ =	swait.ge [sflag:s15], $0x20  }
0x1b: {  	[sflag:s15] =	ssyncset.done $0x0  }
0x1c: {  	[sflag:s15] =	ssyncadd.s32 $0xFFFFFFE0  }
0x1d: {  	[tilespmem:s16], [sflag:$0x1] =	stream.indirect.gather [hbm4b:s4+s16], $0x18, s3, s16, $0xb8;
	[tilespmem:$0x1E20] =	vst v63  }
0x1e: {  	s25 =	simm.s32 $0x320  }
0x1f: {  	[tilespmem:s25], [sflag:$0x2] =	stream.indirect.gather [hbm4b:s5+s16], $0x8, s3, s16, $0xb8;
	[tilespmem:$0x1E20] =	vst v63  }
0x20: {  	_ = 	snop  }
0x21: {  	[tilespmem:s17], [sflag:$0x3] =	stream.indirect.gather [hbm4b:s6+s16], $0x68, s3, s16, $0xb8;
	[tilespmem:$0x1E20] =	vst v63  }
0x22: {  	_ = 	snop  }
0x23: {  	[tilespmem:s18], [sflag:$0x4] =	stream.indirect.gather [hbm4b:s0+s16], $0x20, s3, s16, $0xb8;
	[tilespmem:$0x1E20] =	vst v63  }
0x24: {  	_ =	swait.ge [sflag:s19], $0x300  }
0x25: {  	v2 =	vld [tilespmem:$0x1FF00];
	_ =	sdelay $0x1  }
0x26: {  	v3 =	vld [tilespmem:$0x1FF10];
	_ =	sdelay $0x2  }
0x27: {  	[sflag:s19] =	ssyncset.done $0x0  }
0x28: {  	[sflag:s19] =	ssyncadd.s32 $0xFFFFFD00  }
0x29: {  	v63 =	vld.idx.msk [tilespmem:v0+s16+$0x0], $0xffff  }
0x2a: {  	v2 =	vld.idx.msk [tilespmem:v2+s16+$0x0], $0xffff;
	_ =	sdelay $0x1  }
0x2b: {  	v3 =	vld.idx.msk [tilespmem:v3+s16+$0x0], $0xffff;
	_ =	sdelay $0x2  }
0x2c: {  	v4 =	vadd.f32 $9.999999930e-09, v63;
	v5 =	vadd.f32 $9.999999930e-09, v2;
	_ =	sdelay $0x1  }
0x2d: {  	v4 =	vmul.f32 v4, v4;
	v6 =	vadd.f32 $9.999999930e-09, v3;
	v5 =	vmul.f32 v5, v5;
	_ =	sdelay $0x1  }
0x2e: {  	v13 =	vmul.f32 v6, v6;
	v4 =	vadd.f32 v5, v4;
	_ =	sdelay $0x1  }
0x2f: {  	v4 =	vadd.f32 v13, v4;
	_ =	sdelay $0x1  }
0x30: {  	v5 =	vmul.f32 $3.455103170e-19, v4  }
0x31: {  	v14 =	vmul.f32 $6.789281750e-18, v4  }
0x32: {  	v5 =	vsub.f32 $1.540196930e-16, v5  }
0x33: {  	v6 =	vsub.f32 $2.764120500e-15, v14  }
0x34: {  	v5 =	vmul.f32 v5, v4  }
0x35: {  	v6 =	vmul.f32 v6, v4  }
0x36: {  	v5 =	vadd.f32 $-4.775413870e-14, v5  }
0x37: {  	v7 =	vmul.f32 $1.263920730e-16, v4;
	v6 =	vadd.f32 $-7.638324650e-13, v6  }
0x38: {  	v5 =	vmul.f32 v5, v4  }
0x39: {  	v7 =	vsub.f32 $4.681239390e-14, v7;
	v6 =	vmul.f32 v6, v4  }
0x3a: {  	v5 =	vadd.f32 $1.147028050e-11, v5  }
0x3b: {  	v7 =	vmul.f32 v7, v4;
	v6 =	vadd.f32 $1.605803410e-10, v6  }
0x3c: {  	v5 =	vmul.f32 v5, v4  }
0x3d: {  	v7 =	vadd.f32 $-1.145243280e-11, v7;
	v6 =	vmul.f32 v6, v4  }
0x3e: {  	v5 =	vadd.f32 $-2.087672260e-09, v5  }
0x3f: {  	v7 =	vmul.f32 v7, v4;
	v6 =	vadd.f32 $-2.505203690e-08, v6  }
0x40: {  	v5 =	vmul.f32 v5, v4  }
0x41: {  	v7 =	vadd.f32 $2.087466640e-09, v7;
	v6 =	vmul.f32 v6, v4  }
0x42: {  	v5 =	vadd.f32 $2.755731710e-07, v5  }
0x43: {  	v7 =	vmul.f32 v7, v4;
	v6 =	vadd.f32 $2.755731660e-06, v6  }
0x44: {  	v5 =	vmul.f32 v5, v4  }
0x45: {  	v7 =	vadd.f32 $-2.755716930e-07, v7;
	v6 =	vmul.f32 v6, v4  }
0x46: {  	v5 =	vadd.f32 $-2.480158760e-05, v5  }
0x47: {  	v7 =	vmul.f32 v7, v4;
	v6 =	vadd.f32 $-1.984127010e-04, v6  }
0x48: {  	v5 =	vmul.f32 v5, v4  }
0x49: {  	v7 =	vadd.f32 $2.480158040e-05, v7;
	v6 =	vmul.f32 v6, v4  }
0x4a: {  	v5 =	vadd.f32 $1.388888920e-03, v5  }
0x4b: {  	v7 =	vmul.f32 v7, v4;
	v6 =	vadd.f32 $8.333333770e-03, v6  }
0x4c: {  	v5 =	vmul.f32 v5, v4  }
0x4d: {  	v7 =	vadd.f32 $-1.388888920e-03, v7;
	v6 =	vmul.f32 v6, v4  }
0x4e: {  	v5 =	vadd.f32 $-4.166666790e-02, v5  }
0x4f: {  	v7 =	vmul.f32 v7, v4;
	v6 =	vadd.f32 $-1.666666720e-01, v6  }
0x50: {  	v5 =	vmul.f32 v5, v4  }
0x51: {  	v7 =	vadd.f32 $4.166666790e-02, v7;
	v6 =	vmul.f32 v6, v4  }
0x52: {  	v5 =	vadd.f32 $5.000000000e-01, v5  }
0x53: {  	v7 =	vmul.f32 v7, v4;
	v6 =	vadd.f32 $1.000000000e+00, v6  }
0x54: {  	v15 =	vmul.f32 v5, v63  }
0x55: {  	v7 =	vadd.f32 $-5.000000000e-01, v7;
	v11 =	vmul.f32 v6, v3;
	v12 =	vmul.f32 v6, v2  }
0x56: {  	v6 =	vmul.f32 v6, v63;
	v9 =	vmul.f32 v15, v63;
	v63 =	vld [tilespmem:$0x1FF20]  }
0x57: {  	v4 =	vmul.f32 v7, v4;
	_ =	sdelay $0x1  }
0x58: {  	v4 =	vadd.f32 $1.000000000e+00, v4  }
0x59: {  	v8 =	vmul.f32 v15, v2  }
0x5a: {  	v9 =	vadd.f32 v9, v4  }
0x5b: {  	v14 =	vsub.f32 v8, v11  }
0x5c: {  	[tilespmem:v1+s20+$0x0] =	vst.idx.msk $0xffff, v9  }
0x5d: {  	[tilespmem:v63+s20+$0x0] =	vst.idx.msk $0xffff, v14;
	v14 =	vld [tilespmem:$0x1FF30];
	_ =	sdelay $0x1  }
0x5e: {  	v63 =	vld [tilespmem:$0x1FF40];
	_ =	sdelay $0x1  }
0x5f: {  	v7 =	vmul.f32 v15, v3;
	_ =	sdelay $0x1  }
0x60: {  	v15 =	vadd.f32 v7, v12;
	_ =	sdelay $0x1  }
0x61: {  	v8 =	vadd.f32 v8, v11;
	[tilespmem:v14+s20+$0x0] =	vst.idx.msk $0xffff, v15;
	v14 =	vld [tilespmem:$0x1FF50]  }
0x62: {  	v15 =	vld [tilespmem:$0x1FF60]  }
0x63: {  	v10 =	vmul.f32 v5, v2;
	[tilespmem:v63+s20+$0x0] =	vst.idx.msk $0xffff, v8;
	v63 =	vld [tilespmem:$0x1FF70]  }
0x64: {  	v8 =	vld [tilespmem:$0x1FF80]  }
0x65: {  	v2 =	vmul.f32 v10, v2  }
0x66: {  	v13 =	vmul.f32 v10, v3  }
0x67: {  	v2 =	vadd.f32 v2, v4  }
0x68: {  	v9 =	vsub.f32 v13, v6  }
0x69: {  	v7 =	vsub.f32 v7, v12;
	[tilespmem:v14+s20+$0x0] =	vst.idx.msk $0xffff, v2  }
0x6a: {  	v2 =	vadd.f32 v13, v6;
	[tilespmem:v15+s20+$0x0] =	vst.idx.msk $0xffff, v9  }
0x6b: {  	[tilespmem:v63+s20+$0x0] =	vst.idx.msk $0xffff, v7  }
0x6c: {  	[tilespmem:v8+s20+$0x0] =	vst.idx.msk $0xffff, v2;
	v2 =	vld [tilespmem:$0x1FF90];
	_ =	sdelay $0x1  }
0x6d: {  	v5 =	vmul.f32 v5, v3;
	_ =	sdelay $0x1  }
0x6e: {  	v3 =	vmul.f32 v5, v3;
	_ =	sdelay $0x1  }
0x6f: {  	v3 =	vadd.f32 v3, v4;
	_ =	sdelay $0x1  }
0x70: {  	[tilespmem:v2+s20+$0x0] =	vst.idx.msk $0xffff, v3;
	v2 =	vld [tilespmem:$0x1FFA0]  }
0x71: {  	v3 =	vld [tilespmem:$0x1FFB0];
	_ =	sdelay $0x1  }
0x72: {  	v9 =	vld [tilespmem:$0x1FFC0];
	_ =	sdelay $0x4  }
0x73: {  	v2 =	vld.idx.msk [tilespmem:v2+s16+$0x0], $0xffff  }
0x74: {  	v3 =	vld.idx.msk [tilespmem:v3+s16+$0x0], $0xffff;
	_ =	sdelay $0x1  }
0x75: {  	v4 =	vld.idx.msk [tilespmem:v9+s16+$0x0], $0xffff;
	_ =	sdelay $0x2  }
0x76: {  	v10 =	vadd.f32 $9.999999930e-09, v2;
	v11 =	vadd.f32 $9.999999930e-09, v3;
	_ =	sdelay $0x1  }
0x77: {  	v12 =	vadd.f32 $9.999999930e-09, v4;
	v5 =	vmul.f32 v10, v10;
	v6 =	vmul.f32 v11, v11;
	_ =	sdelay $0x1  }
0x78: {  	v13 =	vmul.f32 v12, v12;
	v5 =	vadd.f32 v6, v5;
	_ =	sdelay $0x1  }
0x79: {  	v5 =	vadd.f32 v13, v5;
	_ =	sdelay $0x1  }
0x7a: {  	v6 =	vmul.f32 $3.455103170e-19, v5  }
0x7b: {  	v14 =	vmul.f32 $6.789281750e-18, v5  }
0x7c: {  	v6 =	vsub.f32 $1.540196930e-16, v6  }
0x7d: {  	v15 =	vmul.f32 $1.263920730e-16, v5;
	v7 =	vsub.f32 $2.764120500e-15, v14  }
0x7e: {  	v6 =	vmul.f32 v6, v5  }
0x7f: {  	v8 =	vsub.f32 $4.681239390e-14, v15;
	v7 =	vmul.f32 v7, v5  }
0x80: {  	v6 =	vadd.f32 $-4.775413870e-14, v6  }
0x81: {  	v8 =	vmul.f32 v8, v5;
	v7 =	vadd.f32 $-7.638324650e-13, v7  }
0x82: {  	v6 =	vmul.f32 v6, v5  }
0x83: {  	v8 =	vadd.f32 $-1.145243280e-11, v8;
	v7 =	vmul.f32 v7, v5  }
0x84: {  	v6 =	vadd.f32 $1.147028050e-11, v6  }
0x85: {  	v8 =	vmul.f32 v8, v5;
	v7 =	vadd.f32 $1.605803410e-10, v7  }
0x86: {  	v6 =	vmul.f32 v6, v5  }
0x87: {  	v8 =	vadd.f32 $2.087466640e-09, v8;
	v7 =	vmul.f32 v7, v5  }
0x88: {  	v6 =	vadd.f32 $-2.087672260e-09, v6  }
0x89: {  	v8 =	vmul.f32 v8, v5;
	v7 =	vadd.f32 $-2.505203690e-08, v7  }
0x8a: {  	v6 =	vmul.f32 v6, v5  }
0x8b: {  	v8 =	vadd.f32 $-2.755716930e-07, v8;
	v7 =	vmul.f32 v7, v5  }
0x8c: {  	v6 =	vadd.f32 $2.755731710e-07, v6  }
0x8d: {  	v8 =	vmul.f32 v8, v5;
	v7 =	vadd.f32 $2.755731660e-06, v7  }
0x8e: {  	v6 =	vmul.f32 v6, v5  }
0x8f: {  	v8 =	vadd.f32 $2.480158040e-05, v8;
	v7 =	vmul.f32 v7, v5  }
0x90: {  	v6 =	vadd.f32 $-2.480158760e-05, v6  }
0x91: {  	v8 =	vmul.f32 v8, v5;
	v7 =	vadd.f32 $-1.984127010e-04, v7  }
0x92: {  	v6 =	vmul.f32 v6, v5  }
0x93: {  	v8 =	vadd.f32 $-1.388888920e-03, v8;
	v7 =	vmul.f32 v7, v5  }
0x94: {  	v6 =	vadd.f32 $1.388888920e-03, v6  }
0x95: {  	v8 =	vmul.f32 v8, v5;
	v7 =	vadd.f32 $8.333333770e-03, v7  }
0x96: {  	v6 =	vmul.f32 v6, v5  }
0x97: {  	v8 =	vadd.f32 $4.166666790e-02, v8;
	v7 =	vmul.f32 v7, v5  }
0x98: {  	v6 =	vadd.f32 $-4.166666790e-02, v6  }
0x99: {  	v8 =	vmul.f32 v8, v5;
	v7 =	vadd.f32 $-1.666666720e-01, v7  }
0x9a: {  	v6 =	vmul.f32 v6, v5  }
0x9b: {  	v8 =	vadd.f32 $-5.000000000e-01, v8;
	v7 =	vmul.f32 v7, v5  }
0x9c: {  	v6 =	vadd.f32 $5.000000000e-01, v6  }
0x9d: {  	v5 =	vmul.f32 v8, v5;
	v7 =	vadd.f32 $1.000000000e+00, v7  }
0x9e: {  	v8 =	vmul.f32 v6, v2;
	v11 =	vmul.f32 v6, v3  }
0x9f: {  	v12 =	vmul.f32 v7, v4;
	v13 =	vmul.f32 v7, v3  }
0xa0: {  	v9 =	vmul.f32 v8, v3;
	v63 =	vmul.f32 v8, v2  }
0xa1: {  	v14 =	vmul.f32 v11, v4;
	v3 =	vmul.f32 v11, v3;
	v11 =	vld [tilespmem:$0x1FFD0]  }
0xa2: {  	v2 =	vmul.f32 v7, v2;
	v15 =	vsub.f32 v9, v12;
	v7 =	vadd.f32 v9, v12;
	v12 =	vld [tilespmem:$0x1FFE0];
	_ =	sdelay $0x2  }
0xa3: {  	v5 =	vadd.f32 $1.000000000e+00, v5;
	_ =	sdelay $0x1  }
0xa4: {  	v10 =	vadd.f32 v63, v5;
	_ =	sdelay $0x1  }
0xa5: {  	[tilespmem:v11+s20+$0x0] =	vst.idx.msk $0xffff, v10  }
0xa6: {  	[tilespmem:v12+s20+$0x0] =	vst.idx.msk $0xffff, v15;
	v12 =	vld [tilespmem:$0x1FFF0];
	_ =	sdelay $0x3  }
0xa7: {  	v8 =	vmul.f32 v8, v4;
	_ =	sdelay $0x1  }
0xa8: {  	v63 =	vadd.f32 v8, v13;
	_ =	sdelay $0x1  }
0xa9: {  	v6 =	vmul.f32 v6, v4;
	v3 =	vadd.f32 v3, v5;
	[tilespmem:v12+s20+$0x0] =	vst.idx.msk $0xffff, v63  }
0xaa: {  	v15 =	vsub.f32 v14, v2;
	[tilespmem:v18+s20+$0x0] =	vst.idx.msk $0xffff, v7  }
0xab: {  	v4 =	vmul.f32 v6, v4;
	v63 =	vsub.f32 v8, v13;
	[tilespmem:v19+s20+$0x0] =	vst.idx.msk $0xffff, v3  }
0xac: {  	v2 =	vadd.f32 v14, v2;
	[tilespmem:v20+s20+$0x0] =	vst.idx.msk $0xffff, v15  }
0xad: {  	v3 =	vadd.f32 v4, v5;
	[tilespmem:v21+s20+$0x0] =	vst.idx.msk $0xffff, v63  }
0xae: {  	[tilespmem:v22+s20+$0x0] =	vst.idx.msk $0xffff, v2  }
0xaf: {  	[tilespmem:v23+s20+$0x0] =	vst.idx.msk $0xffff, v3  }
0xb0: {  	v2 =	vld.idx.msk [tilespmem:v24+s16+$0x0], $0xffff  }
0xb1: {  	v3 =	vld.idx.msk [tilespmem:v25+s16+$0x0], $0xffff;
	_ =	sdelay $0x1  }
0xb2: {  	v4 =	vld.idx.msk [tilespmem:v26+s16+$0x0], $0xffff;
	_ =	sdelay $0x2  }
0xb3: {  	v10 =	vadd.f32 $9.999999930e-09, v2;
	v11 =	vadd.f32 $9.999999930e-09, v3;
	_ =	sdelay $0x1  }
0xb4: {  	v12 =	vadd.f32 $9.999999930e-09, v4;
	v5 =	vmul.f32 v10, v10;
	v6 =	vmul.f32 v11, v11;
	_ =	sdelay $0x1  }
0xb5: {  	v13 =	vmul.f32 v12, v12;
	v5 =	vadd.f32 v6, v5;
	_ =	sdelay $0x1  }
0xb6: {  	v5 =	vadd.f32 v13, v5;
	_ =	sdelay $0x1  }
0xb7: {  	v6 =	vmul.f32 $3.455103170e-19, v5;
	_ =	sdelay $0x1  }
0xb8: {  	v6 =	vsub.f32 $1.540196930e-16, v6  }
0xb9: {  	v14 =	vmul.f32 $6.789281750e-18, v5  }
0xba: {  	v15 =	vmul.f32 $1.263920730e-16, v5;
	v6 =	vmul.f32 v6, v5  }
0xbb: {  	v7 =	vsub.f32 $2.764120500e-15, v14  }
0xbc: {  	v8 =	vsub.f32 $4.681239390e-14, v15;
	v6 =	vadd.f32 $-4.775413870e-14, v6  }
0xbd: {  	v7 =	vmul.f32 v7, v5  }
0xbe: {  	v8 =	vmul.f32 v8, v5;
	v6 =	vmul.f32 v6, v5  }
0xbf: {  	v7 =	vadd.f32 $-7.638324650e-13, v7  }
0xc0: {  	v8 =	vadd.f32 $-1.145243280e-11, v8;
	v6 =	vadd.f32 $1.147028050e-11, v6  }
0xc1: {  	v7 =	vmul.f32 v7, v5  }
0xc2: {  	v8 =	vmul.f32 v8, v5;
	v6 =	vmul.f32 v6, v5  }
0xc3: {  	v7 =	vadd.f32 $1.605803410e-10, v7  }
0xc4: {  	v8 =	vadd.f32 $2.087466640e-09, v8;
	v6 =	vadd.f32 $-2.087672260e-09, v6  }
0xc5: {  	v7 =	vmul.f32 v7, v5  }
0xc6: {  	v8 =	vmul.f32 v8, v5;
	v6 =	vmul.f32 v6, v5  }
0xc7: {  	v7 =	vadd.f32 $-2.505203690e-08, v7  }
0xc8: {  	v8 =	vadd.f32 $-2.755716930e-07, v8;
	v6 =	vadd.f32 $2.755731710e-07, v6  }
0xc9: {  	v7 =	vmul.f32 v7, v5  }
0xca: {  	v8 =	vmul.f32 v8, v5;
	v6 =	vmul.f32 v6, v5  }
0xcb: {  	v7 =	vadd.f32 $2.755731660e-06, v7  }
0xcc: {  	v8 =	vadd.f32 $2.480158040e-05, v8;
	v6 =	vadd.f32 $-2.480158760e-05, v6  }
0xcd: {  	v7 =	vmul.f32 v7, v5  }
0xce: {  	v8 =	vmul.f32 v8, v5;
	v6 =	vmul.f32 v6, v5  }
0xcf: {  	v7 =	vadd.f32 $-1.984127010e-04, v7  }
0xd0: {  	v8 =	vadd.f32 $-1.388888920e-03, v8;
	v6 =	vadd.f32 $1.388888920e-03, v6  }
0xd1: {  	v7 =	vmul.f32 v7, v5  }
0xd2: {  	v8 =	vmul.f32 v8, v5;
	v6 =	vmul.f32 v6, v5  }
0xd3: {  	v7 =	vadd.f32 $8.333333770e-03, v7  }
0xd4: {  	v8 =	vadd.f32 $4.166666790e-02, v8;
	v6 =	vadd.f32 $-4.166666790e-02, v6  }
0xd5: {  	v7 =	vmul.f32 v7, v5  }
0xd6: {  	v8 =	vmul.f32 v8, v5;
	v6 =	vmul.f32 v6, v5  }
0xd7: {  	v7 =	vadd.f32 $-1.666666720e-01, v7  }
0xd8: {  	v8 =	vadd.f32 $-5.000000000e-01, v8;
	v6 =	vadd.f32 $5.000000000e-01, v6  }
0xd9: {  	v7 =	vmul.f32 v7, v5  }
0xda: {  	v5 =	vmul.f32 v8, v5;
	v8 =	vmul.f32 v6, v2  }
0xdb: {  	v7 =	vadd.f32 $1.000000000e+00, v7  }
0xdc: {  	v5 =	vadd.f32 $1.000000000e+00, v5;
	v11 =	vmul.f32 v6, v3;
	v63 =	vmul.f32 v8, v2  }
0xdd: {  	v12 =	vmul.f32 v7, v4;
	v9 =	vmul.f32 v8, v3  }
0xde: {  	v13 =	vmul.f32 v7, v3;
	v8 =	vmul.f32 v8, v4;
	v10 =	vadd.f32 v63, v5  }
0xdf: {  	v14 =	vmul.f32 v11, v4;
	v15 =	vsub.f32 v9, v12  }
0xe0: {  	v3 =	vmul.f32 v11, v3;
	v63 =	vadd.f32 v8, v13;
	[tilespmem:v27+s20+$0x0] =	vst.idx.msk $0xffff, v10  }
0xe1: {  	v2 =	vmul.f32 v7, v2;
	v12 =	vadd.f32 v9, v12;
	[tilespmem:v28+s20+$0x0] =	vst.idx.msk $0xffff, v15  }
0xe2: {  	v6 =	vmul.f32 v6, v4;
	v3 =	vadd.f32 v3, v5;
	[tilespmem:v29+s20+$0x0] =	vst.idx.msk $0xffff, v63  }
0xe3: {  	v15 =	vsub.f32 v14, v2;
	[tilespmem:v30+s20+$0x0] =	vst.idx.msk $0xffff, v12  }
0xe4: {  	v4 =	vmul.f32 v6, v4;
	v63 =	vsub.f32 v8, v13;
	[tilespmem:v31+s20+$0x0] =	vst.idx.msk $0xffff, v3  }
0xe5: {  	v2 =	vadd.f32 v14, v2;
	[tilespmem:v32+s20+$0x0] =	vst.idx.msk $0xffff, v15  }
0xe6: {  	v3 =	vadd.f32 v4, v5;
	[tilespmem:v33+s20+$0x0] =	vst.idx.msk $0xffff, v63  }
0xe7: {  	[tilespmem:v34+s20+$0x0] =	vst.idx.msk $0xffff, v2  }
0xe8: {  	[tilespmem:v35+s20+$0x0] =	vst.idx.msk $0xffff, v3  }
0xe9: {  	v2 =	vld.idx.msk [tilespmem:v36+s16+$0x0], $0xffff  }
0xea: {  	v3 =	vld.idx.msk [tilespmem:v37+s16+$0x0], $0xffff;
	_ =	sdelay $0x1  }
0xeb: {  	v4 =	vld.idx.msk [tilespmem:v38+s16+$0x0], $0xffff;
	_ =	sdelay $0x2  }
0xec: {  	v10 =	vadd.f32 $9.999999930e-09, v2;
	v11 =	vadd.f32 $9.999999930e-09, v3;
	_ =	sdelay $0x1  }
0xed: {  	v12 =	vadd.f32 $9.999999930e-09, v4;
	v5 =	vmul.f32 v10, v10;
	v6 =	vmul.f32 v11, v11;
	_ =	sdelay $0x1  }
0xee: {  	v13 =	vmul.f32 v12, v12;
	v5 =	vadd.f32 v6, v5;
	_ =	sdelay $0x1  }
0xef: {  	v5 =	vadd.f32 v13, v5;
	_ =	sdelay $0x1  }
0xf0: {  	v6 =	vmul.f32 $3.455103170e-19, v5;
	_ =	sdelay $0x1  }
0xf1: {  	v6 =	vsub.f32 $1.540196930e-16, v6  }
0xf2: {  	v14 =	vmul.f32 $6.789281750e-18, v5  }
0xf3: {  	v15 =	vmul.f32 $1.263920730e-16, v5;
	v6 =	vmul.f32 v6, v5  }
0xf4: {  	v7 =	vsub.f32 $2.764120500e-15, v14  }
0xf5: {  	v8 =	vsub.f32 $4.681239390e-14, v15;
	v6 =	vadd.f32 $-4.775413870e-14, v6  }
0xf6: {  	v7 =	vmul.f32 v7, v5  }
0xf7: {  	v8 =	vmul.f32 v8, v5;
	v6 =	vmul.f32 v6, v5  }
0xf8: {  	v7 =	vadd.f32 $-7.638324650e-13, v7  }
0xf9: {  	v8 =	vadd.f32 $-1.145243280e-11, v8;
	v6 =	vadd.f32 $1.147028050e-11, v6  }
0xfa: {  	v7 =	vmul.f32 v7, v5  }
0xfb: {  	v8 =	vmul.f32 v8, v5;
	v6 =	vmul.f32 v6, v5  }
0xfc: {  	v7 =	vadd.f32 $1.605803410e-10, v7  }
0xfd: {  	v8 =	vadd.f32 $2.087466640e-09, v8;
	v6 =	vadd.f32 $-2.087672260e-09, v6  }
0xfe: {  	v7 =	vmul.f32 v7, v5  }
0xff: {  	v8 =	vmul.f32 v8, v5;
	v6 =	vmul.f32 v6, v5  }
0x100: {  	v7 =	vadd.f32 $-2.505203690e-08, v7  }
0x101: {  	v8 =	vadd.f32 $-2.755716930e-07, v8;
	v6 =	vadd.f32 $2.755731710e-07, v6  }
0x102: {  	v7 =	vmul.f32 v7, v5  }
0x103: {  	v8 =	vmul.f32 v8, v5;
	v6 =	vmul.f32 v6, v5  }
0x104: {  	v7 =	vadd.f32 $2.755731660e-06, v7  }
0x105: {  	v8 =	vadd.f32 $2.480158040e-05, v8;
	v6 =	vadd.f32 $-2.480158760e-05, v6  }
0x106: {  	v7 =	vmul.f32 v7, v5  }
0x107: {  	v8 =	vmul.f32 v8, v5;
	v6 =	vmul.f32 v6, v5  }
0x108: {  	v7 =	vadd.f32 $-1.984127010e-04, v7  }
0x109: {  	v8 =	vadd.f32 $-1.388888920e-03, v8;
	v6 =	vadd.f32 $1.388888920e-03, v6  }
0x10a: {  	v7 =	vmul.f32 v7, v5  }
0x10b: {  	v8 =	vmul.f32 v8, v5;
	v6 =	vmul.f32 v6, v5  }
0x10c: {  	v7 =	vadd.f32 $8.333333770e-03, v7  }
0x10d: {  	v8 =	vadd.f32 $4.166666790e-02, v8;
	v6 =	vadd.f32 $-4.166666790e-02, v6  }
0x10e: {  	v7 =	vmul.f32 v7, v5  }
0x10f: {  	v8 =	vmul.f32 v8, v5;
	v6 =	vmul.f32 v6, v5  }
0x110: {  	v7 =	vadd.f32 $-1.666666720e-01, v7  }
0x111: {  	v8 =	vadd.f32 $-5.000000000e-01, v8;
	v6 =	vadd.f32 $5.000000000e-01, v6  }
0x112: {  	v7 =	vmul.f32 v7, v5  }
0x113: {  	v5 =	vmul.f32 v8, v5;
	v8 =	vmul.f32 v6, v2  }
0x114: {  	v7 =	vadd.f32 $1.000000000e+00, v7  }
0x115: {  	v5 =	vadd.f32 $1.000000000e+00, v5;
	v11 =	vmul.f32 v6, v3;
	v63 =	vmul.f32 v8, v2  }
0x116: {  	v12 =	vmul.f32 v7, v4;
	v9 =	vmul.f32 v8, v3  }
0x117: {  	v13 =	vmul.f32 v7, v3;
	v8 =	vmul.f32 v8, v4;
	v10 =	vadd.f32 v63, v5  }
0x118: {  	v14 =	vmul.f32 v11, v4;
	v15 =	vsub.f32 v9, v12  }
0x119: {  	v3 =	vmul.f32 v11, v3;
	v63 =	vadd.f32 v8, v13;
	[tilespmem:v39+s20+$0x0] =	vst.idx.msk $0xffff, v10  }
0x11a: {  	v2 =	vmul.f32 v7, v2;
	v12 =	vadd.f32 v9, v12;
	[tilespmem:v40+s20+$0x0] =	vst.idx.msk $0xffff, v15  }
0x11b: {  	v6 =	vmul.f32 v6, v4;
	v3 =	vadd.f32 v3, v5;
	[tilespmem:v41+s20+$0x0] =	vst.idx.msk $0xffff, v63  }
0x11c: {  	v15 =	vsub.f32 v14, v2;
	[tilespmem:v42+s20+$0x0] =	vst.idx.msk $0xffff, v12  }
0x11d: {  	v4 =	vmul.f32 v6, v4;
	v63 =	vsub.f32 v8, v13;
	[tilespmem:v43+s20+$0x0] =	vst.idx.msk $0xffff, v3  }
0x11e: {  	v2 =	vadd.f32 v14, v2;
	[tilespmem:v44+s20+$0x0] =	vst.idx.msk $0xffff, v15  }
0x11f: {  	v3 =	vadd.f32 v4, v5;
	[tilespmem:v45+s20+$0x0] =	vst.idx.msk $0xffff, v63  }
0x120: {  	[tilespmem:v46+s20+$0x0] =	vst.idx.msk $0xffff, v2  }
0x121: {  	[tilespmem:v47+s20+$0x0] =	vst.idx.msk $0xffff, v3  }
0x122: {  	v2 =	vld.idx.msk [tilespmem:v48+s16+$0x0], $0xffff  }
0x123: {  	v3 =	vld.idx.msk [tilespmem:v49+s16+$0x0], $0xffff;
	_ =	sdelay $0x1  }
0x124: {  	v4 =	vld.idx.msk [tilespmem:v50+s16+$0x0], $0xffff;
	_ =	sdelay $0x2  }
0x125: {  	v10 =	vadd.f32 $9.999999930e-09, v2;
	v11 =	vadd.f32 $9.999999930e-09, v3;
	_ =	sdelay $0x1  }
0x126: {  	v12 =	vadd.f32 $9.999999930e-09, v4;
	v5 =	vmul.f32 v10, v10;
	v6 =	vmul.f32 v11, v11;
	_ =	sdelay $0x1  }
0x127: {  	v13 =	vmul.f32 v12, v12;
	v5 =	vadd.f32 v6, v5;
	_ =	sdelay $0x1  }
0x128: {  	v5 =	vadd.f32 v13, v5;
	_ =	sdelay $0x1  }
0x129: {  	v6 =	vmul.f32 $3.455103170e-19, v5;
	_ =	sdelay $0x1  }
0x12a: {  	v6 =	vsub.f32 $1.540196930e-16, v6  }
0x12b: {  	v14 =	vmul.f32 $6.789281750e-18, v5  }
0x12c: {  	v15 =	vmul.f32 $1.263920730e-16, v5;
	v6 =	vmul.f32 v6, v5  }
0x12d: {  	v7 =	vsub.f32 $2.764120500e-15, v14  }
0x12e: {  	v8 =	vsub.f32 $4.681239390e-14, v15;
	v6 =	vadd.f32 $-4.775413870e-14, v6  }
0x12f: {  	v7 =	vmul.f32 v7, v5  }
0x130: {  	v8 =	vmul.f32 v8, v5;
	v6 =	vmul.f32 v6, v5  }
0x131: {  	v7 =	vadd.f32 $-7.638324650e-13, v7  }
0x132: {  	v8 =	vadd.f32 $-1.145243280e-11, v8;
	v6 =	vadd.f32 $1.147028050e-11, v6  }
0x133: {  	v7 =	vmul.f32 v7, v5  }
0x134: {  	v8 =	vmul.f32 v8, v5;
	v6 =	vmul.f32 v6, v5  }
0x135: {  	v7 =	vadd.f32 $1.605803410e-10, v7  }
0x136: {  	v8 =	vadd.f32 $2.087466640e-09, v8;
	v6 =	vadd.f32 $-2.087672260e-09, v6  }
0x137: {  	v7 =	vmul.f32 v7, v5  }
0x138: {  	v8 =	vmul.f32 v8, v5;
	v6 =	vmul.f32 v6, v5  }
0x139: {  	v7 =	vadd.f32 $-2.505203690e-08, v7  }
0x13a: {  	v8 =	vadd.f32 $-2.755716930e-07, v8;
	v6 =	vadd.f32 $2.755731710e-07, v6  }
0x13b: {  	v7 =	vmul.f32 v7, v5  }
0x13c: {  	v8 =	vmul.f32 v8, v5;
	v6 =	vmul.f32 v6, v5  }
0x13d: {  	v7 =	vadd.f32 $2.755731660e-06, v7  }
0x13e: {  	v8 =	vadd.f32 $2.480158040e-05, v8;
	v6 =	vadd.f32 $-2.480158760e-05, v6  }
0x13f: {  	v7 =	vmul.f32 v7, v5  }
0x140: {  	v8 =	vmul.f32 v8, v5;
	v6 =	vmul.f32 v6, v5  }
0x141: {  	v7 =	vadd.f32 $-1.984127010e-04, v7  }
0x142: {  	v8 =	vadd.f32 $-1.388888920e-03, v8;
	v6 =	vadd.f32 $1.388888920e-03, v6  }
0x143: {  	v7 =	vmul.f32 v7, v5  }
0x144: {  	v8 =	vmul.f32 v8, v5;
	v6 =	vmul.f32 v6, v5  }
0x145: {  	v7 =	vadd.f32 $8.333333770e-03, v7  }
0x146: {  	v8 =	vadd.f32 $4.166666790e-02, v8;
	v6 =	vadd.f32 $-4.166666790e-02, v6  }
0x147: {  	v7 =	vmul.f32 v7, v5  }
0x148: {  	v8 =	vmul.f32 v8, v5;
	v6 =	vmul.f32 v6, v5  }
0x149: {  	v7 =	vadd.f32 $-1.666666720e-01, v7  }
0x14a: {  	v8 =	vadd.f32 $-5.000000000e-01, v8;
	v6 =	vadd.f32 $5.000000000e-01, v6  }
0x14b: {  	v7 =	vmul.f32 v7, v5  }
0x14c: {  	v5 =	vmul.f32 v8, v5;
	v8 =	vmul.f32 v6, v2  }
0x14d: {  	v7 =	vadd.f32 $1.000000000e+00, v7  }
0x14e: {  	v5 =	vadd.f32 $1.000000000e+00, v5;
	v11 =	vmul.f32 v6, v3;
	v63 =	vmul.f32 v8, v2  }
0x14f: {  	v12 =	vmul.f32 v7, v4;
	v9 =	vmul.f32 v8, v3  }
0x150: {  	v13 =	vmul.f32 v7, v3;
	v8 =	vmul.f32 v8, v4;
	v10 =	vadd.f32 v63, v5  }
0x151: {  	v14 =	vmul.f32 v11, v4;
	v15 =	vsub.f32 v9, v12  }
0x152: {  	v3 =	vmul.f32 v11, v3;
	v63 =	vadd.f32 v8, v13;
	[tilespmem:v51+s20+$0x0] =	vst.idx.msk $0xffff, v10  }
0x153: {  	v2 =	vmul.f32 v7, v2;
	v7 =	vadd.f32 v9, v12;
	[tilespmem:v52+s20+$0x0] =	vst.idx.msk $0xffff, v15  }
0x154: {  	v6 =	vmul.f32 v6, v4;
	v3 =	vadd.f32 v3, v5;
	[tilespmem:v53+s20+$0x0] =	vst.idx.msk $0xffff, v63  }
0x155: {  	v12 =	vsub.f32 v14, v2;
	[tilespmem:v54+s20+$0x0] =	vst.idx.msk $0xffff, v7  }
0x156: {  	v4 =	vmul.f32 v6, v4;
	v15 =	vsub.f32 v8, v13;
	[tilespmem:v55+s20+$0x0] =	vst.idx.msk $0xffff, v3  }
0x157: {  	v2 =	vadd.f32 v14, v2;
	[tilespmem:v56+s20+$0x0] =	vst.idx.msk $0xffff, v12  }
0x158: {  	v3 =	vadd.f32 v4, v5;
	[tilespmem:v57+s20+$0x0] =	vst.idx.msk $0xffff, v15  }
0x159: {  	[tilespmem:v58+s20+$0x0] =	vst.idx.msk $0xffff, v2  }
0x15a: {  	[tilespmem:v59+s20+$0x0] =	vst.idx.msk $0xffff, v3  }
0x15b: {  	v2 =	vld.idx.msk [tilespmem:v60+s16+$0x0], $0xffff  }
0x15c: {  	v3 =	vld.idx.msk [tilespmem:v61+s16+$0x0], $0xffff;
	_ =	sdelay $0x1  }
0x15d: {  	v4 =	vld.idx.msk [tilespmem:v62+s16+$0x0], $0xffff;
	_ =	sdelay $0x2  }
0x15e: {  	v63 =	vadd.f32 $9.999999930e-09, v2;
	v9 =	vadd.f32 $9.999999930e-09, v3;
	_ =	sdelay $0x1  }
0x15f: {  	v10 =	vadd.f32 $9.999999930e-09, v4;
	v5 =	vmul.f32 v63, v63;
	v6 =	vmul.f32 v9, v9;
	_ =	sdelay $0x1  }
0x160: {  	v11 =	vmul.f32 v10, v10;
	v5 =	vadd.f32 v6, v5;
	_ =	sdelay $0x1  }
0x161: {  	v5 =	vadd.f32 v11, v5;
	_ =	sdelay $0x1  }
0x162: {  	v6 =	vmul.f32 $3.455103170e-19, v5;
	_ =	sdelay $0x1  }
0x163: {  	v6 =	vsub.f32 $1.540196930e-16, v6  }
0x164: {  	v12 =	vmul.f32 $1.263920730e-16, v5;
	v13 =	vmul.f32 $6.789281750e-18, v5  }
0x165: {  	v6 =	vmul.f32 v6, v5  }
0x166: {  	v7 =	vsub.f32 $4.681239390e-14, v12;
	v8 =	vsub.f32 $2.764120500e-15, v13  }
0x167: {  	v6 =	vadd.f32 $-4.775413870e-14, v6  }
0x168: {  	v7 =	vmul.f32 v7, v5;
	v8 =	vmul.f32 v8, v5  }
0x169: {  	v6 =	vmul.f32 v6, v5  }
0x16a: {  	v7 =	vadd.f32 $-1.145243280e-11, v7;
	v8 =	vadd.f32 $-7.638324650e-13, v8  }
0x16b: {  	v6 =	vadd.f32 $1.147028050e-11, v6  }
0x16c: {  	v7 =	vmul.f32 v7, v5;
	v8 =	vmul.f32 v8, v5  }
0x16d: {  	v6 =	vmul.f32 v6, v5  }
0x16e: {  	v7 =	vadd.f32 $2.087466640e-09, v7;
	v8 =	vadd.f32 $1.605803410e-10, v8  }
0x16f: {  	v6 =	vadd.f32 $-2.087672260e-09, v6  }
0x170: {  	v7 =	vmul.f32 v7, v5;
	v8 =	vmul.f32 v8, v5  }
0x171: {  	v6 =	vmul.f32 v6, v5  }
0x172: {  	v7 =	vadd.f32 $-2.755716930e-07, v7;
	v8 =	vadd.f32 $-2.505203690e-08, v8  }
0x173: {  	v6 =	vadd.f32 $2.755731710e-07, v6  }
0x174: {  	v7 =	vmul.f32 v7, v5;
	v8 =	vmul.f32 v8, v5  }
0x175: {  	v6 =	vmul.f32 v6, v5  }
0x176: {  	v7 =	vadd.f32 $2.480158040e-05, v7;
	v8 =	vadd.f32 $2.755731660e-06, v8  }
0x177: {  	v6 =	vadd.f32 $-2.480158760e-05, v6  }
0x178: {  	v7 =	vmul.f32 v7, v5;
	v8 =	vmul.f32 v8, v5  }
0x179: {  	v6 =	vmul.f32 v6, v5  }
0x17a: {  	v7 =	vadd.f32 $-1.388888920e-03, v7;
	v8 =	vadd.f32 $-1.984127010e-04, v8  }
0x17b: {  	v6 =	vadd.f32 $1.388888920e-03, v6  }
0x17c: {  	v7 =	vmul.f32 v7, v5;
	v8 =	vmul.f32 v8, v5  }
0x17d: {  	v6 =	vmul.f32 v6, v5  }
0x17e: {  	v7 =	vadd.f32 $4.166666790e-02, v7;
	v8 =	vadd.f32 $8.333333770e-03, v8  }
0x17f: {  	v6 =	vadd.f32 $-4.166666790e-02, v6  }
0x180: {  	v7 =	vmul.f32 v7, v5;
	v8 =	vmul.f32 v8, v5  }
0x181: {  	v6 =	vmul.f32 v6, v5  }
0x182: {  	v7 =	vadd.f32 $-5.000000000e-01, v7;
	v8 =	vadd.f32 $-1.666666720e-01, v8  }
0x183: {  	v6 =	vadd.f32 $5.000000000e-01, v6  }
0x184: {  	v7 =	vmul.f32 v7, v5;
	v5 =	vmul.f32 v8, v5  }
0x185: {  	v16 =	vadd.s32 $0x495, v1;
	v14 =	vmul.f32 v6, v2  }
0x186: {  	v10 =	vadd.s32 $0x492, v1;
	v12 =	vadd.s32 $0x493, v1;
	v5 =	vadd.f32 $1.000000000e+00, v5  }
0x187: {  	v7 =	vadd.f32 $1.000000000e+00, v7;
	v9 =	vmul.f32 v14, v3;
	v8 =	vmul.f32 v14, v2  }
0x188: {  	v15 =	vadd.s32 $0x494, v1;
	v11 =	vmul.f32 v14, v4;
	v14 =	vmul.f32 v5, v4  }
0x189: {  	v13 =	vmul.f32 v6, v3;
	v63 =	vmul.f32 v5, v3;
	v8 =	vadd.f32 v8, v7  }
0x18a: {  	v17 =	vadd.s32 $0x496, v1;
	v2 =	vmul.f32 v5, v2;
	v5 =	vsub.f32 v9, v14  }
0x18b: {  	v3 =	vmul.f32 v13, v3;
	[tilespmem:v10+s20+$0x0] =	vst.idx.msk $0xffff, v8;
	v8 =	vadd.f32 v11, v63;
	v10 =	vadd.s32 $0x497, v1  }
0x18c: {  	v13 =	vmul.f32 v13, v4;
	v9 =	vadd.f32 v9, v14;
	[tilespmem:v12+s20+$0x0] =	vst.idx.msk $0xffff, v5;
	v5 =	vadd.s32 $0x498, v1  }
0x18d: {  	v6 =	vmul.f32 v6, v4;
	v3 =	vadd.f32 v3, v7;
	[tilespmem:v15+s20+$0x0] =	vst.idx.msk $0xffff, v8;
	v8 =	vadd.s32 $0x499, v1  }
0x18e: {  	v12 =	vsub.f32 v13, v2;
	v15 =	vadd.s32 $0x49A, v1;
	[tilespmem:v16+s20+$0x0] =	vst.idx.msk $0xffff, v9  }
0x18f: {  	v4 =	vmul.f32 v6, v4;
	v11 =	vsub.f32 v11, v63;
	[tilespmem:v17+s20+$0x0] =	vst.idx.msk $0xffff, v3;
	v3 =	vadd.s32 $0x9, v0  }
0x190: {  	v2 =	vadd.f32 v13, v2;
	[tilespmem:v10+s20+$0x0] =	vst.idx.msk $0xffff, v12;
	v12 =	vadd.s32 $0xA, v0  }
0x191: {  	v4 =	vadd.f32 v4, v7;
	[tilespmem:v5+s20+$0x0] =	vst.idx.msk $0xffff, v11  }
0x192: {  	[tilespmem:v8+s20+$0x0] =	vst.idx.msk $0xffff, v2;
	v2 =	vadd.s32 $0xB, v0  }
0x193: {  	[tilespmem:v15+s20+$0x0] =	vst.idx.msk $0xffff, v4  }
0x194: {  	v3 =	vld.idx.msk [tilespmem:v3+s16+$0x0], $0xffff  }
0x195: {  	v4 =	vld.idx.msk [tilespmem:v12+s16+$0x0], $0xffff;
	_ =	sdelay $0x1  }
0x196: {  	v2 =	vld.idx.msk [tilespmem:v2+s16+$0x0], $0xffff;
	_ =	sdelay $0x2  }
0x197: {  	v13 =	vadd.f32 $9.999999930e-09, v3;
	v6 =	vadd.f32 $9.999999930e-09, v4;
	_ =	sdelay $0x1  }
0x198: {  	v5 =	vmul.f32 v13, v13;
	v14 =	vadd.f32 $9.999999930e-09, v2;
	v6 =	vmul.f32 v6, v6;
	_ =	sdelay $0x1  }
0x199: {  	v5 =	vadd.f32 v6, v5;
	v15 =	vmul.f32 v14, v14;
	_ =	sdelay $0x1  }
0x19a: {  	v5 =	vadd.f32 v15, v5;
	_ =	sdelay $0x1  }
0x19b: {  	v6 =	vmul.f32 $3.455103170e-19, v5;
	_ =	sdelay $0x1  }
0x19c: {  	v63 =	vmul.f32 $1.263920730e-16, v5;
	v12 =	vmul.f32 $6.789281750e-18, v5;
	v6 =	vsub.f32 $1.540196930e-16, v6;
	_ =	sdelay $0x1  }
0x19d: {  	v7 =	vsub.f32 $4.681239390e-14, v63;
	v8 =	vsub.f32 $2.764120500e-15, v12;
	v6 =	vmul.f32 v6, v5;
	_ =	sdelay $0x1  }
0x19e: {  	v7 =	vmul.f32 v7, v5;
	v8 =	vmul.f32 v8, v5;
	v6 =	vadd.f32 $-4.775413870e-14, v6;
	_ =	sdelay $0x1  }
0x19f: {  	v7 =	vadd.f32 $-1.145243280e-11, v7;
	v8 =	vadd.f32 $-7.638324650e-13, v8;
	v6 =	vmul.f32 v6, v5;
	_ =	sdelay $0x1  }
0x1a0: {  	v7 =	vmul.f32 v7, v5;
	v8 =	vmul.f32 v8, v5;
	v6 =	vadd.f32 $1.147028050e-11, v6;
	_ =	sdelay $0x1  }
0x1a1: {  	v7 =	vadd.f32 $2.087466640e-09, v7;
	v8 =	vadd.f32 $1.605803410e-10, v8;
	v6 =	vmul.f32 v6, v5;
	_ =	sdelay $0x1  }
0x1a2: {  	v7 =	vmul.f32 v7, v5;
	v8 =	vmul.f32 v8, v5;
	v6 =	vadd.f32 $-2.087672260e-09, v6;
	_ =	sdelay $0x1  }
0x1a3: {  	v7 =	vadd.f32 $-2.755716930e-07, v7;
	v8 =	vadd.f32 $-2.505203690e-08, v8;
	v6 =	vmul.f32 v6, v5;
	_ =	sdelay $0x1  }
0x1a4: {  	v7 =	vmul.f32 v7, v5;
	v8 =	vmul.f32 v8, v5;
	v6 =	vadd.f32 $2.755731710e-07, v6;
	_ =	sdelay $0x1  }
0x1a5: {  	v7 =	vadd.f32 $2.480158040e-05, v7;
	v8 =	vadd.f32 $2.755731660e-06, v8;
	v6 =	vmul.f32 v6, v5;
	_ =	sdelay $0x1  }
0x1a6: {  	v7 =	vmul.f32 v7, v5;
	v8 =	vmul.f32 v8, v5;
	v6 =	vadd.f32 $-2.480158760e-05, v6;
	_ =	sdelay $0x1  }
0x1a7: {  	v7 =	vadd.f32 $-1.388888920e-03, v7;
	v8 =	vadd.f32 $-1.984127010e-04, v8;
	v6 =	vmul.f32 v6, v5;
	_ =	sdelay $0x1  }
0x1a8: {  	v7 =	vmul.f32 v7, v5;
	v8 =	vmul.f32 v8, v5;
	v6 =	vadd.f32 $1.388888920e-03, v6;
	_ =	sdelay $0x1  }
0x1a9: {  	v7 =	vadd.f32 $4.166666790e-02, v7;
	v8 =	vadd.f32 $8.333333770e-03, v8;
	v6 =	vmul.f32 v6, v5;
	_ =	sdelay $0x1  }
0x1aa: {  	v7 =	vmul.f32 v7, v5;
	v8 =	vmul.f32 v8, v5;
	v6 =	vadd.f32 $-4.166666790e-02, v6;
	_ =	sdelay $0x1  }
0x1ab: {  	v7 =	vadd.f32 $-5.000000000e-01, v7;
	v8 =	vadd.f32 $-1.666666720e-01, v8;
	v6 =	vmul.f32 v6, v5;
	_ =	sdelay $0x1  }
0x1ac: {  	v7 =	vmul.f32 v7, v5;
	v5 =	vmul.f32 v8, v5;
	v6 =	vadd.f32 $5.000000000e-01, v6;
	_ =	sdelay $0x1  }
0x1ad: {  	v5 =	vadd.f32 $1.000000000e+00, v5;
	v13 =	vmul.f32 v6, v3  }
0x1ae: {  	v17 =	vadd.s32 $0x1E, v1;
	v10 =	vadd.s32 $0x1B, v1;
	v12 =	vadd.s32 $0x1C, v1  }
0x1af: {  	v7 =	vadd.f32 $1.000000000e+00, v7;
	v14 =	vmul.f32 v5, v2;
	v8 =	vmul.f32 v13, v3  }
0x1b0: {  	v15 =	vadd.s32 $0x1D, v1;
	v16 =	vmul.f32 v5, v4;
	v9 =	vmul.f32 v13, v4  }
0x1b1: {  	v11 =	vmul.f32 v13, v2;
	v13 =	vmul.f32 v6, v4;
	v8 =	vadd.f32 v8, v7  }
0x1b2: {  	v63 =	vadd.s32 $0x1F, v1;
	v3 =	vmul.f32 v5, v3;
	v5 =	vsub.f32 v9, v14  }
0x1b3: {  	v4 =	vmul.f32 v13, v4;
	[tilespmem:v10+s20+$0x0] =	vst.idx.msk $0xffff, v8;
	v8 =	vadd.f32 v11, v16;
	v10 =	vadd.s32 $0x20, v1  }
0x1b4: {  	v13 =	vmul.f32 v13, v2;
	v9 =	vadd.f32 v9, v14;
	[tilespmem:v12+s20+$0x0] =	vst.idx.msk $0xffff, v5;
	v5 =	vadd.s32 $0x21, v1  }
0x1b5: {  	v6 =	vmul.f32 v6, v2;
	v4 =	vadd.f32 v4, v7;
	[tilespmem:v15+s20+$0x0] =	vst.idx.msk $0xffff, v8;
	v8 =	vadd.s32 $0x22, v1  }
0x1b6: {  	v14 =	vadd.s32 $0x23, v1;
	v12 =	vsub.f32 v13, v3;
	[tilespmem:v17+s20+$0x0] =	vst.idx.msk $0xffff, v9  }
0x1b7: {  	v2 =	vmul.f32 v6, v2;
	v11 =	vsub.f32 v11, v16;
	v15 =	vadd.s32 $0x189, v0;
	[tilespmem:v63+s20+$0x0] =	vst.idx.msk $0xffff, v4  }
0x1b8: {  	v3 =	vadd.f32 v13, v3;
	v63 =	vadd.s32 $0x18A, v0;
	[tilespmem:v10+s20+$0x0] =	vst.idx.msk $0xffff, v12  }
0x1b9: {  	v2 =	vadd.f32 v2, v7;
	[tilespmem:v5+s20+$0x0] =	vst.idx.msk $0xffff, v11  }
0x1ba: {  	[tilespmem:v8+s20+$0x0] =	vst.idx.msk $0xffff, v3;
	v3 =	vadd.s32 $0x18B, v0  }
0x1bb: {  	[tilespmem:v14+s20+$0x0] =	vst.idx.msk $0xffff, v2  }
0x1bc: {  	v2 =	vld.idx.msk [tilespmem:v15+s16+$0x0], $0xffff  }
0x1bd: {  	v4 =	vld.idx.msk [tilespmem:v63+s16+$0x0], $0xffff;
	_ =	sdelay $0x1  }
0x1be: {  	v3 =	vld.idx.msk [tilespmem:v3+s16+$0x0], $0xffff;
	_ =	sdelay $0x2  }
0x1bf: {  	v9 =	vadd.f32 $9.999999930e-09, v2;
	v6 =	vadd.f32 $9.999999930e-09, v4;
	_ =	sdelay $0x1  }
0x1c0: {  	v5 =	vmul.f32 v9, v9;
	v6 =	vmul.f32 v6, v6;
	v10 =	vadd.f32 $9.999999930e-09, v3;
	_ =	sdelay $0x1  }
0x1c1: {  	v5 =	vadd.f32 v6, v5;
	v11 =	vmul.f32 v10, v10;
	_ =	sdelay $0x1  }
0x1c2: {  	v5 =	vadd.f32 v11, v5;
	_ =	sdelay $0x1  }
0x1c3: {  	v6 =	vmul.f32 $3.455103170e-19, v5;
	_ =	sdelay $0x1  }
0x1c4: {  	v6 =	vsub.f32 $1.540196930e-16, v6  }
0x1c5: {  	v12 =	vmul.f32 $1.263920730e-16, v5;
	v13 =	vmul.f32 $6.789281750e-18, v5  }
0x1c6: {  	v6 =	vmul.f32 v6, v5  }
0x1c7: {  	v7 =	vsub.f32 $4.681239390e-14, v12;
	v8 =	vsub.f32 $2.764120500e-15, v13  }
0x1c8: {  	v6 =	vadd.f32 $-4.775413870e-14, v6  }
0x1c9: {  	v7 =	vmul.f32 v7, v5;
	v8 =	vmul.f32 v8, v5  }
0x1ca: {  	v6 =	vmul.f32 v6, v5  }
0x1cb: {  	v7 =	vadd.f32 $-1.145243280e-11, v7;
	v8 =	vadd.f32 $-7.638324650e-13, v8  }
0x1cc: {  	v6 =	vadd.f32 $1.147028050e-11, v6  }
0x1cd: {  	v7 =	vmul.f32 v7, v5;
	v8 =	vmul.f32 v8, v5  }
0x1ce: {  	v6 =	vmul.f32 v6, v5  }
0x1cf: {  	v7 =	vadd.f32 $2.087466640e-09, v7;
	v8 =	vadd.f32 $1.605803410e-10, v8  }
0x1d0: {  	v6 =	vadd.f32 $-2.087672260e-09, v6  }
0x1d1: {  	v7 =	vmul.f32 v7, v5;
	v8 =	vmul.f32 v8, v5  }
0x1d2: {  	v6 =	vmul.f32 v6, v5  }
0x1d3: {  	v7 =	vadd.f32 $-2.755716930e-07, v7;
	v8 =	vadd.f32 $-2.505203690e-08, v8  }
0x1d4: {  	v6 =	vadd.f32 $2.755731710e-07, v6  }
0x1d5: {  	v7 =	vmul.f32 v7, v5;
	v8 =	vmul.f32 v8, v5  }
0x1d6: {  	v6 =	vmul.f32 v6, v5  }
0x1d7: {  	v7 =	vadd.f32 $2.480158040e-05, v7;
	v8 =	vadd.f32 $2.755731660e-06, v8  }
0x1d8: {  	v6 =	vadd.f32 $-2.480158760e-05, v6  }
0x1d9: {  	v7 =	vmul.f32 v7, v5;
	v8 =	vmul.f32 v8, v5  }
0x1da: {  	v6 =	vmul.f32 v6, v5  }
0x1db: {  	v7 =	vadd.f32 $-1.388888920e-03, v7;
	v8 =	vadd.f32 $-1.984127010e-04, v8  }
0x1dc: {  	v6 =	vadd.f32 $1.388888920e-03, v6  }
0x1dd: {  	v7 =	vmul.f32 v7, v5;
	v8 =	vmul.f32 v8, v5  }
0x1de: {  	v6 =	vmul.f32 v6, v5  }
0x1df: {  	v7 =	vadd.f32 $4.166666790e-02, v7;
	v8 =	vadd.f32 $8.333333770e-03, v8  }
0x1e0: {  	v6 =	vadd.f32 $-4.166666790e-02, v6  }
0x1e1: {  	v7 =	vmul.f32 v7, v5;
	v8 =	vmul.f32 v8, v5  }
0x1e2: {  	v6 =	vmul.f32 v6, v5  }
0x1e3: {  	v7 =	vadd.f32 $-5.000000000e-01, v7;
	v8 =	vadd.f32 $-1.666666720e-01, v8  }
0x1e4: {  	v6 =	vadd.f32 $5.000000000e-01, v6  }
0x1e5: {  	v7 =	vmul.f32 v7, v5;
	v5 =	vmul.f32 v8, v5  }
0x1e6: {  	v17 =	vadd.s32 $0x49E, v1;
	v14 =	vmul.f32 v6, v2  }
0x1e7: {  	v10 =	vadd.s32 $0x49B, v1;
	v12 =	vadd.s32 $0x49C, v1;
	v5 =	vadd.f32 $1.000000000e+00, v5  }
0x1e8: {  	v7 =	vadd.f32 $1.000000000e+00, v7;
	v9 =	vmul.f32 v14, v4;
	v8 =	vmul.f32 v14, v2  }
0x1e9: {  	v15 =	vadd.s32 $0x49D, v1;
	v11 =	vmul.f32 v14, v3;
	v14 =	vmul.f32 v5, v3  }
0x1ea: {  	v13 =	vmul.f32 v6, v4;
	v16 =	vmul.f32 v5, v4;
	v8 =	vadd.f32 v8, v7  }
0x1eb: {  	v63 =	vadd.s32 $0x49F, v1;
	v2 =	vmul.f32 v5, v2;
	v5 =	vsub.f32 v9, v14  }
0x1ec: {  	v4 =	vmul.f32 v13, v4;
	[tilespmem:v10+s20+$0x0] =	vst.idx.msk $0xffff, v8;
	v8 =	vadd.f32 v11, v16;
	v10 =	vadd.s32 $0x4A0, v1  }
0x1ed: {  	v13 =	vmul.f32 v13, v3;
	v9 =	vadd.f32 v9, v14;
	[tilespmem:v12+s20+$0x0] =	vst.idx.msk $0xffff, v5;
	v5 =	vadd.s32 $0x4A1, v1  }
0x1ee: {  	v6 =	vmul.f32 v6, v3;
	v4 =	vadd.f32 v4, v7;
	[tilespmem:v15+s20+$0x0] =	vst.idx.msk $0xffff, v8;
	v8 =	vadd.s32 $0x4A2, v1  }
0x1ef: {  	v12 =	vsub.f32 v13, v2;
	v15 =	vadd.s32 $0x4A3, v1;
	[tilespmem:v17+s20+$0x0] =	vst.idx.msk $0xffff, v9  }
0x1f0: {  	v3 =	vmul.f32 v6, v3;
	v11 =	vsub.f32 v11, v16;
	[tilespmem:v63+s20+$0x0] =	vst.idx.msk $0xffff, v4;
	v63 =	vadd.s32 $0xC, v0  }
0x1f1: {  	v2 =	vadd.f32 v13, v2;
	[tilespmem:v10+s20+$0x0] =	vst.idx.msk $0xffff, v12;
	v12 =	vadd.s32 $0xD, v0  }
0x1f2: {  	v3 =	vadd.f32 v3, v7;
	[tilespmem:v5+s20+$0x0] =	vst.idx.msk $0xffff, v11  }
0x1f3: {  	[tilespmem:v8+s20+$0x0] =	vst.idx.msk $0xffff, v2;
	v2 =	vadd.s32 $0xE, v0  }
0x1f4: {  	[tilespmem:v15+s20+$0x0] =	vst.idx.msk $0xffff, v3  }
0x1f5: {  	v3 =	vld.idx.msk [tilespmem:v63+s16+$0x0], $0xffff  }
0x1f6: {  	v4 =	vld.idx.msk [tilespmem:v12+s16+$0x0], $0xffff;
	_ =	sdelay $0x1  }
0x1f7: {  	v2 =	vld.idx.msk [tilespmem:v2+s16+$0x0], $0xffff;
	_ =	sdelay $0x2  }
0x1f8: {  	v13 =	vadd.f32 $9.999999930e-09, v3;
	v6 =	vadd.f32 $9.999999930e-09, v4;
	_ =	sdelay $0x1  }
0x1f9: {  	v5 =	vmul.f32 v13, v13;
	v14 =	vadd.f32 $9.999999930e-09, v2;
	v6 =	vmul.f32 v6, v6;
	_ =	sdelay $0x1  }
0x1fa: {  	v5 =	vadd.f32 v6, v5;
	v15 =	vmul.f32 v14, v14;
	_ =	sdelay $0x1  }
0x1fb: {  	v5 =	vadd.f32 v15, v5;
	_ =	sdelay $0x1  }
0x1fc: {  	v6 =	vmul.f32 $3.455103170e-19, v5;
	_ =	sdelay $0x1  }
0x1fd: {  	v63 =	vmul.f32 $1.263920730e-16, v5;
	v12 =	vmul.f32 $6.789281750e-18, v5;
	v6 =	vsub.f32 $1.540196930e-16, v6;
	_ =	sdelay $0x1  }
0x1fe: {  	v7 =	vsub.f32 $4.681239390e-14, v63;
	v8 =	vsub.f32 $2.764120500e-15, v12;
	v6 =	vmul.f32 v6, v5;
	_ =	sdelay $0x1  }
0x1ff: {  	v7 =	vmul.f32 v7, v5;
	v8 =	vmul.f32 v8, v5;
	v6 =	vadd.f32 $-4.775413870e-14, v6;
	_ =	sdelay $0x1  }
0x200: {  	v7 =	vadd.f32 $-1.145243280e-11, v7;
	v8 =	vadd.f32 $-7.638324650e-13, v8;
	v6 =	vmul.f32 v6, v5;
	_ =	sdelay $0x1  }
0x201: {  	v7 =	vmul.f32 v7, v5;
	v8 =	vmul.f32 v8, v5;
	v6 =	vadd.f32 $1.147028050e-11, v6;
	_ =	sdelay $0x1  }
0x202: {  	v7 =	vadd.f32 $2.087466640e-09, v7;
	v8 =	vadd.f32 $1.605803410e-10, v8;
	v6 =	vmul.f32 v6, v5;
	_ =	sdelay $0x1  }
0x203: {  	v7 =	vmul.f32 v7, v5;
	v8 =	vmul.f32 v8, v5;
	v6 =	vadd.f32 $-2.087672260e-09, v6;
	_ =	sdelay $0x1  }
0x204: {  	v7 =	vadd.f32 $-2.755716930e-07, v7;
	v8 =	vadd.f32 $-2.505203690e-08, v8;
	v6 =	vmul.f32 v6, v5;
	_ =	sdelay $0x1  }
0x205: {  	v7 =	vmul.f32 v7, v5;
	v8 =	vmul.f32 v8, v5;
	v6 =	vadd.f32 $2.755731710e-07, v6;
	_ =	sdelay $0x1  }
0x206: {  	v7 =	vadd.f32 $2.480158040e-05, v7;
	v8 =	vadd.f32 $2.755731660e-06, v8;
	v6 =	vmul.f32 v6, v5;
	_ =	sdelay $0x1  }
0x207: {  	v7 =	vmul.f32 v7, v5;
	v8 =	vmul.f32 v8, v5;
	v6 =	vadd.f32 $-2.480158760e-05, v6;
	_ =	sdelay $0x1  }
0x208: {  	v7 =	vadd.f32 $-1.388888920e-03, v7;
	v8 =	vadd.f32 $-1.984127010e-04, v8;
	v6 =	vmul.f32 v6, v5;
	_ =	sdelay $0x1  }
0x209: {  	v7 =	vmul.f32 v7, v5;
	v8 =	vmul.f32 v8, v5;
	v6 =	vadd.f32 $1.388888920e-03, v6;
	_ =	sdelay $0x1  }
0x20a: {  	v7 =	vadd.f32 $4.166666790e-02, v7;
	v8 =	vadd.f32 $8.333333770e-03, v8;
	v6 =	vmul.f32 v6, v5;
	_ =	sdelay $0x1  }
0x20b: {  	v7 =	vmul.f32 v7, v5;
	v8 =	vmul.f32 v8, v5;
	v6 =	vadd.f32 $-4.166666790e-02, v6;
	_ =	sdelay $0x1  }
0x20c: {  	v7 =	vadd.f32 $-5.000000000e-01, v7;
	v8 =	vadd.f32 $-1.666666720e-01, v8;
	v6 =	vmul.f32 v6, v5;
	_ =	sdelay $0x1  }
0x20d: {  	v7 =	vmul.f32 v7, v5;
	v5 =	vmul.f32 v8, v5;
	v6 =	vadd.f32 $5.000000000e-01, v6;
	_ =	sdelay $0x1  }
0x20e: {  	v5 =	vadd.f32 $1.000000000e+00, v5;
	v13 =	vmul.f32 v6, v3  }
0x20f: {  	v17 =	vadd.s32 $0x27, v1;
	v10 =	vadd.s32 $0x24, v1;
	v12 =	vadd.s32 $0x25, v1  }
0x210: {  	v7 =	vadd.f32 $1.000000000e+00, v7;
	v14 =	vmul.f32 v5, v2;
	v8 =	vmul.f32 v13, v3  }
0x211: {  	v15 =	vadd.s32 $0x26, v1;
	v16 =	vmul.f32 v5, v4;
	v9 =	vmul.f32 v13, v4  }
0x212: {  	v11 =	vmul.f32 v13, v2;
	v13 =	vmul.f32 v6, v4;
	v8 =	vadd.f32 v8, v7  }
0x213: {  	v63 =	vadd.s32 $0x28, v1;
	v3 =	vmul.f32 v5, v3;
	v5 =	vsub.f32 v9, v14  }
0x214: {  	v4 =	vmul.f32 v13, v4;
	[tilespmem:v10+s20+$0x0] =	vst.idx.msk $0xffff, v8;
	v8 =	vadd.f32 v11, v16;
	v10 =	vadd.s32 $0x29, v1  }
0x215: {  	v13 =	vmul.f32 v13, v2;
	v9 =	vadd.f32 v9, v14;
	[tilespmem:v12+s20+$0x0] =	vst.idx.msk $0xffff, v5;
	v5 =	vadd.s32 $0x2A, v1  }
0x216: {  	v6 =	vmul.f32 v6, v2;
	v4 =	vadd.f32 v4, v7;
	[tilespmem:v15+s20+$0x0] =	vst.idx.msk $0xffff, v8;
	v8 =	vadd.s32 $0x2B, v1  }
0x217: {  	v14 =	vadd.s32 $0x2C, v1;
	v12 =	vsub.f32 v13, v3;
	[tilespmem:v17+s20+$0x0] =	vst.idx.msk $0xffff, v9  }
0x218: {  	v2 =	vmul.f32 v6, v2;
	v11 =	vsub.f32 v11, v16;
	v15 =	vadd.s32 $0x18C, v0;
	[tilespmem:v63+s20+$0x0] =	vst.idx.msk $0xffff, v4  }
0x219: {  	v3 =	vadd.f32 v13, v3;
	v63 =	vadd.s32 $0x18D, v0;
	[tilespmem:v10+s20+$0x0] =	vst.idx.msk $0xffff, v12  }
0x21a: {  	v2 =	vadd.f32 v2, v7;
	[tilespmem:v5+s20+$0x0] =	vst.idx.msk $0xffff, v11  }
0x21b: {  	[tilespmem:v8+s20+$0x0] =	vst.idx.msk $0xffff, v3;
	v3 =	vadd.s32 $0x18E, v0  }
0x21c: {  	[tilespmem:v14+s20+$0x0] =	vst.idx.msk $0xffff, v2  }
0x21d: {  	v2 =	vld.idx.msk [tilespmem:v15+s16+$0x0], $0xffff  }
0x21e: {  	v4 =	vld.idx.msk [tilespmem:v63+s16+$0x0], $0xffff;
	_ =	sdelay $0x1  }
0x21f: {  	v3 =	vld.idx.msk [tilespmem:v3+s16+$0x0], $0xffff;
	_ =	sdelay $0x2  }
0x220: {  	v9 =	vadd.f32 $9.999999930e-09, v2;
	v6 =	vadd.f32 $9.999999930e-09, v4;
	_ =	sdelay $0x1  }
0x221: {  	v5 =	vmul.f32 v9, v9;
	v6 =	vmul.f32 v6, v6;
	v10 =	vadd.f32 $9.999999930e-09, v3;
	_ =	sdelay $0x1  }
0x222: {  	v5 =	vadd.f32 v6, v5;
	v11 =	vmul.f32 v10, v10;
	_ =	sdelay $0x1  }
0x223: {  	v5 =	vadd.f32 v11, v5;
	_ =	sdelay $0x1  }
0x224: {  	v6 =	vmul.f32 $3.455103170e-19, v5;
	_ =	sdelay $0x1  }
0x225: {  	v6 =	vsub.f32 $1.540196930e-16, v6  }
0x226: {  	v12 =	vmul.f32 $1.263920730e-16, v5;
	v13 =	vmul.f32 $6.789281750e-18, v5  }
0x227: {  	v6 =	vmul.f32 v6, v5  }
0x228: {  	v7 =	vsub.f32 $4.681239390e-14, v12;
	v8 =	vsub.f32 $2.764120500e-15, v13  }
0x229: {  	v6 =	vadd.f32 $-4.775413870e-14, v6  }
0x22a: {  	v7 =	vmul.f32 v7, v5;
	v8 =	vmul.f32 v8, v5  }
0x22b: {  	v6 =	vmul.f32 v6, v5  }
0x22c: {  	v7 =	vadd.f32 $-1.145243280e-11, v7;
	v8 =	vadd.f32 $-7.638324650e-13, v8  }
0x22d: {  	v6 =	vadd.f32 $1.147028050e-11, v6  }
0x22e: {  	v7 =	vmul.f32 v7, v5;
	v8 =	vmul.f32 v8, v5  }
0x22f: {  	v6 =	vmul.f32 v6, v5  }
0x230: {  	v7 =	vadd.f32 $2.087466640e-09, v7;
	v8 =	vadd.f32 $1.605803410e-10, v8  }
0x231: {  	v6 =	vadd.f32 $-2.087672260e-09, v6  }
0x232: {  	v7 =	vmul.f32 v7, v5;
	v8 =	vmul.f32 v8, v5  }
0x233: {  	v6 =	vmul.f32 v6, v5  }
0x234: {  	v7 =	vadd.f32 $-2.755716930e-07, v7;
	v8 =	vadd.f32 $-2.505203690e-08, v8  }
0x235: {  	v6 =	vadd.f32 $2.755731710e-07, v6  }
0x236: {  	v7 =	vmul.f32 v7, v5;
	v8 =	vmul.f32 v8, v5  }
0x237: {  	v6 =	vmul.f32 v6, v5  }
0x238: {  	v7 =	vadd.f32 $2.480158040e-05, v7;
	v8 =	vadd.f32 $2.755731660e-06, v8  }
0x239: {  	v6 =	vadd.f32 $-2.480158760e-05, v6  }
0x23a: {  	v7 =	vmul.f32 v7, v5;
	v8 =	vmul.f32 v8, v5  }
0x23b: {  	v6 =	vmul.f32 v6, v5  }
0x23c: {  	v7 =	vadd.f32 $-1.388888920e-03, v7;
	v8 =	vadd.f32 $-1.984127010e-04, v8  }
0x23d: {  	v6 =	vadd.f32 $1.388888920e-03, v6  }
0x23e: {  	v7 =	vmul.f32 v7, v5;
	v8 =	vmul.f32 v8, v5  }
0x23f: {  	v6 =	vmul.f32 v6, v5  }
0x240: {  	v7 =	vadd.f32 $4.166666790e-02, v7;
	v8 =	vadd.f32 $8.333333770e-03, v8  }
0x241: {  	v6 =	vadd.f32 $-4.166666790e-02, v6  }
0x242: {  	v7 =	vmul.f32 v7, v5;
	v8 =	vmul.f32 v8, v5  }
0x243: {  	v6 =	vmul.f32 v6, v5  }
0x244: {  	v7 =	vadd.f32 $-5.000000000e-01, v7;
	v8 =	vadd.f32 $-1.666666720e-01, v8  }
0x245: {  	v6 =	vadd.f32 $5.000000000e-01, v6  }
0x246: {  	v7 =	vmul.f32 v7, v5;
	v5 =	vmul.f32 v8, v5  }
0x247: {  	v17 =	vadd.s32 $0x4A7, v1;
	v14 =	vmul.f32 v6, v2  }
0x248: {  	v10 =	vadd.s32 $0x4A4, v1;
	v12 =	vadd.s32 $0x4A5, v1;
	v5 =	vadd.f32 $1.000000000e+00, v5  }
0x249: {  	v7 =	vadd.f32 $1.000000000e+00, v7;
	v9 =	vmul.f32 v14, v4;
	v8 =	vmul.f32 v14, v2  }
0x24a: {  	v15 =	vadd.s32 $0x4A6, v1;
	v11 =	vmul.f32 v14, v3;
	v14 =	vmul.f32 v5, v3  }
0x24b: {  	v13 =	vmul.f32 v6, v4;
	v16 =	vmul.f32 v5, v4;
	v8 =	vadd.f32 v8, v7  }
0x24c: {  	v63 =	vadd.s32 $0x4A8, v1;
	v2 =	vmul.f32 v5, v2;
	v5 =	vsub.f32 v9, v14  }
0x24d: {  	v4 =	vmul.f32 v13, v4;
	[tilespmem:v10+s20+$0x0] =	vst.idx.msk $0xffff, v8;
	v8 =	vadd.f32 v11, v16;
	v10 =	vadd.s32 $0x4A9, v1  }
0x24e: {  	v13 =	vmul.f32 v13, v3;
	v9 =	vadd.f32 v9, v14;
	[tilespmem:v12+s20+$0x0] =	vst.idx.msk $0xffff, v5;
	v5 =	vadd.s32 $0x4AA, v1  }
0x24f: {  	v6 =	vmul.f32 v6, v3;
	v4 =	vadd.f32 v4, v7;
	[tilespmem:v15+s20+$0x0] =	vst.idx.msk $0xffff, v8;
	v8 =	vadd.s32 $0x4AB, v1  }
0x250: {  	v12 =	vsub.f32 v13, v2;
	v15 =	vadd.s32 $0x4AC, v1;
	[tilespmem:v17+s20+$0x0] =	vst.idx.msk $0xffff, v9  }
0x251: {  	v3 =	vmul.f32 v6, v3;
	v11 =	vsub.f32 v11, v16;
	[tilespmem:v63+s20+$0x0] =	vst.idx.msk $0xffff, v4;
	v63 =	vadd.s32 $0xF, v0  }
0x252: {  	v2 =	vadd.f32 v13, v2;
	[tilespmem:v10+s20+$0x0] =	vst.idx.msk $0xffff, v12;
	v12 =	vadd.s32 $0x10, v0  }
0x253: {  	v3 =	vadd.f32 v3, v7;
	[tilespmem:v5+s20+$0x0] =	vst.idx.msk $0xffff, v11  }
0x254: {  	[tilespmem:v8+s20+$0x0] =	vst.idx.msk $0xffff, v2;
	v2 =	vadd.s32 $0x11, v0  }
0x255: {  	[tilespmem:v15+s20+$0x0] =	vst.idx.msk $0xffff, v3  }
0x256: {  	v3 =	vld.idx.msk [tilespmem:v63+s16+$0x0], $0xffff  }
0x257: {  	v4 =	vld.idx.msk [tilespmem:v12+s16+$0x0], $0xffff;
	_ =	sdelay $0x1  }
0x258: {  	v2 =	vld.idx.msk [tilespmem:v2+s16+$0x0], $0xffff;
	_ =	sdelay $0x2  }
0x259: {  	v13 =	vadd.f32 $9.999999930e-09, v3;
	v6 =	vadd.f32 $9.999999930e-09, v4;
	_ =	sdelay $0x1  }
0x25a: {  	v5 =	vmul.f32 v13, v13;
	v14 =	vadd.f32 $9.999999930e-09, v2;
	v6 =	vmul.f32 v6, v6;
	_ =	sdelay $0x1  }
0x25b: {  	v5 =	vadd.f32 v6, v5;
	v15 =	vmul.f32 v14, v14;
	_ =	sdelay $0x1  }
0x25c: {  	v5 =	vadd.f32 v15, v5;
	_ =	sdelay $0x1  }
0x25d: {  	v6 =	vmul.f32 $3.455103170e-19, v5;
	_ =	sdelay $0x1  }
0x25e: {  	v63 =	vmul.f32 $1.263920730e-16, v5;
	v12 =	vmul.f32 $6.789281750e-18, v5;
	v6 =	vsub.f32 $1.540196930e-16, v6;
	_ =	sdelay $0x1  }
0x25f: {  	v7 =	vsub.f32 $4.681239390e-14, v63;
	v8 =	vsub.f32 $2.764120500e-15, v12;
	v6 =	vmul.f32 v6, v5;
	_ =	sdelay $0x1  }
0x260: {  	v7 =	vmul.f32 v7, v5;
	v8 =	vmul.f32 v8, v5;
	v6 =	vadd.f32 $-4.775413870e-14, v6;
	_ =	sdelay $0x1  }
0x261: {  	v7 =	vadd.f32 $-1.145243280e-11, v7;
	v8 =	vadd.f32 $-7.638324650e-13, v8;
	v6 =	vmul.f32 v6, v5;
	_ =	sdelay $0x1  }
0x262: {  	v7 =	vmul.f32 v7, v5;
	v8 =	vmul.f32 v8, v5;
	v6 =	vadd.f32 $1.147028050e-11, v6;
	_ =	sdelay $0x1  }
0x263: {  	v7 =	vadd.f32 $2.087466640e-09, v7;
	v8 =	vadd.f32 $1.605803410e-10, v8;
	v6 =	vmul.f32 v6, v5;
	_ =	sdelay $0x1  }
0x264: {  	v7 =	vmul.f32 v7, v5;
	v8 =	vmul.f32 v8, v5;
	v6 =	vadd.f32 $-2.087672260e-09, v6;
	_ =	sdelay $0x1  }
0x265: {  	v7 =	vadd.f32 $-2.755716930e-07, v7;
	v8 =	vadd.f32 $-2.505203690e-08, v8;
	v6 =	vmul.f32 v6, v5;
	_ =	sdelay $0x1  }
0x266: {  	v7 =	vmul.f32 v7, v5;
	v8 =	vmul.f32 v8, v5;
	v6 =	vadd.f32 $2.755731710e-07, v6;
	_ =	sdelay $0x1  }
0x267: {  	v7 =	vadd.f32 $2.480158040e-05, v7;
	v8 =	vadd.f32 $2.755731660e-06, v8;
	v6 =	vmul.f32 v6, v5;
	_ =	sdelay $0x1  }
0x268: {  	v7 =	vmul.f32 v7, v5;
	v8 =	vmul.f32 v8, v5;
	v6 =	vadd.f32 $-2.480158760e-05, v6;
	_ =	sdelay $0x1  }
0x269: {  	v7 =	vadd.f32 $-1.388888920e-03, v7;
	v8 =	vadd.f32 $-1.984127010e-04, v8;
	v6 =	vmul.f32 v6, v5;
	_ =	sdelay $0x1  }
0x26a: {  	v7 =	vmul.f32 v7, v5;
	v8 =	vmul.f32 v8, v5;
	v6 =	vadd.f32 $1.388888920e-03, v6;
	_ =	sdelay $0x1  }
0x26b: {  	v7 =	vadd.f32 $4.166666790e-02, v7;
	v8 =	vadd.f32 $8.333333770e-03, v8;
	v6 =	vmul.f32 v6, v5;
	_ =	sdelay $0x1  }
0x26c: {  	v7 =	vmul.f32 v7, v5;
	v8 =	vmul.f32 v8, v5;
	v6 =	vadd.f32 $-4.166666790e-02, v6;
	_ =	sdelay $0x1  }
0x26d: {  	v7 =	vadd.f32 $-5.000000000e-01, v7;
	v8 =	vadd.f32 $-1.666666720e-01, v8;
	v6 =	vmul.f32 v6, v5;
	_ =	sdelay $0x1  }
0x26e: {  	v7 =	vmul.f32 v7, v5;
	v5 =	vmul.f32 v8, v5;
	v6 =	vadd.f32 $5.000000000e-01, v6;
	_ =	sdelay $0x1  }
0x26f: {  	v5 =	vadd.f32 $1.000000000e+00, v5;
	v13 =	vmul.f32 v6, v3  }
0x270: {  	v17 =	vadd.s32 $0x30, v1;
	v10 =	vadd.s32 $0x2D, v1;
	v12 =	vadd.s32 $0x2E, v1  }
0x271: {  	v7 =	vadd.f32 $1.000000000e+00, v7;
	v14 =	vmul.f32 v5, v2;
	v8 =	vmul.f32 v13, v3  }
0x272: {  	v15 =	vadd.s32 $0x2F, v1;
	v16 =	vmul.f32 v5, v4;
	v9 =	vmul.f32 v13, v4  }
0x273: {  	v11 =	vmul.f32 v13, v2;
	v13 =	vmul.f32 v6, v4;
	v8 =	vadd.f32 v8, v7  }
0x274: {  	v63 =	vadd.s32 $0x31, v1;
	v3 =	vmul.f32 v5, v3;
	v5 =	vsub.f32 v9, v14  }
0x275: {  	v4 =	vmul.f32 v13, v4;
	[tilespmem:v10+s20+$0x0] =	vst.idx.msk $0xffff, v8;
	v8 =	vadd.f32 v11, v16;
	v10 =	vadd.s32 $0x32, v1  }
0x276: {  	v13 =	vmul.f32 v13, v2;
	v9 =	vadd.f32 v9, v14;
	[tilespmem:v12+s20+$0x0] =	vst.idx.msk $0xffff, v5;
	v5 =	vadd.s32 $0x33, v1  }
0x277: {  	v6 =	vmul.f32 v6, v2;
	v4 =	vadd.f32 v4, v7;
	[tilespmem:v15+s20+$0x0] =	vst.idx.msk $0xffff, v8;
	v8 =	vadd.s32 $0x34, v1  }
0x278: {  	v14 =	vadd.s32 $0x35, v1;
	v12 =	vsub.f32 v13, v3;
	[tilespmem:v17+s20+$0x0] =	vst.idx.msk $0xffff, v9  }
0x279: {  	v2 =	vmul.f32 v6, v2;
	v11 =	vsub.f32 v11, v16;
	v15 =	vadd.s32 $0x18F, v0;
	[tilespmem:v63+s20+$0x0] =	vst.idx.msk $0xffff, v4  }
0x27a: {  	v3 =	vadd.f32 v13, v3;
	v63 =	vadd.s32 $0x190, v0;
	[tilespmem:v10+s20+$0x0] =	vst.idx.msk $0xffff, v12  }
0x27b: {  	v2 =	vadd.f32 v2, v7;
	[tilespmem:v5+s20+$0x0] =	vst.idx.msk $0xffff, v11  }
0x27c: {  	[tilespmem:v8+s20+$0x0] =	vst.idx.msk $0xffff, v3;
	v3 =	vadd.s32 $0x191, v0  }
0x27d: {  	[tilespmem:v14+s20+$0x0] =	vst.idx.msk $0xffff, v2  }
0x27e: {  	v2 =	vld.idx.msk [tilespmem:v15+s16+$0x0], $0xffff  }
0x27f: {  	v4 =	vld.idx.msk [tilespmem:v63+s16+$0x0], $0xffff;
	_ =	sdelay $0x1  }
0x280: {  	v3 =	vld.idx.msk [tilespmem:v3+s16+$0x0], $0xffff;
	_ =	sdelay $0x2  }
0x281: {  	v9 =	vadd.f32 $9.999999930e-09, v2;
	v6 =	vadd.f32 $9.999999930e-09, v4;
	_ =	sdelay $0x1  }
0x282: {  	v5 =	vmul.f32 v9, v9;
	v6 =	vmul.f32 v6, v6;
	v10 =	vadd.f32 $9.999999930e-09, v3;
	_ =	sdelay $0x1  }
0x283: {  	v5 =	vadd.f32 v6, v5;
	v11 =	vmul.f32 v10, v10;
	_ =	sdelay $0x1  }
0x284: {  	v5 =	vadd.f32 v11, v5;
	_ =	sdelay $0x1  }
0x285: {  	v6 =	vmul.f32 $3.455103170e-19, v5;
	_ =	sdelay $0x1  }
0x286: {  	v6 =	vsub.f32 $1.540196930e-16, v6  }
0x287: {  	v12 =	vmul.f32 $1.263920730e-16, v5;
	v13 =	vmul.f32 $6.789281750e-18, v5  }
0x288: {  	v6 =	vmul.f32 v6, v5  }
0x289: {  	v7 =	vsub.f32 $4.681239390e-14, v12;
	v8 =	vsub.f32 $2.764120500e-15, v13  }
0x28a: {  	v6 =	vadd.f32 $-4.775413870e-14, v6  }
0x28b: {  	v7 =	vmul.f32 v7, v5;
	v8 =	vmul.f32 v8, v5  }
0x28c: {  	v6 =	vmul.f32 v6, v5  }
0x28d: {  	v7 =	vadd.f32 $-1.145243280e-11, v7;
	v8 =	vadd.f32 $-7.638324650e-13, v8  }
0x28e: {  	v6 =	vadd.f32 $1.147028050e-11, v6  }
0x28f: {  	v7 =	vmul.f32 v7, v5;
	v8 =	vmul.f32 v8, v5  }
0x290: {  	v6 =	vmul.f32 v6, v5  }
0x291: {  	v7 =	vadd.f32 $2.087466640e-09, v7;
	v8 =	vadd.f32 $1.605803410e-10, v8  }
0x292: {  	v6 =	vadd.f32 $-2.087672260e-09, v6  }
0x293: {  	v7 =	vmul.f32 v7, v5;
	v8 =	vmul.f32 v8, v5  }
0x294: {  	v6 =	vmul.f32 v6, v5  }
0x295: {  	v7 =	vadd.f32 $-2.755716930e-07, v7;
	v8 =	vadd.f32 $-2.505203690e-08, v8  }
0x296: {  	v6 =	vadd.f32 $2.755731710e-07, v6  }
0x297: {  	v7 =	vmul.f32 v7, v5;
	v8 =	vmul.f32 v8, v5  }
0x298: {  	v6 =	vmul.f32 v6, v5  }
0x299: {  	v7 =	vadd.f32 $2.480158040e-05, v7;
	v8 =	vadd.f32 $2.755731660e-06, v8  }
0x29a: {  	v6 =	vadd.f32 $-2.480158760e-05, v6  }
0x29b: {  	v7 =	vmul.f32 v7, v5;
	v8 =	vmul.f32 v8, v5  }
0x29c: {  	v6 =	vmul.f32 v6, v5  }
0x29d: {  	v7 =	vadd.f32 $-1.388888920e-03, v7;
	v8 =	vadd.f32 $-1.984127010e-04, v8  }
0x29e: {  	v6 =	vadd.f32 $1.388888920e-03, v6  }
0x29f: {  	v7 =	vmul.f32 v7, v5;
	v8 =	vmul.f32 v8, v5  }
0x2a0: {  	v6 =	vmul.f32 v6, v5  }
0x2a1: {  	v7 =	vadd.f32 $4.166666790e-02, v7;
	v8 =	vadd.f32 $8.333333770e-03, v8  }
0x2a2: {  	v6 =	vadd.f32 $-4.166666790e-02, v6  }
0x2a3: {  	v7 =	vmul.f32 v7, v5;
	v8 =	vmul.f32 v8, v5  }
0x2a4: {  	v6 =	vmul.f32 v6, v5  }
0x2a5: {  	v7 =	vadd.f32 $-5.000000000e-01, v7;
	v8 =	vadd.f32 $-1.666666720e-01, v8  }
0x2a6: {  	v6 =	vadd.f32 $5.000000000e-01, v6  }
0x2a7: {  	v7 =	vmul.f32 v7, v5;
	v5 =	vmul.f32 v8, v5  }
0x2a8: {  	v17 =	vadd.s32 $0x4B0, v1;
	v14 =	vmul.f32 v6, v2  }
0x2a9: {  	v10 =	vadd.s32 $0x4AD, v1;
	v12 =	vadd.s32 $0x4AE, v1;
	v5 =	vadd.f32 $1.000000000e+00, v5  }
0x2aa: {  	v7 =	vadd.f32 $1.000000000e+00, v7;
	v9 =	vmul.f32 v14, v4;
	v8 =	vmul.f32 v14, v2  }
0x2ab: {  	v15 =	vadd.s32 $0x4AF, v1;
	v11 =	vmul.f32 v14, v3;
	v14 =	vmul.f32 v5, v3  }
0x2ac: {  	v13 =	vmul.f32 v6, v4;
	v16 =	vmul.f32 v5, v4;
	v8 =	vadd.f32 v8, v7  }
0x2ad: {  	v63 =	vadd.s32 $0x4B1, v1;
	v2 =	vmul.f32 v5, v2;
	v5 =	vsub.f32 v9, v14  }
0x2ae: {  	v4 =	vmul.f32 v13, v4;
	[tilespmem:v10+s20+$0x0] =	vst.idx.msk $0xffff, v8;
	v8 =	vadd.f32 v11, v16;
	v10 =	vadd.s32 $0x4B2, v1  }
0x2af: {  	v13 =	vmul.f32 v13, v3;
	v9 =	vadd.f32 v9, v14;
	[tilespmem:v12+s20+$0x0] =	vst.idx.msk $0xffff, v5;
	v5 =	vadd.s32 $0x4B3, v1  }
0x2b0: {  	v6 =	vmul.f32 v6, v3;
	v4 =	vadd.f32 v4, v7;
	[tilespmem:v15+s20+$0x0] =	vst.idx.msk $0xffff, v8;
	v8 =	vadd.s32 $0x4B4, v1  }
0x2b1: {  	v12 =	vsub.f32 v13, v2;
	v15 =	vadd.s32 $0x4B5, v1;
	[tilespmem:v17+s20+$0x0] =	vst.idx.msk $0xffff, v9  }
0x2b2: {  	v3 =	vmul.f32 v6, v3;
	v11 =	vsub.f32 v11, v16;
	[tilespmem:v63+s20+$0x0] =	vst.idx.msk $0xffff, v4;
	v63 =	vadd.s32 $0x12, v0  }
0x2b3: {  	v2 =	vadd.f32 v13, v2;
	[tilespmem:v10+s20+$0x0] =	vst.idx.msk $0xffff, v12;
	v12 =	vadd.s32 $0x13, v0  }
0x2b4: {  	v3 =	vadd.f32 v3, v7;
	[tilespmem:v5+s20+$0x0] =	vst.idx.msk $0xffff, v11  }
0x2b5: {  	[tilespmem:v8+s20+$0x0] =	vst.idx.msk $0xffff, v2;
	v2 =	vadd.s32 $0x14, v0  }
0x2b6: {  	[tilespmem:v15+s20+$0x0] =	vst.idx.msk $0xffff, v3  }
0x2b7: {  	v3 =	vld.idx.msk [tilespmem:v63+s16+$0x0], $0xffff  }
0x2b8: {  	v4 =	vld.idx.msk [tilespmem:v12+s16+$0x0], $0xffff;
	_ =	sdelay $0x1  }
0x2b9: {  	v2 =	vld.idx.msk [tilespmem:v2+s16+$0x0], $0xffff;
	_ =	sdelay $0x2  }
0x2ba: {  	v13 =	vadd.f32 $9.999999930e-09, v3;
	v6 =	vadd.f32 $9.999999930e-09, v4;
	_ =	sdelay $0x1  }
0x2bb: {  	v5 =	vmul.f32 v13, v13;
	v14 =	vadd.f32 $9.999999930e-09, v2;
	v6 =	vmul.f32 v6, v6;
	_ =	sdelay $0x1  }
0x2bc: {  	v5 =	vadd.f32 v6, v5;
	v15 =	vmul.f32 v14, v14;
	_ =	sdelay $0x1  }
0x2bd: {  	v5 =	vadd.f32 v15, v5;
	_ =	sdelay $0x1  }
0x2be: {  	v6 =	vmul.f32 $3.455103170e-19, v5;
	_ =	sdelay $0x1  }
0x2bf: {  	v63 =	vmul.f32 $1.263920730e-16, v5;
	v12 =	vmul.f32 $6.789281750e-18, v5;
	v6 =	vsub.f32 $1.540196930e-16, v6;
	_ =	sdelay $0x1  }
0x2c0: {  	v7 =	vsub.f32 $4.681239390e-14, v63;
	v8 =	vsub.f32 $2.764120500e-15, v12;
	v6 =	vmul.f32 v6, v5;
	_ =	sdelay $0x1  }
0x2c1: {  	v7 =	vmul.f32 v7, v5;
	v8 =	vmul.f32 v8, v5;
	v6 =	vadd.f32 $-4.775413870e-14, v6;
	_ =	sdelay $0x1  }
0x2c2: {  	v7 =	vadd.f32 $-1.145243280e-11, v7;
	v8 =	vadd.f32 $-7.638324650e-13, v8;
	v6 =	vmul.f32 v6, v5;
	_ =	sdelay $0x1  }
0x2c3: {  	v7 =	vmul.f32 v7, v5;
	v8 =	vmul.f32 v8, v5;
	v6 =	vadd.f32 $1.147028050e-11, v6;
	_ =	sdelay $0x1  }
0x2c4: {  	v7 =	vadd.f32 $2.087466640e-09, v7;
	v8 =	vadd.f32 $1.605803410e-10, v8;
	v6 =	vmul.f32 v6, v5;
	_ =	sdelay $0x1  }
0x2c5: {  	v7 =	vmul.f32 v7, v5;
	v8 =	vmul.f32 v8, v5;
	v6 =	vadd.f32 $-2.087672260e-09, v6;
	_ =	sdelay $0x1  }
0x2c6: {  	v7 =	vadd.f32 $-2.755716930e-07, v7;
	v8 =	vadd.f32 $-2.505203690e-08, v8;
	v6 =	vmul.f32 v6, v5;
	_ =	sdelay $0x1  }
0x2c7: {  	v7 =	vmul.f32 v7, v5;
	v8 =	vmul.f32 v8, v5;
	v6 =	vadd.f32 $2.755731710e-07, v6;
	_ =	sdelay $0x1  }
0x2c8: {  	v7 =	vadd.f32 $2.480158040e-05, v7;
	v8 =	vadd.f32 $2.755731660e-06, v8;
	v6 =	vmul.f32 v6, v5;
	_ =	sdelay $0x1  }
0x2c9: {  	v7 =	vmul.f32 v7, v5;
	v8 =	vmul.f32 v8, v5;
	v6 =	vadd.f32 $-2.480158760e-05, v6;
	_ =	sdelay $0x1  }
0x2ca: {  	v7 =	vadd.f32 $-1.388888920e-03, v7;
	v8 =	vadd.f32 $-1.984127010e-04, v8;
	v6 =	vmul.f32 v6, v5;
	_ =	sdelay $0x1  }
0x2cb: {  	v7 =	vmul.f32 v7, v5;
	v8 =	vmul.f32 v8, v5;
	v6 =	vadd.f32 $1.388888920e-03, v6;
	_ =	sdelay $0x1  }
0x2cc: {  	v7 =	vadd.f32 $4.166666790e-02, v7;
	v8 =	vadd.f32 $8.333333770e-03, v8;
	v6 =	vmul.f32 v6, v5;
	_ =	sdelay $0x1  }
0x2cd: {  	v7 =	vmul.f32 v7, v5;
	v8 =	vmul.f32 v8, v5;
	v6 =	vadd.f32 $-4.166666790e-02, v6;
	_ =	sdelay $0x1  }
0x2ce: {  	v7 =	vadd.f32 $-5.000000000e-01, v7;
	v8 =	vadd.f32 $-1.666666720e-01, v8;
	v6 =	vmul.f32 v6, v5;
	_ =	sdelay $0x1  }
0x2cf: {  	v7 =	vmul.f32 v7, v5;
	v5 =	vmul.f32 v8, v5;
	v6 =	vadd.f32 $5.000000000e-01, v6;
	_ =	sdelay $0x1  }
0x2d0: {  	v5 =	vadd.f32 $1.000000000e+00, v5;
	v13 =	vmul.f32 v6, v3  }
0x2d1: {  	v17 =	vadd.s32 $0x39, v1;
	v10 =	vadd.s32 $0x36, v1;
	v12 =	vadd.s32 $0x37, v1  }
0x2d2: {  	v7 =	vadd.f32 $1.000000000e+00, v7;
	v14 =	vmul.f32 v5, v2;
	v8 =	vmul.f32 v13, v3  }
0x2d3: {  	v15 =	vadd.s32 $0x38, v1;
	v16 =	vmul.f32 v5, v4;
	v9 =	vmul.f32 v13, v4  }
0x2d4: {  	v11 =	vmul.f32 v13, v2;
	v13 =	vmul.f32 v6, v4;
	v8 =	vadd.f32 v8, v7  }
0x2d5: {  	v63 =	vadd.s32 $0x3A, v1;
	v3 =	vmul.f32 v5, v3;
	v5 =	vsub.f32 v9, v14  }
0x2d6: {  	v4 =	vmul.f32 v13, v4;
	[tilespmem:v10+s20+$0x0] =	vst.idx.msk $0xffff, v8;
	v8 =	vadd.f32 v11, v16;
	v10 =	vadd.s32 $0x3B, v1  }
0x2d7: {  	v13 =	vmul.f32 v13, v2;
	v9 =	vadd.f32 v9, v14;
	[tilespmem:v12+s20+$0x0] =	vst.idx.msk $0xffff, v5;
	v5 =	vadd.s32 $0x3C, v1  }
0x2d8: {  	v6 =	vmul.f32 v6, v2;
	v4 =	vadd.f32 v4, v7;
	[tilespmem:v15+s20+$0x0] =	vst.idx.msk $0xffff, v8;
	v8 =	vadd.s32 $0x3D, v1  }
0x2d9: {  	v14 =	vadd.s32 $0x3E, v1;
	v12 =	vsub.f32 v13, v3;
	[tilespmem:v17+s20+$0x0] =	vst.idx.msk $0xffff, v9  }
0x2da: {  	v2 =	vmul.f32 v6, v2;
	v11 =	vsub.f32 v11, v16;
	v15 =	vadd.s32 $0x192, v0;
	[tilespmem:v63+s20+$0x0] =	vst.idx.msk $0xffff, v4  }
0x2db: {  	v3 =	vadd.f32 v13, v3;
	v63 =	vadd.s32 $0x193, v0;
	[tilespmem:v10+s20+$0x0] =	vst.idx.msk $0xffff, v12  }
0x2dc: {  	v2 =	vadd.f32 v2, v7;
	[tilespmem:v5+s20+$0x0] =	vst.idx.msk $0xffff, v11  }
0x2dd: {  	[tilespmem:v8+s20+$0x0] =	vst.idx.msk $0xffff, v3;
	v3 =	vadd.s32 $0x194, v0  }
0x2de: {  	[tilespmem:v14+s20+$0x0] =	vst.idx.msk $0xffff, v2  }
0x2df: {  	v2 =	vld.idx.msk [tilespmem:v15+s16+$0x0], $0xffff  }
0x2e0: {  	v4 =	vld.idx.msk [tilespmem:v63+s16+$0x0], $0xffff;
	_ =	sdelay $0x1  }
0x2e1: {  	v3 =	vld.idx.msk [tilespmem:v3+s16+$0x0], $0xffff;
	_ =	sdelay $0x2  }
0x2e2: {  	v9 =	vadd.f32 $9.999999930e-09, v2;
	v6 =	vadd.f32 $9.999999930e-09, v4;
	_ =	sdelay $0x1  }
0x2e3: {  	v5 =	vmul.f32 v9, v9;
	v6 =	vmul.f32 v6, v6;
	v10 =	vadd.f32 $9.999999930e-09, v3;
	_ =	sdelay $0x1  }
0x2e4: {  	v5 =	vadd.f32 v6, v5;
	v11 =	vmul.f32 v10, v10;
	_ =	sdelay $0x1  }
0x2e5: {  	v5 =	vadd.f32 v11, v5;
	_ =	sdelay $0x1  }
0x2e6: {  	v6 =	vmul.f32 $3.455103170e-19, v5;
	_ =	sdelay $0x1  }
0x2e7: {  	v6 =	vsub.f32 $1.540196930e-16, v6  }
0x2e8: {  	v12 =	vmul.f32 $1.263920730e-16, v5;
	v13 =	vmul.f32 $6.789281750e-18, v5  }
0x2e9: {  	v6 =	vmul.f32 v6, v5  }
0x2ea: {  	v7 =	vsub.f32 $4.681239390e-14, v12;
	v8 =	vsub.f32 $2.764120500e-15, v13  }
0x2eb: {  	v6 =	vadd.f32 $-4.775413870e-14, v6  }
0x2ec: {  	v7 =	vmul.f32 v7, v5;
	v8 =	vmul.f32 v8, v5  }
0x2ed: {  	v6 =	vmul.f32 v6, v5  }
0x2ee: {  	v7 =	vadd.f32 $-1.145243280e-11, v7;
	v8 =	vadd.f32 $-7.638324650e-13, v8  }
0x2ef: {  	v6 =	vadd.f32 $1.147028050e-11, v6  }
0x2f0: {  	v7 =	vmul.f32 v7, v5;
	v8 =	vmul.f32 v8, v5  }
0x2f1: {  	v6 =	vmul.f32 v6, v5  }
0x2f2: {  	v7 =	vadd.f32 $2.087466640e-09, v7;
	v8 =	vadd.f32 $1.605803410e-10, v8  }
0x2f3: {  	v6 =	vadd.f32 $-2.087672260e-09, v6  }
0x2f4: {  	v7 =	vmul.f32 v7, v5;
	v8 =	vmul.f32 v8, v5  }
0x2f5: {  	v6 =	vmul.f32 v6, v5  }
0x2f6: {  	v7 =	vadd.f32 $-2.755716930e-07, v7;
	v8 =	vadd.f32 $-2.505203690e-08, v8  }
0x2f7: {  	v6 =	vadd.f32 $2.755731710e-07, v6  }
0x2f8: {  	v7 =	vmul.f32 v7, v5;
	v8 =	vmul.f32 v8, v5  }
0x2f9: {  	v6 =	vmul.f32 v6, v5  }
0x2fa: {  	v7 =	vadd.f32 $2.480158040e-05, v7;
	v8 =	vadd.f32 $2.755731660e-06, v8  }
0x2fb: {  	v6 =	vadd.f32 $-2.480158760e-05, v6  }
0x2fc: {  	v7 =	vmul.f32 v7, v5;
	v8 =	vmul.f32 v8, v5  }
0x2fd: {  	v6 =	vmul.f32 v6, v5  }
0x2fe: {  	v7 =	vadd.f32 $-1.388888920e-03, v7;
	v8 =	vadd.f32 $-1.984127010e-04, v8  }
0x2ff: {  	v6 =	vadd.f32 $1.388888920e-03, v6  }
0x300: {  	v7 =	vmul.f32 v7, v5;
	v8 =	vmul.f32 v8, v5  }
0x301: {  	v6 =	vmul.f32 v6, v5  }
0x302: {  	v7 =	vadd.f32 $4.166666790e-02, v7;
	v8 =	vadd.f32 $8.333333770e-03, v8  }
0x303: {  	v6 =	vadd.f32 $-4.166666790e-02, v6  }
0x304: {  	v7 =	vmul.f32 v7, v5;
	v8 =	vmul.f32 v8, v5  }
0x305: {  	v6 =	vmul.f32 v6, v5  }
0x306: {  	v7 =	vadd.f32 $-5.000000000e-01, v7;
	v8 =	vadd.f32 $-1.666666720e-01, v8  }
0x307: {  	v6 =	vadd.f32 $5.000000000e-01, v6  }
0x308: {  	v7 =	vmul.f32 v7, v5;
	v5 =	vmul.f32 v8, v5  }
0x309: {  	v17 =	vadd.s32 $0x4B9, v1;
	v14 =	vmul.f32 v6, v2  }
0x30a: {  	v10 =	vadd.s32 $0x4B6, v1;
	v12 =	vadd.s32 $0x4B7, v1;
	v5 =	vadd.f32 $1.000000000e+00, v5  }
0x30b: {  	v7 =	vadd.f32 $1.000000000e+00, v7;
	v9 =	vmul.f32 v14, v4;
	v8 =	vmul.f32 v14, v2  }
0x30c: {  	v15 =	vadd.s32 $0x4B8, v1;
	v11 =	vmul.f32 v14, v3;
	v14 =	vmul.f32 v5, v3  }
0x30d: {  	v13 =	vmul.f32 v6, v4;
	v16 =	vmul.f32 v5, v4;
	v8 =	vadd.f32 v8, v7  }
0x30e: {  	v63 =	vadd.s32 $0x4BA, v1;
	v2 =	vmul.f32 v5, v2;
	v5 =	vsub.f32 v9, v14  }
0x30f: {  	v4 =	vmul.f32 v13, v4;
	[tilespmem:v10+s20+$0x0] =	vst.idx.msk $0xffff, v8;
	v8 =	vadd.f32 v11, v16;
	v10 =	vadd.s32 $0x4BB, v1  }
0x310: {  	v13 =	vmul.f32 v13, v3;
	v9 =	vadd.f32 v9, v14;
	[tilespmem:v12+s20+$0x0] =	vst.idx.msk $0xffff, v5;
	v5 =	vadd.s32 $0x4BC, v1  }
0x311: {  	v6 =	vmul.f32 v6, v3;
	v4 =	vadd.f32 v4, v7;
	[tilespmem:v15+s20+$0x0] =	vst.idx.msk $0xffff, v8;
	v8 =	vadd.s32 $0x4BD, v1  }
0x312: {  	v12 =	vsub.f32 v13, v2;
	v15 =	vadd.s32 $0x4BE, v1;
	[tilespmem:v17+s20+$0x0] =	vst.idx.msk $0xffff, v9  }
0x313: {  	v3 =	vmul.f32 v6, v3;
	v11 =	vsub.f32 v11, v16;
	[tilespmem:v63+s20+$0x0] =	vst.idx.msk $0xffff, v4;
	v63 =	vadd.s32 $0x15, v0  }
0x314: {  	v2 =	vadd.f32 v13, v2;
	[tilespmem:v10+s20+$0x0] =	vst.idx.msk $0xffff, v12;
	v12 =	vadd.s32 $0x16, v0  }
0x315: {  	v3 =	vadd.f32 v3, v7;
	[tilespmem:v5+s20+$0x0] =	vst.idx.msk $0xffff, v11  }
0x316: {  	[tilespmem:v8+s20+$0x0] =	vst.idx.msk $0xffff, v2;
	v2 =	vadd.s32 $0x17, v0  }
0x317: {  	[tilespmem:v15+s20+$0x0] =	vst.idx.msk $0xffff, v3  }
0x318: {  	v3 =	vld.idx.msk [tilespmem:v63+s16+$0x0], $0xffff  }
0x319: {  	v4 =	vld.idx.msk [tilespmem:v12+s16+$0x0], $0xffff;
	_ =	sdelay $0x1  }
0x31a: {  	v2 =	vld.idx.msk [tilespmem:v2+s16+$0x0], $0xffff;
	_ =	sdelay $0x2  }
0x31b: {  	v13 =	vadd.f32 $9.999999930e-09, v3;
	v6 =	vadd.f32 $9.999999930e-09, v4;
	_ =	sdelay $0x1  }
0x31c: {  	v5 =	vmul.f32 v13, v13;
	v14 =	vadd.f32 $9.999999930e-09, v2;
	v6 =	vmul.f32 v6, v6;
	_ =	sdelay $0x1  }
0x31d: {  	v5 =	vadd.f32 v6, v5;
	v15 =	vmul.f32 v14, v14;
	_ =	sdelay $0x1  }
0x31e: {  	v5 =	vadd.f32 v15, v5;
	_ =	sdelay $0x1  }
0x31f: {  	v6 =	vmul.f32 $3.455103170e-19, v5;
	_ =	sdelay $0x1  }
0x320: {  	v63 =	vmul.f32 $1.263920730e-16, v5;
	v12 =	vmul.f32 $6.789281750e-18, v5;
	v6 =	vsub.f32 $1.540196930e-16, v6;
	_ =	sdelay $0x1  }
0x321: {  	v7 =	vsub.f32 $4.681239390e-14, v63;
	v8 =	vsub.f32 $2.764120500e-15, v12;
	v6 =	vmul.f32 v6, v5;
	_ =	sdelay $0x1  }
0x322: {  	v7 =	vmul.f32 v7, v5;
	v8 =	vmul.f32 v8, v5;
	v6 =	vadd.f32 $-4.775413870e-14, v6;
	_ =	sdelay $0x1  }
0x323: {  	v7 =	vadd.f32 $-1.145243280e-11, v7;
	v8 =	vadd.f32 $-7.638324650e-13, v8;
	v6 =	vmul.f32 v6, v5;
	_ =	sdelay $0x1  }
0x324: {  	v7 =	vmul.f32 v7, v5;
	v8 =	vmul.f32 v8, v5;
	v6 =	vadd.f32 $1.147028050e-11, v6;
	_ =	sdelay $0x1  }
0x325: {  	v7 =	vadd.f32 $2.087466640e-09, v7;
	v8 =	vadd.f32 $1.605803410e-10, v8;
	v6 =	vmul.f32 v6, v5;
	_ =	sdelay $0x1  }
0x326: {  	v7 =	vmul.f32 v7, v5;
	v8 =	vmul.f32 v8, v5;
	v6 =	vadd.f32 $-2.087672260e-09, v6;
	_ =	sdelay $0x1  }
0x327: {  	v7 =	vadd.f32 $-2.755716930e-07, v7;
	v8 =	vadd.f32 $-2.505203690e-08, v8;
	v6 =	vmul.f32 v6, v5;
	_ =	sdelay $0x1  }
0x328: {  	v7 =	vmul.f32 v7, v5;
	v8 =	vmul.f32 v8, v5;
	v6 =	vadd.f32 $2.755731710e-07, v6;
	_ =	sdelay $0x1  }
0x329: {  	v7 =	vadd.f32 $2.480158040e-05, v7;
	v8 =	vadd.f32 $2.755731660e-06, v8;
	v6 =	vmul.f32 v6, v5;
	_ =	sdelay $0x1  }
0x32a: {  	v7 =	vmul.f32 v7, v5;
	v8 =	vmul.f32 v8, v5;
	v6 =	vadd.f32 $-2.480158760e-05, v6;
	_ =	sdelay $0x1  }
0x32b: {  	v7 =	vadd.f32 $-1.388888920e-03, v7;
	v8 =	vadd.f32 $-1.984127010e-04, v8;
	v6 =	vmul.f32 v6, v5;
	_ =	sdelay $0x1  }
0x32c: {  	v7 =	vmul.f32 v7, v5;
	v8 =	vmul.f32 v8, v5;
	v6 =	vadd.f32 $1.388888920e-03, v6;
	_ =	sdelay $0x1  }
0x32d: {  	v7 =	vadd.f32 $4.166666790e-02, v7;
	v8 =	vadd.f32 $8.333333770e-03, v8;
	v6 =	vmul.f32 v6, v5;
	_ =	sdelay $0x1  }
0x32e: {  	v7 =	vmul.f32 v7, v5;
	v8 =	vmul.f32 v8, v5;
	v6 =	vadd.f32 $-4.166666790e-02, v6;
	_ =	sdelay $0x1  }
0x32f: {  	v7 =	vadd.f32 $-5.000000000e-01, v7;
	v8 =	vadd.f32 $-1.666666720e-01, v8;
	v6 =	vmul.f32 v6, v5;
	_ =	sdelay $0x1  }
0x330: {  	v7 =	vmul.f32 v7, v5;
	v5 =	vmul.f32 v8, v5;
	v6 =	vadd.f32 $5.000000000e-01, v6;
	_ =	sdelay $0x1  }
0x331: {  	v5 =	vadd.f32 $1.000000000e+00, v5;
	v13 =	vmul.f32 v6, v3  }
0x332: {  	v17 =	vadd.s32 $0x42, v1;
	v10 =	vadd.s32 $0x3F, v1;
	v12 =	vadd.s32 $0x40, v1  }
0x333: {  	v7 =	vadd.f32 $1.000000000e+00, v7;
	v14 =	vmul.f32 v5, v2;
	v8 =	vmul.f32 v13, v3  }
0x334: {  	v15 =	vadd.s32 $0x41, v1;
	v16 =	vmul.f32 v5, v4;
	v9 =	vmul.f32 v13, v4  }
0x335: {  	v11 =	vmul.f32 v13, v2;
	v13 =	vmul.f32 v6, v4;
	v8 =	vadd.f32 v8, v7  }
0x336: {  	v63 =	vadd.s32 $0x43, v1;
	v3 =	vmul.f32 v5, v3;
	v5 =	vsub.f32 v9, v14  }
0x337: {  	v4 =	vmul.f32 v13, v4;
	[tilespmem:v10+s20+$0x0] =	vst.idx.msk $0xffff, v8;
	v8 =	vadd.f32 v11, v16;
	v10 =	vadd.s32 $0x44, v1  }
0x338: {  	v13 =	vmul.f32 v13, v2;
	v9 =	vadd.f32 v9, v14;
	[tilespmem:v12+s20+$0x0] =	vst.idx.msk $0xffff, v5;
	v5 =	vadd.s32 $0x45, v1  }
0x339: {  	v6 =	vmul.f32 v6, v2;
	v4 =	vadd.f32 v4, v7;
	[tilespmem:v15+s20+$0x0] =	vst.idx.msk $0xffff, v8;
	v8 =	vadd.s32 $0x46, v1  }
0x33a: {  	v14 =	vadd.s32 $0x47, v1;
	v12 =	vsub.f32 v13, v3;
	[tilespmem:v17+s20+$0x0] =	vst.idx.msk $0xffff, v9  }
0x33b: {  	v2 =	vmul.f32 v6, v2;
	v11 =	vsub.f32 v11, v16;
	v15 =	vadd.s32 $0x195, v0;
	[tilespmem:v63+s20+$0x0] =	vst.idx.msk $0xffff, v4  }
0x33c: {  	v3 =	vadd.f32 v13, v3;
	v63 =	vadd.s32 $0x196, v0;
	[tilespmem:v10+s20+$0x0] =	vst.idx.msk $0xffff, v12  }
0x33d: {  	v2 =	vadd.f32 v2, v7;
	[tilespmem:v5+s20+$0x0] =	vst.idx.msk $0xffff, v11  }
0x33e: {  	[tilespmem:v8+s20+$0x0] =	vst.idx.msk $0xffff, v3;
	v3 =	vadd.s32 $0x197, v0  }
0x33f: {  	[tilespmem:v14+s20+$0x0] =	vst.idx.msk $0xffff, v2  }
0x340: {  	v2 =	vld.idx.msk [tilespmem:v15+s16+$0x0], $0xffff  }
0x341: {  	v4 =	vld.idx.msk [tilespmem:v63+s16+$0x0], $0xffff;
	_ =	sdelay $0x1  }
0x342: {  	v3 =	vld.idx.msk [tilespmem:v3+s16+$0x0], $0xffff;
	_ =	sdelay $0x2  }
0x343: {  	v10 =	vadd.f32 $9.999999930e-09, v2;
	v6 =	vadd.f32 $9.999999930e-09, v4;
	_ =	sdelay $0x1  }
0x344: {  	v5 =	vmul.f32 v10, v10;
	v6 =	vmul.f32 v6, v6;
	v11 =	vadd.f32 $9.999999930e-09, v3;
	_ =	sdelay $0x1  }
0x345: {  	v5 =	vadd.f32 v6, v5;
	v12 =	vmul.f32 v11, v11;
	_ =	sdelay $0x1  }
0x346: {  	v5 =	vadd.f32 v12, v5;
	_ =	sdelay $0x1  }
0x347: {  	v6 =	vmul.f32 $3.455103170e-19, v5;
	_ =	sdelay $0x1  }
0x348: {  	v13 =	vmul.f32 $1.263920730e-16, v5;
	v14 =	vmul.f32 $6.789281750e-18, v5;
	v6 =	vsub.f32 $1.540196930e-16, v6;
	_ =	sdelay $0x1  }
0x349: {  	v7 =	vsub.f32 $4.681239390e-14, v13;
	v8 =	vsub.f32 $2.764120500e-15, v14;
	v6 =	vmul.f32 v6, v5;
	_ =	sdelay $0x1  }
0x34a: {  	v7 =	vmul.f32 v7, v5;
	v8 =	vmul.f32 v8, v5;
	v6 =	vadd.f32 $-4.775413870e-14, v6;
	_ =	sdelay $0x1  }
0x34b: {  	v7 =	vadd.f32 $-1.145243280e-11, v7;
	v8 =	vadd.f32 $-7.638324650e-13, v8;
	v6 =	vmul.f32 v6, v5;
	_ =	sdelay $0x1  }
0x34c: {  	v7 =	vmul.f32 v7, v5;
	v8 =	vmul.f32 v8, v5;
	v6 =	vadd.f32 $1.147028050e-11, v6;
	_ =	sdelay $0x1  }
0x34d: {  	v7 =	vadd.f32 $2.087466640e-09, v7;
	v8 =	vadd.f32 $1.605803410e-10, v8;
	v6 =	vmul.f32 v6, v5;
	_ =	sdelay $0x1  }
0x34e: {  	v7 =	vmul.f32 v7, v5;
	v8 =	vmul.f32 v8, v5;
	v6 =	vadd.f32 $-2.087672260e-09, v6;
	_ =	sdelay $0x1  }
0x34f: {  	v7 =	vadd.f32 $-2.755716930e-07, v7;
	v8 =	vadd.f32 $-2.505203690e-08, v8;
	v6 =	vmul.f32 v6, v5;
	_ =	sdelay $0x1  }
0x350: {  	v7 =	vmul.f32 v7, v5;
	v8 =	vmul.f32 v8, v5;
	v6 =	vadd.f32 $2.755731710e-07, v6;
	_ =	sdelay $0x1  }
0x351: {  	v7 =	vadd.f32 $2.480158040e-05, v7;
	v8 =	vadd.f32 $2.755731660e-06, v8;
	v6 =	vmul.f32 v6, v5;
	_ =	sdelay $0x1  }
0x352: {  	v7 =	vmul.f32 v7, v5;
	v8 =	vmul.f32 v8, v5;
	v6 =	vadd.f32 $-2.480158760e-05, v6;
	_ =	sdelay $0x1  }
0x353: {  	v7 =	vadd.f32 $-1.388888920e-03, v7;
	v8 =	vadd.f32 $-1.984127010e-04, v8;
	v6 =	vmul.f32 v6, v5;
	_ =	sdelay $0x1  }
0x354: {  	v7 =	vmul.f32 v7, v5;
	v8 =	vmul.f32 v8, v5;
	v6 =	vadd.f32 $1.388888920e-03, v6;
	_ =	sdelay $0x1  }
0x355: {  	v7 =	vadd.f32 $4.166666790e-02, v7;
	v8 =	vadd.f32 $8.333333770e-03, v8;
	v6 =	vmul.f32 v6, v5;
	_ =	sdelay $0x1  }
0x356: {  	v7 =	vmul.f32 v7, v5;
	v8 =	vmul.f32 v8, v5;
	v6 =	vadd.f32 $-4.166666790e-02, v6;
	_ =	sdelay $0x1  }
0x357: {  	v7 =	vadd.f32 $-5.000000000e-01, v7;
	v8 =	vadd.f32 $-1.666666720e-01, v8;
	v6 =	vmul.f32 v6, v5;
	_ =	sdelay $0x1  }
0x358: {  	v7 =	vmul.f32 v7, v5;
	v5 =	vmul.f32 v8, v5;
	v6 =	vadd.f32 $5.000000000e-01, v6;
	_ =	sdelay $0x1  }
0x359: {  	v5 =	vadd.f32 $1.000000000e+00, v5;
	v15 =	vmul.f32 v6, v2  }
0x35a: {  	v17 =	vadd.s32 $0x4C2, v1;
	v10 =	vadd.s32 $0x4BF, v1;
	v12 =	vadd.s32 $0x4C0, v1  }
0x35b: {  	v7 =	vadd.f32 $1.000000000e+00, v7;
	v14 =	vmul.f32 v5, v3;
	v8 =	vmul.f32 v15, v2  }
0x35c: {  	v9 =	vmul.f32 v15, v4;
	v11 =	vmul.f32 v15, v3;
	v15 =	vadd.s32 $0x4C1, v1  }
0x35d: {  	v13 =	vmul.f32 v6, v4;
	v16 =	vmul.f32 v5, v4;
	v8 =	vadd.f32 v8, v7  }
0x35e: {  	v63 =	vadd.s32 $0x4C3, v1;
	v2 =	vmul.f32 v5, v2;
	v5 =	vsub.f32 v9, v14  }
0x35f: {  	v4 =	vmul.f32 v13, v4;
	[tilespmem:v10+s20+$0x0] =	vst.idx.msk $0xffff, v8;
	v8 =	vadd.f32 v11, v16;
	v10 =	vadd.s32 $0x4C4, v1  }
0x360: {  	v9 =	vadd.f32 v9, v14;
	[tilespmem:v12+s20+$0x0] =	vst.idx.msk $0xffff, v5;
	v5 =	vmul.f32 v13, v3;
	v12 =	vadd.s32 $0x4C5, v1  }
0x361: {  	v6 =	vmul.f32 v6, v3;
	v4 =	vadd.f32 v4, v7;
	[tilespmem:v15+s20+$0x0] =	vst.idx.msk $0xffff, v8;
	v8 =	vadd.s32 $0x4C6, v1  }
0x362: {  	v13 =	vadd.s32 $0x4C7, v1;
	[tilespmem:v17+s20+$0x0] =	vst.idx.msk $0xffff, v9;
	v9 =	vsub.f32 v5, v2  }
0x363: {  	v3 =	vmul.f32 v6, v3;
	[tilespmem:v63+s20+$0x0] =	vst.idx.msk $0xffff, v4;
	v63 =	vsub.f32 v11, v16  }
0x364: {  	v2 =	vadd.f32 v5, v2;
	[tilespmem:v10+s20+$0x0] =	vst.idx.msk $0xffff, v9  }
0x365: {  	v3 =	vadd.f32 v3, v7;
	[tilespmem:v12+s20+$0x0] =	vst.idx.msk $0xffff, v63  }
0x366: {  	[tilespmem:v8+s20+$0x0] =	vst.idx.msk $0xffff, v2  }
0x367: {  	[tilespmem:v13+s20+$0x0] =	vst.idx.msk $0xffff, v3  }
0x368: {  	[hbm4b:s8+s3] =	stream.linear.scatter [tilespmem:s20], [sflag:$0x1], $0x900, $0x38;
	[tilespmem:$0x1E20] =	vst v63  }
0x369: {  	_ =	swait.ge [sflag:s21], $0x100  }
0x36a: {  	s26 =	simm.s32 $0x1;
	[sflag:s21] =	ssyncset.done $0x0  }
0x36b: {  	s29 =	sadd.s32 $0x0, s9;
	s28 =	simm.s32 $0x328;
	[sflag:s21] =	ssyncadd.s32 $0xFFFFFF00  }
.LBB2_2:
0x36c: {  	[hbm4b:s29+s3] =	stream.linear.scatter [tilespmem:s25], [sflag:$0x2], $0x3, $0x38;
	[tilespmem:$0x1E20] =	vst v63  }
0x36d: {  	s29 =	smov.u32 s26;
	s25 =	smov.u32 s28;
	p0 =	sne.s32 s26, $0x1F  }
.Ltmp0:
0x36e: {  	s26 =	sadd.s32 $0x1, s26;
	(pc) =	sbr.rel @p0 .LBB2_2-.Ltmp0, $2  }
0x36f: {  	_ =	sdelay $0x2  }
0x370: {  	s28 =	sadd.s32 $0x8, s28;
	s29 =	sadd.s32 s29, s9  }
0x371: {  	[hbm4b:s29+s3] =	stream.linear.scatter [tilespmem:s25], [sflag:$0x2], $0x3, $0x38;
	[tilespmem:$0x1E20] =	vst v63  }
0x372: {  	_ =	swait.ge [sflag:s22], $0x400  }
0x373: {  	s25 =	simm.s32 $0x1120;
	s26 =	simm.s32 $0x4;
	[sflag:s22] =	ssyncset.done $0x0  }
0x374: {  	s29 =	sadd.s32 $0x0, s10;
	s28 =	simm.s32 $0x1140;
	[sflag:s22] =	ssyncadd.s32 $0xFFFFFC00  }
.LBB2_4:
0x375: {  	[hbm4b:s29+s3] =	stream.linear.scatter [tilespmem:s25], [sflag:$0x4], $0x18, $0x38;
	[tilespmem:$0x1E20] =	vst v63  }
0x376: {  	s29 =	smov.u32 s26;
	s25 =	smov.u32 s28;
	p0 =	sne.s32 s26, $0x7C  }
.Ltmp1:
0x377: {  	s26 =	sadd.s32 $0x4, s26;
	(pc) =	sbr.rel @p0 .LBB2_4-.Ltmp1, $2  }
0x378: {  	_ =	sdelay $0x2  }
0x379: {  	s28 =	sadd.s32 $0x20, s28;
	s29 =	sadd.s32 s29, s10  }
0x37a: {  	[hbm4b:s29+s3] =	stream.linear.scatter [tilespmem:s25], [sflag:$0x4], $0x18, $0x38;
	[tilespmem:$0x1E20] =	vst v63  }
0x37b: {  	s25 =	simm.s32 $0x1138  }
0x37c: {  	s26 =	simm.s32 $0x4;
	s29 =	sadd.s32 $0x0, s11;
	s28 =	simm.s32 $0x1158  }
.LBB2_6:
0x37d: {  	[hbm4b:s29+s3] =	stream.linear.scatter [tilespmem:s25], [sflag:$0x4], $0x3, $0x38;
	[tilespmem:$0x1E20] =	vst v63  }
0x37e: {  	s29 =	smov.u32 s26;
	s25 =	smov.u32 s28;
	p0 =	sne.s32 s26, $0x7C  }
.Ltmp2:
0x37f: {  	s26 =	sadd.s32 $0x4, s26;
	(pc) =	sbr.rel @p0 .LBB2_6-.Ltmp2, $2  }
0x380: {  	_ =	sdelay $0x2  }
0x381: {  	s28 =	sadd.s32 $0x20, s28;
	s29 =	sadd.s32 s29, s11  }
0x382: {  	[hbm4b:s29+s3] =	stream.linear.scatter [tilespmem:s25], [sflag:$0x4], $0x3, $0x38;
	[tilespmem:$0x1E20] =	vst v63  }
0x383: {  	_ =	swait.ge [sflag:s23], $0xD00  }
0x384: {  	s25 =	simm.s32 $0x420;
	s26 =	simm.s32 $0xD;
	[sflag:s23] =	ssyncset.done $0x0  }
0x385: {  	s29 =	sadd.s32 $0x0, s12;
	s28 =	simm.s32 $0x488;
	[sflag:s23] =	ssyncadd.s32 $0xFFFFF300  }
.LBB2_8:
0x386: {  	[hbm4b:s29+s3] =	stream.linear.scatter [tilespmem:s25], [sflag:$0x3], $0x60, $0x38;
	[tilespmem:$0x1E20] =	vst v63  }
0x387: {  	s29 =	smov.u32 s26;
	s25 =	smov.u32 s28;
	p0 =	sne.s32 s26, $0x193  }
.Ltmp3:
0x388: {  	s26 =	sadd.s32 $0xD, s26;
	(pc) =	sbr.rel @p0 .LBB2_8-.Ltmp3, $2  }
0x389: {  	_ =	sdelay $0x2  }
0x38a: {  	s28 =	sadd.s32 $0x68, s28;
	s29 =	sadd.s32 s29, s12  }
0x38b: {  	[hbm4b:s29+s3] =	stream.linear.scatter [tilespmem:s25], [sflag:$0x3], $0x60, $0x38;
	[tilespmem:$0x1E20] =	vst v63  }
0x38c: {  	s25 =	simm.s32 $0x480  }
0x38d: {  	s26 =	simm.s32 $0xD;
	s29 =	sadd.s32 $0x0, s13;
	s28 =	simm.s32 $0x4E8  }
.LBB2_10:
0x38e: {  	[hbm4b:s29+s3] =	stream.linear.scatter [tilespmem:s25], [sflag:$0x3], $0x4, $0x38;
	[tilespmem:$0x1E20] =	vst v63  }
0x38f: {  	s29 =	smov.u32 s26;
	s25 =	smov.u32 s28;
	p0 =	sne.s32 s26, $0x193  }
.Ltmp4:
0x390: {  	s26 =	sadd.s32 $0xD, s26;
	(pc) =	sbr.rel @p0 .LBB2_10-.Ltmp4, $2  }
0x391: {  	_ =	sdelay $0x2  }
0x392: {  	s28 =	sadd.s32 $0x68, s28;
	s29 =	sadd.s32 s29, s13  }
0x393: {  	[hbm4b:s29+s3] =	stream.linear.scatter [tilespmem:s25], [sflag:$0x3], $0x4, $0x38;
	[tilespmem:$0x1E20] =	vst v63  }
0x394: {  	_ =	swait.ge [sflag:s19], $0x900  }
0x395: {  	[sflag:s19] =	ssyncset.done $0x0  }
0x396: {  	[sflag:s19] =	ssyncadd.s32 $0xFFFFF700  }
0x397: {  	_ =	swait.ge [sflag:s21], $0x60  }
0x398: {  	[sflag:s21] =	ssyncset.done $0x0  }
0x399: {  	[sflag:s21] =	ssyncadd.s32 $0xFFFFFFA0  }
0x39a: {  	_ =	swait.ge [sflag:s22], $0x300  }
0x39b: {  	[sflag:s22] =	ssyncset.done $0x0  }
0x39c: {  	[sflag:s22] =	ssyncadd.s32 $0xFFFFFD00  }
0x39d: {  	_ =	swait.ge [sflag:s22], $0x60  }
0x39e: {  	[sflag:s22] =	ssyncset.done $0x0  }
0x39f: {  	s24 =	sadd.s32 $0x1, s24;
	[sflag:s22] =	ssyncadd.s32 $0xFFFFFFA0  }
0x3a0: {  	p0 =	sne.s32 s24, s14;
	_ =	swait.ge [sflag:s23], $0xC00  }
.Ltmp5:
0x3a1: {  	[sflag:s23] =	ssyncset.done $0x0;
	(pc) =	sbr.rel @p0 .LBB2_1-.Ltmp5, $4  }
0x3a2: {  	[sflag:s23] =	ssyncadd.s32 $0xFFFFF400  }
0x3a3: {  	_ =	swait.ge [sflag:s23], $0x80  }
0x3a4: {  	[sflag:s23] =	ssyncset.done $0x0  }
0x3a5: {  	[sflag:s23] =	ssyncadd.s32 $0xFFFFFF80  }
0x3a6: {  	_ =	sfence.sel $0x180000  }
0x3a7: {  	[bflag:$0x0] =	sbarrier.arrive $0xFFFF  }
0x3a8: {  	p0 =	sne.s32 s1, $0x0;
	_ =	strace $0x90000047  }
0x3a9: {  	s0 =	sadd.s32 @!p0 $0x100000, s2;
	[bflag:$0x2] =	sbarrier.arrive $0xFFFF  }
0x3aa: {  	[sflag:s0] =	ssyncadd.tile.s32 @!p0 $0x1;
	_ =	shalt  }
.Lfunc_end2:
_tile_overlayer_lowered:
.L_overlay_start_2:
0x3ab: {  	(tag) =	ssettag $0x2  }
0x3ac: {  	s0 =	rddreg [dreg:$0x0];
	s2 =	stileid.u32  }
0x3ad: {  	s1 =	rddreg [dreg:$0x1];
	p0 =	sne.s32 s2, $0x0  }
0x3ae: {  	s3 =	rddreg [dreg:$0x2];
	[bflag:$0x3] =	sbarrier.arrive $0xFFFF;
	s2 =	simm.s32 @!p0 $0x1C05  }
0x3af: {  	[timem:s3], [sflag:s2] =	dma.local @!p0 [hbm:s0], s1  }
0x3b0: {  	s0 =	simm.s32 @!p0 $0x5  }
0x3b1: {  	_ =	swait.ge @!p0 [sflag:s0], s1  }
0x3b2: {  	s1 =	ssub.s32 @!p0 $0x0, s1;
	[sflag:s0] =	ssyncset.done @!p0 $0x0  }
0x3b3: {  	[sflag:s0] =	ssyncadd.s32 @!p0 s1  }
0x3b4: {  	[bflag:$0x3] =	sbarrier.arrive $0xFFFF  }
0x3b5: {  	_ =	shalt  }

// kernel: kernel.7.cloned.1.call-start
scs
__scs_entry_jumppad:
0x0: {  	(pc) =	sbr.rel $0x88, $3  }
0x1: {  	(tag) =	ssettag $0x0;
	lr =	simm.s32 $0x1  }
0x2: {  	[smem:$0x3F9B] =	sst lr;
	_ =	strace $0xD0000000  }
0x3: {  	_ = 	snop  }
0x4: {  	_ = 	snop  }
0x5: {  	_ = 	snop  }
0x6: {  	_ = 	snop  }
0x7: {  	_ = 	snop  }
__scs_overlays_trampoline_lowered:
0x8: {  	[smem:$0x3FAA] =	sst s0  }
0x9: {  	[smem:$0x3FAB] =	sst s1  }
0xa: {  	[smem:$0x3FAC] =	sst s2  }
0xb: {  	[smem:$0x3FAD] =	sst s3  }
0xc: {  	[smem:$0x3FAE] =	sst s4  }
0xd: {  	[smem:$0x3FAF] =	sst s5  }
0xe: {  	[smem:$0x3FB0] =	sst s6  }
0xf: {  	[smem:$0x3FB1] =	sst s7  }
0x10: {  	[smem:$0x3FB2] =	sst s8  }
0x11: {  	[smem:$0x3FB3] =	sst s9;
	s0 =	simm.s32 @!p0 $0x0  }
0x12: {  	s1 =	sld [smem:$0x3F99];
	s0 =	simm.s32 @p0 $0x1  }
0x13: {  	[smem:$0x3FB4] =	sst s0;
	s0 =	simm.s32 @!p1 $0x0  }
0x14: {  	s2 =	sld [smem:$0x3F98];
	s0 =	simm.s32 @p1 $0x1  }
0x15: {  	[smem:$0x3FB5] =	sst s0;
	s0 =	simm.s32 @!p2 $0x0  }
0x16: {  	s3 =	sld [smem:$0x3FDB];
	s0 =	simm.s32 @p2 $0x1  }
0x17: {  	s4 =	simm.s32 $0x1BF5;
	[smem:$0x3FB7] =	sst s0  }
0x18: {  	s0 =	sld [smem:$0x3F9A];
	_ =	swait.ge [sflag:s4], $0x0  }
0x19: {  	s7 =	sld [smem:$0x3F9B]  }
0x1a: {  	s8 =	sadd.s32 $0xFFFFE003, lr  }
0x1b: {  	s9 =	sadd.s32 $0xFFFFFEF7, lr;
	s5 =	simm.s32 $0xFFFFFFFF;
	p2 =	slt.u32 s8, $0xFFFFF086  }
0x1c: {  	p1 =	slt.u32 s9, $0xF7A;
	s5 =	simm.s32 @!p2 $0x0  }
0x1d: {  	s5 =	simm.s32 @p1 $0x1;
	p0 =	seq.s32 s7, s2  }
0x1e: {  	s7 =	smul.u32 @!p0 $0xF7A, s2;
	p2 =	seq.s32 @!p0 s5, $0x0  }
0x1f: {  	s9 =	smul.u32 $0xF7A, s1;
	s8 =	simm.s32 @!p0 $0x1BF5;
	p2 =	por !p2, p0  }
0x20: {  	[sflag:s8] =	ssyncset.s32 @!p0 $0xFFFFF086;
	s6 =	sadd.s32 @!p0 s3, s7;
	s7 =	simm.s32 @!p0 $0x108  }
0x21: {  	s3 =	sadd.s32 s3, s9;
	s6 =	sadd.s32 @!p0 $0x88, s6;
	s7 =	simm.s32 @p2 $0x1082  }
0x22: {  	[simem:s7], [sflag:s8] =	dma.local @!p0 [hbm:s6], $0xF7A  }
0x23: {  	s9 =	sor.u32 $0xD0000000, s2;
	s6 =	simm.s32 $0x108;
	_ =	swait.ge @!p0 [sflag:s8], $0x0  }
0x24: {  	s3 =	sadd.s32 $0x88, s3;
	s6 =	simm.s32 @!p1 $0x1082;
	[sflag:s4] =	ssyncset.s32 $0xFFFFF086  }
0x25: {  	[simem:s6], [sflag:s4] =	dma.local [hbm:s3], $0xF7A  }
0x26: {  	[smem:$0x3F9B] =	sst s1;
	(tag) =	ssettag s2;
	_ =	strace s9  }
0x27: {  	s1 =	sld [smem:$0x3FAB]  }
0x28: {  	s2 =	sld [smem:$0x3FAC]  }
0x29: {  	s4 =	sld [smem:$0x3FAE]  }
0x2a: {  	p0 =	seq.s32 s5, $0x0;
	s5 =	sld [smem:$0x3FAF]  }
0x2b: {  	s6 =	sld [smem:$0x3FB0]  }
0x2c: {  	s7 =	sld [smem:$0x3FB1]  }
0x2d: {  	s3 =	simm.s32 $0x108;
	s8 =	sld [smem:$0x3FB2]  }
0x2e: {  	s3 =	simm.s32 @!p0 $0x1082;
	s9 =	sld [smem:$0x3FB3]  }
0x2f: {  	lr =	sadd.s32 s0, s3;
	s0 =	sld [smem:$0x3FAA]  }
0x30: {  	s3 =	sld [smem:$0x3FAD]  }
0x31: {  	[smem:$0x3FB6] =	sst s10  }
0x32: {  	s10 =	sld [smem:$0x3FB4];
	_ =	sdelay $0x3  }
0x33: {  	p0 =	seq.s32 s10, $0x1;
	s10 =	sld [smem:$0x3FB6];
	_ =	sdelay $0x3  }
0x34: {  	[smem:$0x3FB6] =	sst s10  }
0x35: {  	s10 =	sld [smem:$0x3FB5];
	_ =	sdelay $0x3  }
0x36: {  	p1 =	seq.s32 s10, $0x1;
	s10 =	sld [smem:$0x3FB6];
	_ =	sdelay $0x3  }
0x37: {  	[smem:$0x3FB6] =	sst s10  }
0x38: {  	s10 =	sld [smem:$0x3FB7]  }
0x39: {  	_ = 	snop;
	(pc) =	sbr.ind lr, $3  }
0x3a: {  	_ = 	snop  }
0x3b: {  	_ = 	snop  }
0x3c: {  	p2 =	seq.s32 s10, $0x1;
	s10 =	sld [smem:$0x3FB6]  }
0x3d: {  	_ =	shalt  }
0x3e: {  	_ =	shalt  }
0x3f: {  	_ =	shalt  }
0x40: {  	_ =	shalt  }
0x41: {  	_ =	shalt  }
0x42: {  	_ =	shalt  }
0x43: {  	_ =	shalt  }
0x44: {  	_ =	shalt  }
0x45: {  	_ =	shalt  }
0x46: {  	_ =	shalt  }
0x47: {  	_ =	shalt  }
0x48: {  	_ =	shalt  }
0x49: {  	_ =	shalt  }
0x4a: {  	_ =	shalt  }
0x4b: {  	_ =	shalt  }
0x4c: {  	_ =	shalt  }
0x4d: {  	_ =	shalt  }
0x4e: {  	_ =	shalt  }
0x4f: {  	_ =	shalt  }
0x50: {  	_ =	shalt  }
0x51: {  	_ =	shalt  }
0x52: {  	_ =	shalt  }
0x53: {  	_ =	shalt  }
0x54: {  	_ =	shalt  }
0x55: {  	_ =	shalt  }
0x56: {  	_ =	shalt  }
0x57: {  	_ =	shalt  }
0x58: {  	_ =	shalt  }
0x59: {  	_ =	shalt  }
0x5a: {  	_ =	shalt  }
0x5b: {  	_ =	shalt  }
0x5c: {  	_ =	shalt  }
0x5d: {  	_ =	shalt  }
0x5e: {  	_ =	shalt  }
0x5f: {  	_ =	shalt  }
0x60: {  	_ =	shalt  }
0x61: {  	_ =	shalt  }
0x62: {  	_ =	shalt  }
0x63: {  	_ =	shalt  }
0x64: {  	_ =	shalt  }
0x65: {  	_ =	shalt  }
0x66: {  	_ =	shalt  }
0x67: {  	_ =	shalt  }
0x68: {  	_ =	shalt  }
0x69: {  	_ =	shalt  }
0x6a: {  	_ =	shalt  }
0x6b: {  	_ =	shalt  }
0x6c: {  	_ =	shalt  }
0x6d: {  	_ =	shalt  }
0x6e: {  	_ =	shalt  }
0x6f: {  	_ =	shalt  }
0x70: {  	_ =	shalt  }
0x71: {  	_ =	shalt  }
0x72: {  	_ =	shalt  }
0x73: {  	_ =	shalt  }
0x74: {  	_ =	shalt  }
0x75: {  	_ =	shalt  }
0x76: {  	_ =	shalt  }
0x77: {  	_ =	shalt  }
0x78: {  	_ =	shalt  }
0x79: {  	_ =	shalt  }
0x7a: {  	_ =	shalt  }
0x7b: {  	_ =	shalt  }
0x7c: {  	_ =	shalt  }
0x7d: {  	_ =	shalt  }
0x7e: {  	_ =	shalt  }
0x7f: {  	_ =	shalt  }
0x80: {  	_ =	shalt  }
0x81: {  	_ =	shalt  }
0x82: {  	_ =	shalt  }
0x83: {  	_ =	shalt  }
0x84: {  	_ =	shalt  }
0x85: {  	_ =	shalt  }
0x86: {  	_ =	shalt  }
0x87: {  	_ =	shalt  }
.Lfunc_end0:
.L_simem_size_0:
called_computation.1_lowered:
.L_overlay_start_0:
0x88: {  	s2 =	sld [smem:$0x3FD9]  }
0x89: {  	s3 =	sld [smem:$0x3FFE];
	_ =	sdelay $0x1  }
0x8a: {  	s1 =	srdreg.scid  }
0x8b: {  	s0 =	sand.u32 $0x1, s1  }
0x8c: {  	s14 =	sshll.u32 s0, $0xA;
	s2 =	sadd.s32 s3, s2  }
0x8d: {  	s2 =	sadd.s32 s2, s14  }
0x8e: {  	[smem:$0x3FC2] =	sst s2  }
0x8f: {  	_ = 	snop  }
0x90: {  	s2 =	sld [smem:$0x3FD0];
	_ =	sdelay $0x2  }
0x91: {  	s15 =	simm.s32 $0xA;
	s4 =	simm.s32 $0x10  }
0x92: {  	[smem:s4], [sflag:s15] =	dma.local [hbm:s2], $0x1  }
0x93: {  	_ =	swait.eq [sflag:s15], $0x1  }
0x94: {  	[sflag:s15] =	ssyncset.done $0x0  }
0x95: {  	[sflag:s15] =	ssyncadd.s32 $0xFFFFFFFF  }
0x96: {  	s16 =	sld [smem:$0x10];
	(tm) =	ssettm $0x1  }
0x97: {  	s17 =	sld [smem:$0x3FFB];
	_ =	sdelay $0x3  }
0x98: {  	_ =	strace s17  }
0x99: {  	s3 =	sld [smem:$0x3FFC];
	_ =	sdelay $0x3  }
0x9a: {  	_ =	strace s3  }
0x9b: {  	s3 =	sld [smem:$0x3FFD];
	_ =	sdelay $0x3  }
0x9c: {  	_ =	strace s3  }
0x9d: {  	_ =	strace $0x8FFFFFFF  }
0x9e: {  	s18 =	sld [smem:$0x3FDB];
	_ =	sdelay $0x1  }
0x9f: {  	s19 =	simm.s32 $_scs_section_size  }
0xa0: {  	s5 =	simm.s32 $_size__tile_overlayer_lowered;
	s6 =	simm.s32 $_tile_overlayer_lowered  }
0xa1: {  	s22 =	simm.s32 $0x1BFF;
	s21 =	sshll.u32 s6, $0x1;
	s3 =	sadd.s32 s19, s18  }
0xa2: {  	s7 =	simm.s32 $0x0;
	s20 =	sshll.u32 s5, $0x1;
	s5 =	sadd.s32 s21, s3  }
0xa3: {  	[timem:s7], [sflag:s22] =	dma.local [hbm:s5], s20  }
0xa4: {  	_ =	swait.ge [sflag:s22], s20  }
0xa5: {  	s4 =	ssub.s32 $0x0, s20;
	[sflag:s22] =	ssyncset.done $0x0  }
0xa6: {  	[sflag:s22] =	ssyncadd.s32 s4;
	_ =	sdelay $0x1  }
0xa7: {  	s23 =	simm.s32 $0x1B8B  }
0xa8: {  	_ =	swait.ge [sflag:s23], $0x1  }
0xa9: {  	[sflag:s23] =	ssyncset.done $0x0  }
0xaa: {  	s25 =	simm.s32 $0x1B8E;
	s24 =	sld [smem:$0x3FFE];
	[sflag:s23] =	ssyncadd.s32 $0xFFFFFFFF  }
0xab: {  	s26 =	simm.s32 $execute0_lowered;
	[smem:$0x3FD2] =	sst s25  }
0xac: {  	s5 =	sshll.u32 s26, $0x1;
	_ =	strace $0x80000049;
	[dreg:$0x1] =	wrdreg $0xFFFFFFFF  }
0xad: {  	s28 =	simm.s32 $_size_execute0_lowered;
	s3 =	sadd.s32 s3, s5;
	[dreg:$0x0] =	wrdreg $0x0  }
0xae: {  	s5 =	sshll.u32 s28, $0x1;
	[dreg:$0x2] =	wrdreg s3  }
0xaf: {  	[dreg:$0x3] =	wrdreg s5  }
0xb0: {  	[dreg:$0x4] =	wrdreg $0xC0  }
0xb1: {  	_ =	task [dreg:s7], $0x5FFFF  }
0xb2: {  	[dreg:$0x1] =	wrdreg $0xFFFFFFFF  }
0xb3: {  	[dreg:$0x0] =	wrdreg $0x60  }
0xb4: {  	[dreg:$0x2] =	wrdreg s16  }
0xb5: {  	[dreg:$0x3] =	wrdreg s24  }
0xb6: {  	[dreg:$0x4] =	wrdreg $0x9  }
0xb7: {  	_ =	task.clear_ibuf [dreg:s7], $0x5FFFF;
	_ =	strace $0x90000049  }
0xb8: {  	s29 =	simm.s32 $0x9;
	_ =	strace $0x8000004B  }
0xb9: {  	_ =	swait.ge [sflag:s29], $0x1  }
0xba: {  	[sflag:s29] =	ssyncadd.s32 $0xFFFFFFFF  }
0xbb: {  	_ =	strace $0x9000004B  }
0xbc: {  	_ =	sfence  }
0xbd: {  	s30 =	sld [smem:$0x0];
	_ =	sdelay $0x2  }
0xbe: {  	s31 =	sshll.u32 s1, $0xD;
	s1 =	sshrl.u32 s1, $0x2  }
0xbf: {  	s3 =	sand.u32 $0x4000, s31;
	s1 =	sadd.s32 s1, s30  }
0xc0: {  	s0 =	sor.u32 s3, s0;
	s1 =	sshll.u32 s1, $0x11  }
0xc1: {  	s0 =	sor.u32 s1, s0  }
0xc2: {  	s0 =	sadd.s32 $0x8F2B, s0  }
0xc3: {  	[sflag:s0] =	ssyncadd.remote.s32 $0x1  }
0xc4: {  	_ =	sfence.sel $0xFFFF  }
0xc5: {  	[dreg:$0x0] =	wrdreg $0xFFFFFFFF;
	(pc) =	sbr.abs _section_cstart, $3  }
0xc6: {  	[dreg:$0x1] =	wrdreg $0xFFFFFFFF  }
0xc7: {  	_ =	task.clear_ibuf [dreg:s7], $0x2FFFF;
	_ =	strace $0x9FFFFFFF  }
0xc8: {  	(tm) =	ssettm $0x7FFFFFFF  }
0xc9: {  	_ =	shalt  }
tec
execute0_lowered:
.L_overlay_start_1:
0x0: {  	(tag) =	ssettag $0x1  }
0x1: {  	v1 =	vlaneseq.u32  }
0x2: {  	v0 =	vmul.u32 $0x48, v1  }
0x3: {  	v1 =	vmul.u32 $0x1F0, v1  }
0x4: {  	v2 =	vor.u32 $0x1, v0  }
0x5: {  	v4 =	vor.u32 $0x2, v0;
	v5 =	vor.u32 $0x2, v1;
	v6 =	vor.u32 $0x3, v0  }
0x6: {  	v7 =	vor.u32 $0x3, v1;
	v8 =	vor.u32 $0x4, v0;
	v9 =	vor.u32 $0x4, v1  }
0x7: {  	v10 =	vor.u32 $0x5, v0;
	v11 =	vor.u32 $0x5, v1;
	v12 =	vor.u32 $0x6, v0  }
0x8: {  	v13 =	vor.u32 $0x6, v1;
	v14 =	vor.u32 $0x7, v0;
	v15 =	vor.u32 $0x7, v1  }
0x9: {  	v16 =	vadd.s32 $0x8, v0;
	v17 =	vor.u32 $0x8, v1;
	v18 =	vadd.s32 $0x480, v0  }
0xa: {  	v19 =	vadd.s32 $0x1F00, v1;
	v20 =	vadd.s32 $0x481, v0;
	v21 =	vadd.s32 $0x1F01, v1  }
0xb: {  	v22 =	vadd.s32 $0x482, v0;
	v23 =	vadd.s32 $0x1F02, v1;
	v24 =	vadd.s32 $0x483, v0  }
0xc: {  	v25 =	vadd.s32 $0x1F03, v1;
	v26 =	vadd.s32 $0x484, v0;
	v27 =	vadd.s32 $0x1F04, v1  }
0xd: {  	v28 =	vadd.s32 $0x485, v0;
	v29 =	vadd.s32 $0x1F05, v1;
	v30 =	vadd.s32 $0x486, v0  }
0xe: {  	v31 =	vadd.s32 $0x1F06, v1;
	v32 =	vadd.s32 $0x487, v0;
	v33 =	vadd.s32 $0x1F07, v1  }
0xf: {  	s1 =	srdreg.scid;
	v34 =	vadd.s32 $0x488, v0;
	v35 =	vadd.s32 $0x1F08, v1;
	v36 =	vadd.s32 $0x9, v0  }
0x10: {  	s0 =	stileid.u32;
	s3 =	sand.u32 $0x1, s1;
	v37 =	vadd.s32 $0x6C, v1;
	v38 =	vadd.s32 $0xA, v0;
	v39 =	vadd.s32 $0x6D, v1  }
0x11: {  	s4 =	rddreg [dreg:$0x0];
	s31 =	sshll.u32 s0, $0x6;
	s2 =	sshll.u32 s3, $0x5;
	v40 =	vadd.s32 $0xB, v0;
	v41 =	vadd.s32 $0x6E, v1;
	v42 =	vadd.s32 $0xC, v0  }
0x12: {  	s5 =	rddreg [dreg:$0x1];
	s6 =	sor.u32 s2, s31;
	v43 =	vadd.s32 $0x6F, v1;
	v44 =	vadd.s32 $0xD, v0;
	v45 =	vadd.s32 $0x70, v1  }
0x13: {  	s1 =	rddreg [dreg:$0x2];
	s3 =	ssub.s32 $0x2, s3;
	v46 =	vadd.s32 $0xE, v0;
	v47 =	vadd.s32 $0x71, v1;
	v48 =	vadd.s32 $0xF, v0;
	s7 =	smul.u32 $0x9, s6  }
0x14: {  	s2 =	simm.s32 $0x0;
	v49 =	vadd.s32 $0x72, v1;
	v50 =	vadd.s32 $0x10, v0;
	s8 =	sshrl.u32 s3, $0x1;
	[tilespmem:$0x1FFE0] =	vst v2;
	v2 =	vor.u32 $0x1, v1;
	s6 =	smul.u32 $0x3E, s6  }
0x15: {  	s9 =	simm.s32 $0x1;
	v51 =	vadd.s32 $0x73, v1;
	v52 =	vadd.s32 $0x11, v0;
	v53 =	vadd.s32 $0x74, v1;
	[smem:$0x7FF] =	sst s2;
	s8 =	ssub.s32 s3, s8;
	[tilespmem:$0x1FFF0] =	vst v2  }
0x16: {  	v54 =	vadd.s32 $0x489, v0;
	v55 =	vadd.s32 $0x1F6C, v1;
	v56 =	vadd.s32 $0x48A, v0;
	_ =	strace $0x8000004A;
	s7 =	sadd.s32 s7, s5;
	s5 =	sadd.s32 s6, s5  }
0x17: {  	v57 =	vadd.s32 $0x1F6D, v1;
	v58 =	vadd.s32 $0x48B, v0;
	v59 =	vadd.s32 $0x1F6E, v1;
	s4 =	sadd.s32 s4, s6;
	s6 =	smax.u32 s8, $0x1;
	s8 =	simm.s32 $0x2  }
0x18: {  	v60 =	vadd.s32 $0x48C, v0;
	v61 =	vadd.s32 $0x1F6F, v1;
	v62 =	vadd.s32 $0x48D, v0;
	s3 =	sadd.s32 $0x7400, s7;
	s5 =	sadd.s32 $0x9800, s5;
	s7 =	simm.s32 $0x900  }
.LBB2_1:
0x19: {  	[tilespmem:s2], [sflag:$0x1] =	stream.linear.gather [hbm4b:s3+s2], $0x900, $0x38;
	[tilespmem:$0x4700] =	vst v63  }
0x1a: {  	_ = 	snop  }
0x1b: {  	[tilespmem:s7], [sflag:$0x2] =	stream.linear.gather [hbm4b:s4+s2], $0x3E00, $0x38;
	[tilespmem:$0x4700] =	vst v63  }
0x1c: {  	_ =	swait.ge [sflag:s8], $0x3E00  }
0x1d: {  	[sflag:s8] =	ssyncset.done $0x0  }
0x1e: {  	[sflag:s8] =	ssyncadd.s32 $0xFFFFC200  }
0x1f: {  	_ =	swait.ge [sflag:s9], $0x900  }
0x20: {  	[sflag:s9] =	ssyncset.done $0x0;
	v2 =	vld [tilespmem:$0x1FFE0]  }
0x21: {  	[sflag:s9] =	ssyncadd.s32 $0xFFFFF700  }
0x22: {  	v63 =	vld.idx.msk [tilespmem:v0+s2+$0x0], $0xffff;
	_ =	sdelay $0x4  }
0x23: {  	[tilespmem:v1+s7+$0x0] =	vst.idx.msk $0xffff, v63  }
0x24: {  	v63 =	vld.idx.msk [tilespmem:v2+s2+$0x0], $0xffff  }
0x25: {  	v2 =	vld [tilespmem:$0x1FFF0];
	_ =	sdelay $0x7  }
0x26: {  	[tilespmem:v2+s7+$0x0] =	vst.idx.msk $0xffff, v63  }
0x27: {  	v63 =	vld.idx.msk [tilespmem:v4+s2+$0x0], $0xffff;
	_ =	sdelay $0x4  }
0x28: {  	[tilespmem:v5+s7+$0x0] =	vst.idx.msk $0xffff, v63  }
0x29: {  	v63 =	vld.idx.msk [tilespmem:v6+s2+$0x0], $0xffff;
	_ =	sdelay $0x4  }
0x2a: {  	[tilespmem:v7+s7+$0x0] =	vst.idx.msk $0xffff, v63  }
0x2b: {  	v63 =	vld.idx.msk [tilespmem:v8+s2+$0x0], $0xffff;
	_ =	sdelay $0x4  }
0x2c: {  	[tilespmem:v9+s7+$0x0] =	vst.idx.msk $0xffff, v63  }
0x2d: {  	v63 =	vld.idx.msk [tilespmem:v10+s2+$0x0], $0xffff;
	_ =	sdelay $0x4  }
0x2e: {  	[tilespmem:v11+s7+$0x0] =	vst.idx.msk $0xffff, v63  }
0x2f: {  	v63 =	vld.idx.msk [tilespmem:v12+s2+$0x0], $0xffff;
	_ =	sdelay $0x4  }
0x30: {  	[tilespmem:v13+s7+$0x0] =	vst.idx.msk $0xffff, v63  }
0x31: {  	v63 =	vld.idx.msk [tilespmem:v14+s2+$0x0], $0xffff;
	_ =	sdelay $0x4  }
0x32: {  	[tilespmem:v15+s7+$0x0] =	vst.idx.msk $0xffff, v63  }
0x33: {  	v63 =	vld.idx.msk [tilespmem:v16+s2+$0x0], $0xffff;
	_ =	sdelay $0x4  }
0x34: {  	[tilespmem:v17+s7+$0x0] =	vst.idx.msk $0xffff, v63  }
0x35: {  	v63 =	vld.idx.msk [tilespmem:v18+s2+$0x0], $0xffff;
	_ =	sdelay $0x4  }
0x36: {  	[tilespmem:v19+s7+$0x0] =	vst.idx.msk $0xffff, v63  }
0x37: {  	v63 =	vld.idx.msk [tilespmem:v20+s2+$0x0], $0xffff;
	_ =	sdelay $0x4  }
0x38: {  	[tilespmem:v21+s7+$0x0] =	vst.idx.msk $0xffff, v63  }
0x39: {  	v63 =	vld.idx.msk [tilespmem:v22+s2+$0x0], $0xffff;
	_ =	sdelay $0x4  }
0x3a: {  	[tilespmem:v23+s7+$0x0] =	vst.idx.msk $0xffff, v63  }
0x3b: {  	v63 =	vld.idx.msk [tilespmem:v24+s2+$0x0], $0xffff;
	_ =	sdelay $0x4  }
0x3c: {  	[tilespmem:v25+s7+$0x0] =	vst.idx.msk $0xffff, v63  }
0x3d: {  	v63 =	vld.idx.msk [tilespmem:v26+s2+$0x0], $0xffff;
	_ =	sdelay $0x4  }
0x3e: {  	[tilespmem:v27+s7+$0x0] =	vst.idx.msk $0xffff, v63  }
0x3f: {  	v63 =	vld.idx.msk [tilespmem:v28+s2+$0x0], $0xffff;
	_ =	sdelay $0x4  }
0x40: {  	[tilespmem:v29+s7+$0x0] =	vst.idx.msk $0xffff, v63  }
0x41: {  	v63 =	vld.idx.msk [tilespmem:v30+s2+$0x0], $0xffff;
	_ =	sdelay $0x4  }
0x42: {  	[tilespmem:v31+s7+$0x0] =	vst.idx.msk $0xffff, v63  }
0x43: {  	v63 =	vld.idx.msk [tilespmem:v32+s2+$0x0], $0xffff;
	_ =	sdelay $0x4  }
0x44: {  	[tilespmem:v33+s7+$0x0] =	vst.idx.msk $0xffff, v63  }
0x45: {  	v63 =	vld.idx.msk [tilespmem:v34+s2+$0x0], $0xffff;
	_ =	sdelay $0x4  }
0x46: {  	[tilespmem:v35+s7+$0x0] =	vst.idx.msk $0xffff, v63  }
0x47: {  	v63 =	vld.idx.msk [tilespmem:v36+s2+$0x0], $0xffff;
	_ =	sdelay $0x4  }
0x48: {  	[tilespmem:v37+s7+$0x0] =	vst.idx.msk $0xffff, v63  }
0x49: {  	v63 =	vld.idx.msk [tilespmem:v38+s2+$0x0], $0xffff;
	_ =	sdelay $0x4  }
0x4a: {  	[tilespmem:v39+s7+$0x0] =	vst.idx.msk $0xffff, v63  }
0x4b: {  	v63 =	vld.idx.msk [tilespmem:v40+s2+$0x0], $0xffff;
	_ =	sdelay $0x4  }
0x4c: {  	[tilespmem:v41+s7+$0x0] =	vst.idx.msk $0xffff, v63  }
0x4d: {  	v63 =	vld.idx.msk [tilespmem:v42+s2+$0x0], $0xffff;
	_ =	sdelay $0x4  }
0x4e: {  	[tilespmem:v43+s7+$0x0] =	vst.idx.msk $0xffff, v63  }
0x4f: {  	v63 =	vld.idx.msk [tilespmem:v44+s2+$0x0], $0xffff;
	_ =	sdelay $0x4  }
0x50: {  	[tilespmem:v45+s7+$0x0] =	vst.idx.msk $0xffff, v63  }
0x51: {  	v63 =	vld.idx.msk [tilespmem:v46+s2+$0x0], $0xffff;
	_ =	sdelay $0x4  }
0x52: {  	[tilespmem:v47+s7+$0x0] =	vst.idx.msk $0xffff, v63  }
0x53: {  	v63 =	vld.idx.msk [tilespmem:v48+s2+$0x0], $0xffff;
	_ =	sdelay $0x4  }
0x54: {  	[tilespmem:v49+s7+$0x0] =	vst.idx.msk $0xffff, v63  }
0x55: {  	v63 =	vld.idx.msk [tilespmem:v50+s2+$0x0], $0xffff;
	_ =	sdelay $0x4  }
0x56: {  	[tilespmem:v51+s7+$0x0] =	vst.idx.msk $0xffff, v63  }
0x57: {  	v63 =	vld.idx.msk [tilespmem:v52+s2+$0x0], $0xffff;
	_ =	sdelay $0x4  }
0x58: {  	[tilespmem:v53+s7+$0x0] =	vst.idx.msk $0xffff, v63  }
0x59: {  	v63 =	vld.idx.msk [tilespmem:v54+s2+$0x0], $0xffff;
	_ =	sdelay $0x4  }
0x5a: {  	[tilespmem:v55+s7+$0x0] =	vst.idx.msk $0xffff, v63  }
0x5b: {  	v63 =	vld.idx.msk [tilespmem:v56+s2+$0x0], $0xffff;
	_ =	sdelay $0x4  }
0x5c: {  	[tilespmem:v57+s7+$0x0] =	vst.idx.msk $0xffff, v63  }
0x5d: {  	v63 =	vld.idx.msk [tilespmem:v58+s2+$0x0], $0xffff;
	_ =	sdelay $0x4  }
0x5e: {  	[tilespmem:v59+s7+$0x0] =	vst.idx.msk $0xffff, v63  }
0x5f: {  	v63 =	vld.idx.msk [tilespmem:v60+s2+$0x0], $0xffff;
	_ =	sdelay $0x4  }
0x60: {  	[tilespmem:v61+s7+$0x0] =	vst.idx.msk $0xffff, v63  }
0x61: {  	v2 =	vadd.s32 $0x1F70, v1;
	v63 =	vld.idx.msk [tilespmem:v62+s2+$0x0], $0xffff  }
0x62: {  	v3 =	vadd.s32 $0x48E, v0;
	_ =	sdelay $0x3  }
0x63: {  	[tilespmem:v2+s7+$0x0] =	vst.idx.msk $0xffff, v63  }
0x64: {  	v2 =	vld.idx.msk [tilespmem:v3+s2+$0x0], $0xffff;
	v3 =	vadd.s32 $0x1F71, v1  }
0x65: {  	v63 =	vadd.s32 $0x48F, v0;
	_ =	sdelay $0x3  }
0x66: {  	[tilespmem:v3+s7+$0x0] =	vst.idx.msk $0xffff, v2  }
0x67: {  	v3 =	vadd.s32 $0x1F72, v1;
	v2 =	vld.idx.msk [tilespmem:v63+s2+$0x0], $0xffff  }
0x68: {  	v63 =	vadd.s32 $0x490, v0;
	_ =	sdelay $0x3  }
0x69: {  	[tilespmem:v3+s7+$0x0] =	vst.idx.msk $0xffff, v2  }
0x6a: {  	v3 =	vadd.s32 $0x1F73, v1;
	v2 =	vld.idx.msk [tilespmem:v63+s2+$0x0], $0xffff  }
0x6b: {  	v63 =	vadd.s32 $0x491, v0;
	_ =	sdelay $0x3  }
0x6c: {  	[tilespmem:v3+s7+$0x0] =	vst.idx.msk $0xffff, v2  }
0x6d: {  	v3 =	vadd.s32 $0x1F74, v1;
	v2 =	vld.idx.msk [tilespmem:v63+s2+$0x0], $0xffff  }
0x6e: {  	v63 =	vadd.s32 $0x12, v0;
	_ =	sdelay $0x3  }
0x6f: {  	[tilespmem:v3+s7+$0x0] =	vst.idx.msk $0xffff, v2  }
0x70: {  	v3 =	vadd.s32 $0x87, v1;
	v2 =	vld.idx.msk [tilespmem:v63+s2+$0x0], $0xffff  }
0x71: {  	v63 =	vadd.s32 $0x13, v0;
	_ =	sdelay $0x3  }
0x72: {  	[tilespmem:v3+s7+$0x0] =	vst.idx.msk $0xffff, v2  }
0x73: {  	v3 =	vadd.s32 $0x88, v1;
	v2 =	vld.idx.msk [tilespmem:v63+s2+$0x0], $0xffff  }
0x74: {  	v63 =	vadd.s32 $0x14, v0;
	_ =	sdelay $0x3  }
0x75: {  	[tilespmem:v3+s7+$0x0] =	vst.idx.msk $0xffff, v2  }
0x76: {  	v3 =	vadd.s32 $0x89, v1;
	v2 =	vld.idx.msk [tilespmem:v63+s2+$0x0], $0xffff  }
0x77: {  	v63 =	vadd.s32 $0x15, v0;
	_ =	sdelay $0x3  }
0x78: {  	[tilespmem:v3+s7+$0x0] =	vst.idx.msk $0xffff, v2  }
0x79: {  	v3 =	vadd.s32 $0x8A, v1;
	v2 =	vld.idx.msk [tilespmem:v63+s2+$0x0], $0xffff  }
0x7a: {  	v63 =	vadd.s32 $0x16, v0;
	_ =	sdelay $0x3  }
0x7b: {  	[tilespmem:v3+s7+$0x0] =	vst.idx.msk $0xffff, v2  }
0x7c: {  	v3 =	vadd.s32 $0x8B, v1;
	v2 =	vld.idx.msk [tilespmem:v63+s2+$0x0], $0xffff  }
0x7d: {  	v63 =	vadd.s32 $0x17, v0;
	_ =	sdelay $0x3  }
0x7e: {  	[tilespmem:v3+s7+$0x0] =	vst.idx.msk $0xffff, v2  }
0x7f: {  	v3 =	vadd.s32 $0x8C, v1;
	v2 =	vld.idx.msk [tilespmem:v63+s2+$0x0], $0xffff  }
0x80: {  	v63 =	vadd.s32 $0x18, v0;
	_ =	sdelay $0x3  }
0x81: {  	[tilespmem:v3+s7+$0x0] =	vst.idx.msk $0xffff, v2  }
0x82: {  	v3 =	vadd.s32 $0x8D, v1;
	v2 =	vld.idx.msk [tilespmem:v63+s2+$0x0], $0xffff  }
0x83: {  	v63 =	vadd.s32 $0x19, v0;
	_ =	sdelay $0x3  }
0x84: {  	[tilespmem:v3+s7+$0x0] =	vst.idx.msk $0xffff, v2  }
0x85: {  	v3 =	vadd.s32 $0x8E, v1;
	v2 =	vld.idx.msk [tilespmem:v63+s2+$0x0], $0xffff  }
0x86: {  	v63 =	vadd.s32 $0x1A, v0;
	_ =	sdelay $0x3  }
0x87: {  	[tilespmem:v3+s7+$0x0] =	vst.idx.msk $0xffff, v2  }
0x88: {  	v3 =	vadd.s32 $0x8F, v1;
	v2 =	vld.idx.msk [tilespmem:v63+s2+$0x0], $0xffff  }
0x89: {  	v63 =	vadd.s32 $0x492, v0;
	_ =	sdelay $0x3  }
0x8a: {  	[tilespmem:v3+s7+$0x0] =	vst.idx.msk $0xffff, v2  }
0x8b: {  	v3 =	vadd.s32 $0x1F87, v1;
	v2 =	vld.idx.msk [tilespmem:v63+s2+$0x0], $0xffff  }
0x8c: {  	v63 =	vadd.s32 $0x493, v0;
	_ =	sdelay $0x3  }
0x8d: {  	[tilespmem:v3+s7+$0x0] =	vst.idx.msk $0xffff, v2  }
0x8e: {  	v3 =	vadd.s32 $0x1F88, v1;
	v2 =	vld.idx.msk [tilespmem:v63+s2+$0x0], $0xffff  }
0x8f: {  	v63 =	vadd.s32 $0x494, v0;
	_ =	sdelay $0x3  }
0x90: {  	[tilespmem:v3+s7+$0x0] =	vst.idx.msk $0xffff, v2  }
0x91: {  	v3 =	vadd.s32 $0x1F89, v1;
	v2 =	vld.idx.msk [tilespmem:v63+s2+$0x0], $0xffff  }
0x92: {  	v63 =	vadd.s32 $0x495, v0;
	_ =	sdelay $0x3  }
0x93: {  	[tilespmem:v3+s7+$0x0] =	vst.idx.msk $0xffff, v2  }
0x94: {  	v3 =	vadd.s32 $0x1F8A, v1;
	v2 =	vld.idx.msk [tilespmem:v63+s2+$0x0], $0xffff  }
0x95: {  	v63 =	vadd.s32 $0x496, v0;
	_ =	sdelay $0x3  }
0x96: {  	[tilespmem:v3+s7+$0x0] =	vst.idx.msk $0xffff, v2  }
0x97: {  	v3 =	vadd.s32 $0x1F8B, v1;
	v2 =	vld.idx.msk [tilespmem:v63+s2+$0x0], $0xffff  }
0x98: {  	v63 =	vadd.s32 $0x497, v0;
	_ =	sdelay $0x3  }
0x99: {  	[tilespmem:v3+s7+$0x0] =	vst.idx.msk $0xffff, v2  }
0x9a: {  	v3 =	vadd.s32 $0x1F8C, v1;
	v2 =	vld.idx.msk [tilespmem:v63+s2+$0x0], $0xffff  }
0x9b: {  	v63 =	vadd.s32 $0x498, v0;
	_ =	sdelay $0x3  }
0x9c: {  	[tilespmem:v3+s7+$0x0] =	vst.idx.msk $0xffff, v2  }
0x9d: {  	v3 =	vadd.s32 $0x1F8D, v1;
	v2 =	vld.idx.msk [tilespmem:v63+s2+$0x0], $0xffff  }
0x9e: {  	v63 =	vadd.s32 $0x499, v0;
	_ =	sdelay $0x3  }
0x9f: {  	[tilespmem:v3+s7+$0x0] =	vst.idx.msk $0xffff, v2  }
0xa0: {  	v3 =	vadd.s32 $0x1F8E, v1;
	v2 =	vld.idx.msk [tilespmem:v63+s2+$0x0], $0xffff  }
0xa1: {  	v63 =	vadd.s32 $0x49A, v0;
	_ =	sdelay $0x3  }
0xa2: {  	[tilespmem:v3+s7+$0x0] =	vst.idx.msk $0xffff, v2  }
0xa3: {  	v3 =	vadd.s32 $0x1F8F, v1;
	v2 =	vld.idx.msk [tilespmem:v63+s2+$0x0], $0xffff  }
0xa4: {  	v63 =	vadd.s32 $0x1B, v0;
	_ =	sdelay $0x3  }
0xa5: {  	[tilespmem:v3+s7+$0x0] =	vst.idx.msk $0xffff, v2  }
0xa6: {  	v3 =	vadd.s32 $0x90, v1;
	v2 =	vld.idx.msk [tilespmem:v63+s2+$0x0], $0xffff  }
0xa7: {  	v63 =	vadd.s32 $0x1C, v0;
	_ =	sdelay $0x3  }
0xa8: {  	[tilespmem:v3+s7+$0x0] =	vst.idx.msk $0xffff, v2  }
0xa9: {  	v3 =	vadd.s32 $0x91, v1;
	v2 =	vld.idx.msk [tilespmem:v63+s2+$0x0], $0xffff  }
0xaa: {  	v63 =	vadd.s32 $0x1D, v0;
	_ =	sdelay $0x3  }
0xab: {  	[tilespmem:v3+s7+$0x0] =	vst.idx.msk $0xffff, v2  }
0xac: {  	v3 =	vadd.s32 $0x92, v1;
	v2 =	vld.idx.msk [tilespmem:v63+s2+$0x0], $0xffff  }
0xad: {  	v63 =	vadd.s32 $0x1E, v0;
	_ =	sdelay $0x3  }
0xae: {  	[tilespmem:v3+s7+$0x0] =	vst.idx.msk $0xffff, v2  }
0xaf: {  	v3 =	vadd.s32 $0x93, v1;
	v2 =	vld.idx.msk [tilespmem:v63+s2+$0x0], $0xffff  }
0xb0: {  	v63 =	vadd.s32 $0x1F, v0;
	_ =	sdelay $0x3  }
0xb1: {  	[tilespmem:v3+s7+$0x0] =	vst.idx.msk $0xffff, v2  }
0xb2: {  	v3 =	vadd.s32 $0x94, v1;
	v2 =	vld.idx.msk [tilespmem:v63+s2+$0x0], $0xffff  }
0xb3: {  	v63 =	vadd.s32 $0x20, v0;
	_ =	sdelay $0x3  }
0xb4: {  	[tilespmem:v3+s7+$0x0] =	vst.idx.msk $0xffff, v2  }
0xb5: {  	v3 =	vadd.s32 $0x95, v1;
	v2 =	vld.idx.msk [tilespmem:v63+s2+$0x0], $0xffff  }
0xb6: {  	v63 =	vadd.s32 $0x21, v0;
	_ =	sdelay $0x3  }
0xb7: {  	[tilespmem:v3+s7+$0x0] =	vst.idx.msk $0xffff, v2  }
0xb8: {  	v3 =	vadd.s32 $0x96, v1;
	v2 =	vld.idx.msk [tilespmem:v63+s2+$0x0], $0xffff  }
0xb9: {  	v63 =	vadd.s32 $0x22, v0;
	_ =	sdelay $0x3  }
0xba: {  	[tilespmem:v3+s7+$0x0] =	vst.idx.msk $0xffff, v2  }
0xbb: {  	v3 =	vadd.s32 $0x97, v1;
	v2 =	vld.idx.msk [tilespmem:v63+s2+$0x0], $0xffff  }
0xbc: {  	v63 =	vadd.s32 $0x23, v0;
	_ =	sdelay $0x3  }
0xbd: {  	[tilespmem:v3+s7+$0x0] =	vst.idx.msk $0xffff, v2  }
0xbe: {  	v3 =	vadd.s32 $0x98, v1;
	v2 =	vld.idx.msk [tilespmem:v63+s2+$0x0], $0xffff  }
0xbf: {  	v63 =	vadd.s32 $0x49B, v0;
	_ =	sdelay $0x3  }
0xc0: {  	[tilespmem:v3+s7+$0x0] =	vst.idx.msk $0xffff, v2  }
0xc1: {  	v3 =	vadd.s32 $0x1F90, v1;
	v2 =	vld.idx.msk [tilespmem:v63+s2+$0x0], $0xffff  }
0xc2: {  	v63 =	vadd.s32 $0x49C, v0;
	_ =	sdelay $0x3  }
0xc3: {  	[tilespmem:v3+s7+$0x0] =	vst.idx.msk $0xffff, v2  }
0xc4: {  	v3 =	vadd.s32 $0x1F91, v1;
	v2 =	vld.idx.msk [tilespmem:v63+s2+$0x0], $0xffff  }
0xc5: {  	v63 =	vadd.s32 $0x49D, v0;
	_ =	sdelay $0x3  }
0xc6: {  	[tilespmem:v3+s7+$0x0] =	vst.idx.msk $0xffff, v2  }
0xc7: {  	v3 =	vadd.s32 $0x1F92, v1;
	v2 =	vld.idx.msk [tilespmem:v63+s2+$0x0], $0xffff  }
0xc8: {  	v63 =	vadd.s32 $0x49E, v0;
	_ =	sdelay $0x3  }
0xc9: {  	[tilespmem:v3+s7+$0x0] =	vst.idx.msk $0xffff, v2  }
0xca: {  	v3 =	vadd.s32 $0x1F93, v1;
	v2 =	vld.idx.msk [tilespmem:v63+s2+$0x0], $0xffff  }
0xcb: {  	v63 =	vadd.s32 $0x49F, v0;
	_ =	sdelay $0x3  }
0xcc: {  	[tilespmem:v3+s7+$0x0] =	vst.idx.msk $0xffff, v2  }
0xcd: {  	v3 =	vadd.s32 $0x1F94, v1;
	v2 =	vld.idx.msk [tilespmem:v63+s2+$0x0], $0xffff  }
0xce: {  	v63 =	vadd.s32 $0x4A0, v0;
	_ =	sdelay $0x3  }
0xcf: {  	[tilespmem:v3+s7+$0x0] =	vst.idx.msk $0xffff, v2  }
0xd0: {  	v3 =	vadd.s32 $0x1F95, v1;
	v2 =	vld.idx.msk [tilespmem:v63+s2+$0x0], $0xffff  }
0xd1: {  	v63 =	vadd.s32 $0x4A1, v0;
	_ =	sdelay $0x3  }
0xd2: {  	[tilespmem:v3+s7+$0x0] =	vst.idx.msk $0xffff, v2  }
0xd3: {  	v3 =	vadd.s32 $0x1F96, v1;
	v2 =	vld.idx.msk [tilespmem:v63+s2+$0x0], $0xffff  }
0xd4: {  	v63 =	vadd.s32 $0x4A2, v0;
	_ =	sdelay $0x3  }
0xd5: {  	[tilespmem:v3+s7+$0x0] =	vst.idx.msk $0xffff, v2  }
0xd6: {  	v3 =	vadd.s32 $0x1F97, v1;
	v2 =	vld.idx.msk [tilespmem:v63+s2+$0x0], $0xffff  }
0xd7: {  	v63 =	vadd.s32 $0x4A3, v0;
	_ =	sdelay $0x3  }
0xd8: {  	[tilespmem:v3+s7+$0x0] =	vst.idx.msk $0xffff, v2  }
0xd9: {  	v3 =	vadd.s32 $0x1F98, v1;
	v2 =	vld.idx.msk [tilespmem:v63+s2+$0x0], $0xffff  }
0xda: {  	v63 =	vadd.s32 $0x24, v0;
	_ =	sdelay $0x3  }
0xdb: {  	[tilespmem:v3+s7+$0x0] =	vst.idx.msk $0xffff, v2  }
0xdc: {  	v3 =	vadd.s32 $0x99, v1;
	v2 =	vld.idx.msk [tilespmem:v63+s2+$0x0], $0xffff  }
0xdd: {  	v63 =	vadd.s32 $0x25, v0;
	_ =	sdelay $0x3  }
0xde: {  	[tilespmem:v3+s7+$0x0] =	vst.idx.msk $0xffff, v2  }
0xdf: {  	v3 =	vadd.s32 $0x9A, v1;
	v2 =	vld.idx.msk [tilespmem:v63+s2+$0x0], $0xffff  }
0xe0: {  	v63 =	vadd.s32 $0x26, v0;
	_ =	sdelay $0x3  }
0xe1: {  	[tilespmem:v3+s7+$0x0] =	vst.idx.msk $0xffff, v2  }
0xe2: {  	v3 =	vadd.s32 $0x9B, v1;
	v2 =	vld.idx.msk [tilespmem:v63+s2+$0x0], $0xffff  }
0xe3: {  	v63 =	vadd.s32 $0x27, v0;
	_ =	sdelay $0x3  }
0xe4: {  	[tilespmem:v3+s7+$0x0] =	vst.idx.msk $0xffff, v2  }
0xe5: {  	v3 =	vadd.s32 $0x9C, v1;
	v2 =	vld.idx.msk [tilespmem:v63+s2+$0x0], $0xffff  }
0xe6: {  	v63 =	vadd.s32 $0x28, v0;
	_ =	sdelay $0x3  }
0xe7: {  	[tilespmem:v3+s7+$0x0] =	vst.idx.msk $0xffff, v2  }
0xe8: {  	v3 =	vadd.s32 $0x9D, v1;
	v2 =	vld.idx.msk [tilespmem:v63+s2+$0x0], $0xffff  }
0xe9: {  	v63 =	vadd.s32 $0x29, v0;
	_ =	sdelay $0x3  }
0xea: {  	[tilespmem:v3+s7+$0x0] =	vst.idx.msk $0xffff, v2  }
0xeb: {  	v3 =	vadd.s32 $0x9E, v1;
	v2 =	vld.idx.msk [tilespmem:v63+s2+$0x0], $0xffff  }
0xec: {  	v63 =	vadd.s32 $0x2A, v0;
	_ =	sdelay $0x3  }
0xed: {  	[tilespmem:v3+s7+$0x0] =	vst.idx.msk $0xffff, v2  }
0xee: {  	v3 =	vadd.s32 $0x9F, v1;
	v2 =	vld.idx.msk [tilespmem:v63+s2+$0x0], $0xffff  }
0xef: {  	v63 =	vadd.s32 $0x2B, v0;
	_ =	sdelay $0x3  }
0xf0: {  	[tilespmem:v3+s7+$0x0] =	vst.idx.msk $0xffff, v2  }
0xf1: {  	v3 =	vadd.s32 $0xA0, v1;
	v2 =	vld.idx.msk [tilespmem:v63+s2+$0x0], $0xffff  }
0xf2: {  	v63 =	vadd.s32 $0x2C, v0;
	_ =	sdelay $0x3  }
0xf3: {  	[tilespmem:v3+s7+$0x0] =	vst.idx.msk $0xffff, v2  }
0xf4: {  	v3 =	vadd.s32 $0xA1, v1;
	v2 =	vld.idx.msk [tilespmem:v63+s2+$0x0], $0xffff  }
0xf5: {  	v63 =	vadd.s32 $0x4A4, v0;
	_ =	sdelay $0x3  }
0xf6: {  	[tilespmem:v3+s7+$0x0] =	vst.idx.msk $0xffff, v2  }
0xf7: {  	v3 =	vadd.s32 $0x1F99, v1;
	v2 =	vld.idx.msk [tilespmem:v63+s2+$0x0], $0xffff  }
0xf8: {  	v63 =	vadd.s32 $0x4A5, v0;
	_ =	sdelay $0x3  }
0xf9: {  	[tilespmem:v3+s7+$0x0] =	vst.idx.msk $0xffff, v2  }
0xfa: {  	v3 =	vadd.s32 $0x1F9A, v1;
	v2 =	vld.idx.msk [tilespmem:v63+s2+$0x0], $0xffff  }
0xfb: {  	v63 =	vadd.s32 $0x4A6, v0;
	_ =	sdelay $0x3  }
0xfc: {  	[tilespmem:v3+s7+$0x0] =	vst.idx.msk $0xffff, v2  }
0xfd: {  	v3 =	vadd.s32 $0x1F9B, v1;
	v2 =	vld.idx.msk [tilespmem:v63+s2+$0x0], $0xffff  }
0xfe: {  	v63 =	vadd.s32 $0x4A7, v0;
	_ =	sdelay $0x3  }
0xff: {  	[tilespmem:v3+s7+$0x0] =	vst.idx.msk $0xffff, v2  }
0x100: {  	v3 =	vadd.s32 $0x1F9C, v1;
	v2 =	vld.idx.msk [tilespmem:v63+s2+$0x0], $0xffff  }
0x101: {  	v63 =	vadd.s32 $0x4A8, v0;
	_ =	sdelay $0x3  }
0x102: {  	[tilespmem:v3+s7+$0x0] =	vst.idx.msk $0xffff, v2  }
0x103: {  	v3 =	vadd.s32 $0x1F9D, v1;
	v2 =	vld.idx.msk [tilespmem:v63+s2+$0x0], $0xffff  }
0x104: {  	v63 =	vadd.s32 $0x4A9, v0;
	_ =	sdelay $0x3  }
0x105: {  	[tilespmem:v3+s7+$0x0] =	vst.idx.msk $0xffff, v2  }
0x106: {  	v3 =	vadd.s32 $0x1F9E, v1;
	v2 =	vld.idx.msk [tilespmem:v63+s2+$0x0], $0xffff  }
0x107: {  	v63 =	vadd.s32 $0x4AA, v0;
	_ =	sdelay $0x3  }
0x108: {  	[tilespmem:v3+s7+$0x0] =	vst.idx.msk $0xffff, v2  }
0x109: {  	v3 =	vadd.s32 $0x1F9F, v1;
	v2 =	vld.idx.msk [tilespmem:v63+s2+$0x0], $0xffff  }
0x10a: {  	v63 =	vadd.s32 $0x4AB, v0;
	_ =	sdelay $0x3  }
0x10b: {  	[tilespmem:v3+s7+$0x0] =	vst.idx.msk $0xffff, v2  }
0x10c: {  	v3 =	vadd.s32 $0x1FA0, v1;
	v2 =	vld.idx.msk [tilespmem:v63+s2+$0x0], $0xffff  }
0x10d: {  	v63 =	vadd.s32 $0x4AC, v0;
	_ =	sdelay $0x3  }
0x10e: {  	[tilespmem:v3+s7+$0x0] =	vst.idx.msk $0xffff, v2  }
0x10f: {  	v3 =	vadd.s32 $0x1FA1, v1;
	v2 =	vld.idx.msk [tilespmem:v63+s2+$0x0], $0xffff  }
0x110: {  	v63 =	vadd.s32 $0x2D, v0;
	_ =	sdelay $0x3  }
0x111: {  	[tilespmem:v3+s7+$0x0] =	vst.idx.msk $0xffff, v2  }
0x112: {  	v3 =	vadd.s32 $0xC6, v1;
	v2 =	vld.idx.msk [tilespmem:v63+s2+$0x0], $0xffff  }
0x113: {  	v63 =	vadd.s32 $0x2E, v0;
	_ =	sdelay $0x3  }
0x114: {  	[tilespmem:v3+s7+$0x0] =	vst.idx.msk $0xffff, v2  }
0x115: {  	v3 =	vadd.s32 $0xC7, v1;
	v2 =	vld.idx.msk [tilespmem:v63+s2+$0x0], $0xffff  }
0x116: {  	v63 =	vadd.s32 $0x2F, v0;
	_ =	sdelay $0x3  }
0x117: {  	[tilespmem:v3+s7+$0x0] =	vst.idx.msk $0xffff, v2  }
0x118: {  	v3 =	vadd.s32 $0xC8, v1;
	v2 =	vld.idx.msk [tilespmem:v63+s2+$0x0], $0xffff  }
0x119: {  	v63 =	vadd.s32 $0x30, v0;
	_ =	sdelay $0x3  }
0x11a: {  	[tilespmem:v3+s7+$0x0] =	vst.idx.msk $0xffff, v2  }
0x11b: {  	v3 =	vadd.s32 $0xC9, v1;
	v2 =	vld.idx.msk [tilespmem:v63+s2+$0x0], $0xffff  }
0x11c: {  	v63 =	vadd.s32 $0x31, v0;
	_ =	sdelay $0x3  }
0x11d: {  	[tilespmem:v3+s7+$0x0] =	vst.idx.msk $0xffff, v2  }
0x11e: {  	v3 =	vadd.s32 $0xCA, v1;
	v2 =	vld.idx.msk [tilespmem:v63+s2+$0x0], $0xffff  }
0x11f: {  	v63 =	vadd.s32 $0x32, v0;
	_ =	sdelay $0x3  }
0x120: {  	[tilespmem:v3+s7+$0x0] =	vst.idx.msk $0xffff, v2  }
0x121: {  	v3 =	vadd.s32 $0xCB, v1;
	v2 =	vld.idx.msk [tilespmem:v63+s2+$0x0], $0xffff  }
0x122: {  	v63 =	vadd.s32 $0x33, v0;
	_ =	sdelay $0x3  }
0x123: {  	[tilespmem:v3+s7+$0x0] =	vst.idx.msk $0xffff, v2  }
0x124: {  	v3 =	vadd.s32 $0xCC, v1;
	v2 =	vld.idx.msk [tilespmem:v63+s2+$0x0], $0xffff  }
0x125: {  	v63 =	vadd.s32 $0x34, v0;
	_ =	sdelay $0x3  }
0x126: {  	[tilespmem:v3+s7+$0x0] =	vst.idx.msk $0xffff, v2  }
0x127: {  	v3 =	vadd.s32 $0xCD, v1;
	v2 =	vld.idx.msk [tilespmem:v63+s2+$0x0], $0xffff  }
0x128: {  	v63 =	vadd.s32 $0x35, v0;
	_ =	sdelay $0x3  }
0x129: {  	[tilespmem:v3+s7+$0x0] =	vst.idx.msk $0xffff, v2  }
0x12a: {  	v3 =	vadd.s32 $0xCE, v1;
	v2 =	vld.idx.msk [tilespmem:v63+s2+$0x0], $0xffff  }
0x12b: {  	v63 =	vadd.s32 $0x4AD, v0;
	_ =	sdelay $0x3  }
0x12c: {  	[tilespmem:v3+s7+$0x0] =	vst.idx.msk $0xffff, v2  }
0x12d: {  	v3 =	vadd.s32 $0x1FC6, v1;
	v2 =	vld.idx.msk [tilespmem:v63+s2+$0x0], $0xffff  }
0x12e: {  	v63 =	vadd.s32 $0x4AE, v0;
	_ =	sdelay $0x3  }
0x12f: {  	[tilespmem:v3+s7+$0x0] =	vst.idx.msk $0xffff, v2  }
0x130: {  	v3 =	vadd.s32 $0x1FC7, v1;
	v2 =	vld.idx.msk [tilespmem:v63+s2+$0x0], $0xffff  }
0x131: {  	v63 =	vadd.s32 $0x4AF, v0;
	_ =	sdelay $0x3  }
0x132: {  	[tilespmem:v3+s7+$0x0] =	vst.idx.msk $0xffff, v2  }
0x133: {  	v3 =	vadd.s32 $0x1FC8, v1;
	v2 =	vld.idx.msk [tilespmem:v63+s2+$0x0], $0xffff  }
0x134: {  	v63 =	vadd.s32 $0x4B0, v0;
	_ =	sdelay $0x3  }
0x135: {  	[tilespmem:v3+s7+$0x0] =	vst.idx.msk $0xffff, v2  }
0x136: {  	v3 =	vadd.s32 $0x1FC9, v1;
	v2 =	vld.idx.msk [tilespmem:v63+s2+$0x0], $0xffff  }
0x137: {  	v63 =	vadd.s32 $0x4B1, v0;
	_ =	sdelay $0x3  }
0x138: {  	[tilespmem:v3+s7+$0x0] =	vst.idx.msk $0xffff, v2  }
0x139: {  	v3 =	vadd.s32 $0x1FCA, v1;
	v2 =	vld.idx.msk [tilespmem:v63+s2+$0x0], $0xffff  }
0x13a: {  	v63 =	vadd.s32 $0x4B2, v0;
	_ =	sdelay $0x3  }
0x13b: {  	[tilespmem:v3+s7+$0x0] =	vst.idx.msk $0xffff, v2  }
0x13c: {  	v3 =	vadd.s32 $0x1FCB, v1;
	v2 =	vld.idx.msk [tilespmem:v63+s2+$0x0], $0xffff  }
0x13d: {  	v63 =	vadd.s32 $0x4B3, v0;
	_ =	sdelay $0x3  }
0x13e: {  	[tilespmem:v3+s7+$0x0] =	vst.idx.msk $0xffff, v2  }
0x13f: {  	v3 =	vadd.s32 $0x1FCC, v1;
	v2 =	vld.idx.msk [tilespmem:v63+s2+$0x0], $0xffff  }
0x140: {  	v63 =	vadd.s32 $0x4B4, v0;
	_ =	sdelay $0x3  }
0x141: {  	[tilespmem:v3+s7+$0x0] =	vst.idx.msk $0xffff, v2  }
0x142: {  	v3 =	vadd.s32 $0x1FCD, v1;
	v2 =	vld.idx.msk [tilespmem:v63+s2+$0x0], $0xffff  }
0x143: {  	v63 =	vadd.s32 $0x4B5, v0;
	_ =	sdelay $0x3  }
0x144: {  	[tilespmem:v3+s7+$0x0] =	vst.idx.msk $0xffff, v2  }
0x145: {  	v3 =	vadd.s32 $0x1FCE, v1;
	v2 =	vld.idx.msk [tilespmem:v63+s2+$0x0], $0xffff  }
0x146: {  	v63 =	vadd.s32 $0x36, v0;
	_ =	sdelay $0x3  }
0x147: {  	[tilespmem:v3+s7+$0x0] =	vst.idx.msk $0xffff, v2  }
0x148: {  	v3 =	vadd.s32 $0xCF, v1;
	v2 =	vld.idx.msk [tilespmem:v63+s2+$0x0], $0xffff  }
0x149: {  	v63 =	vadd.s32 $0x37, v0;
	_ =	sdelay $0x3  }
0x14a: {  	[tilespmem:v3+s7+$0x0] =	vst.idx.msk $0xffff, v2  }
0x14b: {  	v3 =	vadd.s32 $0xD0, v1;
	v2 =	vld.idx.msk [tilespmem:v63+s2+$0x0], $0xffff  }
0x14c: {  	v63 =	vadd.s32 $0x38, v0;
	_ =	sdelay $0x3  }
0x14d: {  	[tilespmem:v3+s7+$0x0] =	vst.idx.msk $0xffff, v2  }
0x14e: {  	v3 =	vadd.s32 $0xD1, v1;
	v2 =	vld.idx.msk [tilespmem:v63+s2+$0x0], $0xffff  }
0x14f: {  	v63 =	vadd.s32 $0x39, v0;
	_ =	sdelay $0x3  }
0x150: {  	[tilespmem:v3+s7+$0x0] =	vst.idx.msk $0xffff, v2  }
0x151: {  	v3 =	vadd.s32 $0xD2, v1;
	v2 =	vld.idx.msk [tilespmem:v63+s2+$0x0], $0xffff  }
0x152: {  	v63 =	vadd.s32 $0x3A, v0;
	_ =	sdelay $0x3  }
0x153: {  	[tilespmem:v3+s7+$0x0] =	vst.idx.msk $0xffff, v2  }
0x154: {  	v3 =	vadd.s32 $0xD3, v1;
	v2 =	vld.idx.msk [tilespmem:v63+s2+$0x0], $0xffff  }
0x155: {  	v63 =	vadd.s32 $0x3B, v0;
	_ =	sdelay $0x3  }
0x156: {  	[tilespmem:v3+s7+$0x0] =	vst.idx.msk $0xffff, v2  }
0x157: {  	v3 =	vadd.s32 $0xD4, v1;
	v2 =	vld.idx.msk [tilespmem:v63+s2+$0x0], $0xffff  }
0x158: {  	v63 =	vadd.s32 $0x3C, v0;
	_ =	sdelay $0x3  }
0x159: {  	[tilespmem:v3+s7+$0x0] =	vst.idx.msk $0xffff, v2  }
0x15a: {  	v3 =	vadd.s32 $0xD5, v1;
	v2 =	vld.idx.msk [tilespmem:v63+s2+$0x0], $0xffff  }
0x15b: {  	v63 =	vadd.s32 $0x3D, v0;
	_ =	sdelay $0x3  }
0x15c: {  	[tilespmem:v3+s7+$0x0] =	vst.idx.msk $0xffff, v2  }
0x15d: {  	v3 =	vadd.s32 $0xD6, v1;
	v2 =	vld.idx.msk [tilespmem:v63+s2+$0x0], $0xffff  }
0x15e: {  	v63 =	vadd.s32 $0x3E, v0;
	_ =	sdelay $0x3  }
0x15f: {  	[tilespmem:v3+s7+$0x0] =	vst.idx.msk $0xffff, v2  }
0x160: {  	v3 =	vadd.s32 $0xD7, v1;
	v2 =	vld.idx.msk [tilespmem:v63+s2+$0x0], $0xffff  }
0x161: {  	v63 =	vadd.s32 $0x4B6, v0;
	_ =	sdelay $0x3  }
0x162: {  	[tilespmem:v3+s7+$0x0] =	vst.idx.msk $0xffff, v2  }
0x163: {  	v3 =	vadd.s32 $0x1FCF, v1;
	v2 =	vld.idx.msk [tilespmem:v63+s2+$0x0], $0xffff  }
0x164: {  	v63 =	vadd.s32 $0x4B7, v0;
	_ =	sdelay $0x3  }
0x165: {  	[tilespmem:v3+s7+$0x0] =	vst.idx.msk $0xffff, v2  }
0x166: {  	v3 =	vadd.s32 $0x1FD0, v1;
	v2 =	vld.idx.msk [tilespmem:v63+s2+$0x0], $0xffff  }
0x167: {  	v63 =	vadd.s32 $0x4B8, v0;
	_ =	sdelay $0x3  }
0x168: {  	[tilespmem:v3+s7+$0x0] =	vst.idx.msk $0xffff, v2  }
0x169: {  	v3 =	vadd.s32 $0x1FD1, v1;
	v2 =	vld.idx.msk [tilespmem:v63+s2+$0x0], $0xffff  }
0x16a: {  	v63 =	vadd.s32 $0x4B9, v0;
	_ =	sdelay $0x3  }
0x16b: {  	[tilespmem:v3+s7+$0x0] =	vst.idx.msk $0xffff, v2  }
0x16c: {  	v3 =	vadd.s32 $0x1FD2, v1;
	v2 =	vld.idx.msk [tilespmem:v63+s2+$0x0], $0xffff  }
0x16d: {  	v63 =	vadd.s32 $0x4BA, v0;
	_ =	sdelay $0x3  }
0x16e: {  	[tilespmem:v3+s7+$0x0] =	vst.idx.msk $0xffff, v2  }
0x16f: {  	v3 =	vadd.s32 $0x1FD3, v1;
	v2 =	vld.idx.msk [tilespmem:v63+s2+$0x0], $0xffff  }
0x170: {  	v63 =	vadd.s32 $0x4BB, v0;
	_ =	sdelay $0x3  }
0x171: {  	[tilespmem:v3+s7+$0x0] =	vst.idx.msk $0xffff, v2  }
0x172: {  	v3 =	vadd.s32 $0x1FD4, v1;
	v2 =	vld.idx.msk [tilespmem:v63+s2+$0x0], $0xffff  }
0x173: {  	v63 =	vadd.s32 $0x4BC, v0;
	_ =	sdelay $0x3  }
0x174: {  	[tilespmem:v3+s7+$0x0] =	vst.idx.msk $0xffff, v2  }
0x175: {  	v3 =	vadd.s32 $0x1FD5, v1;
	v2 =	vld.idx.msk [tilespmem:v63+s2+$0x0], $0xffff  }
0x176: {  	v63 =	vadd.s32 $0x4BD, v0;
	_ =	sdelay $0x3  }
0x177: {  	[tilespmem:v3+s7+$0x0] =	vst.idx.msk $0xffff, v2  }
0x178: {  	v3 =	vadd.s32 $0x1FD6, v1;
	v2 =	vld.idx.msk [tilespmem:v63+s2+$0x0], $0xffff  }
0x179: {  	v63 =	vadd.s32 $0x4BE, v0;
	_ =	sdelay $0x3  }
0x17a: {  	[tilespmem:v3+s7+$0x0] =	vst.idx.msk $0xffff, v2  }
0x17b: {  	v3 =	vadd.s32 $0x1FD7, v1;
	v2 =	vld.idx.msk [tilespmem:v63+s2+$0x0], $0xffff  }
0x17c: {  	v63 =	vadd.s32 $0x3F, v0;
	_ =	sdelay $0x3  }
0x17d: {  	[tilespmem:v3+s7+$0x0] =	vst.idx.msk $0xffff, v2  }
0x17e: {  	v3 =	vadd.s32 $0xD8, v1;
	v2 =	vld.idx.msk [tilespmem:v63+s2+$0x0], $0xffff  }
0x17f: {  	v63 =	vadd.s32 $0x40, v0;
	_ =	sdelay $0x3  }
0x180: {  	[tilespmem:v3+s7+$0x0] =	vst.idx.msk $0xffff, v2  }
0x181: {  	v3 =	vadd.s32 $0xD9, v1;
	v2 =	vld.idx.msk [tilespmem:v63+s2+$0x0], $0xffff  }
0x182: {  	v63 =	vadd.s32 $0x41, v0;
	_ =	sdelay $0x3  }
0x183: {  	[tilespmem:v3+s7+$0x0] =	vst.idx.msk $0xffff, v2  }
0x184: {  	v3 =	vadd.s32 $0xDA, v1;
	v2 =	vld.idx.msk [tilespmem:v63+s2+$0x0], $0xffff  }
0x185: {  	v63 =	vadd.s32 $0x42, v0;
	_ =	sdelay $0x3  }
0x186: {  	[tilespmem:v3+s7+$0x0] =	vst.idx.msk $0xffff, v2  }
0x187: {  	v3 =	vadd.s32 $0xDB, v1;
	v2 =	vld.idx.msk [tilespmem:v63+s2+$0x0], $0xffff  }
0x188: {  	v63 =	vadd.s32 $0x43, v0;
	_ =	sdelay $0x3  }
0x189: {  	[tilespmem:v3+s7+$0x0] =	vst.idx.msk $0xffff, v2  }
0x18a: {  	v3 =	vadd.s32 $0xDC, v1;
	v2 =	vld.idx.msk [tilespmem:v63+s2+$0x0], $0xffff  }
0x18b: {  	v63 =	vadd.s32 $0x44, v0;
	_ =	sdelay $0x3  }
0x18c: {  	[tilespmem:v3+s7+$0x0] =	vst.idx.msk $0xffff, v2  }
0x18d: {  	v3 =	vadd.s32 $0xDD, v1;
	v2 =	vld.idx.msk [tilespmem:v63+s2+$0x0], $0xffff  }
0x18e: {  	v63 =	vadd.s32 $0x45, v0;
	_ =	sdelay $0x3  }
0x18f: {  	[tilespmem:v3+s7+$0x0] =	vst.idx.msk $0xffff, v2  }
0x190: {  	v3 =	vadd.s32 $0xDE, v1;
	v2 =	vld.idx.msk [tilespmem:v63+s2+$0x0], $0xffff  }
0x191: {  	v63 =	vadd.s32 $0x46, v0;
	_ =	sdelay $0x3  }
0x192: {  	[tilespmem:v3+s7+$0x0] =	vst.idx.msk $0xffff, v2  }
0x193: {  	v3 =	vadd.s32 $0xDF, v1;
	v2 =	vld.idx.msk [tilespmem:v63+s2+$0x0], $0xffff  }
0x194: {  	v63 =	vadd.s32 $0x47, v0;
	_ =	sdelay $0x3  }
0x195: {  	[tilespmem:v3+s7+$0x0] =	vst.idx.msk $0xffff, v2  }
0x196: {  	v3 =	vadd.s32 $0xE0, v1;
	v2 =	vld.idx.msk [tilespmem:v63+s2+$0x0], $0xffff  }
0x197: {  	v63 =	vadd.s32 $0x4BF, v0;
	_ =	sdelay $0x3  }
0x198: {  	[tilespmem:v3+s7+$0x0] =	vst.idx.msk $0xffff, v2  }
0x199: {  	v3 =	vadd.s32 $0x1FD8, v1;
	v2 =	vld.idx.msk [tilespmem:v63+s2+$0x0], $0xffff  }
0x19a: {  	v63 =	vadd.s32 $0x4C0, v0;
	_ =	sdelay $0x3  }
0x19b: {  	[tilespmem:v3+s7+$0x0] =	vst.idx.msk $0xffff, v2  }
0x19c: {  	v3 =	vadd.s32 $0x1FD9, v1;
	v2 =	vld.idx.msk [tilespmem:v63+s2+$0x0], $0xffff  }
0x19d: {  	v63 =	vadd.s32 $0x4C1, v0;
	_ =	sdelay $0x3  }
0x19e: {  	[tilespmem:v3+s7+$0x0] =	vst.idx.msk $0xffff, v2  }
0x19f: {  	v3 =	vadd.s32 $0x1FDA, v1;
	v2 =	vld.idx.msk [tilespmem:v63+s2+$0x0], $0xffff  }
0x1a0: {  	v63 =	vadd.s32 $0x4C2, v0;
	_ =	sdelay $0x3  }
0x1a1: {  	[tilespmem:v3+s7+$0x0] =	vst.idx.msk $0xffff, v2  }
0x1a2: {  	v3 =	vadd.s32 $0x1FDB, v1;
	v2 =	vld.idx.msk [tilespmem:v63+s2+$0x0], $0xffff  }
0x1a3: {  	v63 =	vadd.s32 $0x4C3, v0;
	_ =	sdelay $0x3  }
0x1a4: {  	[tilespmem:v3+s7+$0x0] =	vst.idx.msk $0xffff, v2  }
0x1a5: {  	v3 =	vadd.s32 $0x1FDC, v1;
	v2 =	vld.idx.msk [tilespmem:v63+s2+$0x0], $0xffff  }
0x1a6: {  	v63 =	vadd.s32 $0x4C4, v0;
	_ =	sdelay $0x3  }
0x1a7: {  	[tilespmem:v3+s7+$0x0] =	vst.idx.msk $0xffff, v2  }
0x1a8: {  	v3 =	vadd.s32 $0x1FDD, v1;
	v2 =	vld.idx.msk [tilespmem:v63+s2+$0x0], $0xffff  }
0x1a9: {  	v63 =	vadd.s32 $0x4C5, v0;
	_ =	sdelay $0x3  }
0x1aa: {  	[tilespmem:v3+s7+$0x0] =	vst.idx.msk $0xffff, v2  }
0x1ab: {  	v3 =	vadd.s32 $0x1FDE, v1;
	v2 =	vld.idx.msk [tilespmem:v63+s2+$0x0], $0xffff  }
0x1ac: {  	v63 =	vadd.s32 $0x4C6, v0;
	_ =	sdelay $0x3  }
0x1ad: {  	[tilespmem:v3+s7+$0x0] =	vst.idx.msk $0xffff, v2  }
0x1ae: {  	v3 =	vadd.s32 $0x1FDF, v1;
	v2 =	vld.idx.msk [tilespmem:v63+s2+$0x0], $0xffff  }
0x1af: {  	v63 =	vadd.s32 $0x4C7, v0;
	_ =	sdelay $0x3  }
0x1b0: {  	[tilespmem:v3+s7+$0x0] =	vst.idx.msk $0xffff, v2  }
0x1b1: {  	v3 =	vadd.s32 $0x1FE0, v1;
	v2 =	vld.idx.msk [tilespmem:v63+s2+$0x0], $0xffff;
	_ =	sdelay $0x3  }
0x1b2: {  	p0 =	sne.s32 s6, $0x1  }
.Ltmp0:
0x1b3: {  	[tilespmem:v3+s7+$0x0] =	vst.idx.msk $0xffff, v2;
	(pc) =	sbr.rel @p0 .LBB2_1-.Ltmp0, $4  }
0x1b4: {  	[hbm4b:s5+s2] =	stream.linear.scatter [tilespmem:s7], [sflag:$0x2], $0x3E00, $0x38;
	[tilespmem:$0x4700] =	vst v63  }
0x1b5: {  	_ =	swait.ge [sflag:s8], $0x3E00  }
0x1b6: {  	[sflag:s8] =	ssyncset.done $0x0  }
0x1b7: {  	s6 =	sadd.s32 $0xFFFFFFFF, s6;
	[sflag:s8] =	ssyncadd.s32 $0xFFFFC200  }
0x1b8: {  	_ =	sfence.sel $0x180000  }
0x1b9: {  	[bflag:$0x0] =	sbarrier.arrive $0xFFFF  }
0x1ba: {  	p0 =	sne.s32 s0, $0x0;
	_ =	strace $0x9000004A  }
0x1bb: {  	s0 =	sadd.s32 @!p0 $0x100000, s1;
	[bflag:$0x2] =	sbarrier.arrive $0xFFFF  }
0x1bc: {  	[sflag:s0] =	ssyncadd.tile.s32 @!p0 $0x1;
	_ =	shalt  }
.Lfunc_end2:
_tile_overlayer_lowered:
.L_overlay_start_2:
0x1bd: {  	(tag) =	ssettag $0x2  }
0x1be: {  	s0 =	rddreg [dreg:$0x0];
	s2 =	stileid.u32  }
0x1bf: {  	s1 =	rddreg [dreg:$0x1];
	p0 =	sne.s32 s2, $0x0  }
0x1c0: {  	s3 =	rddreg [dreg:$0x2];
	[bflag:$0x3] =	sbarrier.arrive $0xFFFF;
	s2 =	simm.s32 @!p0 $0x1C02  }
0x1c1: {  	[timem:s3], [sflag:s2] =	dma.local @!p0 [hbm:s0], s1  }
0x1c2: {  	s0 =	simm.s32 @!p0 $0x2  }
0x1c3: {  	_ =	swait.ge @!p0 [sflag:s0], s1  }
0x1c4: {  	s1 =	ssub.s32 @!p0 $0x0, s1;
	[sflag:s0] =	ssyncset.done @!p0 $0x0  }
0x1c5: {  	[sflag:s0] =	ssyncadd.s32 @!p0 s1  }
0x1c6: {  	[bflag:$0x3] =	sbarrier.arrive $0xFFFF  }
0x1c7: {  	_ =	shalt  }

</sc_bundles>
